<compile_context>
chip_gen: v7x
topology: tpu7x:2x2x1
jax: 0.10.2.dev20260603
libtpu: 0.0.44.dev20260713+nightly
codegen_flags: <defaults>
</compile_context>

<pallas_src>
import functools

import jax
import jax.numpy as jnp
from jax import lax
from jax.experimental import pallas as pl
from jax.experimental.pallas import tpu as pltpu
from jax.experimental.pallas import tpu_sc as plsc

L = 2
D = 128
N = 10000
NP = 10240
T = 8
E = 320000

NC = 2
NS = 16
CHUNK = 80
EDGES_PER_W = E // (NC * NS)
NCHUNK = EDGES_PER_W // CHUNK
SBC = 25
ROWS_PER_S = NP // NS
DEGW = 16


def _sc_agg_body(with_deg, h_hbm, src_hbm, dst_hbm, *refs):
    if with_deg:
        (agg_out, deg_out, agg_s, deg_s,
         srcA_v, dstA_v, srcB_v, dstB_v, msg0_v, msg1_v, ones_v, dzb_v,
         gsem0, gsem1, isem0, isem1) = refs
    else:
        (agg_out, agg_s, srcA_v, dstA_v, srcB_v, dstB_v, msg0_v, msg1_v,
         gsem0, gsem1, isem0, isem1) = refs
    c = lax.axis_index("c")
    s = lax.axis_index("s")
    w = c * NS + s

    z16 = jnp.zeros((16,), jnp.float32)

    def zrow(i, carry):
        msg0_v[i // 8, pl.ds((i % 8) * 16, 16)] = z16
        return carry
    lax.fori_loop(0, CHUNK * 8, zrow, None)

    if with_deg:
        one16 = jnp.ones((16,), jnp.float32)

        def drow(i, carry):
            dzb_v[i, :] = z16
            ones_v[i, :] = one16
            return carry
        lax.fori_loop(0, CHUNK, drow, None)

    for b in range(ROWS_PER_S // CHUNK):
        pltpu.async_copy(msg0_v, agg_s.at[pl.ds(s * ROWS_PER_S + b * CHUNK, CHUNK)],
                         gsem0)
        if with_deg:
            pltpu.async_copy(dzb_v, deg_s.at[pl.ds(s * ROWS_PER_S + b * CHUNK, CHUNK)],
                             gsem1)
    for b in range(ROWS_PER_S // CHUNK):
        pltpu.make_async_copy(msg0_v, agg_s.at[pl.ds(s * ROWS_PER_S + b * CHUNK, CHUNK)],
                              gsem0).wait()
        if with_deg:
            pltpu.make_async_copy(dzb_v, deg_s.at[pl.ds(s * ROWS_PER_S + b * CHUNK, CHUNK)],
                                  gsem1).wait()
    plsc.subcore_barrier()

    def gather(j, buf, sem, src_v):
        return pltpu.async_copy(h_hbm.at[src_v.at[j]], buf, sem)

    def wait_gather(j, buf, sem, src_v):
        pltpu.make_async_copy(h_hbm.at[src_v.at[j]], buf, sem).wait()

    def scatter(j, buf, dst_v):
        pltpu.sync_copy(buf, agg_s.at[dst_v.at[j]], add=True)
        if with_deg:
            pltpu.sync_copy(ones_v, deg_s.at[dst_v.at[j]], add=True)

    NSB = NCHUNK // SBC
    bufs = [(srcA_v, dstA_v), (srcB_v, dstB_v)]

    pltpu.sync_copy(src_hbm.at[w, pl.ds(0, SBC)], srcA_v)
    pltpu.sync_copy(dst_hbm.at[w, pl.ds(0, SBC)], dstA_v)
    for sb in range(NSB):
        src_v, dst_v = bufs[sb % 2]
        nsrc_v, ndst_v = bufs[(sb + 1) % 2]
        if sb + 1 < NSB:
            pltpu.async_copy(src_hbm.at[w, pl.ds((sb + 1) * SBC, SBC)], nsrc_v, isem0)
            pltpu.async_copy(dst_hbm.at[w, pl.ds((sb + 1) * SBC, SBC)], ndst_v, isem1)
        gather(0, msg0_v, gsem0, src_v)

        def chunk2(i, carry2, src_v=src_v, dst_v=dst_v):
            j0 = 2 * i
            wait_gather(j0, msg0_v, gsem0, src_v)
            gather(j0 + 1, msg1_v, gsem1, src_v)
            scatter(j0, msg0_v, dst_v)
            wait_gather(j0 + 1, msg1_v, gsem1, src_v)
            gather(j0 + 2, msg0_v, gsem0, src_v)
            scatter(j0 + 1, msg1_v, dst_v)
            return carry2
        lax.fori_loop(0, (SBC - 1) // 2, chunk2, None)
        wait_gather(SBC - 1, msg0_v, gsem0, src_v)
        scatter(SBC - 1, msg0_v, dst_v)
        if sb + 1 < NSB:
            pltpu.make_async_copy(src_hbm.at[w, pl.ds((sb + 1) * SBC, SBC)],
                                  nsrc_v, isem0).wait()
            pltpu.make_async_copy(dst_hbm.at[w, pl.ds((sb + 1) * SBC, SBC)],
                                  ndst_v, isem1).wait()
    plsc.subcore_barrier()

    row0 = s * ROWS_PER_S
    pltpu.sync_copy(agg_s.at[pl.ds(row0, ROWS_PER_S)],
                    agg_out.at[c, pl.ds(row0, ROWS_PER_S)])
    if with_deg:
        pltpu.sync_copy(deg_s.at[pl.ds(row0, ROWS_PER_S)],
                        deg_out.at[c, pl.ds(row0, ROWS_PER_S)])


def _make_sc_agg(with_deg):
    mesh = plsc.VectorSubcoreMesh(core_axis_name="c", subcore_axis_name="s")
    out_type = [jax.ShapeDtypeStruct((NC, NP, D), jnp.float32)]
    scratch = [
        pltpu.VMEM_SHARED((NP, D), jnp.float32),
    ]
    if with_deg:
        out_type.append(jax.ShapeDtypeStruct((NC, NP, DEGW), jnp.float32))
        scratch.append(pltpu.VMEM_SHARED((NP, DEGW), jnp.float32))
    vmem = [
        pltpu.VMEM((SBC, CHUNK), jnp.int32),
        pltpu.VMEM((SBC, CHUNK), jnp.int32),
        pltpu.VMEM((SBC, CHUNK), jnp.int32),
        pltpu.VMEM((SBC, CHUNK), jnp.int32),
        pltpu.VMEM((CHUNK, D), jnp.float32),
        pltpu.VMEM((CHUNK, D), jnp.float32),
    ]
    if with_deg:
        vmem.append(pltpu.VMEM((CHUNK, DEGW), jnp.float32))
        vmem.append(pltpu.VMEM((CHUNK, DEGW), jnp.float32))
    vmem.append(pltpu.SemaphoreType.DMA)
    vmem.append(pltpu.SemaphoreType.DMA)
    vmem.append(pltpu.SemaphoreType.DMA)
    vmem.append(pltpu.SemaphoreType.DMA)
    if with_deg:
        scratch_types = [scratch[0], scratch[1]] + vmem
    else:
        scratch_types = [scratch[0]] + vmem
    return pl.kernel(
        functools.partial(_sc_agg_body, with_deg),
        out_type=tuple(out_type),
        mesh=mesh,
        scratch_types=scratch_types,
        compiler_params=pltpu.CompilerParams(use_tc_tiling_on_sc=False),
    )


_sc_agg_deg = _make_sc_agg(True)
_sc_agg = _make_sc_agg(False)


def _evolve_body(W0_ref, gW_ref, gU_ref, gb_ref, out_ref):
    Ws = [W0_ref[0], W0_ref[1]]
    for _t in range(T):
        for l in range(L):
            Wl = Ws[l]
            Z = jax.nn.sigmoid(gW_ref[l, 0] @ Wl + gU_ref[l, 0] @ Wl + gb_ref[l, 0])
            R = jax.nn.sigmoid(gW_ref[l, 1] @ Wl + gU_ref[l, 1] @ Wl + gb_ref[l, 1])
            Htil = jnp.tanh(gW_ref[l, 2] @ Wl + gU_ref[l, 2] @ (R * Wl) + gb_ref[l, 2])
            Ws[l] = (1.0 - Z) * Wl + Z * Htil
    out_ref[0] = Ws[0]
    out_ref[1] = Ws[1]


def _evolve(gcn_W0, gru_W, gru_U, gru_b):
    return pl.pallas_call(
        _evolve_body,
        out_shape=jax.ShapeDtypeStruct((L, D, D), jnp.float32),
    )(gcn_W0, gru_W, gru_U, gru_b)


BN = 1280


def _mid_body(agg_ref, deg_ref, w_ref, out_ref):
    p = agg_ref[0] + agg_ref[1]
    d = jnp.maximum(deg_ref[0, :, 0:1] + deg_ref[1, :, 0:1], 1.0)
    out_ref[...] = jnp.maximum(jnp.dot(p / d, w_ref[0],
                                       preferred_element_type=jnp.float32), 0.0)


def _mid(agg_p, deg_p, Wf):
    return pl.pallas_call(
        _mid_body,
        grid=(NP // BN,),
        in_specs=[
            pl.BlockSpec((NC, BN, D), lambda i: (0, i, 0)),
            pl.BlockSpec((NC, BN, DEGW), lambda i: (0, i, 0)),
            pl.BlockSpec((1, D, D), lambda i: (0, 0, 0)),
        ],
        out_specs=pl.BlockSpec((BN, D), lambda i: (i, 0)),
        out_shape=jax.ShapeDtypeStruct((NP, D), jnp.float32),
    )(agg_p, deg_p, Wf)


def _final_body(agg_ref, deg_ref, w_ref, g_ref, b_ref, lw_ref, lb_ref, out_ref):
    p = agg_ref[0] + agg_ref[1]
    d = jnp.maximum(deg_ref[0, :, 0:1] + deg_ref[1, :, 0:1], 1.0)
    h = jnp.maximum(jnp.dot(p / d, w_ref[0],
                            preferred_element_type=jnp.float32), 0.0)
    mu = jnp.mean(h, axis=1, keepdims=True)
    var = jnp.mean((h - mu) * (h - mu), axis=1, keepdims=True)
    hn = (h - mu) * lax.rsqrt(var + 1e-5) * g_ref[...] + b_ref[...]
    res = jnp.dot(hn, lw_ref[...],
                  preferred_element_type=jnp.float32) + lb_ref[...]
    out_ref[...] = res[:, 0]


BNF = 1024


def _final(agg_p, deg_p, Wf, ln_gamma, ln_beta, lin_W, lin_b):
    return pl.pallas_call(
        _final_body,
        grid=(NP // BNF,),
        in_specs=[
            pl.BlockSpec((NC, BNF, D), lambda i: (0, i, 0)),
            pl.BlockSpec((NC, BNF, DEGW), lambda i: (0, i, 0)),
            pl.BlockSpec((1, D, D), lambda i: (1, 0, 0)),
            pl.BlockSpec((1, D), lambda i: (0, 0)),
            pl.BlockSpec((1, D), lambda i: (0, 0)),
            pl.BlockSpec((D, 1), lambda i: (0, 0)),
            pl.BlockSpec((1, 1), lambda i: (0, 0)),
        ],
        out_specs=pl.BlockSpec((BNF,), lambda i: (i,)),
        out_shape=jax.ShapeDtypeStruct((NP,), jnp.float32),
    )(agg_p, deg_p, Wf, ln_gamma.reshape(1, D), ln_beta.reshape(1, D),
      lin_W, lin_b.reshape(1, 1))


def kernel(x, edge_index, gcn_W0, gru_W, gru_U, gru_b, ln_gamma, ln_beta, lin_W, lin_b):
    dst = edge_index[1].reshape(NC * NS, NCHUNK, CHUNK)
    src1 = (edge_index[0] * T + (T - 1)).reshape(NC * NS, NCHUNK, CHUNK)
    src2 = edge_index[0].reshape(NC * NS, NCHUNK, CHUNK)
    xf = x.reshape(N * T, D)
    Wf = _evolve(gcn_W0, gru_W, gru_U, gru_b)
    agg_p, deg_p = _sc_agg_deg(xf, src1, dst)
    h1 = _mid(agg_p, deg_p, Wf)
    (agg2_p,) = _sc_agg(h1, src2, dst)
    out = _final(agg2_p, deg_p, Wf, ln_gamma, ln_beta, lin_W, lin_b)
    return out[:N]

# --- scband reference (transcript-rebuilt; emitter-appended) ---
"""Pipeline reference for scband-egcnadapter-28295244546285 (READ-ONLY COPY).

The authoritative reference and input builder live on the scoring server;
editing this copy changes nothing except your own understanding.
"""

import jax, jax.numpy as jnp
import numpy as np

L = 2      # num_spatiotemporal_blocks
D = 128    # hidden_dim
N = 10000  # n_nodes
T = 8      # time steps
E = 320000 # n_edges
OUT = 1    # output_dim


def setup_inputs(seed: int = 0) -> dict:
    key = jax.random.key(seed)
    ks = jax.random.split(key, 8)
    x = jax.random.normal(ks[0], (N, T, D), dtype=jnp.float32)
    edge_index = jax.random.randint(ks[1], (2, E), 0, N, dtype=jnp.int32)
    scale = 1.0 / np.sqrt(D)
    # Initial GCN weight per layer (EvolveGCN-O: weight evolves over time via matrix GRU)
    gcn_W0 = jax.random.normal(ks[2], (L, D, D), dtype=jnp.float32) * scale
    # Matrix-GRU parameters per layer: gate order [update Z, reset R, candidate H]
    gru_W = jax.random.normal(ks[3], (L, 3, D, D), dtype=jnp.float32) * scale
    gru_U = jax.random.normal(ks[4], (L, 3, D, D), dtype=jnp.float32) * scale
    gru_b = jnp.zeros((L, 3, D, 1), dtype=jnp.float32)
    # Output LayerNorm + Linear
    ln_gamma = jnp.ones((D,), dtype=jnp.float32)
    ln_beta = jnp.zeros((D,), dtype=jnp.float32)
    lin_W = jax.random.normal(ks[5], (D, OUT), dtype=jnp.float32) * scale
    lin_b = jnp.zeros((OUT,), dtype=jnp.float32)
    return {"x": x, "edge_index": edge_index, "gcn_W0": gcn_W0, "gru_W": gru_W,
            "gru_U": gru_U, "gru_b": gru_b, "ln_gamma": ln_gamma, "ln_beta": ln_beta,
            "lin_W": lin_W, "lin_b": lin_b}


def reference(x, edge_index, gcn_W0, gru_W, gru_U, gru_b, ln_gamma, ln_beta, lin_W, lin_b):
    # x: [N, T, D] node features over time; adapter permutes to [1, T, N, D] for the
    # spatiotemporal encoder -- equivalent to iterating time steps here.
    src = edge_index[0]
    dst = edge_index[1]
    deg = jax.ops.segment_sum(jnp.ones((E,), dtype=jnp.float32), dst, num_segments=N)
    deg = jnp.maximum(deg, 1.0)[:, None]  # norm='mean' aggregation
    Ws = [gcn_W0[l] for l in range(L)]
    h = x[:, 0, :]
    for t in range(T):
        h = x[:, t, :]
        for l in range(L):
            Wl = Ws[l]
            # EvolveGCN-O: evolve GCN weight with a matrix GRU (input = hidden = W)
            Z = jax.nn.sigmoid(gru_W[l, 0] @ Wl + gru_U[l, 0] @ Wl + gru_b[l, 0])
            R = jax.nn.sigmoid(gru_W[l, 1] @ Wl + gru_U[l, 1] @ Wl + gru_b[l, 1])
            Htil = jnp.tanh(gru_W[l, 2] @ Wl + gru_U[l, 2] @ (R * Wl) + gru_b[l, 2])
            Wl = (1.0 - Z) * Wl + Z * Htil
            Ws[l] = Wl
            # GCN layer with mean aggregation: gather messages, scatter-add, normalize
            msg = h[src]                                        # gather  [E, D]
            agg = jax.ops.segment_sum(msg, dst, num_segments=N) # scatter-add [N, D]
            agg = agg / deg
            h = jax.nn.relu(agg @ Wl)
    # output_normalization (LayerNorm) + output_linear + squeeze
    mu = jnp.mean(h, axis=-1, keepdims=True)
    var = jnp.var(h, axis=-1, keepdims=True)
    hn = (h - mu) / jnp.sqrt(var + 1e-5) * ln_gamma + ln_beta
    out = hn @ lin_W + lin_b  # [N, 1]
    return out.squeeze(-1)    # [N]

if __name__ == "__main__":
    import jax
    _d = setup_inputs()
    print(jax.jit(kernel)(*tuple(_d.values())))

</pallas_src>

<mosaic_0001>
#map = affine_map<(d0, d1) -> (0, 0)>
#map1 = affine_map<(d0, d1) -> (0, 0, 0)>
module attributes {stable_mosaic.version = 14 : i64} {
  func.func @_sc_agg_body(%arg0: i32, %arg1: i32, %arg2: memref<80000x128xf32, #tpu.memory_space<hbm>>, %arg3: memref<32x125x80xi32, #tpu.memory_space<hbm>>, %arg4: memref<32x125x80xi32, #tpu.memory_space<hbm>>, %arg5: memref<2x10240x128xf32, #tpu.memory_space<hbm>>, %arg6: memref<2x10240x16xf32, #tpu.memory_space<hbm>>, %arg7: memref<10240x128xf32, #tpu.memory_space<vmem_shared>>, %arg8: memref<10240x16xf32, #tpu.memory_space<vmem_shared>>, %arg9: memref<25x80xi32, #tpu.memory_space<vmem>>, %arg10: memref<25x80xi32, #tpu.memory_space<vmem>>, %arg11: memref<25x80xi32, #tpu.memory_space<vmem>>, %arg12: memref<25x80xi32, #tpu.memory_space<vmem>>, %arg13: memref<80x128xf32, #tpu.memory_space<vmem>>, %arg14: memref<80x128xf32, #tpu.memory_space<vmem>>, %arg15: memref<80x16xf32, #tpu.memory_space<vmem>>, %arg16: memref<80x16xf32, #tpu.memory_space<vmem>>, %arg17: memref<!tpu.dma_semaphore, #tpu.memory_space<semaphore_mem>>, %arg18: memref<!tpu.dma_semaphore, #tpu.memory_space<semaphore_mem>>, %arg19: memref<!tpu.dma_semaphore, #tpu.memory_space<semaphore_mem>>, %arg20: memref<!tpu.dma_semaphore, #tpu.memory_space<semaphore_mem>>) attributes {dimension_semantics = [#tpu.dimension_semantics<core_parallel>, #tpu.dimension_semantics<subcore_parallel>], iteration_bounds = array<i64: 2, 16>, scalar_prefetch = 0 : i64, scratch_operands = 14 : i64, tpu.core_type = #tpu.core_type<sc_vector_subcore>, window_params = [{transform_indices = #map}, {transform_indices = #map1}, {transform_indices = #map1}, {transform_indices = #map1}, {transform_indices = #map1}]} {
    %mul3A = arith.constant 16 : i32
    %mul3A_0 = arith.muli %arg0, %mul3A : i32
    %add3A = arith.addi %mul3A_0, %arg1 : i32
    %broadcast_in_dim3A = arith.constant 0.000000e+00 : f32
    %broadcast_in_dim3A_1 = vector.broadcast %broadcast_in_dim3A : f32 to vector<16xf32>
    %scan3A = arith.constant 0 : i32
    %scan3A_2 = arith.constant 640 : i32
    %scan3A_3 = arith.addi %scan3A, %scan3A_2 : i32
    %scan3A_4 = arith.constant 1 : i32
    scf.for %scan3A_502 = %scan3A to %scan3A_3 step %scan3A_4  : i32 {
      %jit3A = arith.constant 8 : i32
      %div3A = arith.divsi %scan3A_502, %jit3A : i32
      %sign3A = arith.constant 0 : i32
      %sign3A_503 = arith.cmpi sgt, %scan3A_502, %sign3A : i32
      %sign3A_504 = arith.extui %sign3A_503 : i1 to i32
      %sign3A_505 = arith.constant 0 : i32
      %sign3A_506 = arith.cmpi slt, %scan3A_502, %sign3A_505 : i32
      %sign3A_507 = arith.extui %sign3A_506 : i1 to i32
      %sign3A_508 = arith.subi %sign3A_504, %sign3A_507 : i32
      %sign3A_509 = arith.constant 0 : i32
      %sign3A_510 = arith.cmpi sgt, %jit3A, %sign3A_509 : i32
      %sign3A_511 = arith.extui %sign3A_510 : i1 to i32
      %sign3A_512 = arith.constant 0 : i32
      %sign3A_513 = arith.cmpi slt, %jit3A, %sign3A_512 : i32
      %sign3A_514 = arith.extui %sign3A_513 : i1 to i32
      %sign3A_515 = arith.subi %sign3A_511, %sign3A_514 : i32
      %ne3A = arith.cmpi ne, %sign3A_508, %sign3A_515 : i32
      %rem3A = arith.remsi %scan3A_502, %jit3A : i32
      %ne3A_516 = arith.constant 0 : i32
      %ne3A_517 = arith.cmpi ne, %rem3A, %ne3A_516 : i32
      %and3A = arith.andi %ne3A, %ne3A_517 : i1
      %sub3A = arith.constant 1 : i32
      %sub3A_518 = arith.subi %div3A, %sub3A : i32
      %select_n3A = arith.select %and3A, %sub3A_518, %div3A : i32
      %jit3A_519 = arith.constant 8 : i32
      %eq3A = arith.constant 0 : i32
      %eq3A_520 = arith.cmpi eq, %jit3A_519, %eq3A : i32
      %jit3A_521 = arith.constant 1 : i32
      %select_n3A_522 = arith.select %eq3A_520, %jit3A_521, %jit3A_519 : i32
      %rem3A_523 = arith.remsi %scan3A_502, %select_n3A_522 : i32
      %ne3A_524 = arith.constant 0 : i32
      %ne3A_525 = arith.cmpi ne, %rem3A_523, %ne3A_524 : i32
      %lt3A = arith.constant 0 : i32
      %lt3A_526 = arith.cmpi slt, %rem3A_523, %lt3A : i32
      %lt3A_527 = arith.constant 0 : i32
      %lt3A_528 = arith.cmpi slt, %select_n3A_522, %lt3A_527 : i32
      %ne3A_529 = arith.xori %lt3A_526, %lt3A_528 : i1
      %and3A_530 = arith.andi %ne3A_529, %ne3A_525 : i1
      %add3A_531 = arith.addi %rem3A_523, %select_n3A_522 : i32
      %select_n3A_532 = arith.select %and3A_530, %add3A_531, %rem3A_523 : i32
      %mul3A_533 = arith.constant 16 : i32
      %mul3A_534 = arith.muli %select_n3A_532, %mul3A_533 : i32
      %swap3A = arith.index_cast %select_n3A : i32 to index
      %swap3A_535 = arith.index_cast %mul3A_534 : i32 to index
      %swap3A_536 = tpu.vector_load %arg13[%swap3A, %swap3A_535] {strides = array<i32>} : memref<80x128xf32, #tpu.memory_space<vmem>>, vector<1x16xf32>,
      %swap3A_537 = vector.shape_cast %swap3A_536 : vector<1x16xf32> to vector<16xf32>
      %swap3A_538 = vector.shape_cast %broadcast_in_dim3A_1 : vector<16xf32> to vector<1x16xf32>
      tpu.vector_store %arg13[%swap3A, %swap3A_535], %swap3A_538 {strides = array<i32>} : memref<80x128xf32, #tpu.memory_space<vmem>>, vector<1x16xf32>,
    }
    %scan3A_5 = arith.constant 640 : i32
    %broadcast_in_dim3A_6 = arith.constant 1.000000e+00 : f32
    %broadcast_in_dim3A_7 = vector.broadcast %broadcast_in_dim3A_6 : f32 to vector<16xf32>
    %scan3A_8 = arith.constant 0 : i32
    %scan3A_9 = arith.constant 80 : i32
    %scan3A_10 = arith.addi %scan3A_8, %scan3A_9 : i32
    %scan3A_11 = arith.constant 1 : i32
    scf.for %scan3A_502 = %scan3A_8 to %scan3A_10 step %scan3A_11  : i32 {
      %swap3A = arith.index_cast %scan3A_502 : i32 to index
      %swap3A_503 = arith.constant 0 : index
      %swap3A_504 = tpu.vector_load %arg16[%swap3A, %swap3A_503] {strides = array<i32>} : memref<80x16xf32, #tpu.memory_space<vmem>>, vector<1x16xf32>,
      %swap3A_505 = vector.shape_cast %swap3A_504 : vector<1x16xf32> to vector<16xf32>
      %swap3A_506 = vector.shape_cast %broadcast_in_dim3A_1 : vector<16xf32> to vector<1x16xf32>
      tpu.vector_store %arg16[%swap3A, %swap3A_503], %swap3A_506 {strides = array<i32>} : memref<80x16xf32, #tpu.memory_space<vmem>>, vector<1x16xf32>,
      %swap3A_507 = arith.index_cast %scan3A_502 : i32 to index
      %swap3A_508 = arith.constant 0 : index
      %swap3A_509 = tpu.vector_load %arg15[%swap3A_507, %swap3A_508] {strides = array<i32>} : memref<80x16xf32, #tpu.memory_space<vmem>>, vector<1x16xf32>,
      %swap3A_510 = vector.shape_cast %swap3A_509 : vector<1x16xf32> to vector<16xf32>
      %swap3A_511 = vector.shape_cast %broadcast_in_dim3A_7 : vector<16xf32> to vector<1x16xf32>
      tpu.vector_store %arg15[%swap3A_507, %swap3A_508], %swap3A_511 {strides = array<i32>} : memref<80x16xf32, #tpu.memory_space<vmem>>, vector<1x16xf32>,
    }
    %scan3A_12 = arith.constant 80 : i32
    %mul3A_13 = arith.constant 640 : i32
    %mul3A_14 = arith.muli %arg1, %mul3A_13 : i32
    %add3A_15 = arith.constant 0 : i32
    %add3A_16 = arith.addi %mul3A_14, %add3A_15 : i32
    %dma_start3A = arith.constant 0 : i32
    %dma_start3A_17 = tpu.memref_slice %arg7[%add3A_16, %dma_start3A] : memref<10240x128xf32, #tpu.memory_space<vmem_shared>> -> memref<80x128xf32, #tpu.memory_space<vmem_shared>>
    %dma_start3A_18 = arith.constant 0 : i32
    %dma_start3A_19 = tpu.memref_slice %arg7[%add3A_16, %dma_start3A_18] : memref<10240x128xf32, #tpu.memory_space<vmem_shared>> -> memref<80x128xf32, #tpu.memory_space<vmem_shared>>
    tpu.enqueue_dma source(%arg13 : memref<80x128xf32, #tpu.memory_space<vmem>>) target(%dma_start3A_19 : memref<80x128xf32, #tpu.memory_space<vmem_shared>>) target_semaphore(%arg17 : memref<!tpu.dma_semaphore, #tpu.memory_space<semaphore_mem>>)
    %mul3A_20 = arith.constant 640 : i32
    %mul3A_21 = arith.muli %arg1, %mul3A_20 : i32
    %add3A_22 = arith.constant 0 : i32
    %add3A_23 = arith.addi %mul3A_21, %add3A_22 : i32
    %dma_start3A_24 = arith.constant 0 : i32
    %dma_start3A_25 = tpu.memref_slice %arg8[%add3A_23, %dma_start3A_24] : memref<10240x16xf32, #tpu.memory_space<vmem_shared>> -> memref<80x16xf32, #tpu.memory_space<vmem_shared>>
    %dma_start3A_26 = arith.constant 0 : i32
    %dma_start3A_27 = tpu.memref_slice %arg8[%add3A_23, %dma_start3A_26] : memref<10240x16xf32, #tpu.memory_space<vmem_shared>> -> memref<80x16xf32, #tpu.memory_space<vmem_shared>>
    tpu.enqueue_dma source(%arg16 : memref<80x16xf32, #tpu.memory_space<vmem>>) target(%dma_start3A_27 : memref<80x16xf32, #tpu.memory_space<vmem_shared>>) target_semaphore(%arg18 : memref<!tpu.dma_semaphore, #tpu.memory_space<semaphore_mem>>)
    %mul3A_28 = arith.constant 640 : i32
    %mul3A_29 = arith.muli %arg1, %mul3A_28 : i32
    %add3A_30 = arith.constant 80 : i32
    %add3A_31 = arith.addi %mul3A_29, %add3A_30 : i32
    %dma_start3A_32 = arith.constant 0 : i32
    %dma_start3A_33 = tpu.memref_slice %arg7[%add3A_31, %dma_start3A_32] : memref<10240x128xf32, #tpu.memory_space<vmem_shared>> -> memref<80x128xf32, #tpu.memory_space<vmem_shared>>
    %dma_start3A_34 = arith.constant 0 : i32
    %dma_start3A_35 = tpu.memref_slice %arg7[%add3A_31, %dma_start3A_34] : memref<10240x128xf32, #tpu.memory_space<vmem_shared>> -> memref<80x128xf32, #tpu.memory_space<vmem_shared>>
    tpu.enqueue_dma source(%arg13 : memref<80x128xf32, #tpu.memory_space<vmem>>) target(%dma_start3A_35 : memref<80x128xf32, #tpu.memory_space<vmem_shared>>) target_semaphore(%arg17 : memref<!tpu.dma_semaphore, #tpu.memory_space<semaphore_mem>>)
    %mul3A_36 = arith.constant 640 : i32
    %mul3A_37 = arith.muli %arg1, %mul3A_36 : i32
    %add3A_38 = arith.constant 80 : i32
    %add3A_39 = arith.addi %mul3A_37, %add3A_38 : i32
    %dma_start3A_40 = arith.constant 0 : i32
    %dma_start3A_41 = tpu.memref_slice %arg8[%add3A_39, %dma_start3A_40] : memref<10240x16xf32, #tpu.memory_space<vmem_shared>> -> memref<80x16xf32, #tpu.memory_space<vmem_shared>>
    %dma_start3A_42 = arith.constant 0 : i32
    %dma_start3A_43 = tpu.memref_slice %arg8[%add3A_39, %dma_start3A_42] : memref<10240x16xf32, #tpu.memory_space<vmem_shared>> -> memref<80x16xf32, #tpu.memory_space<vmem_shared>>
    tpu.enqueue_dma source(%arg16 : memref<80x16xf32, #tpu.memory_space<vmem>>) target(%dma_start3A_43 : memref<80x16xf32, #tpu.memory_space<vmem_shared>>) target_semaphore(%arg18 : memref<!tpu.dma_semaphore, #tpu.memory_space<semaphore_mem>>)
    %mul3A_44 = arith.constant 640 : i32
    %mul3A_45 = arith.muli %arg1, %mul3A_44 : i32
    %add3A_46 = arith.constant 160 : i32
    %add3A_47 = arith.addi %mul3A_45, %add3A_46 : i32
    %dma_start3A_48 = arith.constant 0 : i32
    %dma_start3A_49 = tpu.memref_slice %arg7[%add3A_47, %dma_start3A_48] : memref<10240x128xf32, #tpu.memory_space<vmem_shared>> -> memref<80x128xf32, #tpu.memory_space<vmem_shared>>
    %dma_start3A_50 = arith.constant 0 : i32
    %dma_start3A_51 = tpu.memref_slice %arg7[%add3A_47, %dma_start3A_50] : memref<10240x128xf32, #tpu.memory_space<vmem_shared>> -> memref<80x128xf32, #tpu.memory_space<vmem_shared>>
    tpu.enqueue_dma source(%arg13 : memref<80x128xf32, #tpu.memory_space<vmem>>) target(%dma_start3A_51 : memref<80x128xf32, #tpu.memory_space<vmem_shared>>) target_semaphore(%arg17 : memref<!tpu.dma_semaphore, #tpu.memory_space<semaphore_mem>>)
    %mul3A_52 = arith.constant 640 : i32
    %mul3A_53 = arith.muli %arg1, %mul3A_52 : i32
    %add3A_54 = arith.constant 160 : i32
    %add3A_55 = arith.addi %mul3A_53, %add3A_54 : i32
    %dma_start3A_56 = arith.constant 0 : i32
    %dma_start3A_57 = tpu.memref_slice %arg8[%add3A_55, %dma_start3A_56] : memref<10240x16xf32, #tpu.memory_space<vmem_shared>> -> memref<80x16xf32, #tpu.memory_space<vmem_shared>>
    %dma_start3A_58 = arith.constant 0 : i32
    %dma_start3A_59 = tpu.memref_slice %arg8[%add3A_55, %dma_start3A_58] : memref<10240x16xf32, #tpu.memory_space<vmem_shared>> -> memref<80x16xf32, #tpu.memory_space<vmem_shared>>
    tpu.enqueue_dma source(%arg16 : memref<80x16xf32, #tpu.memory_space<vmem>>) target(%dma_start3A_59 : memref<80x16xf32, #tpu.memory_space<vmem_shared>>) target_semaphore(%arg18 : memref<!tpu.dma_semaphore, #tpu.memory_space<semaphore_mem>>)
    %mul3A_60 = arith.constant 640 : i32
    %mul3A_61 = arith.muli %arg1, %mul3A_60 : i32
    %add3A_62 = arith.constant 240 : i32
    %add3A_63 = arith.addi %mul3A_61, %add3A_62 : i32
    %dma_start3A_64 = arith.constant 0 : i32
    %dma_start3A_65 = tpu.memref_slice %arg7[%add3A_63, %dma_start3A_64] : memref<10240x128xf32, #tpu.memory_space<vmem_shared>> -> memref<80x128xf32, #tpu.memory_space<vmem_shared>>
    %dma_start3A_66 = arith.constant 0 : i32
    %dma_start3A_67 = tpu.memref_slice %arg7[%add3A_63, %dma_start3A_66] : memref<10240x128xf32, #tpu.memory_space<vmem_shared>> -> memref<80x128xf32, #tpu.memory_space<vmem_shared>>
    tpu.enqueue_dma source(%arg13 : memref<80x128xf32, #tpu.memory_space<vmem>>) target(%dma_start3A_67 : memref<80x128xf32, #tpu.memory_space<vmem_shared>>) target_semaphore(%arg17 : memref<!tpu.dma_semaphore, #tpu.memory_space<semaphore_mem>>)
    %mul3A_68 = arith.constant 640 : i32
    %mul3A_69 = arith.muli %arg1, %mul3A_68 : i32
    %add3A_70 = arith.constant 240 : i32
    %add3A_71 = arith.addi %mul3A_69, %add3A_70 : i32
    %dma_start3A_72 = arith.constant 0 : i32
    %dma_start3A_73 = tpu.memref_slice %arg8[%add3A_71, %dma_start3A_72] : memref<10240x16xf32, #tpu.memory_space<vmem_shared>> -> memref<80x16xf32, #tpu.memory_space<vmem_shared>>
    %dma_start3A_74 = arith.constant 0 : i32
    %dma_start3A_75 = tpu.memref_slice %arg8[%add3A_71, %dma_start3A_74] : memref<10240x16xf32, #tpu.memory_space<vmem_shared>> -> memref<80x16xf32, #tpu.memory_space<vmem_shared>>
    tpu.enqueue_dma source(%arg16 : memref<80x16xf32, #tpu.memory_space<vmem>>) target(%dma_start3A_75 : memref<80x16xf32, #tpu.memory_space<vmem_shared>>) target_semaphore(%arg18 : memref<!tpu.dma_semaphore, #tpu.memory_space<semaphore_mem>>)
    %mul3A_76 = arith.constant 640 : i32
    %mul3A_77 = arith.muli %arg1, %mul3A_76 : i32
    %add3A_78 = arith.constant 320 : i32
    %add3A_79 = arith.addi %mul3A_77, %add3A_78 : i32
    %dma_start3A_80 = arith.constant 0 : i32
    %dma_start3A_81 = tpu.memref_slice %arg7[%add3A_79, %dma_start3A_80] : memref<10240x128xf32, #tpu.memory_space<vmem_shared>> -> memref<80x128xf32, #tpu.memory_space<vmem_shared>>
    %dma_start3A_82 = arith.constant 0 : i32
    %dma_start3A_83 = tpu.memref_slice %arg7[%add3A_79, %dma_start3A_82] : memref<10240x128xf32, #tpu.memory_space<vmem_shared>> -> memref<80x128xf32, #tpu.memory_space<vmem_shared>>
    tpu.enqueue_dma source(%arg13 : memref<80x128xf32, #tpu.memory_space<vmem>>) target(%dma_start3A_83 : memref<80x128xf32, #tpu.memory_space<vmem_shared>>) target_semaphore(%arg17 : memref<!tpu.dma_semaphore, #tpu.memory_space<semaphore_mem>>)
    %mul3A_84 = arith.constant 640 : i32
    %mul3A_85 = arith.muli %arg1, %mul3A_84 : i32
    %add3A_86 = arith.constant 320 : i32
    %add3A_87 = arith.addi %mul3A_85, %add3A_86 : i32
    %dma_start3A_88 = arith.constant 0 : i32
    %dma_start3A_89 = tpu.memref_slice %arg8[%add3A_87, %dma_start3A_88] : memref<10240x16xf32, #tpu.memory_space<vmem_shared>> -> memref<80x16xf32, #tpu.memory_space<vmem_shared>>
    %dma_start3A_90 = arith.constant 0 : i32
    %dma_start3A_91 = tpu.memref_slice %arg8[%add3A_87, %dma_start3A_90] : memref<10240x16xf32, #tpu.memory_space<vmem_shared>> -> memref<80x16xf32, #tpu.memory_space<vmem_shared>>
    tpu.enqueue_dma source(%arg16 : memref<80x16xf32, #tpu.memory_space<vmem>>) target(%dma_start3A_91 : memref<80x16xf32, #tpu.memory_space<vmem_shared>>) target_semaphore(%arg18 : memref<!tpu.dma_semaphore, #tpu.memory_space<semaphore_mem>>)
    %mul3A_92 = arith.constant 640 : i32
    %mul3A_93 = arith.muli %arg1, %mul3A_92 : i32
    %add3A_94 = arith.constant 400 : i32
    %add3A_95 = arith.addi %mul3A_93, %add3A_94 : i32
    %dma_start3A_96 = arith.constant 0 : i32
    %dma_start3A_97 = tpu.memref_slice %arg7[%add3A_95, %dma_start3A_96] : memref<10240x128xf32, #tpu.memory_space<vmem_shared>> -> memref<80x128xf32, #tpu.memory_space<vmem_shared>>
    %dma_start3A_98 = arith.constant 0 : i32
    %dma_start3A_99 = tpu.memref_slice %arg7[%add3A_95, %dma_start3A_98] : memref<10240x128xf32, #tpu.memory_space<vmem_shared>> -> memref<80x128xf32, #tpu.memory_space<vmem_shared>>
    tpu.enqueue_dma source(%arg13 : memref<80x128xf32, #tpu.memory_space<vmem>>) target(%dma_start3A_99 : memref<80x128xf32, #tpu.memory_space<vmem_shared>>) target_semaphore(%arg17 : memref<!tpu.dma_semaphore, #tpu.memory_space<semaphore_mem>>)
    %mul3A_100 = arith.constant 640 : i32
    %mul3A_101 = arith.muli %arg1, %mul3A_100 : i32
    %add3A_102 = arith.constant 400 : i32
    %add3A_103 = arith.addi %mul3A_101, %add3A_102 : i32
    %dma_start3A_104 = arith.constant 0 : i32
    %dma_start3A_105 = tpu.memref_slice %arg8[%add3A_103, %dma_start3A_104] : memref<10240x16xf32, #tpu.memory_space<vmem_shared>> -> memref<80x16xf32, #tpu.memory_space<vmem_shared>>
    %dma_start3A_106 = arith.constant 0 : i32
    %dma_start3A_107 = tpu.memref_slice %arg8[%add3A_103, %dma_start3A_106] : memref<10240x16xf32, #tpu.memory_space<vmem_shared>> -> memref<80x16xf32, #tpu.memory_space<vmem_shared>>
    tpu.enqueue_dma source(%arg16 : memref<80x16xf32, #tpu.memory_space<vmem>>) target(%dma_start3A_107 : memref<80x16xf32, #tpu.memory_space<vmem_shared>>) target_semaphore(%arg18 : memref<!tpu.dma_semaphore, #tpu.memory_space<semaphore_mem>>)
    %mul3A_108 = arith.constant 640 : i32
    %mul3A_109 = arith.muli %arg1, %mul3A_108 : i32
    %add3A_110 = arith.constant 480 : i32
    %add3A_111 = arith.addi %mul3A_109, %add3A_110 : i32
    %dma_start3A_112 = arith.constant 0 : i32
    %dma_start3A_113 = tpu.memref_slice %arg7[%add3A_111, %dma_start3A_112] : memref<10240x128xf32, #tpu.memory_space<vmem_shared>> -> memref<80x128xf32, #tpu.memory_space<vmem_shared>>
    %dma_start3A_114 = arith.constant 0 : i32
    %dma_start3A_115 = tpu.memref_slice %arg7[%add3A_111, %dma_start3A_114] : memref<10240x128xf32, #tpu.memory_space<vmem_shared>> -> memref<80x128xf32, #tpu.memory_space<vmem_shared>>
    tpu.enqueue_dma source(%arg13 : memref<80x128xf32, #tpu.memory_space<vmem>>) target(%dma_start3A_115 : memref<80x128xf32, #tpu.memory_space<vmem_shared>>) target_semaphore(%arg17 : memref<!tpu.dma_semaphore, #tpu.memory_space<semaphore_mem>>)
    %mul3A_116 = arith.constant 640 : i32
    %mul3A_117 = arith.muli %arg1, %mul3A_116 : i32
    %add3A_118 = arith.constant 480 : i32
    %add3A_119 = arith.addi %mul3A_117, %add3A_118 : i32
    %dma_start3A_120 = arith.constant 0 : i32
    %dma_start3A_121 = tpu.memref_slice %arg8[%add3A_119, %dma_start3A_120] : memref<10240x16xf32, #tpu.memory_space<vmem_shared>> -> memref<80x16xf32, #tpu.memory_space<vmem_shared>>
    %dma_start3A_122 = arith.constant 0 : i32
    %dma_start3A_123 = tpu.memref_slice %arg8[%add3A_119, %dma_start3A_122] : memref<10240x16xf32, #tpu.memory_space<vmem_shared>> -> memref<80x16xf32, #tpu.memory_space<vmem_shared>>
    tpu.enqueue_dma source(%arg16 : memref<80x16xf32, #tpu.memory_space<vmem>>) target(%dma_start3A_123 : memref<80x16xf32, #tpu.memory_space<vmem_shared>>) target_semaphore(%arg18 : memref<!tpu.dma_semaphore, #tpu.memory_space<semaphore_mem>>)
    %mul3A_124 = arith.constant 640 : i32
    %mul3A_125 = arith.muli %arg1, %mul3A_124 : i32
    %add3A_126 = arith.constant 560 : i32
    %add3A_127 = arith.addi %mul3A_125, %add3A_126 : i32
    %dma_start3A_128 = arith.constant 0 : i32
    %dma_start3A_129 = tpu.memref_slice %arg7[%add3A_127, %dma_start3A_128] : memref<10240x128xf32, #tpu.memory_space<vmem_shared>> -> memref<80x128xf32, #tpu.memory_space<vmem_shared>>
    %dma_start3A_130 = arith.constant 0 : i32
    %dma_start3A_131 = tpu.memref_slice %arg7[%add3A_127, %dma_start3A_130] : memref<10240x128xf32, #tpu.memory_space<vmem_shared>> -> memref<80x128xf32, #tpu.memory_space<vmem_shared>>
    tpu.enqueue_dma source(%arg13 : memref<80x128xf32, #tpu.memory_space<vmem>>) target(%dma_start3A_131 : memref<80x128xf32, #tpu.memory_space<vmem_shared>>) target_semaphore(%arg17 : memref<!tpu.dma_semaphore, #tpu.memory_space<semaphore_mem>>)
    %mul3A_132 = arith.constant 640 : i32
    %mul3A_133 = arith.muli %arg1, %mul3A_132 : i32
    %add3A_134 = arith.constant 560 : i32
    %add3A_135 = arith.addi %mul3A_133, %add3A_134 : i32
    %dma_start3A_136 = arith.constant 0 : i32
    %dma_start3A_137 = tpu.memref_slice %arg8[%add3A_135, %dma_start3A_136] : memref<10240x16xf32, #tpu.memory_space<vmem_shared>> -> memref<80x16xf32, #tpu.memory_space<vmem_shared>>
    %dma_start3A_138 = arith.constant 0 : i32
    %dma_start3A_139 = tpu.memref_slice %arg8[%add3A_135, %dma_start3A_138] : memref<10240x16xf32, #tpu.memory_space<vmem_shared>> -> memref<80x16xf32, #tpu.memory_space<vmem_shared>>
    tpu.enqueue_dma source(%arg16 : memref<80x16xf32, #tpu.memory_space<vmem>>) target(%dma_start3A_139 : memref<80x16xf32, #tpu.memory_space<vmem_shared>>) target_semaphore(%arg18 : memref<!tpu.dma_semaphore, #tpu.memory_space<semaphore_mem>>)
    %mul3A_140 = arith.constant 640 : i32
    %mul3A_141 = arith.muli %arg1, %mul3A_140 : i32
    %add3A_142 = arith.constant 0 : i32
    %add3A_143 = arith.addi %mul3A_141, %add3A_142 : i32
    %dma_wait3A = arith.constant 0 : i32
    %dma_wait3A_144 = tpu.memref_slice %arg7[%add3A_143, %dma_wait3A] : memref<10240x128xf32, #tpu.memory_space<vmem_shared>> -> memref<80x128xf32, #tpu.memory_space<vmem_shared>>
    %dma_wait3A_145 = arith.constant 0 : i32
    %dma_wait3A_146 = tpu.memref_slice %arg7[%add3A_143, %dma_wait3A_145] : memref<10240x128xf32, #tpu.memory_space<vmem_shared>> -> memref<80x128xf32, #tpu.memory_space<vmem_shared>>
    tpu.wait_dma2 semaphore(%arg17 : memref<!tpu.dma_semaphore, #tpu.memory_space<semaphore_mem>>) src(%arg13 : memref<80x128xf32, #tpu.memory_space<vmem>>) dst(%dma_wait3A_146 : memref<80x128xf32, #tpu.memory_space<vmem_shared>>)
    %mul3A_147 = arith.constant 640 : i32
    %mul3A_148 = arith.muli %arg1, %mul3A_147 : i32
    %add3A_149 = arith.constant 0 : i32
    %add3A_150 = arith.addi %mul3A_148, %add3A_149 : i32
    %dma_wait3A_151 = arith.constant 0 : i32
    %dma_wait3A_152 = tpu.memref_slice %arg8[%add3A_150, %dma_wait3A_151] : memref<10240x16xf32, #tpu.memory_space<vmem_shared>> -> memref<80x16xf32, #tpu.memory_space<vmem_shared>>
    %dma_wait3A_153 = arith.constant 0 : i32
    %dma_wait3A_154 = tpu.memref_slice %arg8[%add3A_150, %dma_wait3A_153] : memref<10240x16xf32, #tpu.memory_space<vmem_shared>> -> memref<80x16xf32, #tpu.memory_space<vmem_shared>>
    tpu.wait_dma2 semaphore(%arg18 : memref<!tpu.dma_semaphore, #tpu.memory_space<semaphore_mem>>) src(%arg16 : memref<80x16xf32, #tpu.memory_space<vmem>>) dst(%dma_wait3A_154 : memref<80x16xf32, #tpu.memory_space<vmem_shared>>)
    %mul3A_155 = arith.constant 640 : i32
    %mul3A_156 = arith.muli %arg1, %mul3A_155 : i32
    %add3A_157 = arith.constant 80 : i32
    %add3A_158 = arith.addi %mul3A_156, %add3A_157 : i32
    %dma_wait3A_159 = arith.constant 0 : i32
    %dma_wait3A_160 = tpu.memref_slice %arg7[%add3A_158, %dma_wait3A_159] : memref<10240x128xf32, #tpu.memory_space<vmem_shared>> -> memref<80x128xf32, #tpu.memory_space<vmem_shared>>
    %dma_wait3A_161 = arith.constant 0 : i32
    %dma_wait3A_162 = tpu.memref_slice %arg7[%add3A_158, %dma_wait3A_161] : memref<10240x128xf32, #tpu.memory_space<vmem_shared>> -> memref<80x128xf32, #tpu.memory_space<vmem_shared>>
    tpu.wait_dma2 semaphore(%arg17 : memref<!tpu.dma_semaphore, #tpu.memory_space<semaphore_mem>>) src(%arg13 : memref<80x128xf32, #tpu.memory_space<vmem>>) dst(%dma_wait3A_162 : memref<80x128xf32, #tpu.memory_space<vmem_shared>>)
    %mul3A_163 = arith.constant 640 : i32
    %mul3A_164 = arith.muli %arg1, %mul3A_163 : i32
    %add3A_165 = arith.constant 80 : i32
    %add3A_166 = arith.addi %mul3A_164, %add3A_165 : i32
    %dma_wait3A_167 = arith.constant 0 : i32
    %dma_wait3A_168 = tpu.memref_slice %arg8[%add3A_166, %dma_wait3A_167] : memref<10240x16xf32, #tpu.memory_space<vmem_shared>> -> memref<80x16xf32, #tpu.memory_space<vmem_shared>>
    %dma_wait3A_169 = arith.constant 0 : i32
    %dma_wait3A_170 = tpu.memref_slice %arg8[%add3A_166, %dma_wait3A_169] : memref<10240x16xf32, #tpu.memory_space<vmem_shared>> -> memref<80x16xf32, #tpu.memory_space<vmem_shared>>
    tpu.wait_dma2 semaphore(%arg18 : memref<!tpu.dma_semaphore, #tpu.memory_space<semaphore_mem>>) src(%arg16 : memref<80x16xf32, #tpu.memory_space<vmem>>) dst(%dma_wait3A_170 : memref<80x16xf32, #tpu.memory_space<vmem_shared>>)
    %mul3A_171 = arith.constant 640 : i32
    %mul3A_172 = arith.muli %arg1, %mul3A_171 : i32
    %add3A_173 = arith.constant 160 : i32
    %add3A_174 = arith.addi %mul3A_172, %add3A_173 : i32
    %dma_wait3A_175 = arith.constant 0 : i32
    %dma_wait3A_176 = tpu.memref_slice %arg7[%add3A_174, %dma_wait3A_175] : memref<10240x128xf32, #tpu.memory_space<vmem_shared>> -> memref<80x128xf32, #tpu.memory_space<vmem_shared>>
    %dma_wait3A_177 = arith.constant 0 : i32
    %dma_wait3A_178 = tpu.memref_slice %arg7[%add3A_174, %dma_wait3A_177] : memref<10240x128xf32, #tpu.memory_space<vmem_shared>> -> memref<80x128xf32, #tpu.memory_space<vmem_shared>>
    tpu.wait_dma2 semaphore(%arg17 : memref<!tpu.dma_semaphore, #tpu.memory_space<semaphore_mem>>) src(%arg13 : memref<80x128xf32, #tpu.memory_space<vmem>>) dst(%dma_wait3A_178 : memref<80x128xf32, #tpu.memory_space<vmem_shared>>)
    %mul3A_179 = arith.constant 640 : i32
    %mul3A_180 = arith.muli %arg1, %mul3A_179 : i32
    %add3A_181 = arith.constant 160 : i32
    %add3A_182 = arith.addi %mul3A_180, %add3A_181 : i32
    %dma_wait3A_183 = arith.constant 0 : i32
    %dma_wait3A_184 = tpu.memref_slice %arg8[%add3A_182, %dma_wait3A_183] : memref<10240x16xf32, #tpu.memory_space<vmem_shared>> -> memref<80x16xf32, #tpu.memory_space<vmem_shared>>
    %dma_wait3A_185 = arith.constant 0 : i32
    %dma_wait3A_186 = tpu.memref_slice %arg8[%add3A_182, %dma_wait3A_185] : memref<10240x16xf32, #tpu.memory_space<vmem_shared>> -> memref<80x16xf32, #tpu.memory_space<vmem_shared>>
    tpu.wait_dma2 semaphore(%arg18 : memref<!tpu.dma_semaphore, #tpu.memory_space<semaphore_mem>>) src(%arg16 : memref<80x16xf32, #tpu.memory_space<vmem>>) dst(%dma_wait3A_186 : memref<80x16xf32, #tpu.memory_space<vmem_shared>>)
    %mul3A_187 = arith.constant 640 : i32
    %mul3A_188 = arith.muli %arg1, %mul3A_187 : i32
    %add3A_189 = arith.constant 240 : i32
    %add3A_190 = arith.addi %mul3A_188, %add3A_189 : i32
    %dma_wait3A_191 = arith.constant 0 : i32
    %dma_wait3A_192 = tpu.memref_slice %arg7[%add3A_190, %dma_wait3A_191] : memref<10240x128xf32, #tpu.memory_space<vmem_shared>> -> memref<80x128xf32, #tpu.memory_space<vmem_shared>>
    %dma_wait3A_193 = arith.constant 0 : i32
    %dma_wait3A_194 = tpu.memref_slice %arg7[%add3A_190, %dma_wait3A_193] : memref<10240x128xf32, #tpu.memory_space<vmem_shared>> -> memref<80x128xf32, #tpu.memory_space<vmem_shared>>
    tpu.wait_dma2 semaphore(%arg17 : memref<!tpu.dma_semaphore, #tpu.memory_space<semaphore_mem>>) src(%arg13 : memref<80x128xf32, #tpu.memory_space<vmem>>) dst(%dma_wait3A_194 : memref<80x128xf32, #tpu.memory_space<vmem_shared>>)
    %mul3A_195 = arith.constant 640 : i32
    %mul3A_196 = arith.muli %arg1, %mul3A_195 : i32
    %add3A_197 = arith.constant 240 : i32
    %add3A_198 = arith.addi %mul3A_196, %add3A_197 : i32
    %dma_wait3A_199 = arith.constant 0 : i32
    %dma_wait3A_200 = tpu.memref_slice %arg8[%add3A_198, %dma_wait3A_199] : memref<10240x16xf32, #tpu.memory_space<vmem_shared>> -> memref<80x16xf32, #tpu.memory_space<vmem_shared>>
    %dma_wait3A_201 = arith.constant 0 : i32
    %dma_wait3A_202 = tpu.memref_slice %arg8[%add3A_198, %dma_wait3A_201] : memref<10240x16xf32, #tpu.memory_space<vmem_shared>> -> memref<80x16xf32, #tpu.memory_space<vmem_shared>>
    tpu.wait_dma2 semaphore(%arg18 : memref<!tpu.dma_semaphore, #tpu.memory_space<semaphore_mem>>) src(%arg16 : memref<80x16xf32, #tpu.memory_space<vmem>>) dst(%dma_wait3A_202 : memref<80x16xf32, #tpu.memory_space<vmem_shared>>)
    %mul3A_203 = arith.constant 640 : i32
    %mul3A_204 = arith.muli %arg1, %mul3A_203 : i32
    %add3A_205 = arith.constant 320 : i32
    %add3A_206 = arith.addi %mul3A_204, %add3A_205 : i32
    %dma_wait3A_207 = arith.constant 0 : i32
    %dma_wait3A_208 = tpu.memref_slice %arg7[%add3A_206, %dma_wait3A_207] : memref<10240x128xf32, #tpu.memory_space<vmem_shared>> -> memref<80x128xf32, #tpu.memory_space<vmem_shared>>
    %dma_wait3A_209 = arith.constant 0 : i32
    %dma_wait3A_210 = tpu.memref_slice %arg7[%add3A_206, %dma_wait3A_209] : memref<10240x128xf32, #tpu.memory_space<vmem_shared>> -> memref<80x128xf32, #tpu.memory_space<vmem_shared>>
    tpu.wait_dma2 semaphore(%arg17 : memref<!tpu.dma_semaphore, #tpu.memory_space<semaphore_mem>>) src(%arg13 : memref<80x128xf32, #tpu.memory_space<vmem>>) dst(%dma_wait3A_210 : memref<80x128xf32, #tpu.memory_space<vmem_shared>>)
    %mul3A_211 = arith.constant 640 : i32
    %mul3A_212 = arith.muli %arg1, %mul3A_211 : i32
    %add3A_213 = arith.constant 320 : i32
    %add3A_214 = arith.addi %mul3A_212, %add3A_213 : i32
    %dma_wait3A_215 = arith.constant 0 : i32
    %dma_wait3A_216 = tpu.memref_slice %arg8[%add3A_214, %dma_wait3A_215] : memref<10240x16xf32, #tpu.memory_space<vmem_shared>> -> memref<80x16xf32, #tpu.memory_space<vmem_shared>>
    %dma_wait3A_217 = arith.constant 0 : i32
    %dma_wait3A_218 = tpu.memref_slice %arg8[%add3A_214, %dma_wait3A_217] : memref<10240x16xf32, #tpu.memory_space<vmem_shared>> -> memref<80x16xf32, #tpu.memory_space<vmem_shared>>
    tpu.wait_dma2 semaphore(%arg18 : memref<!tpu.dma_semaphore, #tpu.memory_space<semaphore_mem>>) src(%arg16 : memref<80x16xf32, #tpu.memory_space<vmem>>) dst(%dma_wait3A_218 : memref<80x16xf32, #tpu.memory_space<vmem_shared>>)
    %mul3A_219 = arith.constant 640 : i32
    %mul3A_220 = arith.muli %arg1, %mul3A_219 : i32
    %add3A_221 = arith.constant 400 : i32
    %add3A_222 = arith.addi %mul3A_220, %add3A_221 : i32
    %dma_wait3A_223 = arith.constant 0 : i32
    %dma_wait3A_224 = tpu.memref_slice %arg7[%add3A_222, %dma_wait3A_223] : memref<10240x128xf32, #tpu.memory_space<vmem_shared>> -> memref<80x128xf32, #tpu.memory_space<vmem_shared>>
    %dma_wait3A_225 = arith.constant 0 : i32
    %dma_wait3A_226 = tpu.memref_slice %arg7[%add3A_222, %dma_wait3A_225] : memref<10240x128xf32, #tpu.memory_space<vmem_shared>> -> memref<80x128xf32, #tpu.memory_space<vmem_shared>>
    tpu.wait_dma2 semaphore(%arg17 : memref<!tpu.dma_semaphore, #tpu.memory_space<semaphore_mem>>) src(%arg13 : memref<80x128xf32, #tpu.memory_space<vmem>>) dst(%dma_wait3A_226 : memref<80x128xf32, #tpu.memory_space<vmem_shared>>)
    %mul3A_227 = arith.constant 640 : i32
    %mul3A_228 = arith.muli %arg1, %mul3A_227 : i32
    %add3A_229 = arith.constant 400 : i32
    %add3A_230 = arith.addi %mul3A_228, %add3A_229 : i32
    %dma_wait3A_231 = arith.constant 0 : i32
    %dma_wait3A_232 = tpu.memref_slice %arg8[%add3A_230, %dma_wait3A_231] : memref<10240x16xf32, #tpu.memory_space<vmem_shared>> -> memref<80x16xf32, #tpu.memory_space<vmem_shared>>
    %dma_wait3A_233 = arith.constant 0 : i32
    %dma_wait3A_234 = tpu.memref_slice %arg8[%add3A_230, %dma_wait3A_233] : memref<10240x16xf32, #tpu.memory_space<vmem_shared>> -> memref<80x16xf32, #tpu.memory_space<vmem_shared>>
    tpu.wait_dma2 semaphore(%arg18 : memref<!tpu.dma_semaphore, #tpu.memory_space<semaphore_mem>>) src(%arg16 : memref<80x16xf32, #tpu.memory_space<vmem>>) dst(%dma_wait3A_234 : memref<80x16xf32, #tpu.memory_space<vmem_shared>>)
    %mul3A_235 = arith.constant 640 : i32
    %mul3A_236 = arith.muli %arg1, %mul3A_235 : i32
    %add3A_237 = arith.constant 480 : i32
    %add3A_238 = arith.addi %mul3A_236, %add3A_237 : i32
    %dma_wait3A_239 = arith.constant 0 : i32
    %dma_wait3A_240 = tpu.memref_slice %arg7[%add3A_238, %dma_wait3A_239] : memref<10240x128xf32, #tpu.memory_space<vmem_shared>> -> memref<80x128xf32, #tpu.memory_space<vmem_shared>>
    %dma_wait3A_241 = arith.constant 0 : i32
    %dma_wait3A_242 = tpu.memref_slice %arg7[%add3A_238, %dma_wait3A_241] : memref<10240x128xf32, #tpu.memory_space<vmem_shared>> -> memref<80x128xf32, #tpu.memory_space<vmem_shared>>
    tpu.wait_dma2 semaphore(%arg17 : memref<!tpu.dma_semaphore, #tpu.memory_space<semaphore_mem>>) src(%arg13 : memref<80x128xf32, #tpu.memory_space<vmem>>) dst(%dma_wait3A_242 : memref<80x128xf32, #tpu.memory_space<vmem_shared>>)
    %mul3A_243 = arith.constant 640 : i32
    %mul3A_244 = arith.muli %arg1, %mul3A_243 : i32
    %add3A_245 = arith.constant 480 : i32
    %add3A_246 = arith.addi %mul3A_244, %add3A_245 : i32
    %dma_wait3A_247 = arith.constant 0 : i32
    %dma_wait3A_248 = tpu.memref_slice %arg8[%add3A_246, %dma_wait3A_247] : memref<10240x16xf32, #tpu.memory_space<vmem_shared>> -> memref<80x16xf32, #tpu.memory_space<vmem_shared>>
    %dma_wait3A_249 = arith.constant 0 : i32
    %dma_wait3A_250 = tpu.memref_slice %arg8[%add3A_246, %dma_wait3A_249] : memref<10240x16xf32, #tpu.memory_space<vmem_shared>> -> memref<80x16xf32, #tpu.memory_space<vmem_shared>>
    tpu.wait_dma2 semaphore(%arg18 : memref<!tpu.dma_semaphore, #tpu.memory_space<semaphore_mem>>) src(%arg16 : memref<80x16xf32, #tpu.memory_space<vmem>>) dst(%dma_wait3A_250 : memref<80x16xf32, #tpu.memory_space<vmem_shared>>)
    %mul3A_251 = arith.constant 640 : i32
    %mul3A_252 = arith.muli %arg1, %mul3A_251 : i32
    %add3A_253 = arith.constant 560 : i32
    %add3A_254 = arith.addi %mul3A_252, %add3A_253 : i32
    %dma_wait3A_255 = arith.constant 0 : i32
    %dma_wait3A_256 = tpu.memref_slice %arg7[%add3A_254, %dma_wait3A_255] : memref<10240x128xf32, #tpu.memory_space<vmem_shared>> -> memref<80x128xf32, #tpu.memory_space<vmem_shared>>
    %dma_wait3A_257 = arith.constant 0 : i32
    %dma_wait3A_258 = tpu.memref_slice %arg7[%add3A_254, %dma_wait3A_257] : memref<10240x128xf32, #tpu.memory_space<vmem_shared>> -> memref<80x128xf32, #tpu.memory_space<vmem_shared>>
    tpu.wait_dma2 semaphore(%arg17 : memref<!tpu.dma_semaphore, #tpu.memory_space<semaphore_mem>>) src(%arg13 : memref<80x128xf32, #tpu.memory_space<vmem>>) dst(%dma_wait3A_258 : memref<80x128xf32, #tpu.memory_space<vmem_shared>>)
    %mul3A_259 = arith.constant 640 : i32
    %mul3A_260 = arith.muli %arg1, %mul3A_259 : i32
    %add3A_261 = arith.constant 560 : i32
    %add3A_262 = arith.addi %mul3A_260, %add3A_261 : i32
    %dma_wait3A_263 = arith.constant 0 : i32
    %dma_wait3A_264 = tpu.memref_slice %arg8[%add3A_262, %dma_wait3A_263] : memref<10240x16xf32, #tpu.memory_space<vmem_shared>> -> memref<80x16xf32, #tpu.memory_space<vmem_shared>>
    %dma_wait3A_265 = arith.constant 0 : i32
    %dma_wait3A_266 = tpu.memref_slice %arg8[%add3A_262, %dma_wait3A_265] : memref<10240x16xf32, #tpu.memory_space<vmem_shared>> -> memref<80x16xf32, #tpu.memory_space<vmem_shared>>
    tpu.wait_dma2 semaphore(%arg18 : memref<!tpu.dma_semaphore, #tpu.memory_space<semaphore_mem>>) src(%arg16 : memref<80x16xf32, #tpu.memory_space<vmem>>) dst(%dma_wait3A_266 : memref<80x16xf32, #tpu.memory_space<vmem_shared>>)
    %barrier3A = arith.constant 0 : index
    tpu.barrier barrier_id(%barrier3A)
    "tpu.region"() ({
      %run_scoped3A_502 = tpu.sem_alloc : memref<!tpu.dma_semaphore, #tpu.memory_space<semaphore_mem>>
      %dma_start3A_503 = arith.constant 0 : i32
      %dma_start3A_504 = arith.constant 0 : i32
      %dma_start3A_505 = tpu.memref_slice %arg3[%add3A, %dma_start3A_503, %dma_start3A_504] : memref<32x125x80xi32, #tpu.memory_space<hbm>> -> memref<1x25x80xi32, #tpu.memory_space<hbm>>
      %dma_start3A_506 = tpu.memref_squeeze %dma_start3A_505 : memref<1x25x80xi32, #tpu.memory_space<hbm>> -> memref<25x80xi32, #tpu.memory_space<hbm>>
      %dma_start3A_507 = arith.constant 0 : i32
      %dma_start3A_508 = arith.constant 0 : i32
      %dma_start3A_509 = tpu.memref_slice %arg3[%add3A, %dma_start3A_507, %dma_start3A_508] : memref<32x125x80xi32, #tpu.memory_space<hbm>> -> memref<1x25x80xi32, #tpu.memory_space<hbm>>
      %dma_start3A_510 = tpu.memref_squeeze %dma_start3A_509 : memref<1x25x80xi32, #tpu.memory_space<hbm>> -> memref<25x80xi32, #tpu.memory_space<hbm>>
      tpu.enqueue_dma source(%dma_start3A_510 : memref<25x80xi32, #tpu.memory_space<hbm>>) target(%arg9 : memref<25x80xi32, #tpu.memory_space<vmem>>) target_semaphore(%run_scoped3A_502 : memref<!tpu.dma_semaphore, #tpu.memory_space<semaphore_mem>>)
      %dma_wait3A_511 = arith.constant 0 : i32
      %dma_wait3A_512 = arith.constant 0 : i32
      %dma_wait3A_513 = tpu.memref_slice %arg3[%add3A, %dma_wait3A_511, %dma_wait3A_512] : memref<32x125x80xi32, #tpu.memory_space<hbm>> -> memref<1x25x80xi32, #tpu.memory_space<hbm>>
      %dma_wait3A_514 = tpu.memref_squeeze %dma_wait3A_513 : memref<1x25x80xi32, #tpu.memory_space<hbm>> -> memref<25x80xi32, #tpu.memory_space<hbm>>
      %dma_wait3A_515 = arith.constant 0 : i32
      %dma_wait3A_516 = arith.constant 0 : i32
      %dma_wait3A_517 = tpu.memref_slice %arg3[%add3A, %dma_wait3A_515, %dma_wait3A_516] : memref<32x125x80xi32, #tpu.memory_space<hbm>> -> memref<1x25x80xi32, #tpu.memory_space<hbm>>
      %dma_wait3A_518 = tpu.memref_squeeze %dma_wait3A_517 : memref<1x25x80xi32, #tpu.memory_space<hbm>> -> memref<25x80xi32, #tpu.memory_space<hbm>>
      tpu.wait_dma2 semaphore(%run_scoped3A_502 : memref<!tpu.dma_semaphore, #tpu.memory_space<semaphore_mem>>) src(%dma_wait3A_518 : memref<25x80xi32, #tpu.memory_space<hbm>>) dst(%arg9 : memref<25x80xi32, #tpu.memory_space<vmem>>)
      tpu.yield
    }) : () -> ()
    "tpu.region"() ({
      %run_scoped3A_502 = tpu.sem_alloc : memref<!tpu.dma_semaphore, #tpu.memory_space<semaphore_mem>>
      %dma_start3A_503 = arith.constant 0 : i32
      %dma_start3A_504 = arith.constant 0 : i32
      %dma_start3A_505 = tpu.memref_slice %arg4[%add3A, %dma_start3A_503, %dma_start3A_504] : memref<32x125x80xi32, #tpu.memory_space<hbm>> -> memref<1x25x80xi32, #tpu.memory_space<hbm>>
      %dma_start3A_506 = tpu.memref_squeeze %dma_start3A_505 : memref<1x25x80xi32, #tpu.memory_space<hbm>> -> memref<25x80xi32, #tpu.memory_space<hbm>>
      %dma_start3A_507 = arith.constant 0 : i32
      %dma_start3A_508 = arith.constant 0 : i32
      %dma_start3A_509 = tpu.memref_slice %arg4[%add3A, %dma_start3A_507, %dma_start3A_508] : memref<32x125x80xi32, #tpu.memory_space<hbm>> -> memref<1x25x80xi32, #tpu.memory_space<hbm>>
      %dma_start3A_510 = tpu.memref_squeeze %dma_start3A_509 : memref<1x25x80xi32, #tpu.memory_space<hbm>> -> memref<25x80xi32, #tpu.memory_space<hbm>>
      tpu.enqueue_dma source(%dma_start3A_510 : memref<25x80xi32, #tpu.memory_space<hbm>>) target(%arg10 : memref<25x80xi32, #tpu.memory_space<vmem>>) target_semaphore(%run_scoped3A_502 : memref<!tpu.dma_semaphore, #tpu.memory_space<semaphore_mem>>)
      %dma_wait3A_511 = arith.constant 0 : i32
      %dma_wait3A_512 = arith.constant 0 : i32
      %dma_wait3A_513 = tpu.memref_slice %arg4[%add3A, %dma_wait3A_511, %dma_wait3A_512] : memref<32x125x80xi32, #tpu.memory_space<hbm>> -> memref<1x25x80xi32, #tpu.memory_space<hbm>>
      %dma_wait3A_514 = tpu.memref_squeeze %dma_wait3A_513 : memref<1x25x80xi32, #tpu.memory_space<hbm>> -> memref<25x80xi32, #tpu.memory_space<hbm>>
      %dma_wait3A_515 = arith.constant 0 : i32
      %dma_wait3A_516 = arith.constant 0 : i32
      %dma_wait3A_517 = tpu.memref_slice %arg4[%add3A, %dma_wait3A_515, %dma_wait3A_516] : memref<32x125x80xi32, #tpu.memory_space<hbm>> -> memref<1x25x80xi32, #tpu.memory_space<hbm>>
      %dma_wait3A_518 = tpu.memref_squeeze %dma_wait3A_517 : memref<1x25x80xi32, #tpu.memory_space<hbm>> -> memref<25x80xi32, #tpu.memory_space<hbm>>
      tpu.wait_dma2 semaphore(%run_scoped3A_502 : memref<!tpu.dma_semaphore, #tpu.memory_space<semaphore_mem>>) src(%dma_wait3A_518 : memref<25x80xi32, #tpu.memory_space<hbm>>) dst(%arg10 : memref<25x80xi32, #tpu.memory_space<vmem>>)
      tpu.yield
    }) : () -> ()
    %dma_start3A_267 = arith.constant 25 : i32
    %dma_start3A_268 = arith.constant 0 : i32
    %dma_start3A_269 = tpu.memref_slice %arg3[%add3A, %dma_start3A_267, %dma_start3A_268] : memref<32x125x80xi32, #tpu.memory_space<hbm>> -> memref<1x25x80xi32, #tpu.memory_space<hbm>>
    %dma_start3A_270 = tpu.memref_squeeze %dma_start3A_269 : memref<1x25x80xi32, #tpu.memory_space<hbm>> -> memref<25x80xi32, #tpu.memory_space<hbm>>
    %dma_start3A_271 = arith.constant 25 : i32
    %dma_start3A_272 = arith.constant 0 : i32
    %dma_start3A_273 = tpu.memref_slice %arg3[%add3A, %dma_start3A_271, %dma_start3A_272] : memref<32x125x80xi32, #tpu.memory_space<hbm>> -> memref<1x25x80xi32, #tpu.memory_space<hbm>>
    %dma_start3A_274 = tpu.memref_squeeze %dma_start3A_273 : memref<1x25x80xi32, #tpu.memory_space<hbm>> -> memref<25x80xi32, #tpu.memory_space<hbm>>
    tpu.enqueue_dma source(%dma_start3A_274 : memref<25x80xi32, #tpu.memory_space<hbm>>) target(%arg11 : memref<25x80xi32, #tpu.memory_space<vmem>>) target_semaphore(%arg19 : memref<!tpu.dma_semaphore, #tpu.memory_space<semaphore_mem>>)
    %dma_start3A_275 = arith.constant 25 : i32
    %dma_start3A_276 = arith.constant 0 : i32
    %dma_start3A_277 = tpu.memref_slice %arg4[%add3A, %dma_start3A_275, %dma_start3A_276] : memref<32x125x80xi32, #tpu.memory_space<hbm>> -> memref<1x25x80xi32, #tpu.memory_space<hbm>>
    %dma_start3A_278 = tpu.memref_squeeze %dma_start3A_277 : memref<1x25x80xi32, #tpu.memory_space<hbm>> -> memref<25x80xi32, #tpu.memory_space<hbm>>
    %dma_start3A_279 = arith.constant 25 : i32
    %dma_start3A_280 = arith.constant 0 : i32
    %dma_start3A_281 = tpu.memref_slice %arg4[%add3A, %dma_start3A_279, %dma_start3A_280] : memref<32x125x80xi32, #tpu.memory_space<hbm>> -> memref<1x25x80xi32, #tpu.memory_space<hbm>>
    %dma_start3A_282 = tpu.memref_squeeze %dma_start3A_281 : memref<1x25x80xi32, #tpu.memory_space<hbm>> -> memref<25x80xi32, #tpu.memory_space<hbm>>
    tpu.enqueue_dma source(%dma_start3A_282 : memref<25x80xi32, #tpu.memory_space<hbm>>) target(%arg12 : memref<25x80xi32, #tpu.memory_space<vmem>>) target_semaphore(%arg20 : memref<!tpu.dma_semaphore, #tpu.memory_space<semaphore_mem>>)
    %dma_start3A_283 = arith.constant 0 : i32
    %dma_start3A_284 = arith.constant 0 : i32
    %dma_start3A_285 = tpu.memref_slice %arg9[%dma_start3A_283, %dma_start3A_284] : memref<25x80xi32, #tpu.memory_space<vmem>> -> memref<1x80xi32, #tpu.memory_space<vmem>>
    %dma_start3A_286 = tpu.memref_squeeze %dma_start3A_285 : memref<1x80xi32, #tpu.memory_space<vmem>> -> memref<80xi32, #tpu.memory_space<vmem>>
    %dma_start3A_287 = arith.constant 0 : i32
    %dma_start3A_288 = arith.constant 0 : i32
    %dma_start3A_289 = tpu.memref_slice %arg2[%dma_start3A_287, %dma_start3A_288] : memref<80000x128xf32, #tpu.memory_space<hbm>> -> memref<80000x128xf32, #tpu.memory_space<hbm>>
    tpu.enqueue_indirect_dma source(%dma_start3A_289 : memref<80000x128xf32, #tpu.memory_space<hbm>>) target(%arg13 : memref<80x128xf32, #tpu.memory_space<vmem>>) offsets(%dma_start3A_286 : memref<80xi32, #tpu.memory_space<vmem>>) semaphore(%arg17 : memref<!tpu.dma_semaphore, #tpu.memory_space<semaphore_mem>>)
    %scan3A_290 = arith.constant 0 : i32
    %scan3A_291 = arith.constant 12 : i32
    %scan3A_292 = arith.addi %scan3A_290, %scan3A_291 : i32
    %scan3A_293 = arith.constant 1 : i32
    scf.for %scan3A_502 = %scan3A_290 to %scan3A_292 step %scan3A_293  : i32 {
      %mul3A_503 = arith.constant 2 : i32
      %mul3A_504 = arith.muli %mul3A_503, %scan3A_502 : i32
      %dma_wait3A_505 = arith.constant 0 : i32
      %dma_wait3A_506 = tpu.memref_slice %arg9[%mul3A_504, %dma_wait3A_505] : memref<25x80xi32, #tpu.memory_space<vmem>> -> memref<1x80xi32, #tpu.memory_space<vmem>>
      %dma_wait3A_507 = tpu.memref_squeeze %dma_wait3A_506 : memref<1x80xi32, #tpu.memory_space<vmem>> -> memref<80xi32, #tpu.memory_space<vmem>>
      %dma_wait3A_508 = arith.constant 0 : i32
      %dma_wait3A_509 = arith.constant 0 : i32
      %dma_wait3A_510 = tpu.memref_slice %arg2[%dma_wait3A_508, %dma_wait3A_509] : memref<80000x128xf32, #tpu.memory_space<hbm>> -> memref<80000x128xf32, #tpu.memory_space<hbm>>
      tpu.wait_indirect_dma semaphore(%arg17 : memref<!tpu.dma_semaphore, #tpu.memory_space<semaphore_mem>>) src(%dma_wait3A_510 : memref<80000x128xf32, #tpu.memory_space<hbm>>) dst(%arg13 : memref<80x128xf32, #tpu.memory_space<vmem>>)
      %add3A_511 = arith.constant 1 : i32
      %add3A_512 = arith.addi %mul3A_504, %add3A_511 : i32
      %dma_start3A_513 = arith.constant 0 : i32
      %dma_start3A_514 = tpu.memref_slice %arg9[%add3A_512, %dma_start3A_513] : memref<25x80xi32, #tpu.memory_space<vmem>> -> memref<1x80xi32, #tpu.memory_space<vmem>>
      %dma_start3A_515 = tpu.memref_squeeze %dma_start3A_514 : memref<1x80xi32, #tpu.memory_space<vmem>> -> memref<80xi32, #tpu.memory_space<vmem>>
      %dma_start3A_516 = arith.constant 0 : i32
      %dma_start3A_517 = arith.constant 0 : i32
      %dma_start3A_518 = tpu.memref_slice %arg2[%dma_start3A_516, %dma_start3A_517] : memref<80000x128xf32, #tpu.memory_space<hbm>> -> memref<80000x128xf32, #tpu.memory_space<hbm>>
      tpu.enqueue_indirect_dma source(%dma_start3A_518 : memref<80000x128xf32, #tpu.memory_space<hbm>>) target(%arg14 : memref<80x128xf32, #tpu.memory_space<vmem>>) offsets(%dma_start3A_515 : memref<80xi32, #tpu.memory_space<vmem>>) semaphore(%arg18 : memref<!tpu.dma_semaphore, #tpu.memory_space<semaphore_mem>>)
      "tpu.region"() ({
        %run_scoped3A_537 = tpu.sem_alloc : memref<!tpu.dma_semaphore, #tpu.memory_space<semaphore_mem>>
        %dma_start3A_538 = arith.constant 0 : i32
        %dma_start3A_539 = tpu.memref_slice %arg10[%mul3A_504, %dma_start3A_538] : memref<25x80xi32, #tpu.memory_space<vmem>> -> memref<1x80xi32, #tpu.memory_space<vmem>>
        %dma_start3A_540 = tpu.memref_squeeze %dma_start3A_539 : memref<1x80xi32, #tpu.memory_space<vmem>> -> memref<80xi32, #tpu.memory_space<vmem>>
        %dma_start3A_541 = arith.constant 0 : i32
        %dma_start3A_542 = arith.constant 0 : i32
        %dma_start3A_543 = tpu.memref_slice %arg7[%dma_start3A_541, %dma_start3A_542] : memref<10240x128xf32, #tpu.memory_space<vmem_shared>> -> memref<10240x128xf32, #tpu.memory_space<vmem_shared>>
        tpu.enqueue_indirect_dma source(%arg13 : memref<80x128xf32, #tpu.memory_space<vmem>>) target(%dma_start3A_543 : memref<10240x128xf32, #tpu.memory_space<vmem_shared>>) offsets(%dma_start3A_540 : memref<80xi32, #tpu.memory_space<vmem>>) semaphore(%run_scoped3A_537 : memref<!tpu.dma_semaphore, #tpu.memory_space<semaphore_mem>>) {add = true}
        %dma_wait3A_544 = arith.constant 0 : i32
        %dma_wait3A_545 = tpu.memref_slice %arg10[%mul3A_504, %dma_wait3A_544] : memref<25x80xi32, #tpu.memory_space<vmem>> -> memref<1x80xi32, #tpu.memory_space<vmem>>
        %dma_wait3A_546 = tpu.memref_squeeze %dma_wait3A_545 : memref<1x80xi32, #tpu.memory_space<vmem>> -> memref<80xi32, #tpu.memory_space<vmem>>
        %dma_wait3A_547 = arith.constant 0 : i32
        %dma_wait3A_548 = arith.constant 0 : i32
        %dma_wait3A_549 = tpu.memref_slice %arg7[%dma_wait3A_547, %dma_wait3A_548] : memref<10240x128xf32, #tpu.memory_space<vmem_shared>> -> memref<10240x128xf32, #tpu.memory_space<vmem_shared>>
        tpu.wait_indirect_dma semaphore(%run_scoped3A_537 : memref<!tpu.dma_semaphore, #tpu.memory_space<semaphore_mem>>) src(%arg13 : memref<80x128xf32, #tpu.memory_space<vmem>>) dst(%dma_wait3A_549 : memref<10240x128xf32, #tpu.memory_space<vmem_shared>>)
        tpu.yield
      }) : () -> ()
      "tpu.region"() ({
        %run_scoped3A_537 = tpu.sem_alloc : memref<!tpu.dma_semaphore, #tpu.memory_space<semaphore_mem>>
        %dma_start3A_538 = arith.constant 0 : i32
        %dma_start3A_539 = tpu.memref_slice %arg10[%mul3A_504, %dma_start3A_538] : memref<25x80xi32, #tpu.memory_space<vmem>> -> memref<1x80xi32, #tpu.memory_space<vmem>>
        %dma_start3A_540 = tpu.memref_squeeze %dma_start3A_539 : memref<1x80xi32, #tpu.memory_space<vmem>> -> memref<80xi32, #tpu.memory_space<vmem>>
        %dma_start3A_541 = arith.constant 0 : i32
        %dma_start3A_542 = arith.constant 0 : i32
        %dma_start3A_543 = tpu.memref_slice %arg8[%dma_start3A_541, %dma_start3A_542] : memref<10240x16xf32, #tpu.memory_space<vmem_shared>> -> memref<10240x16xf32, #tpu.memory_space<vmem_shared>>
        tpu.enqueue_indirect_dma source(%arg15 : memref<80x16xf32, #tpu.memory_space<vmem>>) target(%dma_start3A_543 : memref<10240x16xf32, #tpu.memory_space<vmem_shared>>) offsets(%dma_start3A_540 : memref<80xi32, #tpu.memory_space<vmem>>) semaphore(%run_scoped3A_537 : memref<!tpu.dma_semaphore, #tpu.memory_space<semaphore_mem>>) {add = true}
        %dma_wait3A_544 = arith.constant 0 : i32
        %dma_wait3A_545 = tpu.memref_slice %arg10[%mul3A_504, %dma_wait3A_544] : memref<25x80xi32, #tpu.memory_space<vmem>> -> memref<1x80xi32, #tpu.memory_space<vmem>>
        %dma_wait3A_546 = tpu.memref_squeeze %dma_wait3A_545 : memref<1x80xi32, #tpu.memory_space<vmem>> -> memref<80xi32, #tpu.memory_space<vmem>>
        %dma_wait3A_547 = arith.constant 0 : i32
        %dma_wait3A_548 = arith.constant 0 : i32
        %dma_wait3A_549 = tpu.memref_slice %arg8[%dma_wait3A_547, %dma_wait3A_548] : memref<10240x16xf32, #tpu.memory_space<vmem_shared>> -> memref<10240x16xf32, #tpu.memory_space<vmem_shared>>
        tpu.wait_indirect_dma semaphore(%run_scoped3A_537 : memref<!tpu.dma_semaphore, #tpu.memory_space<semaphore_mem>>) src(%arg15 : memref<80x16xf32, #tpu.memory_space<vmem>>) dst(%dma_wait3A_549 : memref<10240x16xf32, #tpu.memory_space<vmem_shared>>)
        tpu.yield
      }) : () -> ()
      %add3A_519 = arith.constant 1 : i32
      %add3A_520 = arith.addi %mul3A_504, %add3A_519 : i32
      %dma_wait3A_521 = arith.constant 0 : i32
      %dma_wait3A_522 = tpu.memref_slice %arg9[%add3A_520, %dma_wait3A_521] : memref<25x80xi32, #tpu.memory_space<vmem>> -> memref<1x80xi32, #tpu.memory_space<vmem>>
      %dma_wait3A_523 = tpu.memref_squeeze %dma_wait3A_522 : memref<1x80xi32, #tpu.memory_space<vmem>> -> memref<80xi32, #tpu.memory_space<vmem>>
      %dma_wait3A_524 = arith.constant 0 : i32
      %dma_wait3A_525 = arith.constant 0 : i32
      %dma_wait3A_526 = tpu.memref_slice %arg2[%dma_wait3A_524, %dma_wait3A_525] : memref<80000x128xf32, #tpu.memory_space<hbm>> -> memref<80000x128xf32, #tpu.memory_space<hbm>>
      tpu.wait_indirect_dma semaphore(%arg18 : memref<!tpu.dma_semaphore, #tpu.memory_space<semaphore_mem>>) src(%dma_wait3A_526 : memref<80000x128xf32, #tpu.memory_space<hbm>>) dst(%arg14 : memref<80x128xf32, #tpu.memory_space<vmem>>)
      %add3A_527 = arith.constant 2 : i32
      %add3A_528 = arith.addi %mul3A_504, %add3A_527 : i32
      %dma_start3A_529 = arith.constant 0 : i32
      %dma_start3A_530 = tpu.memref_slice %arg9[%add3A_528, %dma_start3A_529] : memref<25x80xi32, #tpu.memory_space<vmem>> -> memref<1x80xi32, #tpu.memory_space<vmem>>
      %dma_start3A_531 = tpu.memref_squeeze %dma_start3A_530 : memref<1x80xi32, #tpu.memory_space<vmem>> -> memref<80xi32, #tpu.memory_space<vmem>>
      %dma_start3A_532 = arith.constant 0 : i32
      %dma_start3A_533 = arith.constant 0 : i32
      %dma_start3A_534 = tpu.memref_slice %arg2[%dma_start3A_532, %dma_start3A_533] : memref<80000x128xf32, #tpu.memory_space<hbm>> -> memref<80000x128xf32, #tpu.memory_space<hbm>>
      tpu.enqueue_indirect_dma source(%dma_start3A_534 : memref<80000x128xf32, #tpu.memory_space<hbm>>) target(%arg13 : memref<80x128xf32, #tpu.memory_space<vmem>>) offsets(%dma_start3A_531 : memref<80xi32, #tpu.memory_space<vmem>>) semaphore(%arg17 : memref<!tpu.dma_semaphore, #tpu.memory_space<semaphore_mem>>)
      %add3A_535 = arith.constant 1 : i32
      %add3A_536 = arith.addi %mul3A_504, %add3A_535 : i32
      "tpu.region"() ({
        %run_scoped3A_537 = tpu.sem_alloc : memref<!tpu.dma_semaphore, #tpu.memory_space<semaphore_mem>>
        %dma_start3A_538 = arith.constant 0 : i32
        %dma_start3A_539 = tpu.memref_slice %arg10[%add3A_536, %dma_start3A_538] : memref<25x80xi32, #tpu.memory_space<vmem>> -> memref<1x80xi32, #tpu.memory_space<vmem>>
        %dma_start3A_540 = tpu.memref_squeeze %dma_start3A_539 : memref<1x80xi32, #tpu.memory_space<vmem>> -> memref<80xi32, #tpu.memory_space<vmem>>
        %dma_start3A_541 = arith.constant 0 : i32
        %dma_start3A_542 = arith.constant 0 : i32
        %dma_start3A_543 = tpu.memref_slice %arg7[%dma_start3A_541, %dma_start3A_542] : memref<10240x128xf32, #tpu.memory_space<vmem_shared>> -> memref<10240x128xf32, #tpu.memory_space<vmem_shared>>
        tpu.enqueue_indirect_dma source(%arg14 : memref<80x128xf32, #tpu.memory_space<vmem>>) target(%dma_start3A_543 : memref<10240x128xf32, #tpu.memory_space<vmem_shared>>) offsets(%dma_start3A_540 : memref<80xi32, #tpu.memory_space<vmem>>) semaphore(%run_scoped3A_537 : memref<!tpu.dma_semaphore, #tpu.memory_space<semaphore_mem>>) {add = true}
        %dma_wait3A_544 = arith.constant 0 : i32
        %dma_wait3A_545 = tpu.memref_slice %arg10[%add3A_536, %dma_wait3A_544] : memref<25x80xi32, #tpu.memory_space<vmem>> -> memref<1x80xi32, #tpu.memory_space<vmem>>
        %dma_wait3A_546 = tpu.memref_squeeze %dma_wait3A_545 : memref<1x80xi32, #tpu.memory_space<vmem>> -> memref<80xi32, #tpu.memory_space<vmem>>
        %dma_wait3A_547 = arith.constant 0 : i32
        %dma_wait3A_548 = arith.constant 0 : i32
        %dma_wait3A_549 = tpu.memref_slice %arg7[%dma_wait3A_547, %dma_wait3A_548] : memref<10240x128xf32, #tpu.memory_space<vmem_shared>> -> memref<10240x128xf32, #tpu.memory_space<vmem_shared>>
        tpu.wait_indirect_dma semaphore(%run_scoped3A_537 : memref<!tpu.dma_semaphore, #tpu.memory_space<semaphore_mem>>) src(%arg14 : memref<80x128xf32, #tpu.memory_space<vmem>>) dst(%dma_wait3A_549 : memref<10240x128xf32, #tpu.memory_space<vmem_shared>>)
        tpu.yield
      }) : () -> ()
      "tpu.region"() ({
        %run_scoped3A_537 = tpu.sem_alloc : memref<!tpu.dma_semaphore, #tpu.memory_space<semaphore_mem>>
        %dma_start3A_538 = arith.constant 0 : i32
        %dma_start3A_539 = tpu.memref_slice %arg10[%add3A_536, %dma_start3A_538] : memref<25x80xi32, #tpu.memory_space<vmem>> -> memref<1x80xi32, #tpu.memory_space<vmem>>
        %dma_start3A_540 = tpu.memref_squeeze %dma_start3A_539 : memref<1x80xi32, #tpu.memory_space<vmem>> -> memref<80xi32, #tpu.memory_space<vmem>>
        %dma_start3A_541 = arith.constant 0 : i32
        %dma_start3A_542 = arith.constant 0 : i32
        %dma_start3A_543 = tpu.memref_slice %arg8[%dma_start3A_541, %dma_start3A_542] : memref<10240x16xf32, #tpu.memory_space<vmem_shared>> -> memref<10240x16xf32, #tpu.memory_space<vmem_shared>>
        tpu.enqueue_indirect_dma source(%arg15 : memref<80x16xf32, #tpu.memory_space<vmem>>) target(%dma_start3A_543 : memref<10240x16xf32, #tpu.memory_space<vmem_shared>>) offsets(%dma_start3A_540 : memref<80xi32, #tpu.memory_space<vmem>>) semaphore(%run_scoped3A_537 : memref<!tpu.dma_semaphore, #tpu.memory_space<semaphore_mem>>) {add = true}
        %dma_wait3A_544 = arith.constant 0 : i32
        %dma_wait3A_545 = tpu.memref_slice %arg10[%add3A_536, %dma_wait3A_544] : memref<25x80xi32, #tpu.memory_space<vmem>> -> memref<1x80xi32, #tpu.memory_space<vmem>>
        %dma_wait3A_546 = tpu.memref_squeeze %dma_wait3A_545 : memref<1x80xi32, #tpu.memory_space<vmem>> -> memref<80xi32, #tpu.memory_space<vmem>>
        %dma_wait3A_547 = arith.constant 0 : i32
        %dma_wait3A_548 = arith.constant 0 : i32
        %dma_wait3A_549 = tpu.memref_slice %arg8[%dma_wait3A_547, %dma_wait3A_548] : memref<10240x16xf32, #tpu.memory_space<vmem_shared>> -> memref<10240x16xf32, #tpu.memory_space<vmem_shared>>
        tpu.wait_indirect_dma semaphore(%run_scoped3A_537 : memref<!tpu.dma_semaphore, #tpu.memory_space<semaphore_mem>>) src(%arg15 : memref<80x16xf32, #tpu.memory_space<vmem>>) dst(%dma_wait3A_549 : memref<10240x16xf32, #tpu.memory_space<vmem_shared>>)
        tpu.yield
      }) : () -> ()
    }
    %scan3A_294 = arith.constant 12 : i32
    %dma_wait3A_295 = arith.constant 24 : i32
    %dma_wait3A_296 = arith.constant 0 : i32
    %dma_wait3A_297 = tpu.memref_slice %arg9[%dma_wait3A_295, %dma_wait3A_296] : memref<25x80xi32, #tpu.memory_space<vmem>> -> memref<1x80xi32, #tpu.memory_space<vmem>>
    %dma_wait3A_298 = tpu.memref_squeeze %dma_wait3A_297 : memref<1x80xi32, #tpu.memory_space<vmem>> -> memref<80xi32, #tpu.memory_space<vmem>>
    %dma_wait3A_299 = arith.constant 0 : i32
    %dma_wait3A_300 = arith.constant 0 : i32
    %dma_wait3A_301 = tpu.memref_slice %arg2[%dma_wait3A_299, %dma_wait3A_300] : memref<80000x128xf32, #tpu.memory_space<hbm>> -> memref<80000x128xf32, #tpu.memory_space<hbm>>
    tpu.wait_indirect_dma semaphore(%arg17 : memref<!tpu.dma_semaphore, #tpu.memory_space<semaphore_mem>>) src(%dma_wait3A_301 : memref<80000x128xf32, #tpu.memory_space<hbm>>) dst(%arg13 : memref<80x128xf32, #tpu.memory_space<vmem>>)
    %run_scoped3A = arith.constant 24 : i32
    "tpu.region"() ({
      %run_scoped3A_502 = tpu.sem_alloc : memref<!tpu.dma_semaphore, #tpu.memory_space<semaphore_mem>>
      %dma_start3A_503 = arith.constant 0 : i32
      %dma_start3A_504 = tpu.memref_slice %arg10[%run_scoped3A, %dma_start3A_503] : memref<25x80xi32, #tpu.memory_space<vmem>> -> memref<1x80xi32, #tpu.memory_space<vmem>>
      %dma_start3A_505 = tpu.memref_squeeze %dma_start3A_504 : memref<1x80xi32, #tpu.memory_space<vmem>> -> memref<80xi32, #tpu.memory_space<vmem>>
      %dma_start3A_506 = arith.constant 0 : i32
      %dma_start3A_507 = arith.constant 0 : i32
      %dma_start3A_508 = tpu.memref_slice %arg7[%dma_start3A_506, %dma_start3A_507] : memref<10240x128xf32, #tpu.memory_space<vmem_shared>> -> memref<10240x128xf32, #tpu.memory_space<vmem_shared>>
      tpu.enqueue_indirect_dma source(%arg13 : memref<80x128xf32, #tpu.memory_space<vmem>>) target(%dma_start3A_508 : memref<10240x128xf32, #tpu.memory_space<vmem_shared>>) offsets(%dma_start3A_505 : memref<80xi32, #tpu.memory_space<vmem>>) semaphore(%run_scoped3A_502 : memref<!tpu.dma_semaphore, #tpu.memory_space<semaphore_mem>>) {add = true}
      %dma_wait3A_509 = arith.constant 0 : i32
      %dma_wait3A_510 = tpu.memref_slice %arg10[%run_scoped3A, %dma_wait3A_509] : memref<25x80xi32, #tpu.memory_space<vmem>> -> memref<1x80xi32, #tpu.memory_space<vmem>>
      %dma_wait3A_511 = tpu.memref_squeeze %dma_wait3A_510 : memref<1x80xi32, #tpu.memory_space<vmem>> -> memref<80xi32, #tpu.memory_space<vmem>>
      %dma_wait3A_512 = arith.constant 0 : i32
      %dma_wait3A_513 = arith.constant 0 : i32
      %dma_wait3A_514 = tpu.memref_slice %arg7[%dma_wait3A_512, %dma_wait3A_513] : memref<10240x128xf32, #tpu.memory_space<vmem_shared>> -> memref<10240x128xf32, #tpu.memory_space<vmem_shared>>
      tpu.wait_indirect_dma semaphore(%run_scoped3A_502 : memref<!tpu.dma_semaphore, #tpu.memory_space<semaphore_mem>>) src(%arg13 : memref<80x128xf32, #tpu.memory_space<vmem>>) dst(%dma_wait3A_514 : memref<10240x128xf32, #tpu.memory_space<vmem_shared>>)
      tpu.yield
    }) : () -> ()
    %run_scoped3A_302 = arith.constant 24 : i32
    "tpu.region"() ({
      %run_scoped3A_502 = tpu.sem_alloc : memref<!tpu.dma_semaphore, #tpu.memory_space<semaphore_mem>>
      %dma_start3A_503 = arith.constant 0 : i32
      %dma_start3A_504 = tpu.memref_slice %arg10[%run_scoped3A_302, %dma_start3A_503] : memref<25x80xi32, #tpu.memory_space<vmem>> -> memref<1x80xi32, #tpu.memory_space<vmem>>
      %dma_start3A_505 = tpu.memref_squeeze %dma_start3A_504 : memref<1x80xi32, #tpu.memory_space<vmem>> -> memref<80xi32, #tpu.memory_space<vmem>>
      %dma_start3A_506 = arith.constant 0 : i32
      %dma_start3A_507 = arith.constant 0 : i32
      %dma_start3A_508 = tpu.memref_slice %arg8[%dma_start3A_506, %dma_start3A_507] : memref<10240x16xf32, #tpu.memory_space<vmem_shared>> -> memref<10240x16xf32, #tpu.memory_space<vmem_shared>>
      tpu.enqueue_indirect_dma source(%arg15 : memref<80x16xf32, #tpu.memory_space<vmem>>) target(%dma_start3A_508 : memref<10240x16xf32, #tpu.memory_space<vmem_shared>>) offsets(%dma_start3A_505 : memref<80xi32, #tpu.memory_space<vmem>>) semaphore(%run_scoped3A_502 : memref<!tpu.dma_semaphore, #tpu.memory_space<semaphore_mem>>) {add = true}
      %dma_wait3A_509 = arith.constant 0 : i32
      %dma_wait3A_510 = tpu.memref_slice %arg10[%run_scoped3A_302, %dma_wait3A_509] : memref<25x80xi32, #tpu.memory_space<vmem>> -> memref<1x80xi32, #tpu.memory_space<vmem>>
      %dma_wait3A_511 = tpu.memref_squeeze %dma_wait3A_510 : memref<1x80xi32, #tpu.memory_space<vmem>> -> memref<80xi32, #tpu.memory_space<vmem>>
      %dma_wait3A_512 = arith.constant 0 : i32
      %dma_wait3A_513 = arith.constant 0 : i32
      %dma_wait3A_514 = tpu.memref_slice %arg8[%dma_wait3A_512, %dma_wait3A_513] : memref<10240x16xf32, #tpu.memory_space<vmem_shared>> -> memref<10240x16xf32, #tpu.memory_space<vmem_shared>>
      tpu.wait_indirect_dma semaphore(%run_scoped3A_502 : memref<!tpu.dma_semaphore, #tpu.memory_space<semaphore_mem>>) src(%arg15 : memref<80x16xf32, #tpu.memory_space<vmem>>) dst(%dma_wait3A_514 : memref<10240x16xf32, #tpu.memory_space<vmem_shared>>)
      tpu.yield
    }) : () -> ()
    %dma_wait3A_303 = arith.constant 25 : i32
    %dma_wait3A_304 = arith.constant 0 : i32
    %dma_wait3A_305 = tpu.memref_slice %arg3[%add3A, %dma_wait3A_303, %dma_wait3A_304] : memref<32x125x80xi32, #tpu.memory_space<hbm>> -> memref<1x25x80xi32, #tpu.memory_space<hbm>>
    %dma_wait3A_306 = tpu.memref_squeeze %dma_wait3A_305 : memref<1x25x80xi32, #tpu.memory_space<hbm>> -> memref<25x80xi32, #tpu.memory_space<hbm>>
    %dma_wait3A_307 = arith.constant 25 : i32
    %dma_wait3A_308 = arith.constant 0 : i32
    %dma_wait3A_309 = tpu.memref_slice %arg3[%add3A, %dma_wait3A_307, %dma_wait3A_308] : memref<32x125x80xi32, #tpu.memory_space<hbm>> -> memref<1x25x80xi32, #tpu.memory_space<hbm>>
    %dma_wait3A_310 = tpu.memref_squeeze %dma_wait3A_309 : memref<1x25x80xi32, #tpu.memory_space<hbm>> -> memref<25x80xi32, #tpu.memory_space<hbm>>
    tpu.wait_dma2 semaphore(%arg19 : memref<!tpu.dma_semaphore, #tpu.memory_space<semaphore_mem>>) src(%dma_wait3A_310 : memref<25x80xi32, #tpu.memory_space<hbm>>) dst(%arg11 : memref<25x80xi32, #tpu.memory_space<vmem>>)
    %dma_wait3A_311 = arith.constant 25 : i32
    %dma_wait3A_312 = arith.constant 0 : i32
    %dma_wait3A_313 = tpu.memref_slice %arg4[%add3A, %dma_wait3A_311, %dma_wait3A_312] : memref<32x125x80xi32, #tpu.memory_space<hbm>> -> memref<1x25x80xi32, #tpu.memory_space<hbm>>
    %dma_wait3A_314 = tpu.memref_squeeze %dma_wait3A_313 : memref<1x25x80xi32, #tpu.memory_space<hbm>> -> memref<25x80xi32, #tpu.memory_space<hbm>>
    %dma_wait3A_315 = arith.constant 25 : i32
    %dma_wait3A_316 = arith.constant 0 : i32
    %dma_wait3A_317 = tpu.memref_slice %arg4[%add3A, %dma_wait3A_315, %dma_wait3A_316] : memref<32x125x80xi32, #tpu.memory_space<hbm>> -> memref<1x25x80xi32, #tpu.memory_space<hbm>>
    %dma_wait3A_318 = tpu.memref_squeeze %dma_wait3A_317 : memref<1x25x80xi32, #tpu.memory_space<hbm>> -> memref<25x80xi32, #tpu.memory_space<hbm>>
    tpu.wait_dma2 semaphore(%arg20 : memref<!tpu.dma_semaphore, #tpu.memory_space<semaphore_mem>>) src(%dma_wait3A_318 : memref<25x80xi32, #tpu.memory_space<hbm>>) dst(%arg12 : memref<25x80xi32, #tpu.memory_space<vmem>>)
    %dma_start3A_319 = arith.constant 50 : i32
    %dma_start3A_320 = arith.constant 0 : i32
    %dma_start3A_321 = tpu.memref_slice %arg3[%add3A, %dma_start3A_319, %dma_start3A_320] : memref<32x125x80xi32, #tpu.memory_space<hbm>> -> memref<1x25x80xi32, #tpu.memory_space<hbm>>
    %dma_start3A_322 = tpu.memref_squeeze %dma_start3A_321 : memref<1x25x80xi32, #tpu.memory_space<hbm>> -> memref<25x80xi32, #tpu.memory_space<hbm>>
    %dma_start3A_323 = arith.constant 50 : i32
    %dma_start3A_324 = arith.constant 0 : i32
    %dma_start3A_325 = tpu.memref_slice %arg3[%add3A, %dma_start3A_323, %dma_start3A_324] : memref<32x125x80xi32, #tpu.memory_space<hbm>> -> memref<1x25x80xi32, #tpu.memory_space<hbm>>
    %dma_start3A_326 = tpu.memref_squeeze %dma_start3A_325 : memref<1x25x80xi32, #tpu.memory_space<hbm>> -> memref<25x80xi32, #tpu.memory_space<hbm>>
    tpu.enqueue_dma source(%dma_start3A_326 : memref<25x80xi32, #tpu.memory_space<hbm>>) target(%arg9 : memref<25x80xi32, #tpu.memory_space<vmem>>) target_semaphore(%arg19 : memref<!tpu.dma_semaphore, #tpu.memory_space<semaphore_mem>>)
    %dma_start3A_327 = arith.constant 50 : i32
    %dma_start3A_328 = arith.constant 0 : i32
    %dma_start3A_329 = tpu.memref_slice %arg4[%add3A, %dma_start3A_327, %dma_start3A_328] : memref<32x125x80xi32, #tpu.memory_space<hbm>> -> memref<1x25x80xi32, #tpu.memory_space<hbm>>
    %dma_start3A_330 = tpu.memref_squeeze %dma_start3A_329 : memref<1x25x80xi32, #tpu.memory_space<hbm>> -> memref<25x80xi32, #tpu.memory_space<hbm>>
    %dma_start3A_331 = arith.constant 50 : i32
    %dma_start3A_332 = arith.constant 0 : i32
    %dma_start3A_333 = tpu.memref_slice %arg4[%add3A, %dma_start3A_331, %dma_start3A_332] : memref<32x125x80xi32, #tpu.memory_space<hbm>> -> memref<1x25x80xi32, #tpu.memory_space<hbm>>
    %dma_start3A_334 = tpu.memref_squeeze %dma_start3A_333 : memref<1x25x80xi32, #tpu.memory_space<hbm>> -> memref<25x80xi32, #tpu.memory_space<hbm>>
    tpu.enqueue_dma source(%dma_start3A_334 : memref<25x80xi32, #tpu.memory_space<hbm>>) target(%arg10 : memref<25x80xi32, #tpu.memory_space<vmem>>) target_semaphore(%arg20 : memref<!tpu.dma_semaphore, #tpu.memory_space<semaphore_mem>>)
    %dma_start3A_335 = arith.constant 0 : i32
    %dma_start3A_336 = arith.constant 0 : i32
    %dma_start3A_337 = tpu.memref_slice %arg11[%dma_start3A_335, %dma_start3A_336] : memref<25x80xi32, #tpu.memory_space<vmem>> -> memref<1x80xi32, #tpu.memory_space<vmem>>
    %dma_start3A_338 = tpu.memref_squeeze %dma_start3A_337 : memref<1x80xi32, #tpu.memory_space<vmem>> -> memref<80xi32, #tpu.memory_space<vmem>>
    %dma_start3A_339 = arith.constant 0 : i32
    %dma_start3A_340 = arith.constant 0 : i32
    %dma_start3A_341 = tpu.memref_slice %arg2[%dma_start3A_339, %dma_start3A_340] : memref<80000x128xf32, #tpu.memory_space<hbm>> -> memref<80000x128xf32, #tpu.memory_space<hbm>>
    tpu.enqueue_indirect_dma source(%dma_start3A_341 : memref<80000x128xf32, #tpu.memory_space<hbm>>) target(%arg13 : memref<80x128xf32, #tpu.memory_space<vmem>>) offsets(%dma_start3A_338 : memref<80xi32, #tpu.memory_space<vmem>>) semaphore(%arg17 : memref<!tpu.dma_semaphore, #tpu.memory_space<semaphore_mem>>)
    %scan3A_342 = arith.constant 0 : i32
    %scan3A_343 = arith.constant 12 : i32
    %scan3A_344 = arith.addi %scan3A_342, %scan3A_343 : i32
    %scan3A_345 = arith.constant 1 : i32
    scf.for %scan3A_502 = %scan3A_342 to %scan3A_344 step %scan3A_345  : i32 {
      %mul3A_503 = arith.constant 2 : i32
      %mul3A_504 = arith.muli %mul3A_503, %scan3A_502 : i32
      %dma_wait3A_505 = arith.constant 0 : i32
      %dma_wait3A_506 = tpu.memref_slice %arg11[%mul3A_504, %dma_wait3A_505] : memref<25x80xi32, #tpu.memory_space<vmem>> -> memref<1x80xi32, #tpu.memory_space<vmem>>
      %dma_wait3A_507 = tpu.memref_squeeze %dma_wait3A_506 : memref<1x80xi32, #tpu.memory_space<vmem>> -> memref<80xi32, #tpu.memory_space<vmem>>
      %dma_wait3A_508 = arith.constant 0 : i32
      %dma_wait3A_509 = arith.constant 0 : i32
      %dma_wait3A_510 = tpu.memref_slice %arg2[%dma_wait3A_508, %dma_wait3A_509] : memref<80000x128xf32, #tpu.memory_space<hbm>> -> memref<80000x128xf32, #tpu.memory_space<hbm>>
      tpu.wait_indirect_dma semaphore(%arg17 : memref<!tpu.dma_semaphore, #tpu.memory_space<semaphore_mem>>) src(%dma_wait3A_510 : memref<80000x128xf32, #tpu.memory_space<hbm>>) dst(%arg13 : memref<80x128xf32, #tpu.memory_space<vmem>>)
      %add3A_511 = arith.constant 1 : i32
      %add3A_512 = arith.addi %mul3A_504, %add3A_511 : i32
      %dma_start3A_513 = arith.constant 0 : i32
      %dma_start3A_514 = tpu.memref_slice %arg11[%add3A_512, %dma_start3A_513] : memref<25x80xi32, #tpu.memory_space<vmem>> -> memref<1x80xi32, #tpu.memory_space<vmem>>
      %dma_start3A_515 = tpu.memref_squeeze %dma_start3A_514 : memref<1x80xi32, #tpu.memory_space<vmem>> -> memref<80xi32, #tpu.memory_space<vmem>>
      %dma_start3A_516 = arith.constant 0 : i32
      %dma_start3A_517 = arith.constant 0 : i32
      %dma_start3A_518 = tpu.memref_slice %arg2[%dma_start3A_516, %dma_start3A_517] : memref<80000x128xf32, #tpu.memory_space<hbm>> -> memref<80000x128xf32, #tpu.memory_space<hbm>>
      tpu.enqueue_indirect_dma source(%dma_start3A_518 : memref<80000x128xf32, #tpu.memory_space<hbm>>) target(%arg14 : memref<80x128xf32, #tpu.memory_space<vmem>>) offsets(%dma_start3A_515 : memref<80xi32, #tpu.memory_space<vmem>>) semaphore(%arg18 : memref<!tpu.dma_semaphore, #tpu.memory_space<semaphore_mem>>)
      "tpu.region"() ({
        %run_scoped3A_537 = tpu.sem_alloc : memref<!tpu.dma_semaphore, #tpu.memory_space<semaphore_mem>>
        %dma_start3A_538 = arith.constant 0 : i32
        %dma_start3A_539 = tpu.memref_slice %arg12[%mul3A_504, %dma_start3A_538] : memref<25x80xi32, #tpu.memory_space<vmem>> -> memref<1x80xi32, #tpu.memory_space<vmem>>
        %dma_start3A_540 = tpu.memref_squeeze %dma_start3A_539 : memref<1x80xi32, #tpu.memory_space<vmem>> -> memref<80xi32, #tpu.memory_space<vmem>>
        %dma_start3A_541 = arith.constant 0 : i32
        %dma_start3A_542 = arith.constant 0 : i32
        %dma_start3A_543 = tpu.memref_slice %arg7[%dma_start3A_541, %dma_start3A_542] : memref<10240x128xf32, #tpu.memory_space<vmem_shared>> -> memref<10240x128xf32, #tpu.memory_space<vmem_shared>>
        tpu.enqueue_indirect_dma source(%arg13 : memref<80x128xf32, #tpu.memory_space<vmem>>) target(%dma_start3A_543 : memref<10240x128xf32, #tpu.memory_space<vmem_shared>>) offsets(%dma_start3A_540 : memref<80xi32, #tpu.memory_space<vmem>>) semaphore(%run_scoped3A_537 : memref<!tpu.dma_semaphore, #tpu.memory_space<semaphore_mem>>) {add = true}
        %dma_wait3A_544 = arith.constant 0 : i32
        %dma_wait3A_545 = tpu.memref_slice %arg12[%mul3A_504, %dma_wait3A_544] : memref<25x80xi32, #tpu.memory_space<vmem>> -> memref<1x80xi32, #tpu.memory_space<vmem>>
        %dma_wait3A_546 = tpu.memref_squeeze %dma_wait3A_545 : memref<1x80xi32, #tpu.memory_space<vmem>> -> memref<80xi32, #tpu.memory_space<vmem>>
        %dma_wait3A_547 = arith.constant 0 : i32
        %dma_wait3A_548 = arith.constant 0 : i32
        %dma_wait3A_549 = tpu.memref_slice %arg7[%dma_wait3A_547, %dma_wait3A_548] : memref<10240x128xf32, #tpu.memory_space<vmem_shared>> -> memref<10240x128xf32, #tpu.memory_space<vmem_shared>>
        tpu.wait_indirect_dma semaphore(%run_scoped3A_537 : memref<!tpu.dma_semaphore, #tpu.memory_space<semaphore_mem>>) src(%arg13 : memref<80x128xf32, #tpu.memory_space<vmem>>) dst(%dma_wait3A_549 : memref<10240x128xf32, #tpu.memory_space<vmem_shared>>)
        tpu.yield
      }) : () -> ()
      "tpu.region"() ({
        %run_scoped3A_537 = tpu.sem_alloc : memref<!tpu.dma_semaphore, #tpu.memory_space<semaphore_mem>>
        %dma_start3A_538 = arith.constant 0 : i32
        %dma_start3A_539 = tpu.memref_slice %arg12[%mul3A_504, %dma_start3A_538] : memref<25x80xi32, #tpu.memory_space<vmem>> -> memref<1x80xi32, #tpu.memory_space<vmem>>
        %dma_start3A_540 = tpu.memref_squeeze %dma_start3A_539 : memref<1x80xi32, #tpu.memory_space<vmem>> -> memref<80xi32, #tpu.memory_space<vmem>>
        %dma_start3A_541 = arith.constant 0 : i32
        %dma_start3A_542 = arith.constant 0 : i32
        %dma_start3A_543 = tpu.memref_slice %arg8[%dma_start3A_541, %dma_start3A_542] : memref<10240x16xf32, #tpu.memory_space<vmem_shared>> -> memref<10240x16xf32, #tpu.memory_space<vmem_shared>>
        tpu.enqueue_indirect_dma source(%arg15 : memref<80x16xf32, #tpu.memory_space<vmem>>) target(%dma_start3A_543 : memref<10240x16xf32, #tpu.memory_space<vmem_shared>>) offsets(%dma_start3A_540 : memref<80xi32, #tpu.memory_space<vmem>>) semaphore(%run_scoped3A_537 : memref<!tpu.dma_semaphore, #tpu.memory_space<semaphore_mem>>) {add = true}
        %dma_wait3A_544 = arith.constant 0 : i32
        %dma_wait3A_545 = tpu.memref_slice %arg12[%mul3A_504, %dma_wait3A_544] : memref<25x80xi32, #tpu.memory_space<vmem>> -> memref<1x80xi32, #tpu.memory_space<vmem>>
        %dma_wait3A_546 = tpu.memref_squeeze %dma_wait3A_545 : memref<1x80xi32, #tpu.memory_space<vmem>> -> memref<80xi32, #tpu.memory_space<vmem>>
        %dma_wait3A_547 = arith.constant 0 : i32
        %dma_wait3A_548 = arith.constant 0 : i32
        %dma_wait3A_549 = tpu.memref_slice %arg8[%dma_wait3A_547, %dma_wait3A_548] : memref<10240x16xf32, #tpu.memory_space<vmem_shared>> -> memref<10240x16xf32, #tpu.memory_space<vmem_shared>>
        tpu.wait_indirect_dma semaphore(%run_scoped3A_537 : memref<!tpu.dma_semaphore, #tpu.memory_space<semaphore_mem>>) src(%arg15 : memref<80x16xf32, #tpu.memory_space<vmem>>) dst(%dma_wait3A_549 : memref<10240x16xf32, #tpu.memory_space<vmem_shared>>)
        tpu.yield
      }) : () -> ()
      %add3A_519 = arith.constant 1 : i32
      %add3A_520 = arith.addi %mul3A_504, %add3A_519 : i32
      %dma_wait3A_521 = arith.constant 0 : i32
      %dma_wait3A_522 = tpu.memref_slice %arg11[%add3A_520, %dma_wait3A_521] : memref<25x80xi32, #tpu.memory_space<vmem>> -> memref<1x80xi32, #tpu.memory_space<vmem>>
      %dma_wait3A_523 = tpu.memref_squeeze %dma_wait3A_522 : memref<1x80xi32, #tpu.memory_space<vmem>> -> memref<80xi32, #tpu.memory_space<vmem>>
      %dma_wait3A_524 = arith.constant 0 : i32
      %dma_wait3A_525 = arith.constant 0 : i32
      %dma_wait3A_526 = tpu.memref_slice %arg2[%dma_wait3A_524, %dma_wait3A_525] : memref<80000x128xf32, #tpu.memory_space<hbm>> -> memref<80000x128xf32, #tpu.memory_space<hbm>>
      tpu.wait_indirect_dma semaphore(%arg18 : memref<!tpu.dma_semaphore, #tpu.memory_space<semaphore_mem>>) src(%dma_wait3A_526 : memref<80000x128xf32, #tpu.memory_space<hbm>>) dst(%arg14 : memref<80x128xf32, #tpu.memory_space<vmem>>)
      %add3A_527 = arith.constant 2 : i32
      %add3A_528 = arith.addi %mul3A_504, %add3A_527 : i32
      %dma_start3A_529 = arith.constant 0 : i32
      %dma_start3A_530 = tpu.memref_slice %arg11[%add3A_528, %dma_start3A_529] : memref<25x80xi32, #tpu.memory_space<vmem>> -> memref<1x80xi32, #tpu.memory_space<vmem>>
      %dma_start3A_531 = tpu.memref_squeeze %dma_start3A_530 : memref<1x80xi32, #tpu.memory_space<vmem>> -> memref<80xi32, #tpu.memory_space<vmem>>
      %dma_start3A_532 = arith.constant 0 : i32
      %dma_start3A_533 = arith.constant 0 : i32
      %dma_start3A_534 = tpu.memref_slice %arg2[%dma_start3A_532, %dma_start3A_533] : memref<80000x128xf32, #tpu.memory_space<hbm>> -> memref<80000x128xf32, #tpu.memory_space<hbm>>
      tpu.enqueue_indirect_dma source(%dma_start3A_534 : memref<80000x128xf32, #tpu.memory_space<hbm>>) target(%arg13 : memref<80x128xf32, #tpu.memory_space<vmem>>) offsets(%dma_start3A_531 : memref<80xi32, #tpu.memory_space<vmem>>) semaphore(%arg17 : memref<!tpu.dma_semaphore, #tpu.memory_space<semaphore_mem>>)
      %add3A_535 = arith.constant 1 : i32
      %add3A_536 = arith.addi %mul3A_504, %add3A_535 : i32
      "tpu.region"() ({
        %run_scoped3A_537 = tpu.sem_alloc : memref<!tpu.dma_semaphore, #tpu.memory_space<semaphore_mem>>
        %dma_start3A_538 = arith.constant 0 : i32
        %dma_start3A_539 = tpu.memref_slice %arg12[%add3A_536, %dma_start3A_538] : memref<25x80xi32, #tpu.memory_space<vmem>> -> memref<1x80xi32, #tpu.memory_space<vmem>>
        %dma_start3A_540 = tpu.memref_squeeze %dma_start3A_539 : memref<1x80xi32, #tpu.memory_space<vmem>> -> memref<80xi32, #tpu.memory_space<vmem>>
        %dma_start3A_541 = arith.constant 0 : i32
        %dma_start3A_542 = arith.constant 0 : i32
        %dma_start3A_543 = tpu.memref_slice %arg7[%dma_start3A_541, %dma_start3A_542] : memref<10240x128xf32, #tpu.memory_space<vmem_shared>> -> memref<10240x128xf32, #tpu.memory_space<vmem_shared>>
        tpu.enqueue_indirect_dma source(%arg14 : memref<80x128xf32, #tpu.memory_space<vmem>>) target(%dma_start3A_543 : memref<10240x128xf32, #tpu.memory_space<vmem_shared>>) offsets(%dma_start3A_540 : memref<80xi32, #tpu.memory_space<vmem>>) semaphore(%run_scoped3A_537 : memref<!tpu.dma_semaphore, #tpu.memory_space<semaphore_mem>>) {add = true}
        %dma_wait3A_544 = arith.constant 0 : i32
        %dma_wait3A_545 = tpu.memref_slice %arg12[%add3A_536, %dma_wait3A_544] : memref<25x80xi32, #tpu.memory_space<vmem>> -> memref<1x80xi32, #tpu.memory_space<vmem>>
        %dma_wait3A_546 = tpu.memref_squeeze %dma_wait3A_545 : memref<1x80xi32, #tpu.memory_space<vmem>> -> memref<80xi32, #tpu.memory_space<vmem>>
        %dma_wait3A_547 = arith.constant 0 : i32
        %dma_wait3A_548 = arith.constant 0 : i32
        %dma_wait3A_549 = tpu.memref_slice %arg7[%dma_wait3A_547, %dma_wait3A_548] : memref<10240x128xf32, #tpu.memory_space<vmem_shared>> -> memref<10240x128xf32, #tpu.memory_space<vmem_shared>>
        tpu.wait_indirect_dma semaphore(%run_scoped3A_537 : memref<!tpu.dma_semaphore, #tpu.memory_space<semaphore_mem>>) src(%arg14 : memref<80x128xf32, #tpu.memory_space<vmem>>) dst(%dma_wait3A_549 : memref<10240x128xf32, #tpu.memory_space<vmem_shared>>)
        tpu.yield
      }) : () -> ()
      "tpu.region"() ({
        %run_scoped3A_537 = tpu.sem_alloc : memref<!tpu.dma_semaphore, #tpu.memory_space<semaphore_mem>>
        %dma_start3A_538 = arith.constant 0 : i32
        %dma_start3A_539 = tpu.memref_slice %arg12[%add3A_536, %dma_start3A_538] : memref<25x80xi32, #tpu.memory_space<vmem>> -> memref<1x80xi32, #tpu.memory_space<vmem>>
        %dma_start3A_540 = tpu.memref_squeeze %dma_start3A_539 : memref<1x80xi32, #tpu.memory_space<vmem>> -> memref<80xi32, #tpu.memory_space<vmem>>
        %dma_start3A_541 = arith.constant 0 : i32
        %dma_start3A_542 = arith.constant 0 : i32
        %dma_start3A_543 = tpu.memref_slice %arg8[%dma_start3A_541, %dma_start3A_542] : memref<10240x16xf32, #tpu.memory_space<vmem_shared>> -> memref<10240x16xf32, #tpu.memory_space<vmem_shared>>
        tpu.enqueue_indirect_dma source(%arg15 : memref<80x16xf32, #tpu.memory_space<vmem>>) target(%dma_start3A_543 : memref<10240x16xf32, #tpu.memory_space<vmem_shared>>) offsets(%dma_start3A_540 : memref<80xi32, #tpu.memory_space<vmem>>) semaphore(%run_scoped3A_537 : memref<!tpu.dma_semaphore, #tpu.memory_space<semaphore_mem>>) {add = true}
        %dma_wait3A_544 = arith.constant 0 : i32
        %dma_wait3A_545 = tpu.memref_slice %arg12[%add3A_536, %dma_wait3A_544] : memref<25x80xi32, #tpu.memory_space<vmem>> -> memref<1x80xi32, #tpu.memory_space<vmem>>
        %dma_wait3A_546 = tpu.memref_squeeze %dma_wait3A_545 : memref<1x80xi32, #tpu.memory_space<vmem>> -> memref<80xi32, #tpu.memory_space<vmem>>
        %dma_wait3A_547 = arith.constant 0 : i32
        %dma_wait3A_548 = arith.constant 0 : i32
        %dma_wait3A_549 = tpu.memref_slice %arg8[%dma_wait3A_547, %dma_wait3A_548] : memref<10240x16xf32, #tpu.memory_space<vmem_shared>> -> memref<10240x16xf32, #tpu.memory_space<vmem_shared>>
        tpu.wait_indirect_dma semaphore(%run_scoped3A_537 : memref<!tpu.dma_semaphore, #tpu.memory_space<semaphore_mem>>) src(%arg15 : memref<80x16xf32, #tpu.memory_space<vmem>>) dst(%dma_wait3A_549 : memref<10240x16xf32, #tpu.memory_space<vmem_shared>>)
        tpu.yield
      }) : () -> ()
    }
    %scan3A_346 = arith.constant 12 : i32
    %dma_wait3A_347 = arith.constant 24 : i32
    %dma_wait3A_348 = arith.constant 0 : i32
    %dma_wait3A_349 = tpu.memref_slice %arg11[%dma_wait3A_347, %dma_wait3A_348] : memref<25x80xi32, #tpu.memory_space<vmem>> -> memref<1x80xi32, #tpu.memory_space<vmem>>
    %dma_wait3A_350 = tpu.memref_squeeze %dma_wait3A_349 : memref<1x80xi32, #tpu.memory_space<vmem>> -> memref<80xi32, #tpu.memory_space<vmem>>
    %dma_wait3A_351 = arith.constant 0 : i32
    %dma_wait3A_352 = arith.constant 0 : i32
    %dma_wait3A_353 = tpu.memref_slice %arg2[%dma_wait3A_351, %dma_wait3A_352] : memref<80000x128xf32, #tpu.memory_space<hbm>> -> memref<80000x128xf32, #tpu.memory_space<hbm>>
    tpu.wait_indirect_dma semaphore(%arg17 : memref<!tpu.dma_semaphore, #tpu.memory_space<semaphore_mem>>) src(%dma_wait3A_353 : memref<80000x128xf32, #tpu.memory_space<hbm>>) dst(%arg13 : memref<80x128xf32, #tpu.memory_space<vmem>>)
    %run_scoped3A_354 = arith.constant 24 : i32
    "tpu.region"() ({
      %run_scoped3A_502 = tpu.sem_alloc : memref<!tpu.dma_semaphore, #tpu.memory_space<semaphore_mem>>
      %dma_start3A_503 = arith.constant 0 : i32
      %dma_start3A_504 = tpu.memref_slice %arg12[%run_scoped3A_354, %dma_start3A_503] : memref<25x80xi32, #tpu.memory_space<vmem>> -> memref<1x80xi32, #tpu.memory_space<vmem>>
      %dma_start3A_505 = tpu.memref_squeeze %dma_start3A_504 : memref<1x80xi32, #tpu.memory_space<vmem>> -> memref<80xi32, #tpu.memory_space<vmem>>
      %dma_start3A_506 = arith.constant 0 : i32
      %dma_start3A_507 = arith.constant 0 : i32
      %dma_start3A_508 = tpu.memref_slice %arg7[%dma_start3A_506, %dma_start3A_507] : memref<10240x128xf32, #tpu.memory_space<vmem_shared>> -> memref<10240x128xf32, #tpu.memory_space<vmem_shared>>
      tpu.enqueue_indirect_dma source(%arg13 : memref<80x128xf32, #tpu.memory_space<vmem>>) target(%dma_start3A_508 : memref<10240x128xf32, #tpu.memory_space<vmem_shared>>) offsets(%dma_start3A_505 : memref<80xi32, #tpu.memory_space<vmem>>) semaphore(%run_scoped3A_502 : memref<!tpu.dma_semaphore, #tpu.memory_space<semaphore_mem>>) {add = true}
      %dma_wait3A_509 = arith.constant 0 : i32
      %dma_wait3A_510 = tpu.memref_slice %arg12[%run_scoped3A_354, %dma_wait3A_509] : memref<25x80xi32, #tpu.memory_space<vmem>> -> memref<1x80xi32, #tpu.memory_space<vmem>>
      %dma_wait3A_511 = tpu.memref_squeeze %dma_wait3A_510 : memref<1x80xi32, #tpu.memory_space<vmem>> -> memref<80xi32, #tpu.memory_space<vmem>>
      %dma_wait3A_512 = arith.constant 0 : i32
      %dma_wait3A_513 = arith.constant 0 : i32
      %dma_wait3A_514 = tpu.memref_slice %arg7[%dma_wait3A_512, %dma_wait3A_513] : memref<10240x128xf32, #tpu.memory_space<vmem_shared>> -> memref<10240x128xf32, #tpu.memory_space<vmem_shared>>
      tpu.wait_indirect_dma semaphore(%run_scoped3A_502 : memref<!tpu.dma_semaphore, #tpu.memory_space<semaphore_mem>>) src(%arg13 : memref<80x128xf32, #tpu.memory_space<vmem>>) dst(%dma_wait3A_514 : memref<10240x128xf32, #tpu.memory_space<vmem_shared>>)
      tpu.yield
    }) : () -> ()
    %run_scoped3A_355 = arith.constant 24 : i32
    "tpu.region"() ({
      %run_scoped3A_502 = tpu.sem_alloc : memref<!tpu.dma_semaphore, #tpu.memory_space<semaphore_mem>>
      %dma_start3A_503 = arith.constant 0 : i32
      %dma_start3A_504 = tpu.memref_slice %arg12[%run_scoped3A_355, %dma_start3A_503] : memref<25x80xi32, #tpu.memory_space<vmem>> -> memref<1x80xi32, #tpu.memory_space<vmem>>
      %dma_start3A_505 = tpu.memref_squeeze %dma_start3A_504 : memref<1x80xi32, #tpu.memory_space<vmem>> -> memref<80xi32, #tpu.memory_space<vmem>>
      %dma_start3A_506 = arith.constant 0 : i32
      %dma_start3A_507 = arith.constant 0 : i32
      %dma_start3A_508 = tpu.memref_slice %arg8[%dma_start3A_506, %dma_start3A_507] : memref<10240x16xf32, #tpu.memory_space<vmem_shared>> -> memref<10240x16xf32, #tpu.memory_space<vmem_shared>>
      tpu.enqueue_indirect_dma source(%arg15 : memref<80x16xf32, #tpu.memory_space<vmem>>) target(%dma_start3A_508 : memref<10240x16xf32, #tpu.memory_space<vmem_shared>>) offsets(%dma_start3A_505 : memref<80xi32, #tpu.memory_space<vmem>>) semaphore(%run_scoped3A_502 : memref<!tpu.dma_semaphore, #tpu.memory_space<semaphore_mem>>) {add = true}
      %dma_wait3A_509 = arith.constant 0 : i32
      %dma_wait3A_510 = tpu.memref_slice %arg12[%run_scoped3A_355, %dma_wait3A_509] : memref<25x80xi32, #tpu.memory_space<vmem>> -> memref<1x80xi32, #tpu.memory_space<vmem>>
      %dma_wait3A_511 = tpu.memref_squeeze %dma_wait3A_510 : memref<1x80xi32, #tpu.memory_space<vmem>> -> memref<80xi32, #tpu.memory_space<vmem>>
      %dma_wait3A_512 = arith.constant 0 : i32
      %dma_wait3A_513 = arith.constant 0 : i32
      %dma_wait3A_514 = tpu.memref_slice %arg8[%dma_wait3A_512, %dma_wait3A_513] : memref<10240x16xf32, #tpu.memory_space<vmem_shared>> -> memref<10240x16xf32, #tpu.memory_space<vmem_shared>>
      tpu.wait_indirect_dma semaphore(%run_scoped3A_502 : memref<!tpu.dma_semaphore, #tpu.memory_space<semaphore_mem>>) src(%arg15 : memref<80x16xf32, #tpu.memory_space<vmem>>) dst(%dma_wait3A_514 : memref<10240x16xf32, #tpu.memory_space<vmem_shared>>)
      tpu.yield
    }) : () -> ()
    %dma_wait3A_356 = arith.constant 50 : i32
    %dma_wait3A_357 = arith.constant 0 : i32
    %dma_wait3A_358 = tpu.memref_slice %arg3[%add3A, %dma_wait3A_356, %dma_wait3A_357] : memref<32x125x80xi32, #tpu.memory_space<hbm>> -> memref<1x25x80xi32, #tpu.memory_space<hbm>>
    %dma_wait3A_359 = tpu.memref_squeeze %dma_wait3A_358 : memref<1x25x80xi32, #tpu.memory_space<hbm>> -> memref<25x80xi32, #tpu.memory_space<hbm>>
    %dma_wait3A_360 = arith.constant 50 : i32
    %dma_wait3A_361 = arith.constant 0 : i32
    %dma_wait3A_362 = tpu.memref_slice %arg3[%add3A, %dma_wait3A_360, %dma_wait3A_361] : memref<32x125x80xi32, #tpu.memory_space<hbm>> -> memref<1x25x80xi32, #tpu.memory_space<hbm>>
    %dma_wait3A_363 = tpu.memref_squeeze %dma_wait3A_362 : memref<1x25x80xi32, #tpu.memory_space<hbm>> -> memref<25x80xi32, #tpu.memory_space<hbm>>
    tpu.wait_dma2 semaphore(%arg19 : memref<!tpu.dma_semaphore, #tpu.memory_space<semaphore_mem>>) src(%dma_wait3A_363 : memref<25x80xi32, #tpu.memory_space<hbm>>) dst(%arg9 : memref<25x80xi32, #tpu.memory_space<vmem>>)
    %dma_wait3A_364 = arith.constant 50 : i32
    %dma_wait3A_365 = arith.constant 0 : i32
    %dma_wait3A_366 = tpu.memref_slice %arg4[%add3A, %dma_wait3A_364, %dma_wait3A_365] : memref<32x125x80xi32, #tpu.memory_space<hbm>> -> memref<1x25x80xi32, #tpu.memory_space<hbm>>
    %dma_wait3A_367 = tpu.memref_squeeze %dma_wait3A_366 : memref<1x25x80xi32, #tpu.memory_space<hbm>> -> memref<25x80xi32, #tpu.memory_space<hbm>>
    %dma_wait3A_368 = arith.constant 50 : i32
    %dma_wait3A_369 = arith.constant 0 : i32
    %dma_wait3A_370 = tpu.memref_slice %arg4[%add3A, %dma_wait3A_368, %dma_wait3A_369] : memref<32x125x80xi32, #tpu.memory_space<hbm>> -> memref<1x25x80xi32, #tpu.memory_space<hbm>>
    %dma_wait3A_371 = tpu.memref_squeeze %dma_wait3A_370 : memref<1x25x80xi32, #tpu.memory_space<hbm>> -> memref<25x80xi32, #tpu.memory_space<hbm>>
    tpu.wait_dma2 semaphore(%arg20 : memref<!tpu.dma_semaphore, #tpu.memory_space<semaphore_mem>>) src(%dma_wait3A_371 : memref<25x80xi32, #tpu.memory_space<hbm>>) dst(%arg10 : memref<25x80xi32, #tpu.memory_space<vmem>>)
    %dma_start3A_372 = arith.constant 75 : i32
    %dma_start3A_373 = arith.constant 0 : i32
    %dma_start3A_374 = tpu.memref_slice %arg3[%add3A, %dma_start3A_372, %dma_start3A_373] : memref<32x125x80xi32, #tpu.memory_space<hbm>> -> memref<1x25x80xi32, #tpu.memory_space<hbm>>
    %dma_start3A_375 = tpu.memref_squeeze %dma_start3A_374 : memref<1x25x80xi32, #tpu.memory_space<hbm>> -> memref<25x80xi32, #tpu.memory_space<hbm>>
    %dma_start3A_376 = arith.constant 75 : i32
    %dma_start3A_377 = arith.constant 0 : i32
    %dma_start3A_378 = tpu.memref_slice %arg3[%add3A, %dma_start3A_376, %dma_start3A_377] : memref<32x125x80xi32, #tpu.memory_space<hbm>> -> memref<1x25x80xi32, #tpu.memory_space<hbm>>
    %dma_start3A_379 = tpu.memref_squeeze %dma_start3A_378 : memref<1x25x80xi32, #tpu.memory_space<hbm>> -> memref<25x80xi32, #tpu.memory_space<hbm>>
    tpu.enqueue_dma source(%dma_start3A_379 : memref<25x80xi32, #tpu.memory_space<hbm>>) target(%arg11 : memref<25x80xi32, #tpu.memory_space<vmem>>) target_semaphore(%arg19 : memref<!tpu.dma_semaphore, #tpu.memory_space<semaphore_mem>>)
    %dma_start3A_380 = arith.constant 75 : i32
    %dma_start3A_381 = arith.constant 0 : i32
    %dma_start3A_382 = tpu.memref_slice %arg4[%add3A, %dma_start3A_380, %dma_start3A_381] : memref<32x125x80xi32, #tpu.memory_space<hbm>> -> memref<1x25x80xi32, #tpu.memory_space<hbm>>
    %dma_start3A_383 = tpu.memref_squeeze %dma_start3A_382 : memref<1x25x80xi32, #tpu.memory_space<hbm>> -> memref<25x80xi32, #tpu.memory_space<hbm>>
    %dma_start3A_384 = arith.constant 75 : i32
    %dma_start3A_385 = arith.constant 0 : i32
    %dma_start3A_386 = tpu.memref_slice %arg4[%add3A, %dma_start3A_384, %dma_start3A_385] : memref<32x125x80xi32, #tpu.memory_space<hbm>> -> memref<1x25x80xi32, #tpu.memory_space<hbm>>
    %dma_start3A_387 = tpu.memref_squeeze %dma_start3A_386 : memref<1x25x80xi32, #tpu.memory_space<hbm>> -> memref<25x80xi32, #tpu.memory_space<hbm>>
    tpu.enqueue_dma source(%dma_start3A_387 : memref<25x80xi32, #tpu.memory_space<hbm>>) target(%arg12 : memref<25x80xi32, #tpu.memory_space<vmem>>) target_semaphore(%arg20 : memref<!tpu.dma_semaphore, #tpu.memory_space<semaphore_mem>>)
    %dma_start3A_388 = arith.constant 0 : i32
    %dma_start3A_389 = arith.constant 0 : i32
    %dma_start3A_390 = tpu.memref_slice %arg9[%dma_start3A_388, %dma_start3A_389] : memref<25x80xi32, #tpu.memory_space<vmem>> -> memref<1x80xi32, #tpu.memory_space<vmem>>
    %dma_start3A_391 = tpu.memref_squeeze %dma_start3A_390 : memref<1x80xi32, #tpu.memory_space<vmem>> -> memref<80xi32, #tpu.memory_space<vmem>>
    %dma_start3A_392 = arith.constant 0 : i32
    %dma_start3A_393 = arith.constant 0 : i32
    %dma_start3A_394 = tpu.memref_slice %arg2[%dma_start3A_392, %dma_start3A_393] : memref<80000x128xf32, #tpu.memory_space<hbm>> -> memref<80000x128xf32, #tpu.memory_space<hbm>>
    tpu.enqueue_indirect_dma source(%dma_start3A_394 : memref<80000x128xf32, #tpu.memory_space<hbm>>) target(%arg13 : memref<80x128xf32, #tpu.memory_space<vmem>>) offsets(%dma_start3A_391 : memref<80xi32, #tpu.memory_space<vmem>>) semaphore(%arg17 : memref<!tpu.dma_semaphore, #tpu.memory_space<semaphore_mem>>)
    %scan3A_395 = arith.constant 0 : i32
    %scan3A_396 = arith.constant 12 : i32
    %scan3A_397 = arith.addi %scan3A_395, %scan3A_396 : i32
    %scan3A_398 = arith.constant 1 : i32
    scf.for %scan3A_502 = %scan3A_395 to %scan3A_397 step %scan3A_398  : i32 {
      %mul3A_503 = arith.constant 2 : i32
      %mul3A_504 = arith.muli %mul3A_503, %scan3A_502 : i32
      %dma_wait3A_505 = arith.constant 0 : i32
      %dma_wait3A_506 = tpu.memref_slice %arg9[%mul3A_504, %dma_wait3A_505] : memref<25x80xi32, #tpu.memory_space<vmem>> -> memref<1x80xi32, #tpu.memory_space<vmem>>
      %dma_wait3A_507 = tpu.memref_squeeze %dma_wait3A_506 : memref<1x80xi32, #tpu.memory_space<vmem>> -> memref<80xi32, #tpu.memory_space<vmem>>
      %dma_wait3A_508 = arith.constant 0 : i32
      %dma_wait3A_509 = arith.constant 0 : i32
      %dma_wait3A_510 = tpu.memref_slice %arg2[%dma_wait3A_508, %dma_wait3A_509] : memref<80000x128xf32, #tpu.memory_space<hbm>> -> memref<80000x128xf32, #tpu.memory_space<hbm>>
      tpu.wait_indirect_dma semaphore(%arg17 : memref<!tpu.dma_semaphore, #tpu.memory_space<semaphore_mem>>) src(%dma_wait3A_510 : memref<80000x128xf32, #tpu.memory_space<hbm>>) dst(%arg13 : memref<80x128xf32, #tpu.memory_space<vmem>>)
      %add3A_511 = arith.constant 1 : i32
      %add3A_512 = arith.addi %mul3A_504, %add3A_511 : i32
      %dma_start3A_513 = arith.constant 0 : i32
      %dma_start3A_514 = tpu.memref_slice %arg9[%add3A_512, %dma_start3A_513] : memref<25x80xi32, #tpu.memory_space<vmem>> -> memref<1x80xi32, #tpu.memory_space<vmem>>
      %dma_start3A_515 = tpu.memref_squeeze %dma_start3A_514 : memref<1x80xi32, #tpu.memory_space<vmem>> -> memref<80xi32, #tpu.memory_space<vmem>>
      %dma_start3A_516 = arith.constant 0 : i32
      %dma_start3A_517 = arith.constant 0 : i32
      %dma_start3A_518 = tpu.memref_slice %arg2[%dma_start3A_516, %dma_start3A_517] : memref<80000x128xf32, #tpu.memory_space<hbm>> -> memref<80000x128xf32, #tpu.memory_space<hbm>>
      tpu.enqueue_indirect_dma source(%dma_start3A_518 : memref<80000x128xf32, #tpu.memory_space<hbm>>) target(%arg14 : memref<80x128xf32, #tpu.memory_space<vmem>>) offsets(%dma_start3A_515 : memref<80xi32, #tpu.memory_space<vmem>>) semaphore(%arg18 : memref<!tpu.dma_semaphore, #tpu.memory_space<semaphore_mem>>)
      "tpu.region"() ({
        %run_scoped3A_537 = tpu.sem_alloc : memref<!tpu.dma_semaphore, #tpu.memory_space<semaphore_mem>>
        %dma_start3A_538 = arith.constant 0 : i32
        %dma_start3A_539 = tpu.memref_slice %arg10[%mul3A_504, %dma_start3A_538] : memref<25x80xi32, #tpu.memory_space<vmem>> -> memref<1x80xi32, #tpu.memory_space<vmem>>
        %dma_start3A_540 = tpu.memref_squeeze %dma_start3A_539 : memref<1x80xi32, #tpu.memory_space<vmem>> -> memref<80xi32, #tpu.memory_space<vmem>>
        %dma_start3A_541 = arith.constant 0 : i32
        %dma_start3A_542 = arith.constant 0 : i32
        %dma_start3A_543 = tpu.memref_slice %arg7[%dma_start3A_541, %dma_start3A_542] : memref<10240x128xf32, #tpu.memory_space<vmem_shared>> -> memref<10240x128xf32, #tpu.memory_space<vmem_shared>>
        tpu.enqueue_indirect_dma source(%arg13 : memref<80x128xf32, #tpu.memory_space<vmem>>) target(%dma_start3A_543 : memref<10240x128xf32, #tpu.memory_space<vmem_shared>>) offsets(%dma_start3A_540 : memref<80xi32, #tpu.memory_space<vmem>>) semaphore(%run_scoped3A_537 : memref<!tpu.dma_semaphore, #tpu.memory_space<semaphore_mem>>) {add = true}
        %dma_wait3A_544 = arith.constant 0 : i32
        %dma_wait3A_545 = tpu.memref_slice %arg10[%mul3A_504, %dma_wait3A_544] : memref<25x80xi32, #tpu.memory_space<vmem>> -> memref<1x80xi32, #tpu.memory_space<vmem>>
        %dma_wait3A_546 = tpu.memref_squeeze %dma_wait3A_545 : memref<1x80xi32, #tpu.memory_space<vmem>> -> memref<80xi32, #tpu.memory_space<vmem>>
        %dma_wait3A_547 = arith.constant 0 : i32
        %dma_wait3A_548 = arith.constant 0 : i32
        %dma_wait3A_549 = tpu.memref_slice %arg7[%dma_wait3A_547, %dma_wait3A_548] : memref<10240x128xf32, #tpu.memory_space<vmem_shared>> -> memref<10240x128xf32, #tpu.memory_space<vmem_shared>>
        tpu.wait_indirect_dma semaphore(%run_scoped3A_537 : memref<!tpu.dma_semaphore, #tpu.memory_space<semaphore_mem>>) src(%arg13 : memref<80x128xf32, #tpu.memory_space<vmem>>) dst(%dma_wait3A_549 : memref<10240x128xf32, #tpu.memory_space<vmem_shared>>)
        tpu.yield
      }) : () -> ()
      "tpu.region"() ({
        %run_scoped3A_537 = tpu.sem_alloc : memref<!tpu.dma_semaphore, #tpu.memory_space<semaphore_mem>>
        %dma_start3A_538 = arith.constant 0 : i32
        %dma_start3A_539 = tpu.memref_slice %arg10[%mul3A_504, %dma_start3A_538] : memref<25x80xi32, #tpu.memory_space<vmem>> -> memref<1x80xi32, #tpu.memory_space<vmem>>
        %dma_start3A_540 = tpu.memref_squeeze %dma_start3A_539 : memref<1x80xi32, #tpu.memory_space<vmem>> -> memref<80xi32, #tpu.memory_space<vmem>>
        %dma_start3A_541 = arith.constant 0 : i32
        %dma_start3A_542 = arith.constant 0 : i32
        %dma_start3A_543 = tpu.memref_slice %arg8[%dma_start3A_541, %dma_start3A_542] : memref<10240x16xf32, #tpu.memory_space<vmem_shared>> -> memref<10240x16xf32, #tpu.memory_space<vmem_shared>>
        tpu.enqueue_indirect_dma source(%arg15 : memref<80x16xf32, #tpu.memory_space<vmem>>) target(%dma_start3A_543 : memref<10240x16xf32, #tpu.memory_space<vmem_shared>>) offsets(%dma_start3A_540 : memref<80xi32, #tpu.memory_space<vmem>>) semaphore(%run_scoped3A_537 : memref<!tpu.dma_semaphore, #tpu.memory_space<semaphore_mem>>) {add = true}
        %dma_wait3A_544 = arith.constant 0 : i32
        %dma_wait3A_545 = tpu.memref_slice %arg10[%mul3A_504, %dma_wait3A_544] : memref<25x80xi32, #tpu.memory_space<vmem>> -> memref<1x80xi32, #tpu.memory_space<vmem>>
        %dma_wait3A_546 = tpu.memref_squeeze %dma_wait3A_545 : memref<1x80xi32, #tpu.memory_space<vmem>> -> memref<80xi32, #tpu.memory_space<vmem>>
        %dma_wait3A_547 = arith.constant 0 : i32
        %dma_wait3A_548 = arith.constant 0 : i32
        %dma_wait3A_549 = tpu.memref_slice %arg8[%dma_wait3A_547, %dma_wait3A_548] : memref<10240x16xf32, #tpu.memory_space<vmem_shared>> -> memref<10240x16xf32, #tpu.memory_space<vmem_shared>>
        tpu.wait_indirect_dma semaphore(%run_scoped3A_537 : memref<!tpu.dma_semaphore, #tpu.memory_space<semaphore_mem>>) src(%arg15 : memref<80x16xf32, #tpu.memory_space<vmem>>) dst(%dma_wait3A_549 : memref<10240x16xf32, #tpu.memory_space<vmem_shared>>)
        tpu.yield
      }) : () -> ()
      %add3A_519 = arith.constant 1 : i32
      %add3A_520 = arith.addi %mul3A_504, %add3A_519 : i32
      %dma_wait3A_521 = arith.constant 0 : i32
      %dma_wait3A_522 = tpu.memref_slice %arg9[%add3A_520, %dma_wait3A_521] : memref<25x80xi32, #tpu.memory_space<vmem>> -> memref<1x80xi32, #tpu.memory_space<vmem>>
      %dma_wait3A_523 = tpu.memref_squeeze %dma_wait3A_522 : memref<1x80xi32, #tpu.memory_space<vmem>> -> memref<80xi32, #tpu.memory_space<vmem>>
      %dma_wait3A_524 = arith.constant 0 : i32
      %dma_wait3A_525 = arith.constant 0 : i32
      %dma_wait3A_526 = tpu.memref_slice %arg2[%dma_wait3A_524, %dma_wait3A_525] : memref<80000x128xf32, #tpu.memory_space<hbm>> -> memref<80000x128xf32, #tpu.memory_space<hbm>>
      tpu.wait_indirect_dma semaphore(%arg18 : memref<!tpu.dma_semaphore, #tpu.memory_space<semaphore_mem>>) src(%dma_wait3A_526 : memref<80000x128xf32, #tpu.memory_space<hbm>>) dst(%arg14 : memref<80x128xf32, #tpu.memory_space<vmem>>)
      %add3A_527 = arith.constant 2 : i32
      %add3A_528 = arith.addi %mul3A_504, %add3A_527 : i32
      %dma_start3A_529 = arith.constant 0 : i32
      %dma_start3A_530 = tpu.memref_slice %arg9[%add3A_528, %dma_start3A_529] : memref<25x80xi32, #tpu.memory_space<vmem>> -> memref<1x80xi32, #tpu.memory_space<vmem>>
      %dma_start3A_531 = tpu.memref_squeeze %dma_start3A_530 : memref<1x80xi32, #tpu.memory_space<vmem>> -> memref<80xi32, #tpu.memory_space<vmem>>
      %dma_start3A_532 = arith.constant 0 : i32
      %dma_start3A_533 = arith.constant 0 : i32
      %dma_start3A_534 = tpu.memref_slice %arg2[%dma_start3A_532, %dma_start3A_533] : memref<80000x128xf32, #tpu.memory_space<hbm>> -> memref<80000x128xf32, #tpu.memory_space<hbm>>
      tpu.enqueue_indirect_dma source(%dma_start3A_534 : memref<80000x128xf32, #tpu.memory_space<hbm>>) target(%arg13 : memref<80x128xf32, #tpu.memory_space<vmem>>) offsets(%dma_start3A_531 : memref<80xi32, #tpu.memory_space<vmem>>) semaphore(%arg17 : memref<!tpu.dma_semaphore, #tpu.memory_space<semaphore_mem>>)
      %add3A_535 = arith.constant 1 : i32
      %add3A_536 = arith.addi %mul3A_504, %add3A_535 : i32
      "tpu.region"() ({
        %run_scoped3A_537 = tpu.sem_alloc : memref<!tpu.dma_semaphore, #tpu.memory_space<semaphore_mem>>
        %dma_start3A_538 = arith.constant 0 : i32
        %dma_start3A_539 = tpu.memref_slice %arg10[%add3A_536, %dma_start3A_538] : memref<25x80xi32, #tpu.memory_space<vmem>> -> memref<1x80xi32, #tpu.memory_space<vmem>>
        %dma_start3A_540 = tpu.memref_squeeze %dma_start3A_539 : memref<1x80xi32, #tpu.memory_space<vmem>> -> memref<80xi32, #tpu.memory_space<vmem>>
        %dma_start3A_541 = arith.constant 0 : i32
        %dma_start3A_542 = arith.constant 0 : i32
        %dma_start3A_543 = tpu.memref_slice %arg7[%dma_start3A_541, %dma_start3A_542] : memref<10240x128xf32, #tpu.memory_space<vmem_shared>> -> memref<10240x128xf32, #tpu.memory_space<vmem_shared>>
        tpu.enqueue_indirect_dma source(%arg14 : memref<80x128xf32, #tpu.memory_space<vmem>>) target(%dma_start3A_543 : memref<10240x128xf32, #tpu.memory_space<vmem_shared>>) offsets(%dma_start3A_540 : memref<80xi32, #tpu.memory_space<vmem>>) semaphore(%run_scoped3A_537 : memref<!tpu.dma_semaphore, #tpu.memory_space<semaphore_mem>>) {add = true}
        %dma_wait3A_544 = arith.constant 0 : i32
        %dma_wait3A_545 = tpu.memref_slice %arg10[%add3A_536, %dma_wait3A_544] : memref<25x80xi32, #tpu.memory_space<vmem>> -> memref<1x80xi32, #tpu.memory_space<vmem>>
        %dma_wait3A_546 = tpu.memref_squeeze %dma_wait3A_545 : memref<1x80xi32, #tpu.memory_space<vmem>> -> memref<80xi32, #tpu.memory_space<vmem>>
        %dma_wait3A_547 = arith.constant 0 : i32
        %dma_wait3A_548 = arith.constant 0 : i32
        %dma_wait3A_549 = tpu.memref_slice %arg7[%dma_wait3A_547, %dma_wait3A_548] : memref<10240x128xf32, #tpu.memory_space<vmem_shared>> -> memref<10240x128xf32, #tpu.memory_space<vmem_shared>>
        tpu.wait_indirect_dma semaphore(%run_scoped3A_537 : memref<!tpu.dma_semaphore, #tpu.memory_space<semaphore_mem>>) src(%arg14 : memref<80x128xf32, #tpu.memory_space<vmem>>) dst(%dma_wait3A_549 : memref<10240x128xf32, #tpu.memory_space<vmem_shared>>)
        tpu.yield
      }) : () -> ()
      "tpu.region"() ({
        %run_scoped3A_537 = tpu.sem_alloc : memref<!tpu.dma_semaphore, #tpu.memory_space<semaphore_mem>>
        %dma_start3A_538 = arith.constant 0 : i32
        %dma_start3A_539 = tpu.memref_slice %arg10[%add3A_536, %dma_start3A_538] : memref<25x80xi32, #tpu.memory_space<vmem>> -> memref<1x80xi32, #tpu.memory_space<vmem>>
        %dma_start3A_540 = tpu.memref_squeeze %dma_start3A_539 : memref<1x80xi32, #tpu.memory_space<vmem>> -> memref<80xi32, #tpu.memory_space<vmem>>
        %dma_start3A_541 = arith.constant 0 : i32
        %dma_start3A_542 = arith.constant 0 : i32
        %dma_start3A_543 = tpu.memref_slice %arg8[%dma_start3A_541, %dma_start3A_542] : memref<10240x16xf32, #tpu.memory_space<vmem_shared>> -> memref<10240x16xf32, #tpu.memory_space<vmem_shared>>
        tpu.enqueue_indirect_dma source(%arg15 : memref<80x16xf32, #tpu.memory_space<vmem>>) target(%dma_start3A_543 : memref<10240x16xf32, #tpu.memory_space<vmem_shared>>) offsets(%dma_start3A_540 : memref<80xi32, #tpu.memory_space<vmem>>) semaphore(%run_scoped3A_537 : memref<!tpu.dma_semaphore, #tpu.memory_space<semaphore_mem>>) {add = true}
        %dma_wait3A_544 = arith.constant 0 : i32
        %dma_wait3A_545 = tpu.memref_slice %arg10[%add3A_536, %dma_wait3A_544] : memref<25x80xi32, #tpu.memory_space<vmem>> -> memref<1x80xi32, #tpu.memory_space<vmem>>
        %dma_wait3A_546 = tpu.memref_squeeze %dma_wait3A_545 : memref<1x80xi32, #tpu.memory_space<vmem>> -> memref<80xi32, #tpu.memory_space<vmem>>
        %dma_wait3A_547 = arith.constant 0 : i32
        %dma_wait3A_548 = arith.constant 0 : i32
        %dma_wait3A_549 = tpu.memref_slice %arg8[%dma_wait3A_547, %dma_wait3A_548] : memref<10240x16xf32, #tpu.memory_space<vmem_shared>> -> memref<10240x16xf32, #tpu.memory_space<vmem_shared>>
        tpu.wait_indirect_dma semaphore(%run_scoped3A_537 : memref<!tpu.dma_semaphore, #tpu.memory_space<semaphore_mem>>) src(%arg15 : memref<80x16xf32, #tpu.memory_space<vmem>>) dst(%dma_wait3A_549 : memref<10240x16xf32, #tpu.memory_space<vmem_shared>>)
        tpu.yield
      }) : () -> ()
    }
    %scan3A_399 = arith.constant 12 : i32
    %dma_wait3A_400 = arith.constant 24 : i32
    %dma_wait3A_401 = arith.constant 0 : i32
    %dma_wait3A_402 = tpu.memref_slice %arg9[%dma_wait3A_400, %dma_wait3A_401] : memref<25x80xi32, #tpu.memory_space<vmem>> -> memref<1x80xi32, #tpu.memory_space<vmem>>
    %dma_wait3A_403 = tpu.memref_squeeze %dma_wait3A_402 : memref<1x80xi32, #tpu.memory_space<vmem>> -> memref<80xi32, #tpu.memory_space<vmem>>
    %dma_wait3A_404 = arith.constant 0 : i32
    %dma_wait3A_405 = arith.constant 0 : i32
    %dma_wait3A_406 = tpu.memref_slice %arg2[%dma_wait3A_404, %dma_wait3A_405] : memref<80000x128xf32, #tpu.memory_space<hbm>> -> memref<80000x128xf32, #tpu.memory_space<hbm>>
    tpu.wait_indirect_dma semaphore(%arg17 : memref<!tpu.dma_semaphore, #tpu.memory_space<semaphore_mem>>) src(%dma_wait3A_406 : memref<80000x128xf32, #tpu.memory_space<hbm>>) dst(%arg13 : memref<80x128xf32, #tpu.memory_space<vmem>>)
    %run_scoped3A_407 = arith.constant 24 : i32
    "tpu.region"() ({
      %run_scoped3A_502 = tpu.sem_alloc : memref<!tpu.dma_semaphore, #tpu.memory_space<semaphore_mem>>
      %dma_start3A_503 = arith.constant 0 : i32
      %dma_start3A_504 = tpu.memref_slice %arg10[%run_scoped3A_407, %dma_start3A_503] : memref<25x80xi32, #tpu.memory_space<vmem>> -> memref<1x80xi32, #tpu.memory_space<vmem>>
      %dma_start3A_505 = tpu.memref_squeeze %dma_start3A_504 : memref<1x80xi32, #tpu.memory_space<vmem>> -> memref<80xi32, #tpu.memory_space<vmem>>
      %dma_start3A_506 = arith.constant 0 : i32
      %dma_start3A_507 = arith.constant 0 : i32
      %dma_start3A_508 = tpu.memref_slice %arg7[%dma_start3A_506, %dma_start3A_507] : memref<10240x128xf32, #tpu.memory_space<vmem_shared>> -> memref<10240x128xf32, #tpu.memory_space<vmem_shared>>
      tpu.enqueue_indirect_dma source(%arg13 : memref<80x128xf32, #tpu.memory_space<vmem>>) target(%dma_start3A_508 : memref<10240x128xf32, #tpu.memory_space<vmem_shared>>) offsets(%dma_start3A_505 : memref<80xi32, #tpu.memory_space<vmem>>) semaphore(%run_scoped3A_502 : memref<!tpu.dma_semaphore, #tpu.memory_space<semaphore_mem>>) {add = true}
      %dma_wait3A_509 = arith.constant 0 : i32
      %dma_wait3A_510 = tpu.memref_slice %arg10[%run_scoped3A_407, %dma_wait3A_509] : memref<25x80xi32, #tpu.memory_space<vmem>> -> memref<1x80xi32, #tpu.memory_space<vmem>>
      %dma_wait3A_511 = tpu.memref_squeeze %dma_wait3A_510 : memref<1x80xi32, #tpu.memory_space<vmem>> -> memref<80xi32, #tpu.memory_space<vmem>>
      %dma_wait3A_512 = arith.constant 0 : i32
      %dma_wait3A_513 = arith.constant 0 : i32
      %dma_wait3A_514 = tpu.memref_slice %arg7[%dma_wait3A_512, %dma_wait3A_513] : memref<10240x128xf32, #tpu.memory_space<vmem_shared>> -> memref<10240x128xf32, #tpu.memory_space<vmem_shared>>
      tpu.wait_indirect_dma semaphore(%run_scoped3A_502 : memref<!tpu.dma_semaphore, #tpu.memory_space<semaphore_mem>>) src(%arg13 : memref<80x128xf32, #tpu.memory_space<vmem>>) dst(%dma_wait3A_514 : memref<10240x128xf32, #tpu.memory_space<vmem_shared>>)
      tpu.yield
    }) : () -> ()
    %run_scoped3A_408 = arith.constant 24 : i32
    "tpu.region"() ({
      %run_scoped3A_502 = tpu.sem_alloc : memref<!tpu.dma_semaphore, #tpu.memory_space<semaphore_mem>>
      %dma_start3A_503 = arith.constant 0 : i32
      %dma_start3A_504 = tpu.memref_slice %arg10[%run_scoped3A_408, %dma_start3A_503] : memref<25x80xi32, #tpu.memory_space<vmem>> -> memref<1x80xi32, #tpu.memory_space<vmem>>
      %dma_start3A_505 = tpu.memref_squeeze %dma_start3A_504 : memref<1x80xi32, #tpu.memory_space<vmem>> -> memref<80xi32, #tpu.memory_space<vmem>>
      %dma_start3A_506 = arith.constant 0 : i32
      %dma_start3A_507 = arith.constant 0 : i32
      %dma_start3A_508 = tpu.memref_slice %arg8[%dma_start3A_506, %dma_start3A_507] : memref<10240x16xf32, #tpu.memory_space<vmem_shared>> -> memref<10240x16xf32, #tpu.memory_space<vmem_shared>>
      tpu.enqueue_indirect_dma source(%arg15 : memref<80x16xf32, #tpu.memory_space<vmem>>) target(%dma_start3A_508 : memref<10240x16xf32, #tpu.memory_space<vmem_shared>>) offsets(%dma_start3A_505 : memref<80xi32, #tpu.memory_space<vmem>>) semaphore(%run_scoped3A_502 : memref<!tpu.dma_semaphore, #tpu.memory_space<semaphore_mem>>) {add = true}
      %dma_wait3A_509 = arith.constant 0 : i32
      %dma_wait3A_510 = tpu.memref_slice %arg10[%run_scoped3A_408, %dma_wait3A_509] : memref<25x80xi32, #tpu.memory_space<vmem>> -> memref<1x80xi32, #tpu.memory_space<vmem>>
      %dma_wait3A_511 = tpu.memref_squeeze %dma_wait3A_510 : memref<1x80xi32, #tpu.memory_space<vmem>> -> memref<80xi32, #tpu.memory_space<vmem>>
      %dma_wait3A_512 = arith.constant 0 : i32
      %dma_wait3A_513 = arith.constant 0 : i32
      %dma_wait3A_514 = tpu.memref_slice %arg8[%dma_wait3A_512, %dma_wait3A_513] : memref<10240x16xf32, #tpu.memory_space<vmem_shared>> -> memref<10240x16xf32, #tpu.memory_space<vmem_shared>>
      tpu.wait_indirect_dma semaphore(%run_scoped3A_502 : memref<!tpu.dma_semaphore, #tpu.memory_space<semaphore_mem>>) src(%arg15 : memref<80x16xf32, #tpu.memory_space<vmem>>) dst(%dma_wait3A_514 : memref<10240x16xf32, #tpu.memory_space<vmem_shared>>)
      tpu.yield
    }) : () -> ()
    %dma_wait3A_409 = arith.constant 75 : i32
    %dma_wait3A_410 = arith.constant 0 : i32
    %dma_wait3A_411 = tpu.memref_slice %arg3[%add3A, %dma_wait3A_409, %dma_wait3A_410] : memref<32x125x80xi32, #tpu.memory_space<hbm>> -> memref<1x25x80xi32, #tpu.memory_space<hbm>>
    %dma_wait3A_412 = tpu.memref_squeeze %dma_wait3A_411 : memref<1x25x80xi32, #tpu.memory_space<hbm>> -> memref<25x80xi32, #tpu.memory_space<hbm>>
    %dma_wait3A_413 = arith.constant 75 : i32
    %dma_wait3A_414 = arith.constant 0 : i32
    %dma_wait3A_415 = tpu.memref_slice %arg3[%add3A, %dma_wait3A_413, %dma_wait3A_414] : memref<32x125x80xi32, #tpu.memory_space<hbm>> -> memref<1x25x80xi32, #tpu.memory_space<hbm>>
    %dma_wait3A_416 = tpu.memref_squeeze %dma_wait3A_415 : memref<1x25x80xi32, #tpu.memory_space<hbm>> -> memref<25x80xi32, #tpu.memory_space<hbm>>
    tpu.wait_dma2 semaphore(%arg19 : memref<!tpu.dma_semaphore, #tpu.memory_space<semaphore_mem>>) src(%dma_wait3A_416 : memref<25x80xi32, #tpu.memory_space<hbm>>) dst(%arg11 : memref<25x80xi32, #tpu.memory_space<vmem>>)
    %dma_wait3A_417 = arith.constant 75 : i32
    %dma_wait3A_418 = arith.constant 0 : i32
    %dma_wait3A_419 = tpu.memref_slice %arg4[%add3A, %dma_wait3A_417, %dma_wait3A_418] : memref<32x125x80xi32, #tpu.memory_space<hbm>> -> memref<1x25x80xi32, #tpu.memory_space<hbm>>
    %dma_wait3A_420 = tpu.memref_squeeze %dma_wait3A_419 : memref<1x25x80xi32, #tpu.memory_space<hbm>> -> memref<25x80xi32, #tpu.memory_space<hbm>>
    %dma_wait3A_421 = arith.constant 75 : i32
    %dma_wait3A_422 = arith.constant 0 : i32
    %dma_wait3A_423 = tpu.memref_slice %arg4[%add3A, %dma_wait3A_421, %dma_wait3A_422] : memref<32x125x80xi32, #tpu.memory_space<hbm>> -> memref<1x25x80xi32, #tpu.memory_space<hbm>>
    %dma_wait3A_424 = tpu.memref_squeeze %dma_wait3A_423 : memref<1x25x80xi32, #tpu.memory_space<hbm>> -> memref<25x80xi32, #tpu.memory_space<hbm>>
    tpu.wait_dma2 semaphore(%arg20 : memref<!tpu.dma_semaphore, #tpu.memory_space<semaphore_mem>>) src(%dma_wait3A_424 : memref<25x80xi32, #tpu.memory_space<hbm>>) dst(%arg12 : memref<25x80xi32, #tpu.memory_space<vmem>>)
    %dma_start3A_425 = arith.constant 100 : i32
    %dma_start3A_426 = arith.constant 0 : i32
    %dma_start3A_427 = tpu.memref_slice %arg3[%add3A, %dma_start3A_425, %dma_start3A_426] : memref<32x125x80xi32, #tpu.memory_space<hbm>> -> memref<1x25x80xi32, #tpu.memory_space<hbm>>
    %dma_start3A_428 = tpu.memref_squeeze %dma_start3A_427 : memref<1x25x80xi32, #tpu.memory_space<hbm>> -> memref<25x80xi32, #tpu.memory_space<hbm>>
    %dma_start3A_429 = arith.constant 100 : i32
    %dma_start3A_430 = arith.constant 0 : i32
    %dma_start3A_431 = tpu.memref_slice %arg3[%add3A, %dma_start3A_429, %dma_start3A_430] : memref<32x125x80xi32, #tpu.memory_space<hbm>> -> memref<1x25x80xi32, #tpu.memory_space<hbm>>
    %dma_start3A_432 = tpu.memref_squeeze %dma_start3A_431 : memref<1x25x80xi32, #tpu.memory_space<hbm>> -> memref<25x80xi32, #tpu.memory_space<hbm>>
    tpu.enqueue_dma source(%dma_start3A_432 : memref<25x80xi32, #tpu.memory_space<hbm>>) target(%arg9 : memref<25x80xi32, #tpu.memory_space<vmem>>) target_semaphore(%arg19 : memref<!tpu.dma_semaphore, #tpu.memory_space<semaphore_mem>>)
    %dma_start3A_433 = arith.constant 100 : i32
    %dma_start3A_434 = arith.constant 0 : i32
    %dma_start3A_435 = tpu.memref_slice %arg4[%add3A, %dma_start3A_433, %dma_start3A_434] : memref<32x125x80xi32, #tpu.memory_space<hbm>> -> memref<1x25x80xi32, #tpu.memory_space<hbm>>
    %dma_start3A_436 = tpu.memref_squeeze %dma_start3A_435 : memref<1x25x80xi32, #tpu.memory_space<hbm>> -> memref<25x80xi32, #tpu.memory_space<hbm>>
    %dma_start3A_437 = arith.constant 100 : i32
    %dma_start3A_438 = arith.constant 0 : i32
    %dma_start3A_439 = tpu.memref_slice %arg4[%add3A, %dma_start3A_437, %dma_start3A_438] : memref<32x125x80xi32, #tpu.memory_space<hbm>> -> memref<1x25x80xi32, #tpu.memory_space<hbm>>
    %dma_start3A_440 = tpu.memref_squeeze %dma_start3A_439 : memref<1x25x80xi32, #tpu.memory_space<hbm>> -> memref<25x80xi32, #tpu.memory_space<hbm>>
    tpu.enqueue_dma source(%dma_start3A_440 : memref<25x80xi32, #tpu.memory_space<hbm>>) target(%arg10 : memref<25x80xi32, #tpu.memory_space<vmem>>) target_semaphore(%arg20 : memref<!tpu.dma_semaphore, #tpu.memory_space<semaphore_mem>>)
    %dma_start3A_441 = arith.constant 0 : i32
    %dma_start3A_442 = arith.constant 0 : i32
    %dma_start3A_443 = tpu.memref_slice %arg11[%dma_start3A_441, %dma_start3A_442] : memref<25x80xi32, #tpu.memory_space<vmem>> -> memref<1x80xi32, #tpu.memory_space<vmem>>
    %dma_start3A_444 = tpu.memref_squeeze %dma_start3A_443 : memref<1x80xi32, #tpu.memory_space<vmem>> -> memref<80xi32, #tpu.memory_space<vmem>>
    %dma_start3A_445 = arith.constant 0 : i32
    %dma_start3A_446 = arith.constant 0 : i32
    %dma_start3A_447 = tpu.memref_slice %arg2[%dma_start3A_445, %dma_start3A_446] : memref<80000x128xf32, #tpu.memory_space<hbm>> -> memref<80000x128xf32, #tpu.memory_space<hbm>>
    tpu.enqueue_indirect_dma source(%dma_start3A_447 : memref<80000x128xf32, #tpu.memory_space<hbm>>) target(%arg13 : memref<80x128xf32, #tpu.memory_space<vmem>>) offsets(%dma_start3A_444 : memref<80xi32, #tpu.memory_space<vmem>>) semaphore(%arg17 : memref<!tpu.dma_semaphore, #tpu.memory_space<semaphore_mem>>)
    %scan3A_448 = arith.constant 0 : i32
    %scan3A_449 = arith.constant 12 : i32
    %scan3A_450 = arith.addi %scan3A_448, %scan3A_449 : i32
    %scan3A_451 = arith.constant 1 : i32
    scf.for %scan3A_502 = %scan3A_448 to %scan3A_450 step %scan3A_451  : i32 {
      %mul3A_503 = arith.constant 2 : i32
      %mul3A_504 = arith.muli %mul3A_503, %scan3A_502 : i32
      %dma_wait3A_505 = arith.constant 0 : i32
      %dma_wait3A_506 = tpu.memref_slice %arg11[%mul3A_504, %dma_wait3A_505] : memref<25x80xi32, #tpu.memory_space<vmem>> -> memref<1x80xi32, #tpu.memory_space<vmem>>
      %dma_wait3A_507 = tpu.memref_squeeze %dma_wait3A_506 : memref<1x80xi32, #tpu.memory_space<vmem>> -> memref<80xi32, #tpu.memory_space<vmem>>
      %dma_wait3A_508 = arith.constant 0 : i32
      %dma_wait3A_509 = arith.constant 0 : i32
      %dma_wait3A_510 = tpu.memref_slice %arg2[%dma_wait3A_508, %dma_wait3A_509] : memref<80000x128xf32, #tpu.memory_space<hbm>> -> memref<80000x128xf32, #tpu.memory_space<hbm>>
      tpu.wait_indirect_dma semaphore(%arg17 : memref<!tpu.dma_semaphore, #tpu.memory_space<semaphore_mem>>) src(%dma_wait3A_510 : memref<80000x128xf32, #tpu.memory_space<hbm>>) dst(%arg13 : memref<80x128xf32, #tpu.memory_space<vmem>>)
      %add3A_511 = arith.constant 1 : i32
      %add3A_512 = arith.addi %mul3A_504, %add3A_511 : i32
      %dma_start3A_513 = arith.constant 0 : i32
      %dma_start3A_514 = tpu.memref_slice %arg11[%add3A_512, %dma_start3A_513] : memref<25x80xi32, #tpu.memory_space<vmem>> -> memref<1x80xi32, #tpu.memory_space<vmem>>
      %dma_start3A_515 = tpu.memref_squeeze %dma_start3A_514 : memref<1x80xi32, #tpu.memory_space<vmem>> -> memref<80xi32, #tpu.memory_space<vmem>>
      %dma_start3A_516 = arith.constant 0 : i32
      %dma_start3A_517 = arith.constant 0 : i32
      %dma_start3A_518 = tpu.memref_slice %arg2[%dma_start3A_516, %dma_start3A_517] : memref<80000x128xf32, #tpu.memory_space<hbm>> -> memref<80000x128xf32, #tpu.memory_space<hbm>>
      tpu.enqueue_indirect_dma source(%dma_start3A_518 : memref<80000x128xf32, #tpu.memory_space<hbm>>) target(%arg14 : memref<80x128xf32, #tpu.memory_space<vmem>>) offsets(%dma_start3A_515 : memref<80xi32, #tpu.memory_space<vmem>>) semaphore(%arg18 : memref<!tpu.dma_semaphore, #tpu.memory_space<semaphore_mem>>)
      "tpu.region"() ({
        %run_scoped3A_537 = tpu.sem_alloc : memref<!tpu.dma_semaphore, #tpu.memory_space<semaphore_mem>>
        %dma_start3A_538 = arith.constant 0 : i32
        %dma_start3A_539 = tpu.memref_slice %arg12[%mul3A_504, %dma_start3A_538] : memref<25x80xi32, #tpu.memory_space<vmem>> -> memref<1x80xi32, #tpu.memory_space<vmem>>
        %dma_start3A_540 = tpu.memref_squeeze %dma_start3A_539 : memref<1x80xi32, #tpu.memory_space<vmem>> -> memref<80xi32, #tpu.memory_space<vmem>>
        %dma_start3A_541 = arith.constant 0 : i32
        %dma_start3A_542 = arith.constant 0 : i32
        %dma_start3A_543 = tpu.memref_slice %arg7[%dma_start3A_541, %dma_start3A_542] : memref<10240x128xf32, #tpu.memory_space<vmem_shared>> -> memref<10240x128xf32, #tpu.memory_space<vmem_shared>>
        tpu.enqueue_indirect_dma source(%arg13 : memref<80x128xf32, #tpu.memory_space<vmem>>) target(%dma_start3A_543 : memref<10240x128xf32, #tpu.memory_space<vmem_shared>>) offsets(%dma_start3A_540 : memref<80xi32, #tpu.memory_space<vmem>>) semaphore(%run_scoped3A_537 : memref<!tpu.dma_semaphore, #tpu.memory_space<semaphore_mem>>) {add = true}
        %dma_wait3A_544 = arith.constant 0 : i32
        %dma_wait3A_545 = tpu.memref_slice %arg12[%mul3A_504, %dma_wait3A_544] : memref<25x80xi32, #tpu.memory_space<vmem>> -> memref<1x80xi32, #tpu.memory_space<vmem>>
        %dma_wait3A_546 = tpu.memref_squeeze %dma_wait3A_545 : memref<1x80xi32, #tpu.memory_space<vmem>> -> memref<80xi32, #tpu.memory_space<vmem>>
        %dma_wait3A_547 = arith.constant 0 : i32
        %dma_wait3A_548 = arith.constant 0 : i32
        %dma_wait3A_549 = tpu.memref_slice %arg7[%dma_wait3A_547, %dma_wait3A_548] : memref<10240x128xf32, #tpu.memory_space<vmem_shared>> -> memref<10240x128xf32, #tpu.memory_space<vmem_shared>>
        tpu.wait_indirect_dma semaphore(%run_scoped3A_537 : memref<!tpu.dma_semaphore, #tpu.memory_space<semaphore_mem>>) src(%arg13 : memref<80x128xf32, #tpu.memory_space<vmem>>) dst(%dma_wait3A_549 : memref<10240x128xf32, #tpu.memory_space<vmem_shared>>)
        tpu.yield
      }) : () -> ()
      "tpu.region"() ({
        %run_scoped3A_537 = tpu.sem_alloc : memref<!tpu.dma_semaphore, #tpu.memory_space<semaphore_mem>>
        %dma_start3A_538 = arith.constant 0 : i32
        %dma_start3A_539 = tpu.memref_slice %arg12[%mul3A_504, %dma_start3A_538] : memref<25x80xi32, #tpu.memory_space<vmem>> -> memref<1x80xi32, #tpu.memory_space<vmem>>
        %dma_start3A_540 = tpu.memref_squeeze %dma_start3A_539 : memref<1x80xi32, #tpu.memory_space<vmem>> -> memref<80xi32, #tpu.memory_space<vmem>>
        %dma_start3A_541 = arith.constant 0 : i32
        %dma_start3A_542 = arith.constant 0 : i32
        %dma_start3A_543 = tpu.memref_slice %arg8[%dma_start3A_541, %dma_start3A_542] : memref<10240x16xf32, #tpu.memory_space<vmem_shared>> -> memref<10240x16xf32, #tpu.memory_space<vmem_shared>>
        tpu.enqueue_indirect_dma source(%arg15 : memref<80x16xf32, #tpu.memory_space<vmem>>) target(%dma_start3A_543 : memref<10240x16xf32, #tpu.memory_space<vmem_shared>>) offsets(%dma_start3A_540 : memref<80xi32, #tpu.memory_space<vmem>>) semaphore(%run_scoped3A_537 : memref<!tpu.dma_semaphore, #tpu.memory_space<semaphore_mem>>) {add = true}
        %dma_wait3A_544 = arith.constant 0 : i32
        %dma_wait3A_545 = tpu.memref_slice %arg12[%mul3A_504, %dma_wait3A_544] : memref<25x80xi32, #tpu.memory_space<vmem>> -> memref<1x80xi32, #tpu.memory_space<vmem>>
        %dma_wait3A_546 = tpu.memref_squeeze %dma_wait3A_545 : memref<1x80xi32, #tpu.memory_space<vmem>> -> memref<80xi32, #tpu.memory_space<vmem>>
        %dma_wait3A_547 = arith.constant 0 : i32
        %dma_wait3A_548 = arith.constant 0 : i32
        %dma_wait3A_549 = tpu.memref_slice %arg8[%dma_wait3A_547, %dma_wait3A_548] : memref<10240x16xf32, #tpu.memory_space<vmem_shared>> -> memref<10240x16xf32, #tpu.memory_space<vmem_shared>>
        tpu.wait_indirect_dma semaphore(%run_scoped3A_537 : memref<!tpu.dma_semaphore, #tpu.memory_space<semaphore_mem>>) src(%arg15 : memref<80x16xf32, #tpu.memory_space<vmem>>) dst(%dma_wait3A_549 : memref<10240x16xf32, #tpu.memory_space<vmem_shared>>)
        tpu.yield
      }) : () -> ()
      %add3A_519 = arith.constant 1 : i32
      %add3A_520 = arith.addi %mul3A_504, %add3A_519 : i32
      %dma_wait3A_521 = arith.constant 0 : i32
      %dma_wait3A_522 = tpu.memref_slice %arg11[%add3A_520, %dma_wait3A_521] : memref<25x80xi32, #tpu.memory_space<vmem>> -> memref<1x80xi32, #tpu.memory_space<vmem>>
      %dma_wait3A_523 = tpu.memref_squeeze %dma_wait3A_522 : memref<1x80xi32, #tpu.memory_space<vmem>> -> memref<80xi32, #tpu.memory_space<vmem>>
      %dma_wait3A_524 = arith.constant 0 : i32
      %dma_wait3A_525 = arith.constant 0 : i32
      %dma_wait3A_526 = tpu.memref_slice %arg2[%dma_wait3A_524, %dma_wait3A_525] : memref<80000x128xf32, #tpu.memory_space<hbm>> -> memref<80000x128xf32, #tpu.memory_space<hbm>>
      tpu.wait_indirect_dma semaphore(%arg18 : memref<!tpu.dma_semaphore, #tpu.memory_space<semaphore_mem>>) src(%dma_wait3A_526 : memref<80000x128xf32, #tpu.memory_space<hbm>>) dst(%arg14 : memref<80x128xf32, #tpu.memory_space<vmem>>)
      %add3A_527 = arith.constant 2 : i32
      %add3A_528 = arith.addi %mul3A_504, %add3A_527 : i32
      %dma_start3A_529 = arith.constant 0 : i32
      %dma_start3A_530 = tpu.memref_slice %arg11[%add3A_528, %dma_start3A_529] : memref<25x80xi32, #tpu.memory_space<vmem>> -> memref<1x80xi32, #tpu.memory_space<vmem>>
      %dma_start3A_531 = tpu.memref_squeeze %dma_start3A_530 : memref<1x80xi32, #tpu.memory_space<vmem>> -> memref<80xi32, #tpu.memory_space<vmem>>
      %dma_start3A_532 = arith.constant 0 : i32
      %dma_start3A_533 = arith.constant 0 : i32
      %dma_start3A_534 = tpu.memref_slice %arg2[%dma_start3A_532, %dma_start3A_533] : memref<80000x128xf32, #tpu.memory_space<hbm>> -> memref<80000x128xf32, #tpu.memory_space<hbm>>
      tpu.enqueue_indirect_dma source(%dma_start3A_534 : memref<80000x128xf32, #tpu.memory_space<hbm>>) target(%arg13 : memref<80x128xf32, #tpu.memory_space<vmem>>) offsets(%dma_start3A_531 : memref<80xi32, #tpu.memory_space<vmem>>) semaphore(%arg17 : memref<!tpu.dma_semaphore, #tpu.memory_space<semaphore_mem>>)
      %add3A_535 = arith.constant 1 : i32
      %add3A_536 = arith.addi %mul3A_504, %add3A_535 : i32
      "tpu.region"() ({
        %run_scoped3A_537 = tpu.sem_alloc : memref<!tpu.dma_semaphore, #tpu.memory_space<semaphore_mem>>
        %dma_start3A_538 = arith.constant 0 : i32
        %dma_start3A_539 = tpu.memref_slice %arg12[%add3A_536, %dma_start3A_538] : memref<25x80xi32, #tpu.memory_space<vmem>> -> memref<1x80xi32, #tpu.memory_space<vmem>>
        %dma_start3A_540 = tpu.memref_squeeze %dma_start3A_539 : memref<1x80xi32, #tpu.memory_space<vmem>> -> memref<80xi32, #tpu.memory_space<vmem>>
        %dma_start3A_541 = arith.constant 0 : i32
        %dma_start3A_542 = arith.constant 0 : i32
        %dma_start3A_543 = tpu.memref_slice %arg7[%dma_start3A_541, %dma_start3A_542] : memref<10240x128xf32, #tpu.memory_space<vmem_shared>> -> memref<10240x128xf32, #tpu.memory_space<vmem_shared>>
        tpu.enqueue_indirect_dma source(%arg14 : memref<80x128xf32, #tpu.memory_space<vmem>>) target(%dma_start3A_543 : memref<10240x128xf32, #tpu.memory_space<vmem_shared>>) offsets(%dma_start3A_540 : memref<80xi32, #tpu.memory_space<vmem>>) semaphore(%run_scoped3A_537 : memref<!tpu.dma_semaphore, #tpu.memory_space<semaphore_mem>>) {add = true}
        %dma_wait3A_544 = arith.constant 0 : i32
        %dma_wait3A_545 = tpu.memref_slice %arg12[%add3A_536, %dma_wait3A_544] : memref<25x80xi32, #tpu.memory_space<vmem>> -> memref<1x80xi32, #tpu.memory_space<vmem>>
        %dma_wait3A_546 = tpu.memref_squeeze %dma_wait3A_545 : memref<1x80xi32, #tpu.memory_space<vmem>> -> memref<80xi32, #tpu.memory_space<vmem>>
        %dma_wait3A_547 = arith.constant 0 : i32
        %dma_wait3A_548 = arith.constant 0 : i32
        %dma_wait3A_549 = tpu.memref_slice %arg7[%dma_wait3A_547, %dma_wait3A_548] : memref<10240x128xf32, #tpu.memory_space<vmem_shared>> -> memref<10240x128xf32, #tpu.memory_space<vmem_shared>>
        tpu.wait_indirect_dma semaphore(%run_scoped3A_537 : memref<!tpu.dma_semaphore, #tpu.memory_space<semaphore_mem>>) src(%arg14 : memref<80x128xf32, #tpu.memory_space<vmem>>) dst(%dma_wait3A_549 : memref<10240x128xf32, #tpu.memory_space<vmem_shared>>)
        tpu.yield
      }) : () -> ()
      "tpu.region"() ({
        %run_scoped3A_537 = tpu.sem_alloc : memref<!tpu.dma_semaphore, #tpu.memory_space<semaphore_mem>>
        %dma_start3A_538 = arith.constant 0 : i32
        %dma_start3A_539 = tpu.memref_slice %arg12[%add3A_536, %dma_start3A_538] : memref<25x80xi32, #tpu.memory_space<vmem>> -> memref<1x80xi32, #tpu.memory_space<vmem>>
        %dma_start3A_540 = tpu.memref_squeeze %dma_start3A_539 : memref<1x80xi32, #tpu.memory_space<vmem>> -> memref<80xi32, #tpu.memory_space<vmem>>
        %dma_start3A_541 = arith.constant 0 : i32
        %dma_start3A_542 = arith.constant 0 : i32
        %dma_start3A_543 = tpu.memref_slice %arg8[%dma_start3A_541, %dma_start3A_542] : memref<10240x16xf32, #tpu.memory_space<vmem_shared>> -> memref<10240x16xf32, #tpu.memory_space<vmem_shared>>
        tpu.enqueue_indirect_dma source(%arg15 : memref<80x16xf32, #tpu.memory_space<vmem>>) target(%dma_start3A_543 : memref<10240x16xf32, #tpu.memory_space<vmem_shared>>) offsets(%dma_start3A_540 : memref<80xi32, #tpu.memory_space<vmem>>) semaphore(%run_scoped3A_537 : memref<!tpu.dma_semaphore, #tpu.memory_space<semaphore_mem>>) {add = true}
        %dma_wait3A_544 = arith.constant 0 : i32
        %dma_wait3A_545 = tpu.memref_slice %arg12[%add3A_536, %dma_wait3A_544] : memref<25x80xi32, #tpu.memory_space<vmem>> -> memref<1x80xi32, #tpu.memory_space<vmem>>
        %dma_wait3A_546 = tpu.memref_squeeze %dma_wait3A_545 : memref<1x80xi32, #tpu.memory_space<vmem>> -> memref<80xi32, #tpu.memory_space<vmem>>
        %dma_wait3A_547 = arith.constant 0 : i32
        %dma_wait3A_548 = arith.constant 0 : i32
        %dma_wait3A_549 = tpu.memref_slice %arg8[%dma_wait3A_547, %dma_wait3A_548] : memref<10240x16xf32, #tpu.memory_space<vmem_shared>> -> memref<10240x16xf32, #tpu.memory_space<vmem_shared>>
        tpu.wait_indirect_dma semaphore(%run_scoped3A_537 : memref<!tpu.dma_semaphore, #tpu.memory_space<semaphore_mem>>) src(%arg15 : memref<80x16xf32, #tpu.memory_space<vmem>>) dst(%dma_wait3A_549 : memref<10240x16xf32, #tpu.memory_space<vmem_shared>>)
        tpu.yield
      }) : () -> ()
    }
    %scan3A_452 = arith.constant 12 : i32
    %dma_wait3A_453 = arith.constant 24 : i32
    %dma_wait3A_454 = arith.constant 0 : i32
    %dma_wait3A_455 = tpu.memref_slice %arg11[%dma_wait3A_453, %dma_wait3A_454] : memref<25x80xi32, #tpu.memory_space<vmem>> -> memref<1x80xi32, #tpu.memory_space<vmem>>
    %dma_wait3A_456 = tpu.memref_squeeze %dma_wait3A_455 : memref<1x80xi32, #tpu.memory_space<vmem>> -> memref<80xi32, #tpu.memory_space<vmem>>
    %dma_wait3A_457 = arith.constant 0 : i32
    %dma_wait3A_458 = arith.constant 0 : i32
    %dma_wait3A_459 = tpu.memref_slice %arg2[%dma_wait3A_457, %dma_wait3A_458] : memref<80000x128xf32, #tpu.memory_space<hbm>> -> memref<80000x128xf32, #tpu.memory_space<hbm>>
    tpu.wait_indirect_dma semaphore(%arg17 : memref<!tpu.dma_semaphore, #tpu.memory_space<semaphore_mem>>) src(%dma_wait3A_459 : memref<80000x128xf32, #tpu.memory_space<hbm>>) dst(%arg13 : memref<80x128xf32, #tpu.memory_space<vmem>>)
    %run_scoped3A_460 = arith.constant 24 : i32
    "tpu.region"() ({
      %run_scoped3A_502 = tpu.sem_alloc : memref<!tpu.dma_semaphore, #tpu.memory_space<semaphore_mem>>
      %dma_start3A_503 = arith.constant 0 : i32
      %dma_start3A_504 = tpu.memref_slice %arg12[%run_scoped3A_460, %dma_start3A_503] : memref<25x80xi32, #tpu.memory_space<vmem>> -> memref<1x80xi32, #tpu.memory_space<vmem>>
      %dma_start3A_505 = tpu.memref_squeeze %dma_start3A_504 : memref<1x80xi32, #tpu.memory_space<vmem>> -> memref<80xi32, #tpu.memory_space<vmem>>
      %dma_start3A_506 = arith.constant 0 : i32
      %dma_start3A_507 = arith.constant 0 : i32
      %dma_start3A_508 = tpu.memref_slice %arg7[%dma_start3A_506, %dma_start3A_507] : memref<10240x128xf32, #tpu.memory_space<vmem_shared>> -> memref<10240x128xf32, #tpu.memory_space<vmem_shared>>
      tpu.enqueue_indirect_dma source(%arg13 : memref<80x128xf32, #tpu.memory_space<vmem>>) target(%dma_start3A_508 : memref<10240x128xf32, #tpu.memory_space<vmem_shared>>) offsets(%dma_start3A_505 : memref<80xi32, #tpu.memory_space<vmem>>) semaphore(%run_scoped3A_502 : memref<!tpu.dma_semaphore, #tpu.memory_space<semaphore_mem>>) {add = true}
      %dma_wait3A_509 = arith.constant 0 : i32
      %dma_wait3A_510 = tpu.memref_slice %arg12[%run_scoped3A_460, %dma_wait3A_509] : memref<25x80xi32, #tpu.memory_space<vmem>> -> memref<1x80xi32, #tpu.memory_space<vmem>>
      %dma_wait3A_511 = tpu.memref_squeeze %dma_wait3A_510 : memref<1x80xi32, #tpu.memory_space<vmem>> -> memref<80xi32, #tpu.memory_space<vmem>>
      %dma_wait3A_512 = arith.constant 0 : i32
      %dma_wait3A_513 = arith.constant 0 : i32
      %dma_wait3A_514 = tpu.memref_slice %arg7[%dma_wait3A_512, %dma_wait3A_513] : memref<10240x128xf32, #tpu.memory_space<vmem_shared>> -> memref<10240x128xf32, #tpu.memory_space<vmem_shared>>
      tpu.wait_indirect_dma semaphore(%run_scoped3A_502 : memref<!tpu.dma_semaphore, #tpu.memory_space<semaphore_mem>>) src(%arg13 : memref<80x128xf32, #tpu.memory_space<vmem>>) dst(%dma_wait3A_514 : memref<10240x128xf32, #tpu.memory_space<vmem_shared>>)
      tpu.yield
    }) : () -> ()
    %run_scoped3A_461 = arith.constant 24 : i32
    "tpu.region"() ({
      %run_scoped3A_502 = tpu.sem_alloc : memref<!tpu.dma_semaphore, #tpu.memory_space<semaphore_mem>>
      %dma_start3A_503 = arith.constant 0 : i32
      %dma_start3A_504 = tpu.memref_slice %arg12[%run_scoped3A_461, %dma_start3A_503] : memref<25x80xi32, #tpu.memory_space<vmem>> -> memref<1x80xi32, #tpu.memory_space<vmem>>
      %dma_start3A_505 = tpu.memref_squeeze %dma_start3A_504 : memref<1x80xi32, #tpu.memory_space<vmem>> -> memref<80xi32, #tpu.memory_space<vmem>>
      %dma_start3A_506 = arith.constant 0 : i32
      %dma_start3A_507 = arith.constant 0 : i32
      %dma_start3A_508 = tpu.memref_slice %arg8[%dma_start3A_506, %dma_start3A_507] : memref<10240x16xf32, #tpu.memory_space<vmem_shared>> -> memref<10240x16xf32, #tpu.memory_space<vmem_shared>>
      tpu.enqueue_indirect_dma source(%arg15 : memref<80x16xf32, #tpu.memory_space<vmem>>) target(%dma_start3A_508 : memref<10240x16xf32, #tpu.memory_space<vmem_shared>>) offsets(%dma_start3A_505 : memref<80xi32, #tpu.memory_space<vmem>>) semaphore(%run_scoped3A_502 : memref<!tpu.dma_semaphore, #tpu.memory_space<semaphore_mem>>) {add = true}
      %dma_wait3A_509 = arith.constant 0 : i32
      %dma_wait3A_510 = tpu.memref_slice %arg12[%run_scoped3A_461, %dma_wait3A_509] : memref<25x80xi32, #tpu.memory_space<vmem>> -> memref<1x80xi32, #tpu.memory_space<vmem>>
      %dma_wait3A_511 = tpu.memref_squeeze %dma_wait3A_510 : memref<1x80xi32, #tpu.memory_space<vmem>> -> memref<80xi32, #tpu.memory_space<vmem>>
      %dma_wait3A_512 = arith.constant 0 : i32
      %dma_wait3A_513 = arith.constant 0 : i32
      %dma_wait3A_514 = tpu.memref_slice %arg8[%dma_wait3A_512, %dma_wait3A_513] : memref<10240x16xf32, #tpu.memory_space<vmem_shared>> -> memref<10240x16xf32, #tpu.memory_space<vmem_shared>>
      tpu.wait_indirect_dma semaphore(%run_scoped3A_502 : memref<!tpu.dma_semaphore, #tpu.memory_space<semaphore_mem>>) src(%arg15 : memref<80x16xf32, #tpu.memory_space<vmem>>) dst(%dma_wait3A_514 : memref<10240x16xf32, #tpu.memory_space<vmem_shared>>)
      tpu.yield
    }) : () -> ()
    %dma_wait3A_462 = arith.constant 100 : i32
    %dma_wait3A_463 = arith.constant 0 : i32
    %dma_wait3A_464 = tpu.memref_slice %arg3[%add3A, %dma_wait3A_462, %dma_wait3A_463] : memref<32x125x80xi32, #tpu.memory_space<hbm>> -> memref<1x25x80xi32, #tpu.memory_space<hbm>>
    %dma_wait3A_465 = tpu.memref_squeeze %dma_wait3A_464 : memref<1x25x80xi32, #tpu.memory_space<hbm>> -> memref<25x80xi32, #tpu.memory_space<hbm>>
    %dma_wait3A_466 = arith.constant 100 : i32
    %dma_wait3A_467 = arith.constant 0 : i32
    %dma_wait3A_468 = tpu.memref_slice %arg3[%add3A, %dma_wait3A_466, %dma_wait3A_467] : memref<32x125x80xi32, #tpu.memory_space<hbm>> -> memref<1x25x80xi32, #tpu.memory_space<hbm>>
    %dma_wait3A_469 = tpu.memref_squeeze %dma_wait3A_468 : memref<1x25x80xi32, #tpu.memory_space<hbm>> -> memref<25x80xi32, #tpu.memory_space<hbm>>
    tpu.wait_dma2 semaphore(%arg19 : memref<!tpu.dma_semaphore, #tpu.memory_space<semaphore_mem>>) src(%dma_wait3A_469 : memref<25x80xi32, #tpu.memory_space<hbm>>) dst(%arg9 : memref<25x80xi32, #tpu.memory_space<vmem>>)
    %dma_wait3A_470 = arith.constant 100 : i32
    %dma_wait3A_471 = arith.constant 0 : i32
    %dma_wait3A_472 = tpu.memref_slice %arg4[%add3A, %dma_wait3A_470, %dma_wait3A_471] : memref<32x125x80xi32, #tpu.memory_space<hbm>> -> memref<1x25x80xi32, #tpu.memory_space<hbm>>
    %dma_wait3A_473 = tpu.memref_squeeze %dma_wait3A_472 : memref<1x25x80xi32, #tpu.memory_space<hbm>> -> memref<25x80xi32, #tpu.memory_space<hbm>>
    %dma_wait3A_474 = arith.constant 100 : i32
    %dma_wait3A_475 = arith.constant 0 : i32
    %dma_wait3A_476 = tpu.memref_slice %arg4[%add3A, %dma_wait3A_474, %dma_wait3A_475] : memref<32x125x80xi32, #tpu.memory_space<hbm>> -> memref<1x25x80xi32, #tpu.memory_space<hbm>>
    %dma_wait3A_477 = tpu.memref_squeeze %dma_wait3A_476 : memref<1x25x80xi32, #tpu.memory_space<hbm>> -> memref<25x80xi32, #tpu.memory_space<hbm>>
    tpu.wait_dma2 semaphore(%arg20 : memref<!tpu.dma_semaphore, #tpu.memory_space<semaphore_mem>>) src(%dma_wait3A_477 : memref<25x80xi32, #tpu.memory_space<hbm>>) dst(%arg10 : memref<25x80xi32, #tpu.memory_space<vmem>>)
    %dma_start3A_478 = arith.constant 0 : i32
    %dma_start3A_479 = arith.constant 0 : i32
    %dma_start3A_480 = tpu.memref_slice %arg9[%dma_start3A_478, %dma_start3A_479] : memref<25x80xi32, #tpu.memory_space<vmem>> -> memref<1x80xi32, #tpu.memory_space<vmem>>
    %dma_start3A_481 = tpu.memref_squeeze %dma_start3A_480 : memref<1x80xi32, #tpu.memory_space<vmem>> -> memref<80xi32, #tpu.memory_space<vmem>>
    %dma_start3A_482 = arith.constant 0 : i32
    %dma_start3A_483 = arith.constant 0 : i32
    %dma_start3A_484 = tpu.memref_slice %arg2[%dma_start3A_482, %dma_start3A_483] : memref<80000x128xf32, #tpu.memory_space<hbm>> -> memref<80000x128xf32, #tpu.memory_space<hbm>>
    tpu.enqueue_indirect_dma source(%dma_start3A_484 : memref<80000x128xf32, #tpu.memory_space<hbm>>) target(%arg13 : memref<80x128xf32, #tpu.memory_space<vmem>>) offsets(%dma_start3A_481 : memref<80xi32, #tpu.memory_space<vmem>>) semaphore(%arg17 : memref<!tpu.dma_semaphore, #tpu.memory_space<semaphore_mem>>)
    %scan3A_485 = arith.constant 0 : i32
    %scan3A_486 = arith.constant 12 : i32
    %scan3A_487 = arith.addi %scan3A_485, %scan3A_486 : i32
    %scan3A_488 = arith.constant 1 : i32
    scf.for %scan3A_502 = %scan3A_485 to %scan3A_487 step %scan3A_488  : i32 {
      %mul3A_503 = arith.constant 2 : i32
      %mul3A_504 = arith.muli %mul3A_503, %scan3A_502 : i32
      %dma_wait3A_505 = arith.constant 0 : i32
      %dma_wait3A_506 = tpu.memref_slice %arg9[%mul3A_504, %dma_wait3A_505] : memref<25x80xi32, #tpu.memory_space<vmem>> -> memref<1x80xi32, #tpu.memory_space<vmem>>
      %dma_wait3A_507 = tpu.memref_squeeze %dma_wait3A_506 : memref<1x80xi32, #tpu.memory_space<vmem>> -> memref<80xi32, #tpu.memory_space<vmem>>
      %dma_wait3A_508 = arith.constant 0 : i32
      %dma_wait3A_509 = arith.constant 0 : i32
      %dma_wait3A_510 = tpu.memref_slice %arg2[%dma_wait3A_508, %dma_wait3A_509] : memref<80000x128xf32, #tpu.memory_space<hbm>> -> memref<80000x128xf32, #tpu.memory_space<hbm>>
      tpu.wait_indirect_dma semaphore(%arg17 : memref<!tpu.dma_semaphore, #tpu.memory_space<semaphore_mem>>) src(%dma_wait3A_510 : memref<80000x128xf32, #tpu.memory_space<hbm>>) dst(%arg13 : memref<80x128xf32, #tpu.memory_space<vmem>>)
      %add3A_511 = arith.constant 1 : i32
      %add3A_512 = arith.addi %mul3A_504, %add3A_511 : i32
      %dma_start3A_513 = arith.constant 0 : i32
      %dma_start3A_514 = tpu.memref_slice %arg9[%add3A_512, %dma_start3A_513] : memref<25x80xi32, #tpu.memory_space<vmem>> -> memref<1x80xi32, #tpu.memory_space<vmem>>
      %dma_start3A_515 = tpu.memref_squeeze %dma_start3A_514 : memref<1x80xi32, #tpu.memory_space<vmem>> -> memref<80xi32, #tpu.memory_space<vmem>>
      %dma_start3A_516 = arith.constant 0 : i32
      %dma_start3A_517 = arith.constant 0 : i32
      %dma_start3A_518 = tpu.memref_slice %arg2[%dma_start3A_516, %dma_start3A_517] : memref<80000x128xf32, #tpu.memory_space<hbm>> -> memref<80000x128xf32, #tpu.memory_space<hbm>>
      tpu.enqueue_indirect_dma source(%dma_start3A_518 : memref<80000x128xf32, #tpu.memory_space<hbm>>) target(%arg14 : memref<80x128xf32, #tpu.memory_space<vmem>>) offsets(%dma_start3A_515 : memref<80xi32, #tpu.memory_space<vmem>>) semaphore(%arg18 : memref<!tpu.dma_semaphore, #tpu.memory_space<semaphore_mem>>)
      "tpu.region"() ({
        %run_scoped3A_537 = tpu.sem_alloc : memref<!tpu.dma_semaphore, #tpu.memory_space<semaphore_mem>>
        %dma_start3A_538 = arith.constant 0 : i32
        %dma_start3A_539 = tpu.memref_slice %arg10[%mul3A_504, %dma_start3A_538] : memref<25x80xi32, #tpu.memory_space<vmem>> -> memref<1x80xi32, #tpu.memory_space<vmem>>
        %dma_start3A_540 = tpu.memref_squeeze %dma_start3A_539 : memref<1x80xi32, #tpu.memory_space<vmem>> -> memref<80xi32, #tpu.memory_space<vmem>>
        %dma_start3A_541 = arith.constant 0 : i32
        %dma_start3A_542 = arith.constant 0 : i32
        %dma_start3A_543 = tpu.memref_slice %arg7[%dma_start3A_541, %dma_start3A_542] : memref<10240x128xf32, #tpu.memory_space<vmem_shared>> -> memref<10240x128xf32, #tpu.memory_space<vmem_shared>>
        tpu.enqueue_indirect_dma source(%arg13 : memref<80x128xf32, #tpu.memory_space<vmem>>) target(%dma_start3A_543 : memref<10240x128xf32, #tpu.memory_space<vmem_shared>>) offsets(%dma_start3A_540 : memref<80xi32, #tpu.memory_space<vmem>>) semaphore(%run_scoped3A_537 : memref<!tpu.dma_semaphore, #tpu.memory_space<semaphore_mem>>) {add = true}
        %dma_wait3A_544 = arith.constant 0 : i32
        %dma_wait3A_545 = tpu.memref_slice %arg10[%mul3A_504, %dma_wait3A_544] : memref<25x80xi32, #tpu.memory_space<vmem>> -> memref<1x80xi32, #tpu.memory_space<vmem>>
        %dma_wait3A_546 = tpu.memref_squeeze %dma_wait3A_545 : memref<1x80xi32, #tpu.memory_space<vmem>> -> memref<80xi32, #tpu.memory_space<vmem>>
        %dma_wait3A_547 = arith.constant 0 : i32
        %dma_wait3A_548 = arith.constant 0 : i32
        %dma_wait3A_549 = tpu.memref_slice %arg7[%dma_wait3A_547, %dma_wait3A_548] : memref<10240x128xf32, #tpu.memory_space<vmem_shared>> -> memref<10240x128xf32, #tpu.memory_space<vmem_shared>>
        tpu.wait_indirect_dma semaphore(%run_scoped3A_537 : memref<!tpu.dma_semaphore, #tpu.memory_space<semaphore_mem>>) src(%arg13 : memref<80x128xf32, #tpu.memory_space<vmem>>) dst(%dma_wait3A_549 : memref<10240x128xf32, #tpu.memory_space<vmem_shared>>)
        tpu.yield
      }) : () -> ()
      "tpu.region"() ({
        %run_scoped3A_537 = tpu.sem_alloc : memref<!tpu.dma_semaphore, #tpu.memory_space<semaphore_mem>>
        %dma_start3A_538 = arith.constant 0 : i32
        %dma_start3A_539 = tpu.memref_slice %arg10[%mul3A_504, %dma_start3A_538] : memref<25x80xi32, #tpu.memory_space<vmem>> -> memref<1x80xi32, #tpu.memory_space<vmem>>
        %dma_start3A_540 = tpu.memref_squeeze %dma_start3A_539 : memref<1x80xi32, #tpu.memory_space<vmem>> -> memref<80xi32, #tpu.memory_space<vmem>>
        %dma_start3A_541 = arith.constant 0 : i32
        %dma_start3A_542 = arith.constant 0 : i32
        %dma_start3A_543 = tpu.memref_slice %arg8[%dma_start3A_541, %dma_start3A_542] : memref<10240x16xf32, #tpu.memory_space<vmem_shared>> -> memref<10240x16xf32, #tpu.memory_space<vmem_shared>>
        tpu.enqueue_indirect_dma source(%arg15 : memref<80x16xf32, #tpu.memory_space<vmem>>) target(%dma_start3A_543 : memref<10240x16xf32, #tpu.memory_space<vmem_shared>>) offsets(%dma_start3A_540 : memref<80xi32, #tpu.memory_space<vmem>>) semaphore(%run_scoped3A_537 : memref<!tpu.dma_semaphore, #tpu.memory_space<semaphore_mem>>) {add = true}
        %dma_wait3A_544 = arith.constant 0 : i32
        %dma_wait3A_545 = tpu.memref_slice %arg10[%mul3A_504, %dma_wait3A_544] : memref<25x80xi32, #tpu.memory_space<vmem>> -> memref<1x80xi32, #tpu.memory_space<vmem>>
        %dma_wait3A_546 = tpu.memref_squeeze %dma_wait3A_545 : memref<1x80xi32, #tpu.memory_space<vmem>> -> memref<80xi32, #tpu.memory_space<vmem>>
        %dma_wait3A_547 = arith.constant 0 : i32
        %dma_wait3A_548 = arith.constant 0 : i32
        %dma_wait3A_549 = tpu.memref_slice %arg8[%dma_wait3A_547, %dma_wait3A_548] : memref<10240x16xf32, #tpu.memory_space<vmem_shared>> -> memref<10240x16xf32, #tpu.memory_space<vmem_shared>>
        tpu.wait_indirect_dma semaphore(%run_scoped3A_537 : memref<!tpu.dma_semaphore, #tpu.memory_space<semaphore_mem>>) src(%arg15 : memref<80x16xf32, #tpu.memory_space<vmem>>) dst(%dma_wait3A_549 : memref<10240x16xf32, #tpu.memory_space<vmem_shared>>)
        tpu.yield
      }) : () -> ()
      %add3A_519 = arith.constant 1 : i32
      %add3A_520 = arith.addi %mul3A_504, %add3A_519 : i32
      %dma_wait3A_521 = arith.constant 0 : i32
      %dma_wait3A_522 = tpu.memref_slice %arg9[%add3A_520, %dma_wait3A_521] : memref<25x80xi32, #tpu.memory_space<vmem>> -> memref<1x80xi32, #tpu.memory_space<vmem>>
      %dma_wait3A_523 = tpu.memref_squeeze %dma_wait3A_522 : memref<1x80xi32, #tpu.memory_space<vmem>> -> memref<80xi32, #tpu.memory_space<vmem>>
      %dma_wait3A_524 = arith.constant 0 : i32
      %dma_wait3A_525 = arith.constant 0 : i32
      %dma_wait3A_526 = tpu.memref_slice %arg2[%dma_wait3A_524, %dma_wait3A_525] : memref<80000x128xf32, #tpu.memory_space<hbm>> -> memref<80000x128xf32, #tpu.memory_space<hbm>>
      tpu.wait_indirect_dma semaphore(%arg18 : memref<!tpu.dma_semaphore, #tpu.memory_space<semaphore_mem>>) src(%dma_wait3A_526 : memref<80000x128xf32, #tpu.memory_space<hbm>>) dst(%arg14 : memref<80x128xf32, #tpu.memory_space<vmem>>)
      %add3A_527 = arith.constant 2 : i32
      %add3A_528 = arith.addi %mul3A_504, %add3A_527 : i32
      %dma_start3A_529 = arith.constant 0 : i32
      %dma_start3A_530 = tpu.memref_slice %arg9[%add3A_528, %dma_start3A_529] : memref<25x80xi32, #tpu.memory_space<vmem>> -> memref<1x80xi32, #tpu.memory_space<vmem>>
      %dma_start3A_531 = tpu.memref_squeeze %dma_start3A_530 : memref<1x80xi32, #tpu.memory_space<vmem>> -> memref<80xi32, #tpu.memory_space<vmem>>
      %dma_start3A_532 = arith.constant 0 : i32
      %dma_start3A_533 = arith.constant 0 : i32
      %dma_start3A_534 = tpu.memref_slice %arg2[%dma_start3A_532, %dma_start3A_533] : memref<80000x128xf32, #tpu.memory_space<hbm>> -> memref<80000x128xf32, #tpu.memory_space<hbm>>
      tpu.enqueue_indirect_dma source(%dma_start3A_534 : memref<80000x128xf32, #tpu.memory_space<hbm>>) target(%arg13 : memref<80x128xf32, #tpu.memory_space<vmem>>) offsets(%dma_start3A_531 : memref<80xi32, #tpu.memory_space<vmem>>) semaphore(%arg17 : memref<!tpu.dma_semaphore, #tpu.memory_space<semaphore_mem>>)
      %add3A_535 = arith.constant 1 : i32
      %add3A_536 = arith.addi %mul3A_504, %add3A_535 : i32
      "tpu.region"() ({
        %run_scoped3A_537 = tpu.sem_alloc : memref<!tpu.dma_semaphore, #tpu.memory_space<semaphore_mem>>
        %dma_start3A_538 = arith.constant 0 : i32
        %dma_start3A_539 = tpu.memref_slice %arg10[%add3A_536, %dma_start3A_538] : memref<25x80xi32, #tpu.memory_space<vmem>> -> memref<1x80xi32, #tpu.memory_space<vmem>>
        %dma_start3A_540 = tpu.memref_squeeze %dma_start3A_539 : memref<1x80xi32, #tpu.memory_space<vmem>> -> memref<80xi32, #tpu.memory_space<vmem>>
        %dma_start3A_541 = arith.constant 0 : i32
        %dma_start3A_542 = arith.constant 0 : i32
        %dma_start3A_543 = tpu.memref_slice %arg7[%dma_start3A_541, %dma_start3A_542] : memref<10240x128xf32, #tpu.memory_space<vmem_shared>> -> memref<10240x128xf32, #tpu.memory_space<vmem_shared>>
        tpu.enqueue_indirect_dma source(%arg14 : memref<80x128xf32, #tpu.memory_space<vmem>>) target(%dma_start3A_543 : memref<10240x128xf32, #tpu.memory_space<vmem_shared>>) offsets(%dma_start3A_540 : memref<80xi32, #tpu.memory_space<vmem>>) semaphore(%run_scoped3A_537 : memref<!tpu.dma_semaphore, #tpu.memory_space<semaphore_mem>>) {add = true}
        %dma_wait3A_544 = arith.constant 0 : i32
        %dma_wait3A_545 = tpu.memref_slice %arg10[%add3A_536, %dma_wait3A_544] : memref<25x80xi32, #tpu.memory_space<vmem>> -> memref<1x80xi32, #tpu.memory_space<vmem>>
        %dma_wait3A_546 = tpu.memref_squeeze %dma_wait3A_545 : memref<1x80xi32, #tpu.memory_space<vmem>> -> memref<80xi32, #tpu.memory_space<vmem>>
        %dma_wait3A_547 = arith.constant 0 : i32
        %dma_wait3A_548 = arith.constant 0 : i32
        %dma_wait3A_549 = tpu.memref_slice %arg7[%dma_wait3A_547, %dma_wait3A_548] : memref<10240x128xf32, #tpu.memory_space<vmem_shared>> -> memref<10240x128xf32, #tpu.memory_space<vmem_shared>>
        tpu.wait_indirect_dma semaphore(%run_scoped3A_537 : memref<!tpu.dma_semaphore, #tpu.memory_space<semaphore_mem>>) src(%arg14 : memref<80x128xf32, #tpu.memory_space<vmem>>) dst(%dma_wait3A_549 : memref<10240x128xf32, #tpu.memory_space<vmem_shared>>)
        tpu.yield
      }) : () -> ()
      "tpu.region"() ({
        %run_scoped3A_537 = tpu.sem_alloc : memref<!tpu.dma_semaphore, #tpu.memory_space<semaphore_mem>>
        %dma_start3A_538 = arith.constant 0 : i32
        %dma_start3A_539 = tpu.memref_slice %arg10[%add3A_536, %dma_start3A_538] : memref<25x80xi32, #tpu.memory_space<vmem>> -> memref<1x80xi32, #tpu.memory_space<vmem>>
        %dma_start3A_540 = tpu.memref_squeeze %dma_start3A_539 : memref<1x80xi32, #tpu.memory_space<vmem>> -> memref<80xi32, #tpu.memory_space<vmem>>
        %dma_start3A_541 = arith.constant 0 : i32
        %dma_start3A_542 = arith.constant 0 : i32
        %dma_start3A_543 = tpu.memref_slice %arg8[%dma_start3A_541, %dma_start3A_542] : memref<10240x16xf32, #tpu.memory_space<vmem_shared>> -> memref<10240x16xf32, #tpu.memory_space<vmem_shared>>
        tpu.enqueue_indirect_dma source(%arg15 : memref<80x16xf32, #tpu.memory_space<vmem>>) target(%dma_start3A_543 : memref<10240x16xf32, #tpu.memory_space<vmem_shared>>) offsets(%dma_start3A_540 : memref<80xi32, #tpu.memory_space<vmem>>) semaphore(%run_scoped3A_537 : memref<!tpu.dma_semaphore, #tpu.memory_space<semaphore_mem>>) {add = true}
        %dma_wait3A_544 = arith.constant 0 : i32
        %dma_wait3A_545 = tpu.memref_slice %arg10[%add3A_536, %dma_wait3A_544] : memref<25x80xi32, #tpu.memory_space<vmem>> -> memref<1x80xi32, #tpu.memory_space<vmem>>
        %dma_wait3A_546 = tpu.memref_squeeze %dma_wait3A_545 : memref<1x80xi32, #tpu.memory_space<vmem>> -> memref<80xi32, #tpu.memory_space<vmem>>
        %dma_wait3A_547 = arith.constant 0 : i32
        %dma_wait3A_548 = arith.constant 0 : i32
        %dma_wait3A_549 = tpu.memref_slice %arg8[%dma_wait3A_547, %dma_wait3A_548] : memref<10240x16xf32, #tpu.memory_space<vmem_shared>> -> memref<10240x16xf32, #tpu.memory_space<vmem_shared>>
        tpu.wait_indirect_dma semaphore(%run_scoped3A_537 : memref<!tpu.dma_semaphore, #tpu.memory_space<semaphore_mem>>) src(%arg15 : memref<80x16xf32, #tpu.memory_space<vmem>>) dst(%dma_wait3A_549 : memref<10240x16xf32, #tpu.memory_space<vmem_shared>>)
        tpu.yield
      }) : () -> ()
    }
    %scan3A_489 = arith.constant 12 : i32
    %dma_wait3A_490 = arith.constant 24 : i32
    %dma_wait3A_491 = arith.constant 0 : i32
    %dma_wait3A_492 = tpu.memref_slice %arg9[%dma_wait3A_490, %dma_wait3A_491] : memref<25x80xi32, #tpu.memory_space<vmem>> -> memref<1x80xi32, #tpu.memory_space<vmem>>
    %dma_wait3A_493 = tpu.memref_squeeze %dma_wait3A_492 : memref<1x80xi32, #tpu.memory_space<vmem>> -> memref<80xi32, #tpu.memory_space<vmem>>
    %dma_wait3A_494 = arith.constant 0 : i32
    %dma_wait3A_495 = arith.constant 0 : i32
    %dma_wait3A_496 = tpu.memref_slice %arg2[%dma_wait3A_494, %dma_wait3A_495] : memref<80000x128xf32, #tpu.memory_space<hbm>> -> memref<80000x128xf32, #tpu.memory_space<hbm>>
    tpu.wait_indirect_dma semaphore(%arg17 : memref<!tpu.dma_semaphore, #tpu.memory_space<semaphore_mem>>) src(%dma_wait3A_496 : memref<80000x128xf32, #tpu.memory_space<hbm>>) dst(%arg13 : memref<80x128xf32, #tpu.memory_space<vmem>>)
    %run_scoped3A_497 = arith.constant 24 : i32
    "tpu.region"() ({
      %run_scoped3A_502 = tpu.sem_alloc : memref<!tpu.dma_semaphore, #tpu.memory_space<semaphore_mem>>
      %dma_start3A_503 = arith.constant 0 : i32
      %dma_start3A_504 = tpu.memref_slice %arg10[%run_scoped3A_497, %dma_start3A_503] : memref<25x80xi32, #tpu.memory_space<vmem>> -> memref<1x80xi32, #tpu.memory_space<vmem>>
      %dma_start3A_505 = tpu.memref_squeeze %dma_start3A_504 : memref<1x80xi32, #tpu.memory_space<vmem>> -> memref<80xi32, #tpu.memory_space<vmem>>
      %dma_start3A_506 = arith.constant 0 : i32
      %dma_start3A_507 = arith.constant 0 : i32
      %dma_start3A_508 = tpu.memref_slice %arg7[%dma_start3A_506, %dma_start3A_507] : memref<10240x128xf32, #tpu.memory_space<vmem_shared>> -> memref<10240x128xf32, #tpu.memory_space<vmem_shared>>
      tpu.enqueue_indirect_dma source(%arg13 : memref<80x128xf32, #tpu.memory_space<vmem>>) target(%dma_start3A_508 : memref<10240x128xf32, #tpu.memory_space<vmem_shared>>) offsets(%dma_start3A_505 : memref<80xi32, #tpu.memory_space<vmem>>) semaphore(%run_scoped3A_502 : memref<!tpu.dma_semaphore, #tpu.memory_space<semaphore_mem>>) {add = true}
      %dma_wait3A_509 = arith.constant 0 : i32
      %dma_wait3A_510 = tpu.memref_slice %arg10[%run_scoped3A_497, %dma_wait3A_509] : memref<25x80xi32, #tpu.memory_space<vmem>> -> memref<1x80xi32, #tpu.memory_space<vmem>>
      %dma_wait3A_511 = tpu.memref_squeeze %dma_wait3A_510 : memref<1x80xi32, #tpu.memory_space<vmem>> -> memref<80xi32, #tpu.memory_space<vmem>>
      %dma_wait3A_512 = arith.constant 0 : i32
      %dma_wait3A_513 = arith.constant 0 : i32
      %dma_wait3A_514 = tpu.memref_slice %arg7[%dma_wait3A_512, %dma_wait3A_513] : memref<10240x128xf32, #tpu.memory_space<vmem_shared>> -> memref<10240x128xf32, #tpu.memory_space<vmem_shared>>
      tpu.wait_indirect_dma semaphore(%run_scoped3A_502 : memref<!tpu.dma_semaphore, #tpu.memory_space<semaphore_mem>>) src(%arg13 : memref<80x128xf32, #tpu.memory_space<vmem>>) dst(%dma_wait3A_514 : memref<10240x128xf32, #tpu.memory_space<vmem_shared>>)
      tpu.yield
    }) : () -> ()
    %run_scoped3A_498 = arith.constant 24 : i32
    "tpu.region"() ({
      %run_scoped3A_502 = tpu.sem_alloc : memref<!tpu.dma_semaphore, #tpu.memory_space<semaphore_mem>>
      %dma_start3A_503 = arith.constant 0 : i32
      %dma_start3A_504 = tpu.memref_slice %arg10[%run_scoped3A_498, %dma_start3A_503] : memref<25x80xi32, #tpu.memory_space<vmem>> -> memref<1x80xi32, #tpu.memory_space<vmem>>
      %dma_start3A_505 = tpu.memref_squeeze %dma_start3A_504 : memref<1x80xi32, #tpu.memory_space<vmem>> -> memref<80xi32, #tpu.memory_space<vmem>>
      %dma_start3A_506 = arith.constant 0 : i32
      %dma_start3A_507 = arith.constant 0 : i32
      %dma_start3A_508 = tpu.memref_slice %arg8[%dma_start3A_506, %dma_start3A_507] : memref<10240x16xf32, #tpu.memory_space<vmem_shared>> -> memref<10240x16xf32, #tpu.memory_space<vmem_shared>>
      tpu.enqueue_indirect_dma source(%arg15 : memref<80x16xf32, #tpu.memory_space<vmem>>) target(%dma_start3A_508 : memref<10240x16xf32, #tpu.memory_space<vmem_shared>>) offsets(%dma_start3A_505 : memref<80xi32, #tpu.memory_space<vmem>>) semaphore(%run_scoped3A_502 : memref<!tpu.dma_semaphore, #tpu.memory_space<semaphore_mem>>) {add = true}
      %dma_wait3A_509 = arith.constant 0 : i32
      %dma_wait3A_510 = tpu.memref_slice %arg10[%run_scoped3A_498, %dma_wait3A_509] : memref<25x80xi32, #tpu.memory_space<vmem>> -> memref<1x80xi32, #tpu.memory_space<vmem>>
      %dma_wait3A_511 = tpu.memref_squeeze %dma_wait3A_510 : memref<1x80xi32, #tpu.memory_space<vmem>> -> memref<80xi32, #tpu.memory_space<vmem>>
      %dma_wait3A_512 = arith.constant 0 : i32
      %dma_wait3A_513 = arith.constant 0 : i32
      %dma_wait3A_514 = tpu.memref_slice %arg8[%dma_wait3A_512, %dma_wait3A_513] : memref<10240x16xf32, #tpu.memory_space<vmem_shared>> -> memref<10240x16xf32, #tpu.memory_space<vmem_shared>>
      tpu.wait_indirect_dma semaphore(%run_scoped3A_502 : memref<!tpu.dma_semaphore, #tpu.memory_space<semaphore_mem>>) src(%arg15 : memref<80x16xf32, #tpu.memory_space<vmem>>) dst(%dma_wait3A_514 : memref<10240x16xf32, #tpu.memory_space<vmem_shared>>)
      tpu.yield
    }) : () -> ()
    %barrier3A_499 = arith.constant 0 : index
    tpu.barrier barrier_id(%barrier3A_499)
    %mul3A_500 = arith.constant 640 : i32
    %mul3A_501 = arith.muli %arg1, %mul3A_500 : i32
    "tpu.region"() ({
      %run_scoped3A_502 = tpu.sem_alloc : memref<!tpu.dma_semaphore, #tpu.memory_space<semaphore_mem>>
      %dma_start3A_503 = arith.constant 0 : i32
      %dma_start3A_504 = tpu.memref_slice %arg5[%arg0, %mul3A_501, %dma_start3A_503] : memref<2x10240x128xf32, #tpu.memory_space<hbm>> -> memref<1x640x128xf32, #tpu.memory_space<hbm>>
      %dma_start3A_505 = tpu.memref_squeeze %dma_start3A_504 : memref<1x640x128xf32, #tpu.memory_space<hbm>> -> memref<640x128xf32, #tpu.memory_space<hbm>>
      %dma_start3A_506 = arith.constant 0 : i32
      %dma_start3A_507 = tpu.memref_slice %arg7[%mul3A_501, %dma_start3A_506] : memref<10240x128xf32, #tpu.memory_space<vmem_shared>> -> memref<640x128xf32, #tpu.memory_space<vmem_shared>>
      tpu.enqueue_dma source(%dma_start3A_507 : memref<640x128xf32, #tpu.memory_space<vmem_shared>>) target(%dma_start3A_505 : memref<640x128xf32, #tpu.memory_space<hbm>>) target_semaphore(%run_scoped3A_502 : memref<!tpu.dma_semaphore, #tpu.memory_space<semaphore_mem>>)
      %dma_wait3A_508 = arith.constant 0 : i32
      %dma_wait3A_509 = tpu.memref_slice %arg5[%arg0, %mul3A_501, %dma_wait3A_508] : memref<2x10240x128xf32, #tpu.memory_space<hbm>> -> memref<1x640x128xf32, #tpu.memory_space<hbm>>
      %dma_wait3A_510 = tpu.memref_squeeze %dma_wait3A_509 : memref<1x640x128xf32, #tpu.memory_space<hbm>> -> memref<640x128xf32, #tpu.memory_space<hbm>>
      %dma_wait3A_511 = arith.constant 0 : i32
      %dma_wait3A_512 = tpu.memref_slice %arg7[%mul3A_501, %dma_wait3A_511] : memref<10240x128xf32, #tpu.memory_space<vmem_shared>> -> memref<640x128xf32, #tpu.memory_space<vmem_shared>>
      tpu.wait_dma2 semaphore(%run_scoped3A_502 : memref<!tpu.dma_semaphore, #tpu.memory_space<semaphore_mem>>) src(%dma_wait3A_512 : memref<640x128xf32, #tpu.memory_space<vmem_shared>>) dst(%dma_wait3A_510 : memref<640x128xf32, #tpu.memory_space<hbm>>)
      tpu.yield
    }) : () -> ()
    "tpu.region"() ({
      %run_scoped3A_502 = tpu.sem_alloc : memref<!tpu.dma_semaphore, #tpu.memory_space<semaphore_mem>>
      %dma_start3A_503 = arith.constant 0 : i32
      %dma_start3A_504 = tpu.memref_slice %arg6[%arg0, %mul3A_501, %dma_start3A_503] : memref<2x10240x16xf32, #tpu.memory_space<hbm>> -> memref<1x640x16xf32, #tpu.memory_space<hbm>>
      %dma_start3A_505 = tpu.memref_squeeze %dma_start3A_504 : memref<1x640x16xf32, #tpu.memory_space<hbm>> -> memref<640x16xf32, #tpu.memory_space<hbm>>
      %dma_start3A_506 = arith.constant 0 : i32
      %dma_start3A_507 = tpu.memref_slice %arg8[%mul3A_501, %dma_start3A_506] : memref<10240x16xf32, #tpu.memory_space<vmem_shared>> -> memref<640x16xf32, #tpu.memory_space<vmem_shared>>
      tpu.enqueue_dma source(%dma_start3A_507 : memref<640x16xf32, #tpu.memory_space<vmem_shared>>) target(%dma_start3A_505 : memref<640x16xf32, #tpu.memory_space<hbm>>) target_semaphore(%run_scoped3A_502 : memref<!tpu.dma_semaphore, #tpu.memory_space<semaphore_mem>>)
      %dma_wait3A_508 = arith.constant 0 : i32
      %dma_wait3A_509 = tpu.memref_slice %arg6[%arg0, %mul3A_501, %dma_wait3A_508] : memref<2x10240x16xf32, #tpu.memory_space<hbm>> -> memref<1x640x16xf32, #tpu.memory_space<hbm>>
      %dma_wait3A_510 = tpu.memref_squeeze %dma_wait3A_509 : memref<1x640x16xf32, #tpu.memory_space<hbm>> -> memref<640x16xf32, #tpu.memory_space<hbm>>
      %dma_wait3A_511 = arith.constant 0 : i32
      %dma_wait3A_512 = tpu.memref_slice %arg8[%mul3A_501, %dma_wait3A_511] : memref<10240x16xf32, #tpu.memory_space<vmem_shared>> -> memref<640x16xf32, #tpu.memory_space<vmem_shared>>
      tpu.wait_dma2 semaphore(%run_scoped3A_502 : memref<!tpu.dma_semaphore, #tpu.memory_space<semaphore_mem>>) src(%dma_wait3A_512 : memref<640x16xf32, #tpu.memory_space<vmem_shared>>) dst(%dma_wait3A_510 : memref<640x16xf32, #tpu.memory_space<hbm>>)
      tpu.yield
    }) : () -> ()
    return
  }
}

#map = affine_map<(d0, d1) -> (0, 0)>
#map1 = affine_map<(d0, d1) -> (0, 0, 0)>
module attributes {stable_mosaic.version = 14 : i64} {
  func.func @_sc_agg_body(%arg0: i32, %arg1: i32, %arg2: memref<10240x128xf32, #tpu.memory_space<hbm>>, %arg3: memref<32x125x80xi32, #tpu.memory_space<hbm>>, %arg4: memref<32x125x80xi32, #tpu.memory_space<hbm>>, %arg5: memref<2x10240x128xf32, #tpu.memory_space<hbm>>, %arg6: memref<10240x128xf32, #tpu.memory_space<vmem_shared>>, %arg7: memref<25x80xi32, #tpu.memory_space<vmem>>, %arg8: memref<25x80xi32, #tpu.memory_space<vmem>>, %arg9: memref<25x80xi32, #tpu.memory_space<vmem>>, %arg10: memref<25x80xi32, #tpu.memory_space<vmem>>, %arg11: memref<80x128xf32, #tpu.memory_space<vmem>>, %arg12: memref<80x128xf32, #tpu.memory_space<vmem>>, %arg13: memref<!tpu.dma_semaphore, #tpu.memory_space<semaphore_mem>>, %arg14: memref<!tpu.dma_semaphore, #tpu.memory_space<semaphore_mem>>, %arg15: memref<!tpu.dma_semaphore, #tpu.memory_space<semaphore_mem>>, %arg16: memref<!tpu.dma_semaphore, #tpu.memory_space<semaphore_mem>>) attributes {dimension_semantics = [#tpu.dimension_semantics<core_parallel>, #tpu.dimension_semantics<subcore_parallel>], iteration_bounds = array<i64: 2, 16>, scalar_prefetch = 0 : i64, scratch_operands = 11 : i64, tpu.core_type = #tpu.core_type<sc_vector_subcore>, window_params = [{transform_indices = #map}, {transform_indices = #map1}, {transform_indices = #map1}, {transform_indices = #map1}]} {
    %mul3A = arith.constant 16 : i32
    %mul3A_0 = arith.muli %arg0, %mul3A : i32
    %add3A = arith.addi %mul3A_0, %arg1 : i32
    %broadcast_in_dim3A = arith.constant 0.000000e+00 : f32
    %broadcast_in_dim3A_1 = vector.broadcast %broadcast_in_dim3A : f32 to vector<16xf32>
    %scan3A = arith.constant 0 : i32
    %scan3A_2 = arith.constant 640 : i32
    %scan3A_3 = arith.addi %scan3A, %scan3A_2 : i32
    %scan3A_4 = arith.constant 1 : i32
    scf.for %scan3A_362 = %scan3A to %scan3A_3 step %scan3A_4  : i32 {
      %jit3A = arith.constant 8 : i32
      %div3A = arith.divsi %scan3A_362, %jit3A : i32
      %sign3A = arith.constant 0 : i32
      %sign3A_363 = arith.cmpi sgt, %scan3A_362, %sign3A : i32
      %sign3A_364 = arith.extui %sign3A_363 : i1 to i32
      %sign3A_365 = arith.constant 0 : i32
      %sign3A_366 = arith.cmpi slt, %scan3A_362, %sign3A_365 : i32
      %sign3A_367 = arith.extui %sign3A_366 : i1 to i32
      %sign3A_368 = arith.subi %sign3A_364, %sign3A_367 : i32
      %sign3A_369 = arith.constant 0 : i32
      %sign3A_370 = arith.cmpi sgt, %jit3A, %sign3A_369 : i32
      %sign3A_371 = arith.extui %sign3A_370 : i1 to i32
      %sign3A_372 = arith.constant 0 : i32
      %sign3A_373 = arith.cmpi slt, %jit3A, %sign3A_372 : i32
      %sign3A_374 = arith.extui %sign3A_373 : i1 to i32
      %sign3A_375 = arith.subi %sign3A_371, %sign3A_374 : i32
      %ne3A = arith.cmpi ne, %sign3A_368, %sign3A_375 : i32
      %rem3A = arith.remsi %scan3A_362, %jit3A : i32
      %ne3A_376 = arith.constant 0 : i32
      %ne3A_377 = arith.cmpi ne, %rem3A, %ne3A_376 : i32
      %and3A = arith.andi %ne3A, %ne3A_377 : i1
      %sub3A = arith.constant 1 : i32
      %sub3A_378 = arith.subi %div3A, %sub3A : i32
      %select_n3A = arith.select %and3A, %sub3A_378, %div3A : i32
      %jit3A_379 = arith.constant 8 : i32
      %eq3A = arith.constant 0 : i32
      %eq3A_380 = arith.cmpi eq, %jit3A_379, %eq3A : i32
      %jit3A_381 = arith.constant 1 : i32
      %select_n3A_382 = arith.select %eq3A_380, %jit3A_381, %jit3A_379 : i32
      %rem3A_383 = arith.remsi %scan3A_362, %select_n3A_382 : i32
      %ne3A_384 = arith.constant 0 : i32
      %ne3A_385 = arith.cmpi ne, %rem3A_383, %ne3A_384 : i32
      %lt3A = arith.constant 0 : i32
      %lt3A_386 = arith.cmpi slt, %rem3A_383, %lt3A : i32
      %lt3A_387 = arith.constant 0 : i32
      %lt3A_388 = arith.cmpi slt, %select_n3A_382, %lt3A_387 : i32
      %ne3A_389 = arith.xori %lt3A_386, %lt3A_388 : i1
      %and3A_390 = arith.andi %ne3A_389, %ne3A_385 : i1
      %add3A_391 = arith.addi %rem3A_383, %select_n3A_382 : i32
      %select_n3A_392 = arith.select %and3A_390, %add3A_391, %rem3A_383 : i32
      %mul3A_393 = arith.constant 16 : i32
      %mul3A_394 = arith.muli %select_n3A_392, %mul3A_393 : i32
      %swap3A = arith.index_cast %select_n3A : i32 to index
      %swap3A_395 = arith.index_cast %mul3A_394 : i32 to index
      %swap3A_396 = tpu.vector_load %arg11[%swap3A, %swap3A_395] {strides = array<i32>} : memref<80x128xf32, #tpu.memory_space<vmem>>, vector<1x16xf32>,
      %swap3A_397 = vector.shape_cast %swap3A_396 : vector<1x16xf32> to vector<16xf32>
      %swap3A_398 = vector.shape_cast %broadcast_in_dim3A_1 : vector<16xf32> to vector<1x16xf32>
      tpu.vector_store %arg11[%swap3A, %swap3A_395], %swap3A_398 {strides = array<i32>} : memref<80x128xf32, #tpu.memory_space<vmem>>, vector<1x16xf32>,
    }
    %scan3A_5 = arith.constant 640 : i32
    %mul3A_6 = arith.constant 640 : i32
    %mul3A_7 = arith.muli %arg1, %mul3A_6 : i32
    %add3A_8 = arith.constant 0 : i32
    %add3A_9 = arith.addi %mul3A_7, %add3A_8 : i32
    %dma_start3A = arith.constant 0 : i32
    %dma_start3A_10 = tpu.memref_slice %arg6[%add3A_9, %dma_start3A] : memref<10240x128xf32, #tpu.memory_space<vmem_shared>> -> memref<80x128xf32, #tpu.memory_space<vmem_shared>>
    %dma_start3A_11 = arith.constant 0 : i32
    %dma_start3A_12 = tpu.memref_slice %arg6[%add3A_9, %dma_start3A_11] : memref<10240x128xf32, #tpu.memory_space<vmem_shared>> -> memref<80x128xf32, #tpu.memory_space<vmem_shared>>
    tpu.enqueue_dma source(%arg11 : memref<80x128xf32, #tpu.memory_space<vmem>>) target(%dma_start3A_12 : memref<80x128xf32, #tpu.memory_space<vmem_shared>>) target_semaphore(%arg13 : memref<!tpu.dma_semaphore, #tpu.memory_space<semaphore_mem>>)
    %mul3A_13 = arith.constant 640 : i32
    %mul3A_14 = arith.muli %arg1, %mul3A_13 : i32
    %add3A_15 = arith.constant 80 : i32
    %add3A_16 = arith.addi %mul3A_14, %add3A_15 : i32
    %dma_start3A_17 = arith.constant 0 : i32
    %dma_start3A_18 = tpu.memref_slice %arg6[%add3A_16, %dma_start3A_17] : memref<10240x128xf32, #tpu.memory_space<vmem_shared>> -> memref<80x128xf32, #tpu.memory_space<vmem_shared>>
    %dma_start3A_19 = arith.constant 0 : i32
    %dma_start3A_20 = tpu.memref_slice %arg6[%add3A_16, %dma_start3A_19] : memref<10240x128xf32, #tpu.memory_space<vmem_shared>> -> memref<80x128xf32, #tpu.memory_space<vmem_shared>>
    tpu.enqueue_dma source(%arg11 : memref<80x128xf32, #tpu.memory_space<vmem>>) target(%dma_start3A_20 : memref<80x128xf32, #tpu.memory_space<vmem_shared>>) target_semaphore(%arg13 : memref<!tpu.dma_semaphore, #tpu.memory_space<semaphore_mem>>)
    %mul3A_21 = arith.constant 640 : i32
    %mul3A_22 = arith.muli %arg1, %mul3A_21 : i32
    %add3A_23 = arith.constant 160 : i32
    %add3A_24 = arith.addi %mul3A_22, %add3A_23 : i32
    %dma_start3A_25 = arith.constant 0 : i32
    %dma_start3A_26 = tpu.memref_slice %arg6[%add3A_24, %dma_start3A_25] : memref<10240x128xf32, #tpu.memory_space<vmem_shared>> -> memref<80x128xf32, #tpu.memory_space<vmem_shared>>
    %dma_start3A_27 = arith.constant 0 : i32
    %dma_start3A_28 = tpu.memref_slice %arg6[%add3A_24, %dma_start3A_27] : memref<10240x128xf32, #tpu.memory_space<vmem_shared>> -> memref<80x128xf32, #tpu.memory_space<vmem_shared>>
    tpu.enqueue_dma source(%arg11 : memref<80x128xf32, #tpu.memory_space<vmem>>) target(%dma_start3A_28 : memref<80x128xf32, #tpu.memory_space<vmem_shared>>) target_semaphore(%arg13 : memref<!tpu.dma_semaphore, #tpu.memory_space<semaphore_mem>>)
    %mul3A_29 = arith.constant 640 : i32
    %mul3A_30 = arith.muli %arg1, %mul3A_29 : i32
    %add3A_31 = arith.constant 240 : i32
    %add3A_32 = arith.addi %mul3A_30, %add3A_31 : i32
    %dma_start3A_33 = arith.constant 0 : i32
    %dma_start3A_34 = tpu.memref_slice %arg6[%add3A_32, %dma_start3A_33] : memref<10240x128xf32, #tpu.memory_space<vmem_shared>> -> memref<80x128xf32, #tpu.memory_space<vmem_shared>>
    %dma_start3A_35 = arith.constant 0 : i32
    %dma_start3A_36 = tpu.memref_slice %arg6[%add3A_32, %dma_start3A_35] : memref<10240x128xf32, #tpu.memory_space<vmem_shared>> -> memref<80x128xf32, #tpu.memory_space<vmem_shared>>
    tpu.enqueue_dma source(%arg11 : memref<80x128xf32, #tpu.memory_space<vmem>>) target(%dma_start3A_36 : memref<80x128xf32, #tpu.memory_space<vmem_shared>>) target_semaphore(%arg13 : memref<!tpu.dma_semaphore, #tpu.memory_space<semaphore_mem>>)
    %mul3A_37 = arith.constant 640 : i32
    %mul3A_38 = arith.muli %arg1, %mul3A_37 : i32
    %add3A_39 = arith.constant 320 : i32
    %add3A_40 = arith.addi %mul3A_38, %add3A_39 : i32
    %dma_start3A_41 = arith.constant 0 : i32
    %dma_start3A_42 = tpu.memref_slice %arg6[%add3A_40, %dma_start3A_41] : memref<10240x128xf32, #tpu.memory_space<vmem_shared>> -> memref<80x128xf32, #tpu.memory_space<vmem_shared>>
    %dma_start3A_43 = arith.constant 0 : i32
    %dma_start3A_44 = tpu.memref_slice %arg6[%add3A_40, %dma_start3A_43] : memref<10240x128xf32, #tpu.memory_space<vmem_shared>> -> memref<80x128xf32, #tpu.memory_space<vmem_shared>>
    tpu.enqueue_dma source(%arg11 : memref<80x128xf32, #tpu.memory_space<vmem>>) target(%dma_start3A_44 : memref<80x128xf32, #tpu.memory_space<vmem_shared>>) target_semaphore(%arg13 : memref<!tpu.dma_semaphore, #tpu.memory_space<semaphore_mem>>)
    %mul3A_45 = arith.constant 640 : i32
    %mul3A_46 = arith.muli %arg1, %mul3A_45 : i32
    %add3A_47 = arith.constant 400 : i32
    %add3A_48 = arith.addi %mul3A_46, %add3A_47 : i32
    %dma_start3A_49 = arith.constant 0 : i32
    %dma_start3A_50 = tpu.memref_slice %arg6[%add3A_48, %dma_start3A_49] : memref<10240x128xf32, #tpu.memory_space<vmem_shared>> -> memref<80x128xf32, #tpu.memory_space<vmem_shared>>
    %dma_start3A_51 = arith.constant 0 : i32
    %dma_start3A_52 = tpu.memref_slice %arg6[%add3A_48, %dma_start3A_51] : memref<10240x128xf32, #tpu.memory_space<vmem_shared>> -> memref<80x128xf32, #tpu.memory_space<vmem_shared>>
    tpu.enqueue_dma source(%arg11 : memref<80x128xf32, #tpu.memory_space<vmem>>) target(%dma_start3A_52 : memref<80x128xf32, #tpu.memory_space<vmem_shared>>) target_semaphore(%arg13 : memref<!tpu.dma_semaphore, #tpu.memory_space<semaphore_mem>>)
    %mul3A_53 = arith.constant 640 : i32
    %mul3A_54 = arith.muli %arg1, %mul3A_53 : i32
    %add3A_55 = arith.constant 480 : i32
    %add3A_56 = arith.addi %mul3A_54, %add3A_55 : i32
    %dma_start3A_57 = arith.constant 0 : i32
    %dma_start3A_58 = tpu.memref_slice %arg6[%add3A_56, %dma_start3A_57] : memref<10240x128xf32, #tpu.memory_space<vmem_shared>> -> memref<80x128xf32, #tpu.memory_space<vmem_shared>>
    %dma_start3A_59 = arith.constant 0 : i32
    %dma_start3A_60 = tpu.memref_slice %arg6[%add3A_56, %dma_start3A_59] : memref<10240x128xf32, #tpu.memory_space<vmem_shared>> -> memref<80x128xf32, #tpu.memory_space<vmem_shared>>
    tpu.enqueue_dma source(%arg11 : memref<80x128xf32, #tpu.memory_space<vmem>>) target(%dma_start3A_60 : memref<80x128xf32, #tpu.memory_space<vmem_shared>>) target_semaphore(%arg13 : memref<!tpu.dma_semaphore, #tpu.memory_space<semaphore_mem>>)
    %mul3A_61 = arith.constant 640 : i32
    %mul3A_62 = arith.muli %arg1, %mul3A_61 : i32
    %add3A_63 = arith.constant 560 : i32
    %add3A_64 = arith.addi %mul3A_62, %add3A_63 : i32
    %dma_start3A_65 = arith.constant 0 : i32
    %dma_start3A_66 = tpu.memref_slice %arg6[%add3A_64, %dma_start3A_65] : memref<10240x128xf32, #tpu.memory_space<vmem_shared>> -> memref<80x128xf32, #tpu.memory_space<vmem_shared>>
    %dma_start3A_67 = arith.constant 0 : i32
    %dma_start3A_68 = tpu.memref_slice %arg6[%add3A_64, %dma_start3A_67] : memref<10240x128xf32, #tpu.memory_space<vmem_shared>> -> memref<80x128xf32, #tpu.memory_space<vmem_shared>>
    tpu.enqueue_dma source(%arg11 : memref<80x128xf32, #tpu.memory_space<vmem>>) target(%dma_start3A_68 : memref<80x128xf32, #tpu.memory_space<vmem_shared>>) target_semaphore(%arg13 : memref<!tpu.dma_semaphore, #tpu.memory_space<semaphore_mem>>)
    %mul3A_69 = arith.constant 640 : i32
    %mul3A_70 = arith.muli %arg1, %mul3A_69 : i32
    %add3A_71 = arith.constant 0 : i32
    %add3A_72 = arith.addi %mul3A_70, %add3A_71 : i32
    %dma_wait3A = arith.constant 0 : i32
    %dma_wait3A_73 = tpu.memref_slice %arg6[%add3A_72, %dma_wait3A] : memref<10240x128xf32, #tpu.memory_space<vmem_shared>> -> memref<80x128xf32, #tpu.memory_space<vmem_shared>>
    %dma_wait3A_74 = arith.constant 0 : i32
    %dma_wait3A_75 = tpu.memref_slice %arg6[%add3A_72, %dma_wait3A_74] : memref<10240x128xf32, #tpu.memory_space<vmem_shared>> -> memref<80x128xf32, #tpu.memory_space<vmem_shared>>
    tpu.wait_dma2 semaphore(%arg13 : memref<!tpu.dma_semaphore, #tpu.memory_space<semaphore_mem>>) src(%arg11 : memref<80x128xf32, #tpu.memory_space<vmem>>) dst(%dma_wait3A_75 : memref<80x128xf32, #tpu.memory_space<vmem_shared>>)
    %mul3A_76 = arith.constant 640 : i32
    %mul3A_77 = arith.muli %arg1, %mul3A_76 : i32
    %add3A_78 = arith.constant 80 : i32
    %add3A_79 = arith.addi %mul3A_77, %add3A_78 : i32
    %dma_wait3A_80 = arith.constant 0 : i32
    %dma_wait3A_81 = tpu.memref_slice %arg6[%add3A_79, %dma_wait3A_80] : memref<10240x128xf32, #tpu.memory_space<vmem_shared>> -> memref<80x128xf32, #tpu.memory_space<vmem_shared>>
    %dma_wait3A_82 = arith.constant 0 : i32
    %dma_wait3A_83 = tpu.memref_slice %arg6[%add3A_79, %dma_wait3A_82] : memref<10240x128xf32, #tpu.memory_space<vmem_shared>> -> memref<80x128xf32, #tpu.memory_space<vmem_shared>>
    tpu.wait_dma2 semaphore(%arg13 : memref<!tpu.dma_semaphore, #tpu.memory_space<semaphore_mem>>) src(%arg11 : memref<80x128xf32, #tpu.memory_space<vmem>>) dst(%dma_wait3A_83 : memref<80x128xf32, #tpu.memory_space<vmem_shared>>)
    %mul3A_84 = arith.constant 640 : i32
    %mul3A_85 = arith.muli %arg1, %mul3A_84 : i32
    %add3A_86 = arith.constant 160 : i32
    %add3A_87 = arith.addi %mul3A_85, %add3A_86 : i32
    %dma_wait3A_88 = arith.constant 0 : i32
    %dma_wait3A_89 = tpu.memref_slice %arg6[%add3A_87, %dma_wait3A_88] : memref<10240x128xf32, #tpu.memory_space<vmem_shared>> -> memref<80x128xf32, #tpu.memory_space<vmem_shared>>
    %dma_wait3A_90 = arith.constant 0 : i32
    %dma_wait3A_91 = tpu.memref_slice %arg6[%add3A_87, %dma_wait3A_90] : memref<10240x128xf32, #tpu.memory_space<vmem_shared>> -> memref<80x128xf32, #tpu.memory_space<vmem_shared>>
    tpu.wait_dma2 semaphore(%arg13 : memref<!tpu.dma_semaphore, #tpu.memory_space<semaphore_mem>>) src(%arg11 : memref<80x128xf32, #tpu.memory_space<vmem>>) dst(%dma_wait3A_91 : memref<80x128xf32, #tpu.memory_space<vmem_shared>>)
    %mul3A_92 = arith.constant 640 : i32
    %mul3A_93 = arith.muli %arg1, %mul3A_92 : i32
    %add3A_94 = arith.constant 240 : i32
    %add3A_95 = arith.addi %mul3A_93, %add3A_94 : i32
    %dma_wait3A_96 = arith.constant 0 : i32
    %dma_wait3A_97 = tpu.memref_slice %arg6[%add3A_95, %dma_wait3A_96] : memref<10240x128xf32, #tpu.memory_space<vmem_shared>> -> memref<80x128xf32, #tpu.memory_space<vmem_shared>>
    %dma_wait3A_98 = arith.constant 0 : i32
    %dma_wait3A_99 = tpu.memref_slice %arg6[%add3A_95, %dma_wait3A_98] : memref<10240x128xf32, #tpu.memory_space<vmem_shared>> -> memref<80x128xf32, #tpu.memory_space<vmem_shared>>
    tpu.wait_dma2 semaphore(%arg13 : memref<!tpu.dma_semaphore, #tpu.memory_space<semaphore_mem>>) src(%arg11 : memref<80x128xf32, #tpu.memory_space<vmem>>) dst(%dma_wait3A_99 : memref<80x128xf32, #tpu.memory_space<vmem_shared>>)
    %mul3A_100 = arith.constant 640 : i32
    %mul3A_101 = arith.muli %arg1, %mul3A_100 : i32
    %add3A_102 = arith.constant 320 : i32
    %add3A_103 = arith.addi %mul3A_101, %add3A_102 : i32
    %dma_wait3A_104 = arith.constant 0 : i32
    %dma_wait3A_105 = tpu.memref_slice %arg6[%add3A_103, %dma_wait3A_104] : memref<10240x128xf32, #tpu.memory_space<vmem_shared>> -> memref<80x128xf32, #tpu.memory_space<vmem_shared>>
    %dma_wait3A_106 = arith.constant 0 : i32
    %dma_wait3A_107 = tpu.memref_slice %arg6[%add3A_103, %dma_wait3A_106] : memref<10240x128xf32, #tpu.memory_space<vmem_shared>> -> memref<80x128xf32, #tpu.memory_space<vmem_shared>>
    tpu.wait_dma2 semaphore(%arg13 : memref<!tpu.dma_semaphore, #tpu.memory_space<semaphore_mem>>) src(%arg11 : memref<80x128xf32, #tpu.memory_space<vmem>>) dst(%dma_wait3A_107 : memref<80x128xf32, #tpu.memory_space<vmem_shared>>)
    %mul3A_108 = arith.constant 640 : i32
    %mul3A_109 = arith.muli %arg1, %mul3A_108 : i32
    %add3A_110 = arith.constant 400 : i32
    %add3A_111 = arith.addi %mul3A_109, %add3A_110 : i32
    %dma_wait3A_112 = arith.constant 0 : i32
    %dma_wait3A_113 = tpu.memref_slice %arg6[%add3A_111, %dma_wait3A_112] : memref<10240x128xf32, #tpu.memory_space<vmem_shared>> -> memref<80x128xf32, #tpu.memory_space<vmem_shared>>
    %dma_wait3A_114 = arith.constant 0 : i32
    %dma_wait3A_115 = tpu.memref_slice %arg6[%add3A_111, %dma_wait3A_114] : memref<10240x128xf32, #tpu.memory_space<vmem_shared>> -> memref<80x128xf32, #tpu.memory_space<vmem_shared>>
    tpu.wait_dma2 semaphore(%arg13 : memref<!tpu.dma_semaphore, #tpu.memory_space<semaphore_mem>>) src(%arg11 : memref<80x128xf32, #tpu.memory_space<vmem>>) dst(%dma_wait3A_115 : memref<80x128xf32, #tpu.memory_space<vmem_shared>>)
    %mul3A_116 = arith.constant 640 : i32
    %mul3A_117 = arith.muli %arg1, %mul3A_116 : i32
    %add3A_118 = arith.constant 480 : i32
    %add3A_119 = arith.addi %mul3A_117, %add3A_118 : i32
    %dma_wait3A_120 = arith.constant 0 : i32
    %dma_wait3A_121 = tpu.memref_slice %arg6[%add3A_119, %dma_wait3A_120] : memref<10240x128xf32, #tpu.memory_space<vmem_shared>> -> memref<80x128xf32, #tpu.memory_space<vmem_shared>>
    %dma_wait3A_122 = arith.constant 0 : i32
    %dma_wait3A_123 = tpu.memref_slice %arg6[%add3A_119, %dma_wait3A_122] : memref<10240x128xf32, #tpu.memory_space<vmem_shared>> -> memref<80x128xf32, #tpu.memory_space<vmem_shared>>
    tpu.wait_dma2 semaphore(%arg13 : memref<!tpu.dma_semaphore, #tpu.memory_space<semaphore_mem>>) src(%arg11 : memref<80x128xf32, #tpu.memory_space<vmem>>) dst(%dma_wait3A_123 : memref<80x128xf32, #tpu.memory_space<vmem_shared>>)
    %mul3A_124 = arith.constant 640 : i32
    %mul3A_125 = arith.muli %arg1, %mul3A_124 : i32
    %add3A_126 = arith.constant 560 : i32
    %add3A_127 = arith.addi %mul3A_125, %add3A_126 : i32
    %dma_wait3A_128 = arith.constant 0 : i32
    %dma_wait3A_129 = tpu.memref_slice %arg6[%add3A_127, %dma_wait3A_128] : memref<10240x128xf32, #tpu.memory_space<vmem_shared>> -> memref<80x128xf32, #tpu.memory_space<vmem_shared>>
    %dma_wait3A_130 = arith.constant 0 : i32
    %dma_wait3A_131 = tpu.memref_slice %arg6[%add3A_127, %dma_wait3A_130] : memref<10240x128xf32, #tpu.memory_space<vmem_shared>> -> memref<80x128xf32, #tpu.memory_space<vmem_shared>>
    tpu.wait_dma2 semaphore(%arg13 : memref<!tpu.dma_semaphore, #tpu.memory_space<semaphore_mem>>) src(%arg11 : memref<80x128xf32, #tpu.memory_space<vmem>>) dst(%dma_wait3A_131 : memref<80x128xf32, #tpu.memory_space<vmem_shared>>)
    %barrier3A = arith.constant 0 : index
    tpu.barrier barrier_id(%barrier3A)
    "tpu.region"() ({
      %run_scoped3A_362 = tpu.sem_alloc : memref<!tpu.dma_semaphore, #tpu.memory_space<semaphore_mem>>
      %dma_start3A_363 = arith.constant 0 : i32
      %dma_start3A_364 = arith.constant 0 : i32
      %dma_start3A_365 = tpu.memref_slice %arg3[%add3A, %dma_start3A_363, %dma_start3A_364] : memref<32x125x80xi32, #tpu.memory_space<hbm>> -> memref<1x25x80xi32, #tpu.memory_space<hbm>>
      %dma_start3A_366 = tpu.memref_squeeze %dma_start3A_365 : memref<1x25x80xi32, #tpu.memory_space<hbm>> -> memref<25x80xi32, #tpu.memory_space<hbm>>
      %dma_start3A_367 = arith.constant 0 : i32
      %dma_start3A_368 = arith.constant 0 : i32
      %dma_start3A_369 = tpu.memref_slice %arg3[%add3A, %dma_start3A_367, %dma_start3A_368] : memref<32x125x80xi32, #tpu.memory_space<hbm>> -> memref<1x25x80xi32, #tpu.memory_space<hbm>>
      %dma_start3A_370 = tpu.memref_squeeze %dma_start3A_369 : memref<1x25x80xi32, #tpu.memory_space<hbm>> -> memref<25x80xi32, #tpu.memory_space<hbm>>
      tpu.enqueue_dma source(%dma_start3A_370 : memref<25x80xi32, #tpu.memory_space<hbm>>) target(%arg7 : memref<25x80xi32, #tpu.memory_space<vmem>>) target_semaphore(%run_scoped3A_362 : memref<!tpu.dma_semaphore, #tpu.memory_space<semaphore_mem>>)
      %dma_wait3A_371 = arith.constant 0 : i32
      %dma_wait3A_372 = arith.constant 0 : i32
      %dma_wait3A_373 = tpu.memref_slice %arg3[%add3A, %dma_wait3A_371, %dma_wait3A_372] : memref<32x125x80xi32, #tpu.memory_space<hbm>> -> memref<1x25x80xi32, #tpu.memory_space<hbm>>
      %dma_wait3A_374 = tpu.memref_squeeze %dma_wait3A_373 : memref<1x25x80xi32, #tpu.memory_space<hbm>> -> memref<25x80xi32, #tpu.memory_space<hbm>>
      %dma_wait3A_375 = arith.constant 0 : i32
      %dma_wait3A_376 = arith.constant 0 : i32
      %dma_wait3A_377 = tpu.memref_slice %arg3[%add3A, %dma_wait3A_375, %dma_wait3A_376] : memref<32x125x80xi32, #tpu.memory_space<hbm>> -> memref<1x25x80xi32, #tpu.memory_space<hbm>>
      %dma_wait3A_378 = tpu.memref_squeeze %dma_wait3A_377 : memref<1x25x80xi32, #tpu.memory_space<hbm>> -> memref<25x80xi32, #tpu.memory_space<hbm>>
      tpu.wait_dma2 semaphore(%run_scoped3A_362 : memref<!tpu.dma_semaphore, #tpu.memory_space<semaphore_mem>>) src(%dma_wait3A_378 : memref<25x80xi32, #tpu.memory_space<hbm>>) dst(%arg7 : memref<25x80xi32, #tpu.memory_space<vmem>>)
      tpu.yield
    }) : () -> ()
    "tpu.region"() ({
      %run_scoped3A_362 = tpu.sem_alloc : memref<!tpu.dma_semaphore, #tpu.memory_space<semaphore_mem>>
      %dma_start3A_363 = arith.constant 0 : i32
      %dma_start3A_364 = arith.constant 0 : i32
      %dma_start3A_365 = tpu.memref_slice %arg4[%add3A, %dma_start3A_363, %dma_start3A_364] : memref<32x125x80xi32, #tpu.memory_space<hbm>> -> memref<1x25x80xi32, #tpu.memory_space<hbm>>
      %dma_start3A_366 = tpu.memref_squeeze %dma_start3A_365 : memref<1x25x80xi32, #tpu.memory_space<hbm>> -> memref<25x80xi32, #tpu.memory_space<hbm>>
      %dma_start3A_367 = arith.constant 0 : i32
      %dma_start3A_368 = arith.constant 0 : i32
      %dma_start3A_369 = tpu.memref_slice %arg4[%add3A, %dma_start3A_367, %dma_start3A_368] : memref<32x125x80xi32, #tpu.memory_space<hbm>> -> memref<1x25x80xi32, #tpu.memory_space<hbm>>
      %dma_start3A_370 = tpu.memref_squeeze %dma_start3A_369 : memref<1x25x80xi32, #tpu.memory_space<hbm>> -> memref<25x80xi32, #tpu.memory_space<hbm>>
      tpu.enqueue_dma source(%dma_start3A_370 : memref<25x80xi32, #tpu.memory_space<hbm>>) target(%arg8 : memref<25x80xi32, #tpu.memory_space<vmem>>) target_semaphore(%run_scoped3A_362 : memref<!tpu.dma_semaphore, #tpu.memory_space<semaphore_mem>>)
      %dma_wait3A_371 = arith.constant 0 : i32
      %dma_wait3A_372 = arith.constant 0 : i32
      %dma_wait3A_373 = tpu.memref_slice %arg4[%add3A, %dma_wait3A_371, %dma_wait3A_372] : memref<32x125x80xi32, #tpu.memory_space<hbm>> -> memref<1x25x80xi32, #tpu.memory_space<hbm>>
      %dma_wait3A_374 = tpu.memref_squeeze %dma_wait3A_373 : memref<1x25x80xi32, #tpu.memory_space<hbm>> -> memref<25x80xi32, #tpu.memory_space<hbm>>
      %dma_wait3A_375 = arith.constant 0 : i32
      %dma_wait3A_376 = arith.constant 0 : i32
      %dma_wait3A_377 = tpu.memref_slice %arg4[%add3A, %dma_wait3A_375, %dma_wait3A_376] : memref<32x125x80xi32, #tpu.memory_space<hbm>> -> memref<1x25x80xi32, #tpu.memory_space<hbm>>
      %dma_wait3A_378 = tpu.memref_squeeze %dma_wait3A_377 : memref<1x25x80xi32, #tpu.memory_space<hbm>> -> memref<25x80xi32, #tpu.memory_space<hbm>>
      tpu.wait_dma2 semaphore(%run_scoped3A_362 : memref<!tpu.dma_semaphore, #tpu.memory_space<semaphore_mem>>) src(%dma_wait3A_378 : memref<25x80xi32, #tpu.memory_space<hbm>>) dst(%arg8 : memref<25x80xi32, #tpu.memory_space<vmem>>)
      tpu.yield
    }) : () -> ()
    %dma_start3A_132 = arith.constant 25 : i32
    %dma_start3A_133 = arith.constant 0 : i32
    %dma_start3A_134 = tpu.memref_slice %arg3[%add3A, %dma_start3A_132, %dma_start3A_133] : memref<32x125x80xi32, #tpu.memory_space<hbm>> -> memref<1x25x80xi32, #tpu.memory_space<hbm>>
    %dma_start3A_135 = tpu.memref_squeeze %dma_start3A_134 : memref<1x25x80xi32, #tpu.memory_space<hbm>> -> memref<25x80xi32, #tpu.memory_space<hbm>>
    %dma_start3A_136 = arith.constant 25 : i32
    %dma_start3A_137 = arith.constant 0 : i32
    %dma_start3A_138 = tpu.memref_slice %arg3[%add3A, %dma_start3A_136, %dma_start3A_137] : memref<32x125x80xi32, #tpu.memory_space<hbm>> -> memref<1x25x80xi32, #tpu.memory_space<hbm>>
    %dma_start3A_139 = tpu.memref_squeeze %dma_start3A_138 : memref<1x25x80xi32, #tpu.memory_space<hbm>> -> memref<25x80xi32, #tpu.memory_space<hbm>>
    tpu.enqueue_dma source(%dma_start3A_139 : memref<25x80xi32, #tpu.memory_space<hbm>>) target(%arg9 : memref<25x80xi32, #tpu.memory_space<vmem>>) target_semaphore(%arg15 : memref<!tpu.dma_semaphore, #tpu.memory_space<semaphore_mem>>)
    %dma_start3A_140 = arith.constant 25 : i32
    %dma_start3A_141 = arith.constant 0 : i32
    %dma_start3A_142 = tpu.memref_slice %arg4[%add3A, %dma_start3A_140, %dma_start3A_141] : memref<32x125x80xi32, #tpu.memory_space<hbm>> -> memref<1x25x80xi32, #tpu.memory_space<hbm>>
    %dma_start3A_143 = tpu.memref_squeeze %dma_start3A_142 : memref<1x25x80xi32, #tpu.memory_space<hbm>> -> memref<25x80xi32, #tpu.memory_space<hbm>>
    %dma_start3A_144 = arith.constant 25 : i32
    %dma_start3A_145 = arith.constant 0 : i32
    %dma_start3A_146 = tpu.memref_slice %arg4[%add3A, %dma_start3A_144, %dma_start3A_145] : memref<32x125x80xi32, #tpu.memory_space<hbm>> -> memref<1x25x80xi32, #tpu.memory_space<hbm>>
    %dma_start3A_147 = tpu.memref_squeeze %dma_start3A_146 : memref<1x25x80xi32, #tpu.memory_space<hbm>> -> memref<25x80xi32, #tpu.memory_space<hbm>>
    tpu.enqueue_dma source(%dma_start3A_147 : memref<25x80xi32, #tpu.memory_space<hbm>>) target(%arg10 : memref<25x80xi32, #tpu.memory_space<vmem>>) target_semaphore(%arg16 : memref<!tpu.dma_semaphore, #tpu.memory_space<semaphore_mem>>)
    %dma_start3A_148 = arith.constant 0 : i32
    %dma_start3A_149 = arith.constant 0 : i32
    %dma_start3A_150 = tpu.memref_slice %arg7[%dma_start3A_148, %dma_start3A_149] : memref<25x80xi32, #tpu.memory_space<vmem>> -> memref<1x80xi32, #tpu.memory_space<vmem>>
    %dma_start3A_151 = tpu.memref_squeeze %dma_start3A_150 : memref<1x80xi32, #tpu.memory_space<vmem>> -> memref<80xi32, #tpu.memory_space<vmem>>
    %dma_start3A_152 = arith.constant 0 : i32
    %dma_start3A_153 = arith.constant 0 : i32
    %dma_start3A_154 = tpu.memref_slice %arg2[%dma_start3A_152, %dma_start3A_153] : memref<10240x128xf32, #tpu.memory_space<hbm>> -> memref<10240x128xf32, #tpu.memory_space<hbm>>
    tpu.enqueue_indirect_dma source(%dma_start3A_154 : memref<10240x128xf32, #tpu.memory_space<hbm>>) target(%arg11 : memref<80x128xf32, #tpu.memory_space<vmem>>) offsets(%dma_start3A_151 : memref<80xi32, #tpu.memory_space<vmem>>) semaphore(%arg13 : memref<!tpu.dma_semaphore, #tpu.memory_space<semaphore_mem>>)
    %scan3A_155 = arith.constant 0 : i32
    %scan3A_156 = arith.constant 12 : i32
    %scan3A_157 = arith.addi %scan3A_155, %scan3A_156 : i32
    %scan3A_158 = arith.constant 1 : i32
    scf.for %scan3A_362 = %scan3A_155 to %scan3A_157 step %scan3A_158  : i32 {
      %mul3A_363 = arith.constant 2 : i32
      %mul3A_364 = arith.muli %mul3A_363, %scan3A_362 : i32
      %dma_wait3A_365 = arith.constant 0 : i32
      %dma_wait3A_366 = tpu.memref_slice %arg7[%mul3A_364, %dma_wait3A_365] : memref<25x80xi32, #tpu.memory_space<vmem>> -> memref<1x80xi32, #tpu.memory_space<vmem>>
      %dma_wait3A_367 = tpu.memref_squeeze %dma_wait3A_366 : memref<1x80xi32, #tpu.memory_space<vmem>> -> memref<80xi32, #tpu.memory_space<vmem>>
      %dma_wait3A_368 = arith.constant 0 : i32
      %dma_wait3A_369 = arith.constant 0 : i32
      %dma_wait3A_370 = tpu.memref_slice %arg2[%dma_wait3A_368, %dma_wait3A_369] : memref<10240x128xf32, #tpu.memory_space<hbm>> -> memref<10240x128xf32, #tpu.memory_space<hbm>>
      tpu.wait_indirect_dma semaphore(%arg13 : memref<!tpu.dma_semaphore, #tpu.memory_space<semaphore_mem>>) src(%dma_wait3A_370 : memref<10240x128xf32, #tpu.memory_space<hbm>>) dst(%arg11 : memref<80x128xf32, #tpu.memory_space<vmem>>)
      %add3A_371 = arith.constant 1 : i32
      %add3A_372 = arith.addi %mul3A_364, %add3A_371 : i32
      %dma_start3A_373 = arith.constant 0 : i32
      %dma_start3A_374 = tpu.memref_slice %arg7[%add3A_372, %dma_start3A_373] : memref<25x80xi32, #tpu.memory_space<vmem>> -> memref<1x80xi32, #tpu.memory_space<vmem>>
      %dma_start3A_375 = tpu.memref_squeeze %dma_start3A_374 : memref<1x80xi32, #tpu.memory_space<vmem>> -> memref<80xi32, #tpu.memory_space<vmem>>
      %dma_start3A_376 = arith.constant 0 : i32
      %dma_start3A_377 = arith.constant 0 : i32
      %dma_start3A_378 = tpu.memref_slice %arg2[%dma_start3A_376, %dma_start3A_377] : memref<10240x128xf32, #tpu.memory_space<hbm>> -> memref<10240x128xf32, #tpu.memory_space<hbm>>
      tpu.enqueue_indirect_dma source(%dma_start3A_378 : memref<10240x128xf32, #tpu.memory_space<hbm>>) target(%arg12 : memref<80x128xf32, #tpu.memory_space<vmem>>) offsets(%dma_start3A_375 : memref<80xi32, #tpu.memory_space<vmem>>) semaphore(%arg14 : memref<!tpu.dma_semaphore, #tpu.memory_space<semaphore_mem>>)
      "tpu.region"() ({
        %run_scoped3A_397 = tpu.sem_alloc : memref<!tpu.dma_semaphore, #tpu.memory_space<semaphore_mem>>
        %dma_start3A_398 = arith.constant 0 : i32
        %dma_start3A_399 = tpu.memref_slice %arg8[%mul3A_364, %dma_start3A_398] : memref<25x80xi32, #tpu.memory_space<vmem>> -> memref<1x80xi32, #tpu.memory_space<vmem>>
        %dma_start3A_400 = tpu.memref_squeeze %dma_start3A_399 : memref<1x80xi32, #tpu.memory_space<vmem>> -> memref<80xi32, #tpu.memory_space<vmem>>
        %dma_start3A_401 = arith.constant 0 : i32
        %dma_start3A_402 = arith.constant 0 : i32
        %dma_start3A_403 = tpu.memref_slice %arg6[%dma_start3A_401, %dma_start3A_402] : memref<10240x128xf32, #tpu.memory_space<vmem_shared>> -> memref<10240x128xf32, #tpu.memory_space<vmem_shared>>
        tpu.enqueue_indirect_dma source(%arg11 : memref<80x128xf32, #tpu.memory_space<vmem>>) target(%dma_start3A_403 : memref<10240x128xf32, #tpu.memory_space<vmem_shared>>) offsets(%dma_start3A_400 : memref<80xi32, #tpu.memory_space<vmem>>) semaphore(%run_scoped3A_397 : memref<!tpu.dma_semaphore, #tpu.memory_space<semaphore_mem>>) {add = true}
        %dma_wait3A_404 = arith.constant 0 : i32
        %dma_wait3A_405 = tpu.memref_slice %arg8[%mul3A_364, %dma_wait3A_404] : memref<25x80xi32, #tpu.memory_space<vmem>> -> memref<1x80xi32, #tpu.memory_space<vmem>>
        %dma_wait3A_406 = tpu.memref_squeeze %dma_wait3A_405 : memref<1x80xi32, #tpu.memory_space<vmem>> -> memref<80xi32, #tpu.memory_space<vmem>>
        %dma_wait3A_407 = arith.constant 0 : i32
        %dma_wait3A_408 = arith.constant 0 : i32
        %dma_wait3A_409 = tpu.memref_slice %arg6[%dma_wait3A_407, %dma_wait3A_408] : memref<10240x128xf32, #tpu.memory_space<vmem_shared>> -> memref<10240x128xf32, #tpu.memory_space<vmem_shared>>
        tpu.wait_indirect_dma semaphore(%run_scoped3A_397 : memref<!tpu.dma_semaphore, #tpu.memory_space<semaphore_mem>>) src(%arg11 : memref<80x128xf32, #tpu.memory_space<vmem>>) dst(%dma_wait3A_409 : memref<10240x128xf32, #tpu.memory_space<vmem_shared>>)
        tpu.yield
      }) : () -> ()
      %add3A_379 = arith.constant 1 : i32
      %add3A_380 = arith.addi %mul3A_364, %add3A_379 : i32
      %dma_wait3A_381 = arith.constant 0 : i32
      %dma_wait3A_382 = tpu.memref_slice %arg7[%add3A_380, %dma_wait3A_381] : memref<25x80xi32, #tpu.memory_space<vmem>> -> memref<1x80xi32, #tpu.memory_space<vmem>>
      %dma_wait3A_383 = tpu.memref_squeeze %dma_wait3A_382 : memref<1x80xi32, #tpu.memory_space<vmem>> -> memref<80xi32, #tpu.memory_space<vmem>>
      %dma_wait3A_384 = arith.constant 0 : i32
      %dma_wait3A_385 = arith.constant 0 : i32
      %dma_wait3A_386 = tpu.memref_slice %arg2[%dma_wait3A_384, %dma_wait3A_385] : memref<10240x128xf32, #tpu.memory_space<hbm>> -> memref<10240x128xf32, #tpu.memory_space<hbm>>
      tpu.wait_indirect_dma semaphore(%arg14 : memref<!tpu.dma_semaphore, #tpu.memory_space<semaphore_mem>>) src(%dma_wait3A_386 : memref<10240x128xf32, #tpu.memory_space<hbm>>) dst(%arg12 : memref<80x128xf32, #tpu.memory_space<vmem>>)
      %add3A_387 = arith.constant 2 : i32
      %add3A_388 = arith.addi %mul3A_364, %add3A_387 : i32
      %dma_start3A_389 = arith.constant 0 : i32
      %dma_start3A_390 = tpu.memref_slice %arg7[%add3A_388, %dma_start3A_389] : memref<25x80xi32, #tpu.memory_space<vmem>> -> memref<1x80xi32, #tpu.memory_space<vmem>>
      %dma_start3A_391 = tpu.memref_squeeze %dma_start3A_390 : memref<1x80xi32, #tpu.memory_space<vmem>> -> memref<80xi32, #tpu.memory_space<vmem>>
      %dma_start3A_392 = arith.constant 0 : i32
      %dma_start3A_393 = arith.constant 0 : i32
      %dma_start3A_394 = tpu.memref_slice %arg2[%dma_start3A_392, %dma_start3A_393] : memref<10240x128xf32, #tpu.memory_space<hbm>> -> memref<10240x128xf32, #tpu.memory_space<hbm>>
      tpu.enqueue_indirect_dma source(%dma_start3A_394 : memref<10240x128xf32, #tpu.memory_space<hbm>>) target(%arg11 : memref<80x128xf32, #tpu.memory_space<vmem>>) offsets(%dma_start3A_391 : memref<80xi32, #tpu.memory_space<vmem>>) semaphore(%arg13 : memref<!tpu.dma_semaphore, #tpu.memory_space<semaphore_mem>>)
      %add3A_395 = arith.constant 1 : i32
      %add3A_396 = arith.addi %mul3A_364, %add3A_395 : i32
      "tpu.region"() ({
        %run_scoped3A_397 = tpu.sem_alloc : memref<!tpu.dma_semaphore, #tpu.memory_space<semaphore_mem>>
        %dma_start3A_398 = arith.constant 0 : i32
        %dma_start3A_399 = tpu.memref_slice %arg8[%add3A_396, %dma_start3A_398] : memref<25x80xi32, #tpu.memory_space<vmem>> -> memref<1x80xi32, #tpu.memory_space<vmem>>
        %dma_start3A_400 = tpu.memref_squeeze %dma_start3A_399 : memref<1x80xi32, #tpu.memory_space<vmem>> -> memref<80xi32, #tpu.memory_space<vmem>>
        %dma_start3A_401 = arith.constant 0 : i32
        %dma_start3A_402 = arith.constant 0 : i32
        %dma_start3A_403 = tpu.memref_slice %arg6[%dma_start3A_401, %dma_start3A_402] : memref<10240x128xf32, #tpu.memory_space<vmem_shared>> -> memref<10240x128xf32, #tpu.memory_space<vmem_shared>>
        tpu.enqueue_indirect_dma source(%arg12 : memref<80x128xf32, #tpu.memory_space<vmem>>) target(%dma_start3A_403 : memref<10240x128xf32, #tpu.memory_space<vmem_shared>>) offsets(%dma_start3A_400 : memref<80xi32, #tpu.memory_space<vmem>>) semaphore(%run_scoped3A_397 : memref<!tpu.dma_semaphore, #tpu.memory_space<semaphore_mem>>) {add = true}
        %dma_wait3A_404 = arith.constant 0 : i32
        %dma_wait3A_405 = tpu.memref_slice %arg8[%add3A_396, %dma_wait3A_404] : memref<25x80xi32, #tpu.memory_space<vmem>> -> memref<1x80xi32, #tpu.memory_space<vmem>>
        %dma_wait3A_406 = tpu.memref_squeeze %dma_wait3A_405 : memref<1x80xi32, #tpu.memory_space<vmem>> -> memref<80xi32, #tpu.memory_space<vmem>>
        %dma_wait3A_407 = arith.constant 0 : i32
        %dma_wait3A_408 = arith.constant 0 : i32
        %dma_wait3A_409 = tpu.memref_slice %arg6[%dma_wait3A_407, %dma_wait3A_408] : memref<10240x128xf32, #tpu.memory_space<vmem_shared>> -> memref<10240x128xf32, #tpu.memory_space<vmem_shared>>
        tpu.wait_indirect_dma semaphore(%run_scoped3A_397 : memref<!tpu.dma_semaphore, #tpu.memory_space<semaphore_mem>>) src(%arg12 : memref<80x128xf32, #tpu.memory_space<vmem>>) dst(%dma_wait3A_409 : memref<10240x128xf32, #tpu.memory_space<vmem_shared>>)
        tpu.yield
      }) : () -> ()
    }
    %scan3A_159 = arith.constant 12 : i32
    %dma_wait3A_160 = arith.constant 24 : i32
    %dma_wait3A_161 = arith.constant 0 : i32
    %dma_wait3A_162 = tpu.memref_slice %arg7[%dma_wait3A_160, %dma_wait3A_161] : memref<25x80xi32, #tpu.memory_space<vmem>> -> memref<1x80xi32, #tpu.memory_space<vmem>>
    %dma_wait3A_163 = tpu.memref_squeeze %dma_wait3A_162 : memref<1x80xi32, #tpu.memory_space<vmem>> -> memref<80xi32, #tpu.memory_space<vmem>>
    %dma_wait3A_164 = arith.constant 0 : i32
    %dma_wait3A_165 = arith.constant 0 : i32
    %dma_wait3A_166 = tpu.memref_slice %arg2[%dma_wait3A_164, %dma_wait3A_165] : memref<10240x128xf32, #tpu.memory_space<hbm>> -> memref<10240x128xf32, #tpu.memory_space<hbm>>
    tpu.wait_indirect_dma semaphore(%arg13 : memref<!tpu.dma_semaphore, #tpu.memory_space<semaphore_mem>>) src(%dma_wait3A_166 : memref<10240x128xf32, #tpu.memory_space<hbm>>) dst(%arg11 : memref<80x128xf32, #tpu.memory_space<vmem>>)
    %run_scoped3A = arith.constant 24 : i32
    "tpu.region"() ({
      %run_scoped3A_362 = tpu.sem_alloc : memref<!tpu.dma_semaphore, #tpu.memory_space<semaphore_mem>>
      %dma_start3A_363 = arith.constant 0 : i32
      %dma_start3A_364 = tpu.memref_slice %arg8[%run_scoped3A, %dma_start3A_363] : memref<25x80xi32, #tpu.memory_space<vmem>> -> memref<1x80xi32, #tpu.memory_space<vmem>>
      %dma_start3A_365 = tpu.memref_squeeze %dma_start3A_364 : memref<1x80xi32, #tpu.memory_space<vmem>> -> memref<80xi32, #tpu.memory_space<vmem>>
      %dma_start3A_366 = arith.constant 0 : i32
      %dma_start3A_367 = arith.constant 0 : i32
      %dma_start3A_368 = tpu.memref_slice %arg6[%dma_start3A_366, %dma_start3A_367] : memref<10240x128xf32, #tpu.memory_space<vmem_shared>> -> memref<10240x128xf32, #tpu.memory_space<vmem_shared>>
      tpu.enqueue_indirect_dma source(%arg11 : memref<80x128xf32, #tpu.memory_space<vmem>>) target(%dma_start3A_368 : memref<10240x128xf32, #tpu.memory_space<vmem_shared>>) offsets(%dma_start3A_365 : memref<80xi32, #tpu.memory_space<vmem>>) semaphore(%run_scoped3A_362 : memref<!tpu.dma_semaphore, #tpu.memory_space<semaphore_mem>>) {add = true}
      %dma_wait3A_369 = arith.constant 0 : i32
      %dma_wait3A_370 = tpu.memref_slice %arg8[%run_scoped3A, %dma_wait3A_369] : memref<25x80xi32, #tpu.memory_space<vmem>> -> memref<1x80xi32, #tpu.memory_space<vmem>>
      %dma_wait3A_371 = tpu.memref_squeeze %dma_wait3A_370 : memref<1x80xi32, #tpu.memory_space<vmem>> -> memref<80xi32, #tpu.memory_space<vmem>>
      %dma_wait3A_372 = arith.constant 0 : i32
      %dma_wait3A_373 = arith.constant 0 : i32
      %dma_wait3A_374 = tpu.memref_slice %arg6[%dma_wait3A_372, %dma_wait3A_373] : memref<10240x128xf32, #tpu.memory_space<vmem_shared>> -> memref<10240x128xf32, #tpu.memory_space<vmem_shared>>
      tpu.wait_indirect_dma semaphore(%run_scoped3A_362 : memref<!tpu.dma_semaphore, #tpu.memory_space<semaphore_mem>>) src(%arg11 : memref<80x128xf32, #tpu.memory_space<vmem>>) dst(%dma_wait3A_374 : memref<10240x128xf32, #tpu.memory_space<vmem_shared>>)
      tpu.yield
    }) : () -> ()
    %dma_wait3A_167 = arith.constant 25 : i32
    %dma_wait3A_168 = arith.constant 0 : i32
    %dma_wait3A_169 = tpu.memref_slice %arg3[%add3A, %dma_wait3A_167, %dma_wait3A_168] : memref<32x125x80xi32, #tpu.memory_space<hbm>> -> memref<1x25x80xi32, #tpu.memory_space<hbm>>
    %dma_wait3A_170 = tpu.memref_squeeze %dma_wait3A_169 : memref<1x25x80xi32, #tpu.memory_space<hbm>> -> memref<25x80xi32, #tpu.memory_space<hbm>>
    %dma_wait3A_171 = arith.constant 25 : i32
    %dma_wait3A_172 = arith.constant 0 : i32
    %dma_wait3A_173 = tpu.memref_slice %arg3[%add3A, %dma_wait3A_171, %dma_wait3A_172] : memref<32x125x80xi32, #tpu.memory_space<hbm>> -> memref<1x25x80xi32, #tpu.memory_space<hbm>>
    %dma_wait3A_174 = tpu.memref_squeeze %dma_wait3A_173 : memref<1x25x80xi32, #tpu.memory_space<hbm>> -> memref<25x80xi32, #tpu.memory_space<hbm>>
    tpu.wait_dma2 semaphore(%arg15 : memref<!tpu.dma_semaphore, #tpu.memory_space<semaphore_mem>>) src(%dma_wait3A_174 : memref<25x80xi32, #tpu.memory_space<hbm>>) dst(%arg9 : memref<25x80xi32, #tpu.memory_space<vmem>>)
    %dma_wait3A_175 = arith.constant 25 : i32
    %dma_wait3A_176 = arith.constant 0 : i32
    %dma_wait3A_177 = tpu.memref_slice %arg4[%add3A, %dma_wait3A_175, %dma_wait3A_176] : memref<32x125x80xi32, #tpu.memory_space<hbm>> -> memref<1x25x80xi32, #tpu.memory_space<hbm>>
    %dma_wait3A_178 = tpu.memref_squeeze %dma_wait3A_177 : memref<1x25x80xi32, #tpu.memory_space<hbm>> -> memref<25x80xi32, #tpu.memory_space<hbm>>
    %dma_wait3A_179 = arith.constant 25 : i32
    %dma_wait3A_180 = arith.constant 0 : i32
    %dma_wait3A_181 = tpu.memref_slice %arg4[%add3A, %dma_wait3A_179, %dma_wait3A_180] : memref<32x125x80xi32, #tpu.memory_space<hbm>> -> memref<1x25x80xi32, #tpu.memory_space<hbm>>
    %dma_wait3A_182 = tpu.memref_squeeze %dma_wait3A_181 : memref<1x25x80xi32, #tpu.memory_space<hbm>> -> memref<25x80xi32, #tpu.memory_space<hbm>>
    tpu.wait_dma2 semaphore(%arg16 : memref<!tpu.dma_semaphore, #tpu.memory_space<semaphore_mem>>) src(%dma_wait3A_182 : memref<25x80xi32, #tpu.memory_space<hbm>>) dst(%arg10 : memref<25x80xi32, #tpu.memory_space<vmem>>)
    %dma_start3A_183 = arith.constant 50 : i32
    %dma_start3A_184 = arith.constant 0 : i32
    %dma_start3A_185 = tpu.memref_slice %arg3[%add3A, %dma_start3A_183, %dma_start3A_184] : memref<32x125x80xi32, #tpu.memory_space<hbm>> -> memref<1x25x80xi32, #tpu.memory_space<hbm>>
    %dma_start3A_186 = tpu.memref_squeeze %dma_start3A_185 : memref<1x25x80xi32, #tpu.memory_space<hbm>> -> memref<25x80xi32, #tpu.memory_space<hbm>>
    %dma_start3A_187 = arith.constant 50 : i32
    %dma_start3A_188 = arith.constant 0 : i32
    %dma_start3A_189 = tpu.memref_slice %arg3[%add3A, %dma_start3A_187, %dma_start3A_188] : memref<32x125x80xi32, #tpu.memory_space<hbm>> -> memref<1x25x80xi32, #tpu.memory_space<hbm>>
    %dma_start3A_190 = tpu.memref_squeeze %dma_start3A_189 : memref<1x25x80xi32, #tpu.memory_space<hbm>> -> memref<25x80xi32, #tpu.memory_space<hbm>>
    tpu.enqueue_dma source(%dma_start3A_190 : memref<25x80xi32, #tpu.memory_space<hbm>>) target(%arg7 : memref<25x80xi32, #tpu.memory_space<vmem>>) target_semaphore(%arg15 : memref<!tpu.dma_semaphore, #tpu.memory_space<semaphore_mem>>)
    %dma_start3A_191 = arith.constant 50 : i32
    %dma_start3A_192 = arith.constant 0 : i32
    %dma_start3A_193 = tpu.memref_slice %arg4[%add3A, %dma_start3A_191, %dma_start3A_192] : memref<32x125x80xi32, #tpu.memory_space<hbm>> -> memref<1x25x80xi32, #tpu.memory_space<hbm>>
    %dma_start3A_194 = tpu.memref_squeeze %dma_start3A_193 : memref<1x25x80xi32, #tpu.memory_space<hbm>> -> memref<25x80xi32, #tpu.memory_space<hbm>>
    %dma_start3A_195 = arith.constant 50 : i32
    %dma_start3A_196 = arith.constant 0 : i32
    %dma_start3A_197 = tpu.memref_slice %arg4[%add3A, %dma_start3A_195, %dma_start3A_196] : memref<32x125x80xi32, #tpu.memory_space<hbm>> -> memref<1x25x80xi32, #tpu.memory_space<hbm>>
    %dma_start3A_198 = tpu.memref_squeeze %dma_start3A_197 : memref<1x25x80xi32, #tpu.memory_space<hbm>> -> memref<25x80xi32, #tpu.memory_space<hbm>>
    tpu.enqueue_dma source(%dma_start3A_198 : memref<25x80xi32, #tpu.memory_space<hbm>>) target(%arg8 : memref<25x80xi32, #tpu.memory_space<vmem>>) target_semaphore(%arg16 : memref<!tpu.dma_semaphore, #tpu.memory_space<semaphore_mem>>)
    %dma_start3A_199 = arith.constant 0 : i32
    %dma_start3A_200 = arith.constant 0 : i32
    %dma_start3A_201 = tpu.memref_slice %arg9[%dma_start3A_199, %dma_start3A_200] : memref<25x80xi32, #tpu.memory_space<vmem>> -> memref<1x80xi32, #tpu.memory_space<vmem>>
    %dma_start3A_202 = tpu.memref_squeeze %dma_start3A_201 : memref<1x80xi32, #tpu.memory_space<vmem>> -> memref<80xi32, #tpu.memory_space<vmem>>
    %dma_start3A_203 = arith.constant 0 : i32
    %dma_start3A_204 = arith.constant 0 : i32
    %dma_start3A_205 = tpu.memref_slice %arg2[%dma_start3A_203, %dma_start3A_204] : memref<10240x128xf32, #tpu.memory_space<hbm>> -> memref<10240x128xf32, #tpu.memory_space<hbm>>
    tpu.enqueue_indirect_dma source(%dma_start3A_205 : memref<10240x128xf32, #tpu.memory_space<hbm>>) target(%arg11 : memref<80x128xf32, #tpu.memory_space<vmem>>) offsets(%dma_start3A_202 : memref<80xi32, #tpu.memory_space<vmem>>) semaphore(%arg13 : memref<!tpu.dma_semaphore, #tpu.memory_space<semaphore_mem>>)
    %scan3A_206 = arith.constant 0 : i32
    %scan3A_207 = arith.constant 12 : i32
    %scan3A_208 = arith.addi %scan3A_206, %scan3A_207 : i32
    %scan3A_209 = arith.constant 1 : i32
    scf.for %scan3A_362 = %scan3A_206 to %scan3A_208 step %scan3A_209  : i32 {
      %mul3A_363 = arith.constant 2 : i32
      %mul3A_364 = arith.muli %mul3A_363, %scan3A_362 : i32
      %dma_wait3A_365 = arith.constant 0 : i32
      %dma_wait3A_366 = tpu.memref_slice %arg9[%mul3A_364, %dma_wait3A_365] : memref<25x80xi32, #tpu.memory_space<vmem>> -> memref<1x80xi32, #tpu.memory_space<vmem>>
      %dma_wait3A_367 = tpu.memref_squeeze %dma_wait3A_366 : memref<1x80xi32, #tpu.memory_space<vmem>> -> memref<80xi32, #tpu.memory_space<vmem>>
      %dma_wait3A_368 = arith.constant 0 : i32
      %dma_wait3A_369 = arith.constant 0 : i32
      %dma_wait3A_370 = tpu.memref_slice %arg2[%dma_wait3A_368, %dma_wait3A_369] : memref<10240x128xf32, #tpu.memory_space<hbm>> -> memref<10240x128xf32, #tpu.memory_space<hbm>>
      tpu.wait_indirect_dma semaphore(%arg13 : memref<!tpu.dma_semaphore, #tpu.memory_space<semaphore_mem>>) src(%dma_wait3A_370 : memref<10240x128xf32, #tpu.memory_space<hbm>>) dst(%arg11 : memref<80x128xf32, #tpu.memory_space<vmem>>)
      %add3A_371 = arith.constant 1 : i32
      %add3A_372 = arith.addi %mul3A_364, %add3A_371 : i32
      %dma_start3A_373 = arith.constant 0 : i32
      %dma_start3A_374 = tpu.memref_slice %arg9[%add3A_372, %dma_start3A_373] : memref<25x80xi32, #tpu.memory_space<vmem>> -> memref<1x80xi32, #tpu.memory_space<vmem>>
      %dma_start3A_375 = tpu.memref_squeeze %dma_start3A_374 : memref<1x80xi32, #tpu.memory_space<vmem>> -> memref<80xi32, #tpu.memory_space<vmem>>
      %dma_start3A_376 = arith.constant 0 : i32
      %dma_start3A_377 = arith.constant 0 : i32
      %dma_start3A_378 = tpu.memref_slice %arg2[%dma_start3A_376, %dma_start3A_377] : memref<10240x128xf32, #tpu.memory_space<hbm>> -> memref<10240x128xf32, #tpu.memory_space<hbm>>
      tpu.enqueue_indirect_dma source(%dma_start3A_378 : memref<10240x128xf32, #tpu.memory_space<hbm>>) target(%arg12 : memref<80x128xf32, #tpu.memory_space<vmem>>) offsets(%dma_start3A_375 : memref<80xi32, #tpu.memory_space<vmem>>) semaphore(%arg14 : memref<!tpu.dma_semaphore, #tpu.memory_space<semaphore_mem>>)
      "tpu.region"() ({
        %run_scoped3A_397 = tpu.sem_alloc : memref<!tpu.dma_semaphore, #tpu.memory_space<semaphore_mem>>
        %dma_start3A_398 = arith.constant 0 : i32
        %dma_start3A_399 = tpu.memref_slice %arg10[%mul3A_364, %dma_start3A_398] : memref<25x80xi32, #tpu.memory_space<vmem>> -> memref<1x80xi32, #tpu.memory_space<vmem>>
        %dma_start3A_400 = tpu.memref_squeeze %dma_start3A_399 : memref<1x80xi32, #tpu.memory_space<vmem>> -> memref<80xi32, #tpu.memory_space<vmem>>
        %dma_start3A_401 = arith.constant 0 : i32
        %dma_start3A_402 = arith.constant 0 : i32
        %dma_start3A_403 = tpu.memref_slice %arg6[%dma_start3A_401, %dma_start3A_402] : memref<10240x128xf32, #tpu.memory_space<vmem_shared>> -> memref<10240x128xf32, #tpu.memory_space<vmem_shared>>
        tpu.enqueue_indirect_dma source(%arg11 : memref<80x128xf32, #tpu.memory_space<vmem>>) target(%dma_start3A_403 : memref<10240x128xf32, #tpu.memory_space<vmem_shared>>) offsets(%dma_start3A_400 : memref<80xi32, #tpu.memory_space<vmem>>) semaphore(%run_scoped3A_397 : memref<!tpu.dma_semaphore, #tpu.memory_space<semaphore_mem>>) {add = true}
        %dma_wait3A_404 = arith.constant 0 : i32
        %dma_wait3A_405 = tpu.memref_slice %arg10[%mul3A_364, %dma_wait3A_404] : memref<25x80xi32, #tpu.memory_space<vmem>> -> memref<1x80xi32, #tpu.memory_space<vmem>>
        %dma_wait3A_406 = tpu.memref_squeeze %dma_wait3A_405 : memref<1x80xi32, #tpu.memory_space<vmem>> -> memref<80xi32, #tpu.memory_space<vmem>>
        %dma_wait3A_407 = arith.constant 0 : i32
        %dma_wait3A_408 = arith.constant 0 : i32
        %dma_wait3A_409 = tpu.memref_slice %arg6[%dma_wait3A_407, %dma_wait3A_408] : memref<10240x128xf32, #tpu.memory_space<vmem_shared>> -> memref<10240x128xf32, #tpu.memory_space<vmem_shared>>
        tpu.wait_indirect_dma semaphore(%run_scoped3A_397 : memref<!tpu.dma_semaphore, #tpu.memory_space<semaphore_mem>>) src(%arg11 : memref<80x128xf32, #tpu.memory_space<vmem>>) dst(%dma_wait3A_409 : memref<10240x128xf32, #tpu.memory_space<vmem_shared>>)
        tpu.yield
      }) : () -> ()
      %add3A_379 = arith.constant 1 : i32
      %add3A_380 = arith.addi %mul3A_364, %add3A_379 : i32
      %dma_wait3A_381 = arith.constant 0 : i32
      %dma_wait3A_382 = tpu.memref_slice %arg9[%add3A_380, %dma_wait3A_381] : memref<25x80xi32, #tpu.memory_space<vmem>> -> memref<1x80xi32, #tpu.memory_space<vmem>>
      %dma_wait3A_383 = tpu.memref_squeeze %dma_wait3A_382 : memref<1x80xi32, #tpu.memory_space<vmem>> -> memref<80xi32, #tpu.memory_space<vmem>>
      %dma_wait3A_384 = arith.constant 0 : i32
      %dma_wait3A_385 = arith.constant 0 : i32
      %dma_wait3A_386 = tpu.memref_slice %arg2[%dma_wait3A_384, %dma_wait3A_385] : memref<10240x128xf32, #tpu.memory_space<hbm>> -> memref<10240x128xf32, #tpu.memory_space<hbm>>
      tpu.wait_indirect_dma semaphore(%arg14 : memref<!tpu.dma_semaphore, #tpu.memory_space<semaphore_mem>>) src(%dma_wait3A_386 : memref<10240x128xf32, #tpu.memory_space<hbm>>) dst(%arg12 : memref<80x128xf32, #tpu.memory_space<vmem>>)
      %add3A_387 = arith.constant 2 : i32
      %add3A_388 = arith.addi %mul3A_364, %add3A_387 : i32
      %dma_start3A_389 = arith.constant 0 : i32
      %dma_start3A_390 = tpu.memref_slice %arg9[%add3A_388, %dma_start3A_389] : memref<25x80xi32, #tpu.memory_space<vmem>> -> memref<1x80xi32, #tpu.memory_space<vmem>>
      %dma_start3A_391 = tpu.memref_squeeze %dma_start3A_390 : memref<1x80xi32, #tpu.memory_space<vmem>> -> memref<80xi32, #tpu.memory_space<vmem>>
      %dma_start3A_392 = arith.constant 0 : i32
      %dma_start3A_393 = arith.constant 0 : i32
      %dma_start3A_394 = tpu.memref_slice %arg2[%dma_start3A_392, %dma_start3A_393] : memref<10240x128xf32, #tpu.memory_space<hbm>> -> memref<10240x128xf32, #tpu.memory_space<hbm>>
      tpu.enqueue_indirect_dma source(%dma_start3A_394 : memref<10240x128xf32, #tpu.memory_space<hbm>>) target(%arg11 : memref<80x128xf32, #tpu.memory_space<vmem>>) offsets(%dma_start3A_391 : memref<80xi32, #tpu.memory_space<vmem>>) semaphore(%arg13 : memref<!tpu.dma_semaphore, #tpu.memory_space<semaphore_mem>>)
      %add3A_395 = arith.constant 1 : i32
      %add3A_396 = arith.addi %mul3A_364, %add3A_395 : i32
      "tpu.region"() ({
        %run_scoped3A_397 = tpu.sem_alloc : memref<!tpu.dma_semaphore, #tpu.memory_space<semaphore_mem>>
        %dma_start3A_398 = arith.constant 0 : i32
        %dma_start3A_399 = tpu.memref_slice %arg10[%add3A_396, %dma_start3A_398] : memref<25x80xi32, #tpu.memory_space<vmem>> -> memref<1x80xi32, #tpu.memory_space<vmem>>
        %dma_start3A_400 = tpu.memref_squeeze %dma_start3A_399 : memref<1x80xi32, #tpu.memory_space<vmem>> -> memref<80xi32, #tpu.memory_space<vmem>>
        %dma_start3A_401 = arith.constant 0 : i32
        %dma_start3A_402 = arith.constant 0 : i32
        %dma_start3A_403 = tpu.memref_slice %arg6[%dma_start3A_401, %dma_start3A_402] : memref<10240x128xf32, #tpu.memory_space<vmem_shared>> -> memref<10240x128xf32, #tpu.memory_space<vmem_shared>>
        tpu.enqueue_indirect_dma source(%arg12 : memref<80x128xf32, #tpu.memory_space<vmem>>) target(%dma_start3A_403 : memref<10240x128xf32, #tpu.memory_space<vmem_shared>>) offsets(%dma_start3A_400 : memref<80xi32, #tpu.memory_space<vmem>>) semaphore(%run_scoped3A_397 : memref<!tpu.dma_semaphore, #tpu.memory_space<semaphore_mem>>) {add = true}
        %dma_wait3A_404 = arith.constant 0 : i32
        %dma_wait3A_405 = tpu.memref_slice %arg10[%add3A_396, %dma_wait3A_404] : memref<25x80xi32, #tpu.memory_space<vmem>> -> memref<1x80xi32, #tpu.memory_space<vmem>>
        %dma_wait3A_406 = tpu.memref_squeeze %dma_wait3A_405 : memref<1x80xi32, #tpu.memory_space<vmem>> -> memref<80xi32, #tpu.memory_space<vmem>>
        %dma_wait3A_407 = arith.constant 0 : i32
        %dma_wait3A_408 = arith.constant 0 : i32
        %dma_wait3A_409 = tpu.memref_slice %arg6[%dma_wait3A_407, %dma_wait3A_408] : memref<10240x128xf32, #tpu.memory_space<vmem_shared>> -> memref<10240x128xf32, #tpu.memory_space<vmem_shared>>
        tpu.wait_indirect_dma semaphore(%run_scoped3A_397 : memref<!tpu.dma_semaphore, #tpu.memory_space<semaphore_mem>>) src(%arg12 : memref<80x128xf32, #tpu.memory_space<vmem>>) dst(%dma_wait3A_409 : memref<10240x128xf32, #tpu.memory_space<vmem_shared>>)
        tpu.yield
      }) : () -> ()
    }
    %scan3A_210 = arith.constant 12 : i32
    %dma_wait3A_211 = arith.constant 24 : i32
    %dma_wait3A_212 = arith.constant 0 : i32
    %dma_wait3A_213 = tpu.memref_slice %arg9[%dma_wait3A_211, %dma_wait3A_212] : memref<25x80xi32, #tpu.memory_space<vmem>> -> memref<1x80xi32, #tpu.memory_space<vmem>>
    %dma_wait3A_214 = tpu.memref_squeeze %dma_wait3A_213 : memref<1x80xi32, #tpu.memory_space<vmem>> -> memref<80xi32, #tpu.memory_space<vmem>>
    %dma_wait3A_215 = arith.constant 0 : i32
    %dma_wait3A_216 = arith.constant 0 : i32
    %dma_wait3A_217 = tpu.memref_slice %arg2[%dma_wait3A_215, %dma_wait3A_216] : memref<10240x128xf32, #tpu.memory_space<hbm>> -> memref<10240x128xf32, #tpu.memory_space<hbm>>
    tpu.wait_indirect_dma semaphore(%arg13 : memref<!tpu.dma_semaphore, #tpu.memory_space<semaphore_mem>>) src(%dma_wait3A_217 : memref<10240x128xf32, #tpu.memory_space<hbm>>) dst(%arg11 : memref<80x128xf32, #tpu.memory_space<vmem>>)
    %run_scoped3A_218 = arith.constant 24 : i32
    "tpu.region"() ({
      %run_scoped3A_362 = tpu.sem_alloc : memref<!tpu.dma_semaphore, #tpu.memory_space<semaphore_mem>>
      %dma_start3A_363 = arith.constant 0 : i32
      %dma_start3A_364 = tpu.memref_slice %arg10[%run_scoped3A_218, %dma_start3A_363] : memref<25x80xi32, #tpu.memory_space<vmem>> -> memref<1x80xi32, #tpu.memory_space<vmem>>
      %dma_start3A_365 = tpu.memref_squeeze %dma_start3A_364 : memref<1x80xi32, #tpu.memory_space<vmem>> -> memref<80xi32, #tpu.memory_space<vmem>>
      %dma_start3A_366 = arith.constant 0 : i32
      %dma_start3A_367 = arith.constant 0 : i32
      %dma_start3A_368 = tpu.memref_slice %arg6[%dma_start3A_366, %dma_start3A_367] : memref<10240x128xf32, #tpu.memory_space<vmem_shared>> -> memref<10240x128xf32, #tpu.memory_space<vmem_shared>>
      tpu.enqueue_indirect_dma source(%arg11 : memref<80x128xf32, #tpu.memory_space<vmem>>) target(%dma_start3A_368 : memref<10240x128xf32, #tpu.memory_space<vmem_shared>>) offsets(%dma_start3A_365 : memref<80xi32, #tpu.memory_space<vmem>>) semaphore(%run_scoped3A_362 : memref<!tpu.dma_semaphore, #tpu.memory_space<semaphore_mem>>) {add = true}
      %dma_wait3A_369 = arith.constant 0 : i32
      %dma_wait3A_370 = tpu.memref_slice %arg10[%run_scoped3A_218, %dma_wait3A_369] : memref<25x80xi32, #tpu.memory_space<vmem>> -> memref<1x80xi32, #tpu.memory_space<vmem>>
      %dma_wait3A_371 = tpu.memref_squeeze %dma_wait3A_370 : memref<1x80xi32, #tpu.memory_space<vmem>> -> memref<80xi32, #tpu.memory_space<vmem>>
      %dma_wait3A_372 = arith.constant 0 : i32
      %dma_wait3A_373 = arith.constant 0 : i32
      %dma_wait3A_374 = tpu.memref_slice %arg6[%dma_wait3A_372, %dma_wait3A_373] : memref<10240x128xf32, #tpu.memory_space<vmem_shared>> -> memref<10240x128xf32, #tpu.memory_space<vmem_shared>>
      tpu.wait_indirect_dma semaphore(%run_scoped3A_362 : memref<!tpu.dma_semaphore, #tpu.memory_space<semaphore_mem>>) src(%arg11 : memref<80x128xf32, #tpu.memory_space<vmem>>) dst(%dma_wait3A_374 : memref<10240x128xf32, #tpu.memory_space<vmem_shared>>)
      tpu.yield
    }) : () -> ()
    %dma_wait3A_219 = arith.constant 50 : i32
    %dma_wait3A_220 = arith.constant 0 : i32
    %dma_wait3A_221 = tpu.memref_slice %arg3[%add3A, %dma_wait3A_219, %dma_wait3A_220] : memref<32x125x80xi32, #tpu.memory_space<hbm>> -> memref<1x25x80xi32, #tpu.memory_space<hbm>>
    %dma_wait3A_222 = tpu.memref_squeeze %dma_wait3A_221 : memref<1x25x80xi32, #tpu.memory_space<hbm>> -> memref<25x80xi32, #tpu.memory_space<hbm>>
    %dma_wait3A_223 = arith.constant 50 : i32
    %dma_wait3A_224 = arith.constant 0 : i32
    %dma_wait3A_225 = tpu.memref_slice %arg3[%add3A, %dma_wait3A_223, %dma_wait3A_224] : memref<32x125x80xi32, #tpu.memory_space<hbm>> -> memref<1x25x80xi32, #tpu.memory_space<hbm>>
    %dma_wait3A_226 = tpu.memref_squeeze %dma_wait3A_225 : memref<1x25x80xi32, #tpu.memory_space<hbm>> -> memref<25x80xi32, #tpu.memory_space<hbm>>
    tpu.wait_dma2 semaphore(%arg15 : memref<!tpu.dma_semaphore, #tpu.memory_space<semaphore_mem>>) src(%dma_wait3A_226 : memref<25x80xi32, #tpu.memory_space<hbm>>) dst(%arg7 : memref<25x80xi32, #tpu.memory_space<vmem>>)
    %dma_wait3A_227 = arith.constant 50 : i32
    %dma_wait3A_228 = arith.constant 0 : i32
    %dma_wait3A_229 = tpu.memref_slice %arg4[%add3A, %dma_wait3A_227, %dma_wait3A_228] : memref<32x125x80xi32, #tpu.memory_space<hbm>> -> memref<1x25x80xi32, #tpu.memory_space<hbm>>
    %dma_wait3A_230 = tpu.memref_squeeze %dma_wait3A_229 : memref<1x25x80xi32, #tpu.memory_space<hbm>> -> memref<25x80xi32, #tpu.memory_space<hbm>>
    %dma_wait3A_231 = arith.constant 50 : i32
    %dma_wait3A_232 = arith.constant 0 : i32
    %dma_wait3A_233 = tpu.memref_slice %arg4[%add3A, %dma_wait3A_231, %dma_wait3A_232] : memref<32x125x80xi32, #tpu.memory_space<hbm>> -> memref<1x25x80xi32, #tpu.memory_space<hbm>>
    %dma_wait3A_234 = tpu.memref_squeeze %dma_wait3A_233 : memref<1x25x80xi32, #tpu.memory_space<hbm>> -> memref<25x80xi32, #tpu.memory_space<hbm>>
    tpu.wait_dma2 semaphore(%arg16 : memref<!tpu.dma_semaphore, #tpu.memory_space<semaphore_mem>>) src(%dma_wait3A_234 : memref<25x80xi32, #tpu.memory_space<hbm>>) dst(%arg8 : memref<25x80xi32, #tpu.memory_space<vmem>>)
    %dma_start3A_235 = arith.constant 75 : i32
    %dma_start3A_236 = arith.constant 0 : i32
    %dma_start3A_237 = tpu.memref_slice %arg3[%add3A, %dma_start3A_235, %dma_start3A_236] : memref<32x125x80xi32, #tpu.memory_space<hbm>> -> memref<1x25x80xi32, #tpu.memory_space<hbm>>
    %dma_start3A_238 = tpu.memref_squeeze %dma_start3A_237 : memref<1x25x80xi32, #tpu.memory_space<hbm>> -> memref<25x80xi32, #tpu.memory_space<hbm>>
    %dma_start3A_239 = arith.constant 75 : i32
    %dma_start3A_240 = arith.constant 0 : i32
    %dma_start3A_241 = tpu.memref_slice %arg3[%add3A, %dma_start3A_239, %dma_start3A_240] : memref<32x125x80xi32, #tpu.memory_space<hbm>> -> memref<1x25x80xi32, #tpu.memory_space<hbm>>
    %dma_start3A_242 = tpu.memref_squeeze %dma_start3A_241 : memref<1x25x80xi32, #tpu.memory_space<hbm>> -> memref<25x80xi32, #tpu.memory_space<hbm>>
    tpu.enqueue_dma source(%dma_start3A_242 : memref<25x80xi32, #tpu.memory_space<hbm>>) target(%arg9 : memref<25x80xi32, #tpu.memory_space<vmem>>) target_semaphore(%arg15 : memref<!tpu.dma_semaphore, #tpu.memory_space<semaphore_mem>>)
    %dma_start3A_243 = arith.constant 75 : i32
    %dma_start3A_244 = arith.constant 0 : i32
    %dma_start3A_245 = tpu.memref_slice %arg4[%add3A, %dma_start3A_243, %dma_start3A_244] : memref<32x125x80xi32, #tpu.memory_space<hbm>> -> memref<1x25x80xi32, #tpu.memory_space<hbm>>
    %dma_start3A_246 = tpu.memref_squeeze %dma_start3A_245 : memref<1x25x80xi32, #tpu.memory_space<hbm>> -> memref<25x80xi32, #tpu.memory_space<hbm>>
    %dma_start3A_247 = arith.constant 75 : i32
    %dma_start3A_248 = arith.constant 0 : i32
    %dma_start3A_249 = tpu.memref_slice %arg4[%add3A, %dma_start3A_247, %dma_start3A_248] : memref<32x125x80xi32, #tpu.memory_space<hbm>> -> memref<1x25x80xi32, #tpu.memory_space<hbm>>
    %dma_start3A_250 = tpu.memref_squeeze %dma_start3A_249 : memref<1x25x80xi32, #tpu.memory_space<hbm>> -> memref<25x80xi32, #tpu.memory_space<hbm>>
    tpu.enqueue_dma source(%dma_start3A_250 : memref<25x80xi32, #tpu.memory_space<hbm>>) target(%arg10 : memref<25x80xi32, #tpu.memory_space<vmem>>) target_semaphore(%arg16 : memref<!tpu.dma_semaphore, #tpu.memory_space<semaphore_mem>>)
    %dma_start3A_251 = arith.constant 0 : i32
    %dma_start3A_252 = arith.constant 0 : i32
    %dma_start3A_253 = tpu.memref_slice %arg7[%dma_start3A_251, %dma_start3A_252] : memref<25x80xi32, #tpu.memory_space<vmem>> -> memref<1x80xi32, #tpu.memory_space<vmem>>
    %dma_start3A_254 = tpu.memref_squeeze %dma_start3A_253 : memref<1x80xi32, #tpu.memory_space<vmem>> -> memref<80xi32, #tpu.memory_space<vmem>>
    %dma_start3A_255 = arith.constant 0 : i32
    %dma_start3A_256 = arith.constant 0 : i32
    %dma_start3A_257 = tpu.memref_slice %arg2[%dma_start3A_255, %dma_start3A_256] : memref<10240x128xf32, #tpu.memory_space<hbm>> -> memref<10240x128xf32, #tpu.memory_space<hbm>>
    tpu.enqueue_indirect_dma source(%dma_start3A_257 : memref<10240x128xf32, #tpu.memory_space<hbm>>) target(%arg11 : memref<80x128xf32, #tpu.memory_space<vmem>>) offsets(%dma_start3A_254 : memref<80xi32, #tpu.memory_space<vmem>>) semaphore(%arg13 : memref<!tpu.dma_semaphore, #tpu.memory_space<semaphore_mem>>)
    %scan3A_258 = arith.constant 0 : i32
    %scan3A_259 = arith.constant 12 : i32
    %scan3A_260 = arith.addi %scan3A_258, %scan3A_259 : i32
    %scan3A_261 = arith.constant 1 : i32
    scf.for %scan3A_362 = %scan3A_258 to %scan3A_260 step %scan3A_261  : i32 {
      %mul3A_363 = arith.constant 2 : i32
      %mul3A_364 = arith.muli %mul3A_363, %scan3A_362 : i32
      %dma_wait3A_365 = arith.constant 0 : i32
      %dma_wait3A_366 = tpu.memref_slice %arg7[%mul3A_364, %dma_wait3A_365] : memref<25x80xi32, #tpu.memory_space<vmem>> -> memref<1x80xi32, #tpu.memory_space<vmem>>
      %dma_wait3A_367 = tpu.memref_squeeze %dma_wait3A_366 : memref<1x80xi32, #tpu.memory_space<vmem>> -> memref<80xi32, #tpu.memory_space<vmem>>
      %dma_wait3A_368 = arith.constant 0 : i32
      %dma_wait3A_369 = arith.constant 0 : i32
      %dma_wait3A_370 = tpu.memref_slice %arg2[%dma_wait3A_368, %dma_wait3A_369] : memref<10240x128xf32, #tpu.memory_space<hbm>> -> memref<10240x128xf32, #tpu.memory_space<hbm>>
      tpu.wait_indirect_dma semaphore(%arg13 : memref<!tpu.dma_semaphore, #tpu.memory_space<semaphore_mem>>) src(%dma_wait3A_370 : memref<10240x128xf32, #tpu.memory_space<hbm>>) dst(%arg11 : memref<80x128xf32, #tpu.memory_space<vmem>>)
      %add3A_371 = arith.constant 1 : i32
      %add3A_372 = arith.addi %mul3A_364, %add3A_371 : i32
      %dma_start3A_373 = arith.constant 0 : i32
      %dma_start3A_374 = tpu.memref_slice %arg7[%add3A_372, %dma_start3A_373] : memref<25x80xi32, #tpu.memory_space<vmem>> -> memref<1x80xi32, #tpu.memory_space<vmem>>
      %dma_start3A_375 = tpu.memref_squeeze %dma_start3A_374 : memref<1x80xi32, #tpu.memory_space<vmem>> -> memref<80xi32, #tpu.memory_space<vmem>>
      %dma_start3A_376 = arith.constant 0 : i32
      %dma_start3A_377 = arith.constant 0 : i32
      %dma_start3A_378 = tpu.memref_slice %arg2[%dma_start3A_376, %dma_start3A_377] : memref<10240x128xf32, #tpu.memory_space<hbm>> -> memref<10240x128xf32, #tpu.memory_space<hbm>>
      tpu.enqueue_indirect_dma source(%dma_start3A_378 : memref<10240x128xf32, #tpu.memory_space<hbm>>) target(%arg12 : memref<80x128xf32, #tpu.memory_space<vmem>>) offsets(%dma_start3A_375 : memref<80xi32, #tpu.memory_space<vmem>>) semaphore(%arg14 : memref<!tpu.dma_semaphore, #tpu.memory_space<semaphore_mem>>)
      "tpu.region"() ({
        %run_scoped3A_397 = tpu.sem_alloc : memref<!tpu.dma_semaphore, #tpu.memory_space<semaphore_mem>>
        %dma_start3A_398 = arith.constant 0 : i32
        %dma_start3A_399 = tpu.memref_slice %arg8[%mul3A_364, %dma_start3A_398] : memref<25x80xi32, #tpu.memory_space<vmem>> -> memref<1x80xi32, #tpu.memory_space<vmem>>
        %dma_start3A_400 = tpu.memref_squeeze %dma_start3A_399 : memref<1x80xi32, #tpu.memory_space<vmem>> -> memref<80xi32, #tpu.memory_space<vmem>>
        %dma_start3A_401 = arith.constant 0 : i32
        %dma_start3A_402 = arith.constant 0 : i32
        %dma_start3A_403 = tpu.memref_slice %arg6[%dma_start3A_401, %dma_start3A_402] : memref<10240x128xf32, #tpu.memory_space<vmem_shared>> -> memref<10240x128xf32, #tpu.memory_space<vmem_shared>>
        tpu.enqueue_indirect_dma source(%arg11 : memref<80x128xf32, #tpu.memory_space<vmem>>) target(%dma_start3A_403 : memref<10240x128xf32, #tpu.memory_space<vmem_shared>>) offsets(%dma_start3A_400 : memref<80xi32, #tpu.memory_space<vmem>>) semaphore(%run_scoped3A_397 : memref<!tpu.dma_semaphore, #tpu.memory_space<semaphore_mem>>) {add = true}
        %dma_wait3A_404 = arith.constant 0 : i32
        %dma_wait3A_405 = tpu.memref_slice %arg8[%mul3A_364, %dma_wait3A_404] : memref<25x80xi32, #tpu.memory_space<vmem>> -> memref<1x80xi32, #tpu.memory_space<vmem>>
        %dma_wait3A_406 = tpu.memref_squeeze %dma_wait3A_405 : memref<1x80xi32, #tpu.memory_space<vmem>> -> memref<80xi32, #tpu.memory_space<vmem>>
        %dma_wait3A_407 = arith.constant 0 : i32
        %dma_wait3A_408 = arith.constant 0 : i32
        %dma_wait3A_409 = tpu.memref_slice %arg6[%dma_wait3A_407, %dma_wait3A_408] : memref<10240x128xf32, #tpu.memory_space<vmem_shared>> -> memref<10240x128xf32, #tpu.memory_space<vmem_shared>>
        tpu.wait_indirect_dma semaphore(%run_scoped3A_397 : memref<!tpu.dma_semaphore, #tpu.memory_space<semaphore_mem>>) src(%arg11 : memref<80x128xf32, #tpu.memory_space<vmem>>) dst(%dma_wait3A_409 : memref<10240x128xf32, #tpu.memory_space<vmem_shared>>)
        tpu.yield
      }) : () -> ()
      %add3A_379 = arith.constant 1 : i32
      %add3A_380 = arith.addi %mul3A_364, %add3A_379 : i32
      %dma_wait3A_381 = arith.constant 0 : i32
      %dma_wait3A_382 = tpu.memref_slice %arg7[%add3A_380, %dma_wait3A_381] : memref<25x80xi32, #tpu.memory_space<vmem>> -> memref<1x80xi32, #tpu.memory_space<vmem>>
      %dma_wait3A_383 = tpu.memref_squeeze %dma_wait3A_382 : memref<1x80xi32, #tpu.memory_space<vmem>> -> memref<80xi32, #tpu.memory_space<vmem>>
      %dma_wait3A_384 = arith.constant 0 : i32
      %dma_wait3A_385 = arith.constant 0 : i32
      %dma_wait3A_386 = tpu.memref_slice %arg2[%dma_wait3A_384, %dma_wait3A_385] : memref<10240x128xf32, #tpu.memory_space<hbm>> -> memref<10240x128xf32, #tpu.memory_space<hbm>>
      tpu.wait_indirect_dma semaphore(%arg14 : memref<!tpu.dma_semaphore, #tpu.memory_space<semaphore_mem>>) src(%dma_wait3A_386 : memref<10240x128xf32, #tpu.memory_space<hbm>>) dst(%arg12 : memref<80x128xf32, #tpu.memory_space<vmem>>)
      %add3A_387 = arith.constant 2 : i32
      %add3A_388 = arith.addi %mul3A_364, %add3A_387 : i32
      %dma_start3A_389 = arith.constant 0 : i32
      %dma_start3A_390 = tpu.memref_slice %arg7[%add3A_388, %dma_start3A_389] : memref<25x80xi32, #tpu.memory_space<vmem>> -> memref<1x80xi32, #tpu.memory_space<vmem>>
      %dma_start3A_391 = tpu.memref_squeeze %dma_start3A_390 : memref<1x80xi32, #tpu.memory_space<vmem>> -> memref<80xi32, #tpu.memory_space<vmem>>
      %dma_start3A_392 = arith.constant 0 : i32
      %dma_start3A_393 = arith.constant 0 : i32
      %dma_start3A_394 = tpu.memref_slice %arg2[%dma_start3A_392, %dma_start3A_393] : memref<10240x128xf32, #tpu.memory_space<hbm>> -> memref<10240x128xf32, #tpu.memory_space<hbm>>
      tpu.enqueue_indirect_dma source(%dma_start3A_394 : memref<10240x128xf32, #tpu.memory_space<hbm>>) target(%arg11 : memref<80x128xf32, #tpu.memory_space<vmem>>) offsets(%dma_start3A_391 : memref<80xi32, #tpu.memory_space<vmem>>) semaphore(%arg13 : memref<!tpu.dma_semaphore, #tpu.memory_space<semaphore_mem>>)
      %add3A_395 = arith.constant 1 : i32
      %add3A_396 = arith.addi %mul3A_364, %add3A_395 : i32
      "tpu.region"() ({
        %run_scoped3A_397 = tpu.sem_alloc : memref<!tpu.dma_semaphore, #tpu.memory_space<semaphore_mem>>
        %dma_start3A_398 = arith.constant 0 : i32
        %dma_start3A_399 = tpu.memref_slice %arg8[%add3A_396, %dma_start3A_398] : memref<25x80xi32, #tpu.memory_space<vmem>> -> memref<1x80xi32, #tpu.memory_space<vmem>>
        %dma_start3A_400 = tpu.memref_squeeze %dma_start3A_399 : memref<1x80xi32, #tpu.memory_space<vmem>> -> memref<80xi32, #tpu.memory_space<vmem>>
        %dma_start3A_401 = arith.constant 0 : i32
        %dma_start3A_402 = arith.constant 0 : i32
        %dma_start3A_403 = tpu.memref_slice %arg6[%dma_start3A_401, %dma_start3A_402] : memref<10240x128xf32, #tpu.memory_space<vmem_shared>> -> memref<10240x128xf32, #tpu.memory_space<vmem_shared>>
        tpu.enqueue_indirect_dma source(%arg12 : memref<80x128xf32, #tpu.memory_space<vmem>>) target(%dma_start3A_403 : memref<10240x128xf32, #tpu.memory_space<vmem_shared>>) offsets(%dma_start3A_400 : memref<80xi32, #tpu.memory_space<vmem>>) semaphore(%run_scoped3A_397 : memref<!tpu.dma_semaphore, #tpu.memory_space<semaphore_mem>>) {add = true}
        %dma_wait3A_404 = arith.constant 0 : i32
        %dma_wait3A_405 = tpu.memref_slice %arg8[%add3A_396, %dma_wait3A_404] : memref<25x80xi32, #tpu.memory_space<vmem>> -> memref<1x80xi32, #tpu.memory_space<vmem>>
        %dma_wait3A_406 = tpu.memref_squeeze %dma_wait3A_405 : memref<1x80xi32, #tpu.memory_space<vmem>> -> memref<80xi32, #tpu.memory_space<vmem>>
        %dma_wait3A_407 = arith.constant 0 : i32
        %dma_wait3A_408 = arith.constant 0 : i32
        %dma_wait3A_409 = tpu.memref_slice %arg6[%dma_wait3A_407, %dma_wait3A_408] : memref<10240x128xf32, #tpu.memory_space<vmem_shared>> -> memref<10240x128xf32, #tpu.memory_space<vmem_shared>>
        tpu.wait_indirect_dma semaphore(%run_scoped3A_397 : memref<!tpu.dma_semaphore, #tpu.memory_space<semaphore_mem>>) src(%arg12 : memref<80x128xf32, #tpu.memory_space<vmem>>) dst(%dma_wait3A_409 : memref<10240x128xf32, #tpu.memory_space<vmem_shared>>)
        tpu.yield
      }) : () -> ()
    }
    %scan3A_262 = arith.constant 12 : i32
    %dma_wait3A_263 = arith.constant 24 : i32
    %dma_wait3A_264 = arith.constant 0 : i32
    %dma_wait3A_265 = tpu.memref_slice %arg7[%dma_wait3A_263, %dma_wait3A_264] : memref<25x80xi32, #tpu.memory_space<vmem>> -> memref<1x80xi32, #tpu.memory_space<vmem>>
    %dma_wait3A_266 = tpu.memref_squeeze %dma_wait3A_265 : memref<1x80xi32, #tpu.memory_space<vmem>> -> memref<80xi32, #tpu.memory_space<vmem>>
    %dma_wait3A_267 = arith.constant 0 : i32
    %dma_wait3A_268 = arith.constant 0 : i32
    %dma_wait3A_269 = tpu.memref_slice %arg2[%dma_wait3A_267, %dma_wait3A_268] : memref<10240x128xf32, #tpu.memory_space<hbm>> -> memref<10240x128xf32, #tpu.memory_space<hbm>>
    tpu.wait_indirect_dma semaphore(%arg13 : memref<!tpu.dma_semaphore, #tpu.memory_space<semaphore_mem>>) src(%dma_wait3A_269 : memref<10240x128xf32, #tpu.memory_space<hbm>>) dst(%arg11 : memref<80x128xf32, #tpu.memory_space<vmem>>)
    %run_scoped3A_270 = arith.constant 24 : i32
    "tpu.region"() ({
      %run_scoped3A_362 = tpu.sem_alloc : memref<!tpu.dma_semaphore, #tpu.memory_space<semaphore_mem>>
      %dma_start3A_363 = arith.constant 0 : i32
      %dma_start3A_364 = tpu.memref_slice %arg8[%run_scoped3A_270, %dma_start3A_363] : memref<25x80xi32, #tpu.memory_space<vmem>> -> memref<1x80xi32, #tpu.memory_space<vmem>>
      %dma_start3A_365 = tpu.memref_squeeze %dma_start3A_364 : memref<1x80xi32, #tpu.memory_space<vmem>> -> memref<80xi32, #tpu.memory_space<vmem>>
      %dma_start3A_366 = arith.constant 0 : i32
      %dma_start3A_367 = arith.constant 0 : i32
      %dma_start3A_368 = tpu.memref_slice %arg6[%dma_start3A_366, %dma_start3A_367] : memref<10240x128xf32, #tpu.memory_space<vmem_shared>> -> memref<10240x128xf32, #tpu.memory_space<vmem_shared>>
      tpu.enqueue_indirect_dma source(%arg11 : memref<80x128xf32, #tpu.memory_space<vmem>>) target(%dma_start3A_368 : memref<10240x128xf32, #tpu.memory_space<vmem_shared>>) offsets(%dma_start3A_365 : memref<80xi32, #tpu.memory_space<vmem>>) semaphore(%run_scoped3A_362 : memref<!tpu.dma_semaphore, #tpu.memory_space<semaphore_mem>>) {add = true}
      %dma_wait3A_369 = arith.constant 0 : i32
      %dma_wait3A_370 = tpu.memref_slice %arg8[%run_scoped3A_270, %dma_wait3A_369] : memref<25x80xi32, #tpu.memory_space<vmem>> -> memref<1x80xi32, #tpu.memory_space<vmem>>
      %dma_wait3A_371 = tpu.memref_squeeze %dma_wait3A_370 : memref<1x80xi32, #tpu.memory_space<vmem>> -> memref<80xi32, #tpu.memory_space<vmem>>
      %dma_wait3A_372 = arith.constant 0 : i32
      %dma_wait3A_373 = arith.constant 0 : i32
      %dma_wait3A_374 = tpu.memref_slice %arg6[%dma_wait3A_372, %dma_wait3A_373] : memref<10240x128xf32, #tpu.memory_space<vmem_shared>> -> memref<10240x128xf32, #tpu.memory_space<vmem_shared>>
      tpu.wait_indirect_dma semaphore(%run_scoped3A_362 : memref<!tpu.dma_semaphore, #tpu.memory_space<semaphore_mem>>) src(%arg11 : memref<80x128xf32, #tpu.memory_space<vmem>>) dst(%dma_wait3A_374 : memref<10240x128xf32, #tpu.memory_space<vmem_shared>>)
      tpu.yield
    }) : () -> ()
    %dma_wait3A_271 = arith.constant 75 : i32
    %dma_wait3A_272 = arith.constant 0 : i32
    %dma_wait3A_273 = tpu.memref_slice %arg3[%add3A, %dma_wait3A_271, %dma_wait3A_272] : memref<32x125x80xi32, #tpu.memory_space<hbm>> -> memref<1x25x80xi32, #tpu.memory_space<hbm>>
    %dma_wait3A_274 = tpu.memref_squeeze %dma_wait3A_273 : memref<1x25x80xi32, #tpu.memory_space<hbm>> -> memref<25x80xi32, #tpu.memory_space<hbm>>
    %dma_wait3A_275 = arith.constant 75 : i32
    %dma_wait3A_276 = arith.constant 0 : i32
    %dma_wait3A_277 = tpu.memref_slice %arg3[%add3A, %dma_wait3A_275, %dma_wait3A_276] : memref<32x125x80xi32, #tpu.memory_space<hbm>> -> memref<1x25x80xi32, #tpu.memory_space<hbm>>
    %dma_wait3A_278 = tpu.memref_squeeze %dma_wait3A_277 : memref<1x25x80xi32, #tpu.memory_space<hbm>> -> memref<25x80xi32, #tpu.memory_space<hbm>>
    tpu.wait_dma2 semaphore(%arg15 : memref<!tpu.dma_semaphore, #tpu.memory_space<semaphore_mem>>) src(%dma_wait3A_278 : memref<25x80xi32, #tpu.memory_space<hbm>>) dst(%arg9 : memref<25x80xi32, #tpu.memory_space<vmem>>)
    %dma_wait3A_279 = arith.constant 75 : i32
    %dma_wait3A_280 = arith.constant 0 : i32
    %dma_wait3A_281 = tpu.memref_slice %arg4[%add3A, %dma_wait3A_279, %dma_wait3A_280] : memref<32x125x80xi32, #tpu.memory_space<hbm>> -> memref<1x25x80xi32, #tpu.memory_space<hbm>>
    %dma_wait3A_282 = tpu.memref_squeeze %dma_wait3A_281 : memref<1x25x80xi32, #tpu.memory_space<hbm>> -> memref<25x80xi32, #tpu.memory_space<hbm>>
    %dma_wait3A_283 = arith.constant 75 : i32
    %dma_wait3A_284 = arith.constant 0 : i32
    %dma_wait3A_285 = tpu.memref_slice %arg4[%add3A, %dma_wait3A_283, %dma_wait3A_284] : memref<32x125x80xi32, #tpu.memory_space<hbm>> -> memref<1x25x80xi32, #tpu.memory_space<hbm>>
    %dma_wait3A_286 = tpu.memref_squeeze %dma_wait3A_285 : memref<1x25x80xi32, #tpu.memory_space<hbm>> -> memref<25x80xi32, #tpu.memory_space<hbm>>
    tpu.wait_dma2 semaphore(%arg16 : memref<!tpu.dma_semaphore, #tpu.memory_space<semaphore_mem>>) src(%dma_wait3A_286 : memref<25x80xi32, #tpu.memory_space<hbm>>) dst(%arg10 : memref<25x80xi32, #tpu.memory_space<vmem>>)
    %dma_start3A_287 = arith.constant 100 : i32
    %dma_start3A_288 = arith.constant 0 : i32
    %dma_start3A_289 = tpu.memref_slice %arg3[%add3A, %dma_start3A_287, %dma_start3A_288] : memref<32x125x80xi32, #tpu.memory_space<hbm>> -> memref<1x25x80xi32, #tpu.memory_space<hbm>>
    %dma_start3A_290 = tpu.memref_squeeze %dma_start3A_289 : memref<1x25x80xi32, #tpu.memory_space<hbm>> -> memref<25x80xi32, #tpu.memory_space<hbm>>
    %dma_start3A_291 = arith.constant 100 : i32
    %dma_start3A_292 = arith.constant 0 : i32
    %dma_start3A_293 = tpu.memref_slice %arg3[%add3A, %dma_start3A_291, %dma_start3A_292] : memref<32x125x80xi32, #tpu.memory_space<hbm>> -> memref<1x25x80xi32, #tpu.memory_space<hbm>>
    %dma_start3A_294 = tpu.memref_squeeze %dma_start3A_293 : memref<1x25x80xi32, #tpu.memory_space<hbm>> -> memref<25x80xi32, #tpu.memory_space<hbm>>
    tpu.enqueue_dma source(%dma_start3A_294 : memref<25x80xi32, #tpu.memory_space<hbm>>) target(%arg7 : memref<25x80xi32, #tpu.memory_space<vmem>>) target_semaphore(%arg15 : memref<!tpu.dma_semaphore, #tpu.memory_space<semaphore_mem>>)
    %dma_start3A_295 = arith.constant 100 : i32
    %dma_start3A_296 = arith.constant 0 : i32
    %dma_start3A_297 = tpu.memref_slice %arg4[%add3A, %dma_start3A_295, %dma_start3A_296] : memref<32x125x80xi32, #tpu.memory_space<hbm>> -> memref<1x25x80xi32, #tpu.memory_space<hbm>>
    %dma_start3A_298 = tpu.memref_squeeze %dma_start3A_297 : memref<1x25x80xi32, #tpu.memory_space<hbm>> -> memref<25x80xi32, #tpu.memory_space<hbm>>
    %dma_start3A_299 = arith.constant 100 : i32
    %dma_start3A_300 = arith.constant 0 : i32
    %dma_start3A_301 = tpu.memref_slice %arg4[%add3A, %dma_start3A_299, %dma_start3A_300] : memref<32x125x80xi32, #tpu.memory_space<hbm>> -> memref<1x25x80xi32, #tpu.memory_space<hbm>>
    %dma_start3A_302 = tpu.memref_squeeze %dma_start3A_301 : memref<1x25x80xi32, #tpu.memory_space<hbm>> -> memref<25x80xi32, #tpu.memory_space<hbm>>
    tpu.enqueue_dma source(%dma_start3A_302 : memref<25x80xi32, #tpu.memory_space<hbm>>) target(%arg8 : memref<25x80xi32, #tpu.memory_space<vmem>>) target_semaphore(%arg16 : memref<!tpu.dma_semaphore, #tpu.memory_space<semaphore_mem>>)
    %dma_start3A_303 = arith.constant 0 : i32
    %dma_start3A_304 = arith.constant 0 : i32
    %dma_start3A_305 = tpu.memref_slice %arg9[%dma_start3A_303, %dma_start3A_304] : memref<25x80xi32, #tpu.memory_space<vmem>> -> memref<1x80xi32, #tpu.memory_space<vmem>>
    %dma_start3A_306 = tpu.memref_squeeze %dma_start3A_305 : memref<1x80xi32, #tpu.memory_space<vmem>> -> memref<80xi32, #tpu.memory_space<vmem>>
    %dma_start3A_307 = arith.constant 0 : i32
    %dma_start3A_308 = arith.constant 0 : i32
    %dma_start3A_309 = tpu.memref_slice %arg2[%dma_start3A_307, %dma_start3A_308] : memref<10240x128xf32, #tpu.memory_space<hbm>> -> memref<10240x128xf32, #tpu.memory_space<hbm>>
    tpu.enqueue_indirect_dma source(%dma_start3A_309 : memref<10240x128xf32, #tpu.memory_space<hbm>>) target(%arg11 : memref<80x128xf32, #tpu.memory_space<vmem>>) offsets(%dma_start3A_306 : memref<80xi32, #tpu.memory_space<vmem>>) semaphore(%arg13 : memref<!tpu.dma_semaphore, #tpu.memory_space<semaphore_mem>>)
    %scan3A_310 = arith.constant 0 : i32
    %scan3A_311 = arith.constant 12 : i32
    %scan3A_312 = arith.addi %scan3A_310, %scan3A_311 : i32
    %scan3A_313 = arith.constant 1 : i32
    scf.for %scan3A_362 = %scan3A_310 to %scan3A_312 step %scan3A_313  : i32 {
      %mul3A_363 = arith.constant 2 : i32
      %mul3A_364 = arith.muli %mul3A_363, %scan3A_362 : i32
      %dma_wait3A_365 = arith.constant 0 : i32
      %dma_wait3A_366 = tpu.memref_slice %arg9[%mul3A_364, %dma_wait3A_365] : memref<25x80xi32, #tpu.memory_space<vmem>> -> memref<1x80xi32, #tpu.memory_space<vmem>>
      %dma_wait3A_367 = tpu.memref_squeeze %dma_wait3A_366 : memref<1x80xi32, #tpu.memory_space<vmem>> -> memref<80xi32, #tpu.memory_space<vmem>>
      %dma_wait3A_368 = arith.constant 0 : i32
      %dma_wait3A_369 = arith.constant 0 : i32
      %dma_wait3A_370 = tpu.memref_slice %arg2[%dma_wait3A_368, %dma_wait3A_369] : memref<10240x128xf32, #tpu.memory_space<hbm>> -> memref<10240x128xf32, #tpu.memory_space<hbm>>
      tpu.wait_indirect_dma semaphore(%arg13 : memref<!tpu.dma_semaphore, #tpu.memory_space<semaphore_mem>>) src(%dma_wait3A_370 : memref<10240x128xf32, #tpu.memory_space<hbm>>) dst(%arg11 : memref<80x128xf32, #tpu.memory_space<vmem>>)
      %add3A_371 = arith.constant 1 : i32
      %add3A_372 = arith.addi %mul3A_364, %add3A_371 : i32
      %dma_start3A_373 = arith.constant 0 : i32
      %dma_start3A_374 = tpu.memref_slice %arg9[%add3A_372, %dma_start3A_373] : memref<25x80xi32, #tpu.memory_space<vmem>> -> memref<1x80xi32, #tpu.memory_space<vmem>>
      %dma_start3A_375 = tpu.memref_squeeze %dma_start3A_374 : memref<1x80xi32, #tpu.memory_space<vmem>> -> memref<80xi32, #tpu.memory_space<vmem>>
      %dma_start3A_376 = arith.constant 0 : i32
      %dma_start3A_377 = arith.constant 0 : i32
      %dma_start3A_378 = tpu.memref_slice %arg2[%dma_start3A_376, %dma_start3A_377] : memref<10240x128xf32, #tpu.memory_space<hbm>> -> memref<10240x128xf32, #tpu.memory_space<hbm>>
      tpu.enqueue_indirect_dma source(%dma_start3A_378 : memref<10240x128xf32, #tpu.memory_space<hbm>>) target(%arg12 : memref<80x128xf32, #tpu.memory_space<vmem>>) offsets(%dma_start3A_375 : memref<80xi32, #tpu.memory_space<vmem>>) semaphore(%arg14 : memref<!tpu.dma_semaphore, #tpu.memory_space<semaphore_mem>>)
      "tpu.region"() ({
        %run_scoped3A_397 = tpu.sem_alloc : memref<!tpu.dma_semaphore, #tpu.memory_space<semaphore_mem>>
        %dma_start3A_398 = arith.constant 0 : i32
        %dma_start3A_399 = tpu.memref_slice %arg10[%mul3A_364, %dma_start3A_398] : memref<25x80xi32, #tpu.memory_space<vmem>> -> memref<1x80xi32, #tpu.memory_space<vmem>>
        %dma_start3A_400 = tpu.memref_squeeze %dma_start3A_399 : memref<1x80xi32, #tpu.memory_space<vmem>> -> memref<80xi32, #tpu.memory_space<vmem>>
        %dma_start3A_401 = arith.constant 0 : i32
        %dma_start3A_402 = arith.constant 0 : i32
        %dma_start3A_403 = tpu.memref_slice %arg6[%dma_start3A_401, %dma_start3A_402] : memref<10240x128xf32, #tpu.memory_space<vmem_shared>> -> memref<10240x128xf32, #tpu.memory_space<vmem_shared>>
        tpu.enqueue_indirect_dma source(%arg11 : memref<80x128xf32, #tpu.memory_space<vmem>>) target(%dma_start3A_403 : memref<10240x128xf32, #tpu.memory_space<vmem_shared>>) offsets(%dma_start3A_400 : memref<80xi32, #tpu.memory_space<vmem>>) semaphore(%run_scoped3A_397 : memref<!tpu.dma_semaphore, #tpu.memory_space<semaphore_mem>>) {add = true}
        %dma_wait3A_404 = arith.constant 0 : i32
        %dma_wait3A_405 = tpu.memref_slice %arg10[%mul3A_364, %dma_wait3A_404] : memref<25x80xi32, #tpu.memory_space<vmem>> -> memref<1x80xi32, #tpu.memory_space<vmem>>
        %dma_wait3A_406 = tpu.memref_squeeze %dma_wait3A_405 : memref<1x80xi32, #tpu.memory_space<vmem>> -> memref<80xi32, #tpu.memory_space<vmem>>
        %dma_wait3A_407 = arith.constant 0 : i32
        %dma_wait3A_408 = arith.constant 0 : i32
        %dma_wait3A_409 = tpu.memref_slice %arg6[%dma_wait3A_407, %dma_wait3A_408] : memref<10240x128xf32, #tpu.memory_space<vmem_shared>> -> memref<10240x128xf32, #tpu.memory_space<vmem_shared>>
        tpu.wait_indirect_dma semaphore(%run_scoped3A_397 : memref<!tpu.dma_semaphore, #tpu.memory_space<semaphore_mem>>) src(%arg11 : memref<80x128xf32, #tpu.memory_space<vmem>>) dst(%dma_wait3A_409 : memref<10240x128xf32, #tpu.memory_space<vmem_shared>>)
        tpu.yield
      }) : () -> ()
      %add3A_379 = arith.constant 1 : i32
      %add3A_380 = arith.addi %mul3A_364, %add3A_379 : i32
      %dma_wait3A_381 = arith.constant 0 : i32
      %dma_wait3A_382 = tpu.memref_slice %arg9[%add3A_380, %dma_wait3A_381] : memref<25x80xi32, #tpu.memory_space<vmem>> -> memref<1x80xi32, #tpu.memory_space<vmem>>
      %dma_wait3A_383 = tpu.memref_squeeze %dma_wait3A_382 : memref<1x80xi32, #tpu.memory_space<vmem>> -> memref<80xi32, #tpu.memory_space<vmem>>
      %dma_wait3A_384 = arith.constant 0 : i32
      %dma_wait3A_385 = arith.constant 0 : i32
      %dma_wait3A_386 = tpu.memref_slice %arg2[%dma_wait3A_384, %dma_wait3A_385] : memref<10240x128xf32, #tpu.memory_space<hbm>> -> memref<10240x128xf32, #tpu.memory_space<hbm>>
      tpu.wait_indirect_dma semaphore(%arg14 : memref<!tpu.dma_semaphore, #tpu.memory_space<semaphore_mem>>) src(%dma_wait3A_386 : memref<10240x128xf32, #tpu.memory_space<hbm>>) dst(%arg12 : memref<80x128xf32, #tpu.memory_space<vmem>>)
      %add3A_387 = arith.constant 2 : i32
      %add3A_388 = arith.addi %mul3A_364, %add3A_387 : i32
      %dma_start3A_389 = arith.constant 0 : i32
      %dma_start3A_390 = tpu.memref_slice %arg9[%add3A_388, %dma_start3A_389] : memref<25x80xi32, #tpu.memory_space<vmem>> -> memref<1x80xi32, #tpu.memory_space<vmem>>
      %dma_start3A_391 = tpu.memref_squeeze %dma_start3A_390 : memref<1x80xi32, #tpu.memory_space<vmem>> -> memref<80xi32, #tpu.memory_space<vmem>>
      %dma_start3A_392 = arith.constant 0 : i32
      %dma_start3A_393 = arith.constant 0 : i32
      %dma_start3A_394 = tpu.memref_slice %arg2[%dma_start3A_392, %dma_start3A_393] : memref<10240x128xf32, #tpu.memory_space<hbm>> -> memref<10240x128xf32, #tpu.memory_space<hbm>>
      tpu.enqueue_indirect_dma source(%dma_start3A_394 : memref<10240x128xf32, #tpu.memory_space<hbm>>) target(%arg11 : memref<80x128xf32, #tpu.memory_space<vmem>>) offsets(%dma_start3A_391 : memref<80xi32, #tpu.memory_space<vmem>>) semaphore(%arg13 : memref<!tpu.dma_semaphore, #tpu.memory_space<semaphore_mem>>)
      %add3A_395 = arith.constant 1 : i32
      %add3A_396 = arith.addi %mul3A_364, %add3A_395 : i32
      "tpu.region"() ({
        %run_scoped3A_397 = tpu.sem_alloc : memref<!tpu.dma_semaphore, #tpu.memory_space<semaphore_mem>>
        %dma_start3A_398 = arith.constant 0 : i32
        %dma_start3A_399 = tpu.memref_slice %arg10[%add3A_396, %dma_start3A_398] : memref<25x80xi32, #tpu.memory_space<vmem>> -> memref<1x80xi32, #tpu.memory_space<vmem>>
        %dma_start3A_400 = tpu.memref_squeeze %dma_start3A_399 : memref<1x80xi32, #tpu.memory_space<vmem>> -> memref<80xi32, #tpu.memory_space<vmem>>
        %dma_start3A_401 = arith.constant 0 : i32
        %dma_start3A_402 = arith.constant 0 : i32
        %dma_start3A_403 = tpu.memref_slice %arg6[%dma_start3A_401, %dma_start3A_402] : memref<10240x128xf32, #tpu.memory_space<vmem_shared>> -> memref<10240x128xf32, #tpu.memory_space<vmem_shared>>
        tpu.enqueue_indirect_dma source(%arg12 : memref<80x128xf32, #tpu.memory_space<vmem>>) target(%dma_start3A_403 : memref<10240x128xf32, #tpu.memory_space<vmem_shared>>) offsets(%dma_start3A_400 : memref<80xi32, #tpu.memory_space<vmem>>) semaphore(%run_scoped3A_397 : memref<!tpu.dma_semaphore, #tpu.memory_space<semaphore_mem>>) {add = true}
        %dma_wait3A_404 = arith.constant 0 : i32
        %dma_wait3A_405 = tpu.memref_slice %arg10[%add3A_396, %dma_wait3A_404] : memref<25x80xi32, #tpu.memory_space<vmem>> -> memref<1x80xi32, #tpu.memory_space<vmem>>
        %dma_wait3A_406 = tpu.memref_squeeze %dma_wait3A_405 : memref<1x80xi32, #tpu.memory_space<vmem>> -> memref<80xi32, #tpu.memory_space<vmem>>
        %dma_wait3A_407 = arith.constant 0 : i32
        %dma_wait3A_408 = arith.constant 0 : i32
        %dma_wait3A_409 = tpu.memref_slice %arg6[%dma_wait3A_407, %dma_wait3A_408] : memref<10240x128xf32, #tpu.memory_space<vmem_shared>> -> memref<10240x128xf32, #tpu.memory_space<vmem_shared>>
        tpu.wait_indirect_dma semaphore(%run_scoped3A_397 : memref<!tpu.dma_semaphore, #tpu.memory_space<semaphore_mem>>) src(%arg12 : memref<80x128xf32, #tpu.memory_space<vmem>>) dst(%dma_wait3A_409 : memref<10240x128xf32, #tpu.memory_space<vmem_shared>>)
        tpu.yield
      }) : () -> ()
    }
    %scan3A_314 = arith.constant 12 : i32
    %dma_wait3A_315 = arith.constant 24 : i32
    %dma_wait3A_316 = arith.constant 0 : i32
    %dma_wait3A_317 = tpu.memref_slice %arg9[%dma_wait3A_315, %dma_wait3A_316] : memref<25x80xi32, #tpu.memory_space<vmem>> -> memref<1x80xi32, #tpu.memory_space<vmem>>
    %dma_wait3A_318 = tpu.memref_squeeze %dma_wait3A_317 : memref<1x80xi32, #tpu.memory_space<vmem>> -> memref<80xi32, #tpu.memory_space<vmem>>
    %dma_wait3A_319 = arith.constant 0 : i32
    %dma_wait3A_320 = arith.constant 0 : i32
    %dma_wait3A_321 = tpu.memref_slice %arg2[%dma_wait3A_319, %dma_wait3A_320] : memref<10240x128xf32, #tpu.memory_space<hbm>> -> memref<10240x128xf32, #tpu.memory_space<hbm>>
    tpu.wait_indirect_dma semaphore(%arg13 : memref<!tpu.dma_semaphore, #tpu.memory_space<semaphore_mem>>) src(%dma_wait3A_321 : memref<10240x128xf32, #tpu.memory_space<hbm>>) dst(%arg11 : memref<80x128xf32, #tpu.memory_space<vmem>>)
    %run_scoped3A_322 = arith.constant 24 : i32
    "tpu.region"() ({
      %run_scoped3A_362 = tpu.sem_alloc : memref<!tpu.dma_semaphore, #tpu.memory_space<semaphore_mem>>
      %dma_start3A_363 = arith.constant 0 : i32
      %dma_start3A_364 = tpu.memref_slice %arg10[%run_scoped3A_322, %dma_start3A_363] : memref<25x80xi32, #tpu.memory_space<vmem>> -> memref<1x80xi32, #tpu.memory_space<vmem>>
      %dma_start3A_365 = tpu.memref_squeeze %dma_start3A_364 : memref<1x80xi32, #tpu.memory_space<vmem>> -> memref<80xi32, #tpu.memory_space<vmem>>
      %dma_start3A_366 = arith.constant 0 : i32
      %dma_start3A_367 = arith.constant 0 : i32
      %dma_start3A_368 = tpu.memref_slice %arg6[%dma_start3A_366, %dma_start3A_367] : memref<10240x128xf32, #tpu.memory_space<vmem_shared>> -> memref<10240x128xf32, #tpu.memory_space<vmem_shared>>
      tpu.enqueue_indirect_dma source(%arg11 : memref<80x128xf32, #tpu.memory_space<vmem>>) target(%dma_start3A_368 : memref<10240x128xf32, #tpu.memory_space<vmem_shared>>) offsets(%dma_start3A_365 : memref<80xi32, #tpu.memory_space<vmem>>) semaphore(%run_scoped3A_362 : memref<!tpu.dma_semaphore, #tpu.memory_space<semaphore_mem>>) {add = true}
      %dma_wait3A_369 = arith.constant 0 : i32
      %dma_wait3A_370 = tpu.memref_slice %arg10[%run_scoped3A_322, %dma_wait3A_369] : memref<25x80xi32, #tpu.memory_space<vmem>> -> memref<1x80xi32, #tpu.memory_space<vmem>>
      %dma_wait3A_371 = tpu.memref_squeeze %dma_wait3A_370 : memref<1x80xi32, #tpu.memory_space<vmem>> -> memref<80xi32, #tpu.memory_space<vmem>>
      %dma_wait3A_372 = arith.constant 0 : i32
      %dma_wait3A_373 = arith.constant 0 : i32
      %dma_wait3A_374 = tpu.memref_slice %arg6[%dma_wait3A_372, %dma_wait3A_373] : memref<10240x128xf32, #tpu.memory_space<vmem_shared>> -> memref<10240x128xf32, #tpu.memory_space<vmem_shared>>
      tpu.wait_indirect_dma semaphore(%run_scoped3A_362 : memref<!tpu.dma_semaphore, #tpu.memory_space<semaphore_mem>>) src(%arg11 : memref<80x128xf32, #tpu.memory_space<vmem>>) dst(%dma_wait3A_374 : memref<10240x128xf32, #tpu.memory_space<vmem_shared>>)
      tpu.yield
    }) : () -> ()
    %dma_wait3A_323 = arith.constant 100 : i32
    %dma_wait3A_324 = arith.constant 0 : i32
    %dma_wait3A_325 = tpu.memref_slice %arg3[%add3A, %dma_wait3A_323, %dma_wait3A_324] : memref<32x125x80xi32, #tpu.memory_space<hbm>> -> memref<1x25x80xi32, #tpu.memory_space<hbm>>
    %dma_wait3A_326 = tpu.memref_squeeze %dma_wait3A_325 : memref<1x25x80xi32, #tpu.memory_space<hbm>> -> memref<25x80xi32, #tpu.memory_space<hbm>>
    %dma_wait3A_327 = arith.constant 100 : i32
    %dma_wait3A_328 = arith.constant 0 : i32
    %dma_wait3A_329 = tpu.memref_slice %arg3[%add3A, %dma_wait3A_327, %dma_wait3A_328] : memref<32x125x80xi32, #tpu.memory_space<hbm>> -> memref<1x25x80xi32, #tpu.memory_space<hbm>>
    %dma_wait3A_330 = tpu.memref_squeeze %dma_wait3A_329 : memref<1x25x80xi32, #tpu.memory_space<hbm>> -> memref<25x80xi32, #tpu.memory_space<hbm>>
    tpu.wait_dma2 semaphore(%arg15 : memref<!tpu.dma_semaphore, #tpu.memory_space<semaphore_mem>>) src(%dma_wait3A_330 : memref<25x80xi32, #tpu.memory_space<hbm>>) dst(%arg7 : memref<25x80xi32, #tpu.memory_space<vmem>>)
    %dma_wait3A_331 = arith.constant 100 : i32
    %dma_wait3A_332 = arith.constant 0 : i32
    %dma_wait3A_333 = tpu.memref_slice %arg4[%add3A, %dma_wait3A_331, %dma_wait3A_332] : memref<32x125x80xi32, #tpu.memory_space<hbm>> -> memref<1x25x80xi32, #tpu.memory_space<hbm>>
    %dma_wait3A_334 = tpu.memref_squeeze %dma_wait3A_333 : memref<1x25x80xi32, #tpu.memory_space<hbm>> -> memref<25x80xi32, #tpu.memory_space<hbm>>
    %dma_wait3A_335 = arith.constant 100 : i32
    %dma_wait3A_336 = arith.constant 0 : i32
    %dma_wait3A_337 = tpu.memref_slice %arg4[%add3A, %dma_wait3A_335, %dma_wait3A_336] : memref<32x125x80xi32, #tpu.memory_space<hbm>> -> memref<1x25x80xi32, #tpu.memory_space<hbm>>
    %dma_wait3A_338 = tpu.memref_squeeze %dma_wait3A_337 : memref<1x25x80xi32, #tpu.memory_space<hbm>> -> memref<25x80xi32, #tpu.memory_space<hbm>>
    tpu.wait_dma2 semaphore(%arg16 : memref<!tpu.dma_semaphore, #tpu.memory_space<semaphore_mem>>) src(%dma_wait3A_338 : memref<25x80xi32, #tpu.memory_space<hbm>>) dst(%arg8 : memref<25x80xi32, #tpu.memory_space<vmem>>)
    %dma_start3A_339 = arith.constant 0 : i32
    %dma_start3A_340 = arith.constant 0 : i32
    %dma_start3A_341 = tpu.memref_slice %arg7[%dma_start3A_339, %dma_start3A_340] : memref<25x80xi32, #tpu.memory_space<vmem>> -> memref<1x80xi32, #tpu.memory_space<vmem>>
    %dma_start3A_342 = tpu.memref_squeeze %dma_start3A_341 : memref<1x80xi32, #tpu.memory_space<vmem>> -> memref<80xi32, #tpu.memory_space<vmem>>
    %dma_start3A_343 = arith.constant 0 : i32
    %dma_start3A_344 = arith.constant 0 : i32
    %dma_start3A_345 = tpu.memref_slice %arg2[%dma_start3A_343, %dma_start3A_344] : memref<10240x128xf32, #tpu.memory_space<hbm>> -> memref<10240x128xf32, #tpu.memory_space<hbm>>
    tpu.enqueue_indirect_dma source(%dma_start3A_345 : memref<10240x128xf32, #tpu.memory_space<hbm>>) target(%arg11 : memref<80x128xf32, #tpu.memory_space<vmem>>) offsets(%dma_start3A_342 : memref<80xi32, #tpu.memory_space<vmem>>) semaphore(%arg13 : memref<!tpu.dma_semaphore, #tpu.memory_space<semaphore_mem>>)
    %scan3A_346 = arith.constant 0 : i32
    %scan3A_347 = arith.constant 12 : i32
    %scan3A_348 = arith.addi %scan3A_346, %scan3A_347 : i32
    %scan3A_349 = arith.constant 1 : i32
    scf.for %scan3A_362 = %scan3A_346 to %scan3A_348 step %scan3A_349  : i32 {
      %mul3A_363 = arith.constant 2 : i32
      %mul3A_364 = arith.muli %mul3A_363, %scan3A_362 : i32
      %dma_wait3A_365 = arith.constant 0 : i32
      %dma_wait3A_366 = tpu.memref_slice %arg7[%mul3A_364, %dma_wait3A_365] : memref<25x80xi32, #tpu.memory_space<vmem>> -> memref<1x80xi32, #tpu.memory_space<vmem>>
      %dma_wait3A_367 = tpu.memref_squeeze %dma_wait3A_366 : memref<1x80xi32, #tpu.memory_space<vmem>> -> memref<80xi32, #tpu.memory_space<vmem>>
      %dma_wait3A_368 = arith.constant 0 : i32
      %dma_wait3A_369 = arith.constant 0 : i32
      %dma_wait3A_370 = tpu.memref_slice %arg2[%dma_wait3A_368, %dma_wait3A_369] : memref<10240x128xf32, #tpu.memory_space<hbm>> -> memref<10240x128xf32, #tpu.memory_space<hbm>>
      tpu.wait_indirect_dma semaphore(%arg13 : memref<!tpu.dma_semaphore, #tpu.memory_space<semaphore_mem>>) src(%dma_wait3A_370 : memref<10240x128xf32, #tpu.memory_space<hbm>>) dst(%arg11 : memref<80x128xf32, #tpu.memory_space<vmem>>)
      %add3A_371 = arith.constant 1 : i32
      %add3A_372 = arith.addi %mul3A_364, %add3A_371 : i32
      %dma_start3A_373 = arith.constant 0 : i32
      %dma_start3A_374 = tpu.memref_slice %arg7[%add3A_372, %dma_start3A_373] : memref<25x80xi32, #tpu.memory_space<vmem>> -> memref<1x80xi32, #tpu.memory_space<vmem>>
      %dma_start3A_375 = tpu.memref_squeeze %dma_start3A_374 : memref<1x80xi32, #tpu.memory_space<vmem>> -> memref<80xi32, #tpu.memory_space<vmem>>
      %dma_start3A_376 = arith.constant 0 : i32
      %dma_start3A_377 = arith.constant 0 : i32
      %dma_start3A_378 = tpu.memref_slice %arg2[%dma_start3A_376, %dma_start3A_377] : memref<10240x128xf32, #tpu.memory_space<hbm>> -> memref<10240x128xf32, #tpu.memory_space<hbm>>
      tpu.enqueue_indirect_dma source(%dma_start3A_378 : memref<10240x128xf32, #tpu.memory_space<hbm>>) target(%arg12 : memref<80x128xf32, #tpu.memory_space<vmem>>) offsets(%dma_start3A_375 : memref<80xi32, #tpu.memory_space<vmem>>) semaphore(%arg14 : memref<!tpu.dma_semaphore, #tpu.memory_space<semaphore_mem>>)
      "tpu.region"() ({
        %run_scoped3A_397 = tpu.sem_alloc : memref<!tpu.dma_semaphore, #tpu.memory_space<semaphore_mem>>
        %dma_start3A_398 = arith.constant 0 : i32
        %dma_start3A_399 = tpu.memref_slice %arg8[%mul3A_364, %dma_start3A_398] : memref<25x80xi32, #tpu.memory_space<vmem>> -> memref<1x80xi32, #tpu.memory_space<vmem>>
        %dma_start3A_400 = tpu.memref_squeeze %dma_start3A_399 : memref<1x80xi32, #tpu.memory_space<vmem>> -> memref<80xi32, #tpu.memory_space<vmem>>
        %dma_start3A_401 = arith.constant 0 : i32
        %dma_start3A_402 = arith.constant 0 : i32
        %dma_start3A_403 = tpu.memref_slice %arg6[%dma_start3A_401, %dma_start3A_402] : memref<10240x128xf32, #tpu.memory_space<vmem_shared>> -> memref<10240x128xf32, #tpu.memory_space<vmem_shared>>
        tpu.enqueue_indirect_dma source(%arg11 : memref<80x128xf32, #tpu.memory_space<vmem>>) target(%dma_start3A_403 : memref<10240x128xf32, #tpu.memory_space<vmem_shared>>) offsets(%dma_start3A_400 : memref<80xi32, #tpu.memory_space<vmem>>) semaphore(%run_scoped3A_397 : memref<!tpu.dma_semaphore, #tpu.memory_space<semaphore_mem>>) {add = true}
        %dma_wait3A_404 = arith.constant 0 : i32
        %dma_wait3A_405 = tpu.memref_slice %arg8[%mul3A_364, %dma_wait3A_404] : memref<25x80xi32, #tpu.memory_space<vmem>> -> memref<1x80xi32, #tpu.memory_space<vmem>>
        %dma_wait3A_406 = tpu.memref_squeeze %dma_wait3A_405 : memref<1x80xi32, #tpu.memory_space<vmem>> -> memref<80xi32, #tpu.memory_space<vmem>>
        %dma_wait3A_407 = arith.constant 0 : i32
        %dma_wait3A_408 = arith.constant 0 : i32
        %dma_wait3A_409 = tpu.memref_slice %arg6[%dma_wait3A_407, %dma_wait3A_408] : memref<10240x128xf32, #tpu.memory_space<vmem_shared>> -> memref<10240x128xf32, #tpu.memory_space<vmem_shared>>
        tpu.wait_indirect_dma semaphore(%run_scoped3A_397 : memref<!tpu.dma_semaphore, #tpu.memory_space<semaphore_mem>>) src(%arg11 : memref<80x128xf32, #tpu.memory_space<vmem>>) dst(%dma_wait3A_409 : memref<10240x128xf32, #tpu.memory_space<vmem_shared>>)
        tpu.yield
      }) : () -> ()
      %add3A_379 = arith.constant 1 : i32
      %add3A_380 = arith.addi %mul3A_364, %add3A_379 : i32
      %dma_wait3A_381 = arith.constant 0 : i32
      %dma_wait3A_382 = tpu.memref_slice %arg7[%add3A_380, %dma_wait3A_381] : memref<25x80xi32, #tpu.memory_space<vmem>> -> memref<1x80xi32, #tpu.memory_space<vmem>>
      %dma_wait3A_383 = tpu.memref_squeeze %dma_wait3A_382 : memref<1x80xi32, #tpu.memory_space<vmem>> -> memref<80xi32, #tpu.memory_space<vmem>>
      %dma_wait3A_384 = arith.constant 0 : i32
      %dma_wait3A_385 = arith.constant 0 : i32
      %dma_wait3A_386 = tpu.memref_slice %arg2[%dma_wait3A_384, %dma_wait3A_385] : memref<10240x128xf32, #tpu.memory_space<hbm>> -> memref<10240x128xf32, #tpu.memory_space<hbm>>
      tpu.wait_indirect_dma semaphore(%arg14 : memref<!tpu.dma_semaphore, #tpu.memory_space<semaphore_mem>>) src(%dma_wait3A_386 : memref<10240x128xf32, #tpu.memory_space<hbm>>) dst(%arg12 : memref<80x128xf32, #tpu.memory_space<vmem>>)
      %add3A_387 = arith.constant 2 : i32
      %add3A_388 = arith.addi %mul3A_364, %add3A_387 : i32
      %dma_start3A_389 = arith.constant 0 : i32
      %dma_start3A_390 = tpu.memref_slice %arg7[%add3A_388, %dma_start3A_389] : memref<25x80xi32, #tpu.memory_space<vmem>> -> memref<1x80xi32, #tpu.memory_space<vmem>>
      %dma_start3A_391 = tpu.memref_squeeze %dma_start3A_390 : memref<1x80xi32, #tpu.memory_space<vmem>> -> memref<80xi32, #tpu.memory_space<vmem>>
      %dma_start3A_392 = arith.constant 0 : i32
      %dma_start3A_393 = arith.constant 0 : i32
      %dma_start3A_394 = tpu.memref_slice %arg2[%dma_start3A_392, %dma_start3A_393] : memref<10240x128xf32, #tpu.memory_space<hbm>> -> memref<10240x128xf32, #tpu.memory_space<hbm>>
      tpu.enqueue_indirect_dma source(%dma_start3A_394 : memref<10240x128xf32, #tpu.memory_space<hbm>>) target(%arg11 : memref<80x128xf32, #tpu.memory_space<vmem>>) offsets(%dma_start3A_391 : memref<80xi32, #tpu.memory_space<vmem>>) semaphore(%arg13 : memref<!tpu.dma_semaphore, #tpu.memory_space<semaphore_mem>>)
      %add3A_395 = arith.constant 1 : i32
      %add3A_396 = arith.addi %mul3A_364, %add3A_395 : i32
      "tpu.region"() ({
        %run_scoped3A_397 = tpu.sem_alloc : memref<!tpu.dma_semaphore, #tpu.memory_space<semaphore_mem>>
        %dma_start3A_398 = arith.constant 0 : i32
        %dma_start3A_399 = tpu.memref_slice %arg8[%add3A_396, %dma_start3A_398] : memref<25x80xi32, #tpu.memory_space<vmem>> -> memref<1x80xi32, #tpu.memory_space<vmem>>
        %dma_start3A_400 = tpu.memref_squeeze %dma_start3A_399 : memref<1x80xi32, #tpu.memory_space<vmem>> -> memref<80xi32, #tpu.memory_space<vmem>>
        %dma_start3A_401 = arith.constant 0 : i32
        %dma_start3A_402 = arith.constant 0 : i32
        %dma_start3A_403 = tpu.memref_slice %arg6[%dma_start3A_401, %dma_start3A_402] : memref<10240x128xf32, #tpu.memory_space<vmem_shared>> -> memref<10240x128xf32, #tpu.memory_space<vmem_shared>>
        tpu.enqueue_indirect_dma source(%arg12 : memref<80x128xf32, #tpu.memory_space<vmem>>) target(%dma_start3A_403 : memref<10240x128xf32, #tpu.memory_space<vmem_shared>>) offsets(%dma_start3A_400 : memref<80xi32, #tpu.memory_space<vmem>>) semaphore(%run_scoped3A_397 : memref<!tpu.dma_semaphore, #tpu.memory_space<semaphore_mem>>) {add = true}
        %dma_wait3A_404 = arith.constant 0 : i32
        %dma_wait3A_405 = tpu.memref_slice %arg8[%add3A_396, %dma_wait3A_404] : memref<25x80xi32, #tpu.memory_space<vmem>> -> memref<1x80xi32, #tpu.memory_space<vmem>>
        %dma_wait3A_406 = tpu.memref_squeeze %dma_wait3A_405 : memref<1x80xi32, #tpu.memory_space<vmem>> -> memref<80xi32, #tpu.memory_space<vmem>>
        %dma_wait3A_407 = arith.constant 0 : i32
        %dma_wait3A_408 = arith.constant 0 : i32
        %dma_wait3A_409 = tpu.memref_slice %arg6[%dma_wait3A_407, %dma_wait3A_408] : memref<10240x128xf32, #tpu.memory_space<vmem_shared>> -> memref<10240x128xf32, #tpu.memory_space<vmem_shared>>
        tpu.wait_indirect_dma semaphore(%run_scoped3A_397 : memref<!tpu.dma_semaphore, #tpu.memory_space<semaphore_mem>>) src(%arg12 : memref<80x128xf32, #tpu.memory_space<vmem>>) dst(%dma_wait3A_409 : memref<10240x128xf32, #tpu.memory_space<vmem_shared>>)
        tpu.yield
      }) : () -> ()
    }
    %scan3A_350 = arith.constant 12 : i32
    %dma_wait3A_351 = arith.constant 24 : i32
    %dma_wait3A_352 = arith.constant 0 : i32
    %dma_wait3A_353 = tpu.memref_slice %arg7[%dma_wait3A_351, %dma_wait3A_352] : memref<25x80xi32, #tpu.memory_space<vmem>> -> memref<1x80xi32, #tpu.memory_space<vmem>>
    %dma_wait3A_354 = tpu.memref_squeeze %dma_wait3A_353 : memref<1x80xi32, #tpu.memory_space<vmem>> -> memref<80xi32, #tpu.memory_space<vmem>>
    %dma_wait3A_355 = arith.constant 0 : i32
    %dma_wait3A_356 = arith.constant 0 : i32
    %dma_wait3A_357 = tpu.memref_slice %arg2[%dma_wait3A_355, %dma_wait3A_356] : memref<10240x128xf32, #tpu.memory_space<hbm>> -> memref<10240x128xf32, #tpu.memory_space<hbm>>
    tpu.wait_indirect_dma semaphore(%arg13 : memref<!tpu.dma_semaphore, #tpu.memory_space<semaphore_mem>>) src(%dma_wait3A_357 : memref<10240x128xf32, #tpu.memory_space<hbm>>) dst(%arg11 : memref<80x128xf32, #tpu.memory_space<vmem>>)
    %run_scoped3A_358 = arith.constant 24 : i32
    "tpu.region"() ({
      %run_scoped3A_362 = tpu.sem_alloc : memref<!tpu.dma_semaphore, #tpu.memory_space<semaphore_mem>>
      %dma_start3A_363 = arith.constant 0 : i32
      %dma_start3A_364 = tpu.memref_slice %arg8[%run_scoped3A_358, %dma_start3A_363] : memref<25x80xi32, #tpu.memory_space<vmem>> -> memref<1x80xi32, #tpu.memory_space<vmem>>
      %dma_start3A_365 = tpu.memref_squeeze %dma_start3A_364 : memref<1x80xi32, #tpu.memory_space<vmem>> -> memref<80xi32, #tpu.memory_space<vmem>>
      %dma_start3A_366 = arith.constant 0 : i32
      %dma_start3A_367 = arith.constant 0 : i32
      %dma_start3A_368 = tpu.memref_slice %arg6[%dma_start3A_366, %dma_start3A_367] : memref<10240x128xf32, #tpu.memory_space<vmem_shared>> -> memref<10240x128xf32, #tpu.memory_space<vmem_shared>>
      tpu.enqueue_indirect_dma source(%arg11 : memref<80x128xf32, #tpu.memory_space<vmem>>) target(%dma_start3A_368 : memref<10240x128xf32, #tpu.memory_space<vmem_shared>>) offsets(%dma_start3A_365 : memref<80xi32, #tpu.memory_space<vmem>>) semaphore(%run_scoped3A_362 : memref<!tpu.dma_semaphore, #tpu.memory_space<semaphore_mem>>) {add = true}
      %dma_wait3A_369 = arith.constant 0 : i32
      %dma_wait3A_370 = tpu.memref_slice %arg8[%run_scoped3A_358, %dma_wait3A_369] : memref<25x80xi32, #tpu.memory_space<vmem>> -> memref<1x80xi32, #tpu.memory_space<vmem>>
      %dma_wait3A_371 = tpu.memref_squeeze %dma_wait3A_370 : memref<1x80xi32, #tpu.memory_space<vmem>> -> memref<80xi32, #tpu.memory_space<vmem>>
      %dma_wait3A_372 = arith.constant 0 : i32
      %dma_wait3A_373 = arith.constant 0 : i32
      %dma_wait3A_374 = tpu.memref_slice %arg6[%dma_wait3A_372, %dma_wait3A_373] : memref<10240x128xf32, #tpu.memory_space<vmem_shared>> -> memref<10240x128xf32, #tpu.memory_space<vmem_shared>>
      tpu.wait_indirect_dma semaphore(%run_scoped3A_362 : memref<!tpu.dma_semaphore, #tpu.memory_space<semaphore_mem>>) src(%arg11 : memref<80x128xf32, #tpu.memory_space<vmem>>) dst(%dma_wait3A_374 : memref<10240x128xf32, #tpu.memory_space<vmem_shared>>)
      tpu.yield
    }) : () -> ()
    %barrier3A_359 = arith.constant 0 : index
    tpu.barrier barrier_id(%barrier3A_359)
    %mul3A_360 = arith.constant 640 : i32
    %mul3A_361 = arith.muli %arg1, %mul3A_360 : i32
    "tpu.region"() ({
      %run_scoped3A_362 = tpu.sem_alloc : memref<!tpu.dma_semaphore, #tpu.memory_space<semaphore_mem>>
      %dma_start3A_363 = arith.constant 0 : i32
      %dma_start3A_364 = tpu.memref_slice %arg5[%arg0, %mul3A_361, %dma_start3A_363] : memref<2x10240x128xf32, #tpu.memory_space<hbm>> -> memref<1x640x128xf32, #tpu.memory_space<hbm>>
      %dma_start3A_365 = tpu.memref_squeeze %dma_start3A_364 : memref<1x640x128xf32, #tpu.memory_space<hbm>> -> memref<640x128xf32, #tpu.memory_space<hbm>>
      %dma_start3A_366 = arith.constant 0 : i32
      %dma_start3A_367 = tpu.memref_slice %arg6[%mul3A_361, %dma_start3A_366] : memref<10240x128xf32, #tpu.memory_space<vmem_shared>> -> memref<640x128xf32, #tpu.memory_space<vmem_shared>>
      tpu.enqueue_dma source(%dma_start3A_367 : memref<640x128xf32, #tpu.memory_space<vmem_shared>>) target(%dma_start3A_365 : memref<640x128xf32, #tpu.memory_space<hbm>>) target_semaphore(%run_scoped3A_362 : memref<!tpu.dma_semaphore, #tpu.memory_space<semaphore_mem>>)
      %dma_wait3A_368 = arith.constant 0 : i32
      %dma_wait3A_369 = tpu.memref_slice %arg5[%arg0, %mul3A_361, %dma_wait3A_368] : memref<2x10240x128xf32, #tpu.memory_space<hbm>> -> memref<1x640x128xf32, #tpu.memory_space<hbm>>
      %dma_wait3A_370 = tpu.memref_squeeze %dma_wait3A_369 : memref<1x640x128xf32, #tpu.memory_space<hbm>> -> memref<640x128xf32, #tpu.memory_space<hbm>>
      %dma_wait3A_371 = arith.constant 0 : i32
      %dma_wait3A_372 = tpu.memref_slice %arg6[%mul3A_361, %dma_wait3A_371] : memref<10240x128xf32, #tpu.memory_space<vmem_shared>> -> memref<640x128xf32, #tpu.memory_space<vmem_shared>>
      tpu.wait_dma2 semaphore(%run_scoped3A_362 : memref<!tpu.dma_semaphore, #tpu.memory_space<semaphore_mem>>) src(%dma_wait3A_372 : memref<640x128xf32, #tpu.memory_space<vmem_shared>>) dst(%dma_wait3A_370 : memref<640x128xf32, #tpu.memory_space<hbm>>)
      tpu.yield
    }) : () -> ()
    return
  }
}

module attributes {stable_mosaic.version = 14 : i64} {
  func.func @_evolve_body(%arg0: memref<2x128x128xf32, #tpu.memory_space<vmem>>, %arg1: memref<2x3x128x128xf32, #tpu.memory_space<vmem>>, %arg2: memref<2x3x128x128xf32, #tpu.memory_space<vmem>>, %arg3: memref<2x3x128x1xf32, #tpu.memory_space<vmem>>, %arg4: memref<2x128x128xf32, #tpu.memory_space<vmem>>) attributes {dimension_semantics = [], scalar_prefetch = 0 : i64, scratch_operands = 0 : i64, tpu.core_type = #tpu.core_type<tc>} {
    %get3A = arith.constant 0 : index
    %get3A_0 = arith.constant 0 : index
    %get3A_1 = arith.constant 0 : index
    %get3A_2 = vector.load %arg0[%get3A, %get3A_0, %get3A_1] : memref<2x128x128xf32, #tpu.memory_space<vmem>>, vector<1x128x128xf32>
    %get3A_3 = vector.shape_cast %get3A_2 : vector<1x128x128xf32> to vector<128x128xf32>
    %get3A_4 = arith.constant 1 : index
    %get3A_5 = arith.constant 0 : index
    %get3A_6 = arith.constant 0 : index
    %get3A_7 = vector.load %arg0[%get3A_4, %get3A_5, %get3A_6] : memref<2x128x128xf32, #tpu.memory_space<vmem>>, vector<1x128x128xf32>
    %get3A_8 = vector.shape_cast %get3A_7 : vector<1x128x128xf32> to vector<128x128xf32>
    %get3A_9 = arith.constant 0 : index
    %get3A_10 = arith.constant 0 : index
    %get3A_11 = arith.constant 0 : index
    %get3A_12 = arith.constant 0 : index
    %get3A_13 = vector.load %arg1[%get3A_9, %get3A_10, %get3A_11, %get3A_12] : memref<2x3x128x128xf32, #tpu.memory_space<vmem>>, vector<1x1x128x128xf32>
    %get3A_14 = vector.shape_cast %get3A_13 : vector<1x1x128x128xf32> to vector<128x128xf32>
    %dot_general3A = arith.constant dense<0.000000e+00> : vector<128x128xf32>
    %dot_general3A_15 = tpu.matmul %get3A_14, %get3A_3, %dot_general3A {dimension_numbers = #tpu.dot_dimension_numbers<[1], [0], [0], [1], [0, 0, 1, 1], [], []>, transpose_lhs_hint = false} : vector<128x128xf32>, vector<128x128xf32>, vector<128x128xf32> -> vector<128x128xf32>
    %get3A_16 = arith.constant 0 : index
    %get3A_17 = arith.constant 0 : index
    %get3A_18 = arith.constant 0 : index
    %get3A_19 = arith.constant 0 : index
    %get3A_20 = vector.load %arg2[%get3A_16, %get3A_17, %get3A_18, %get3A_19] : memref<2x3x128x128xf32, #tpu.memory_space<vmem>>, vector<1x1x128x128xf32>
    %get3A_21 = vector.shape_cast %get3A_20 : vector<1x1x128x128xf32> to vector<128x128xf32>
    %dot_general3A_22 = arith.constant dense<0.000000e+00> : vector<128x128xf32>
    %dot_general3A_23 = tpu.matmul %get3A_21, %get3A_3, %dot_general3A_22 {dimension_numbers = #tpu.dot_dimension_numbers<[1], [0], [0], [1], [0, 0, 1, 1], [], []>, transpose_lhs_hint = false} : vector<128x128xf32>, vector<128x128xf32>, vector<128x128xf32> -> vector<128x128xf32>
    %add3A = arith.addf %dot_general3A_15, %dot_general3A_23 : vector<128x128xf32>
    %get3A_24 = arith.constant 0 : index
    %get3A_25 = arith.constant 0 : index
    %get3A_26 = arith.constant 0 : index
    %get3A_27 = arith.constant 0 : index
    %get3A_28 = vector.load %arg3[%get3A_24, %get3A_25, %get3A_26, %get3A_27] : memref<2x3x128x1xf32, #tpu.memory_space<vmem>>, vector<1x1x128x1xf32>
    %get3A_29 = vector.shape_cast %get3A_28 : vector<1x1x128x1xf32> to vector<128x1xf32>
    %add3A_30 = vector.broadcast %get3A_29 : vector<128x1xf32> to vector<128x128xf32>
    %add3A_31 = arith.addf %add3A, %add3A_30 : vector<128x128xf32>
    %logistic3A = arith.negf %add3A_31 : vector<128x128xf32>
    %logistic3A_32 = math.exp %logistic3A : vector<128x128xf32>
    %logistic3A_33 = arith.constant 1.000000e+00 : f32
    %logistic3A_34 = vector.broadcast %logistic3A_33 : f32 to vector<128x128xf32>
    %logistic3A_35 = arith.addf %logistic3A_34, %logistic3A_32 : vector<128x128xf32>
    %logistic3A_36 = arith.divf %logistic3A_34, %logistic3A_35 : vector<128x128xf32>
    %get3A_37 = arith.constant 0 : index
    %get3A_38 = arith.constant 1 : index
    %get3A_39 = arith.constant 0 : index
    %get3A_40 = arith.constant 0 : index
    %get3A_41 = vector.load %arg1[%get3A_37, %get3A_38, %get3A_39, %get3A_40] : memref<2x3x128x128xf32, #tpu.memory_space<vmem>>, vector<1x1x128x128xf32>
    %get3A_42 = vector.shape_cast %get3A_41 : vector<1x1x128x128xf32> to vector<128x128xf32>
    %dot_general3A_43 = arith.constant dense<0.000000e+00> : vector<128x128xf32>
    %dot_general3A_44 = tpu.matmul %get3A_42, %get3A_3, %dot_general3A_43 {dimension_numbers = #tpu.dot_dimension_numbers<[1], [0], [0], [1], [0, 0, 1, 1], [], []>, transpose_lhs_hint = false} : vector<128x128xf32>, vector<128x128xf32>, vector<128x128xf32> -> vector<128x128xf32>
    %get3A_45 = arith.constant 0 : index
    %get3A_46 = arith.constant 1 : index
    %get3A_47 = arith.constant 0 : index
    %get3A_48 = arith.constant 0 : index
    %get3A_49 = vector.load %arg2[%get3A_45, %get3A_46, %get3A_47, %get3A_48] : memref<2x3x128x128xf32, #tpu.memory_space<vmem>>, vector<1x1x128x128xf32>
    %get3A_50 = vector.shape_cast %get3A_49 : vector<1x1x128x128xf32> to vector<128x128xf32>
    %dot_general3A_51 = arith.constant dense<0.000000e+00> : vector<128x128xf32>
    %dot_general3A_52 = tpu.matmul %get3A_50, %get3A_3, %dot_general3A_51 {dimension_numbers = #tpu.dot_dimension_numbers<[1], [0], [0], [1], [0, 0, 1, 1], [], []>, transpose_lhs_hint = false} : vector<128x128xf32>, vector<128x128xf32>, vector<128x128xf32> -> vector<128x128xf32>
    %add3A_53 = arith.addf %dot_general3A_44, %dot_general3A_52 : vector<128x128xf32>
    %get3A_54 = arith.constant 0 : index
    %get3A_55 = arith.constant 1 : index
    %get3A_56 = arith.constant 0 : index
    %get3A_57 = arith.constant 0 : index
    %get3A_58 = vector.load %arg3[%get3A_54, %get3A_55, %get3A_56, %get3A_57] : memref<2x3x128x1xf32, #tpu.memory_space<vmem>>, vector<1x1x128x1xf32>
    %get3A_59 = vector.shape_cast %get3A_58 : vector<1x1x128x1xf32> to vector<128x1xf32>
    %add3A_60 = vector.broadcast %get3A_59 : vector<128x1xf32> to vector<128x128xf32>
    %add3A_61 = arith.addf %add3A_53, %add3A_60 : vector<128x128xf32>
    %logistic3A_62 = arith.negf %add3A_61 : vector<128x128xf32>
    %logistic3A_63 = math.exp %logistic3A_62 : vector<128x128xf32>
    %logistic3A_64 = arith.constant 1.000000e+00 : f32
    %logistic3A_65 = vector.broadcast %logistic3A_64 : f32 to vector<128x128xf32>
    %logistic3A_66 = arith.addf %logistic3A_65, %logistic3A_63 : vector<128x128xf32>
    %logistic3A_67 = arith.divf %logistic3A_65, %logistic3A_66 : vector<128x128xf32>
    %get3A_68 = arith.constant 0 : index
    %get3A_69 = arith.constant 2 : index
    %get3A_70 = arith.constant 0 : index
    %get3A_71 = arith.constant 0 : index
    %get3A_72 = vector.load %arg1[%get3A_68, %get3A_69, %get3A_70, %get3A_71] : memref<2x3x128x128xf32, #tpu.memory_space<vmem>>, vector<1x1x128x128xf32>
    %get3A_73 = vector.shape_cast %get3A_72 : vector<1x1x128x128xf32> to vector<128x128xf32>
    %dot_general3A_74 = arith.constant dense<0.000000e+00> : vector<128x128xf32>
    %dot_general3A_75 = tpu.matmul %get3A_73, %get3A_3, %dot_general3A_74 {dimension_numbers = #tpu.dot_dimension_numbers<[1], [0], [0], [1], [0, 0, 1, 1], [], []>, transpose_lhs_hint = false} : vector<128x128xf32>, vector<128x128xf32>, vector<128x128xf32> -> vector<128x128xf32>
    %get3A_76 = arith.constant 0 : index
    %get3A_77 = arith.constant 2 : index
    %get3A_78 = arith.constant 0 : index
    %get3A_79 = arith.constant 0 : index
    %get3A_80 = vector.load %arg2[%get3A_76, %get3A_77, %get3A_78, %get3A_79] : memref<2x3x128x128xf32, #tpu.memory_space<vmem>>, vector<1x1x128x128xf32>
    %get3A_81 = vector.shape_cast %get3A_80 : vector<1x1x128x128xf32> to vector<128x128xf32>
    %mul3A = arith.mulf %logistic3A_67, %get3A_3 : vector<128x128xf32>
    %dot_general3A_82 = arith.constant dense<0.000000e+00> : vector<128x128xf32>
    %dot_general3A_83 = tpu.matmul %get3A_81, %mul3A, %dot_general3A_82 {dimension_numbers = #tpu.dot_dimension_numbers<[1], [0], [0], [1], [0, 0, 1, 1], [], []>, transpose_lhs_hint = false} : vector<128x128xf32>, vector<128x128xf32>, vector<128x128xf32> -> vector<128x128xf32>
    %add3A_84 = arith.addf %dot_general3A_75, %dot_general3A_83 : vector<128x128xf32>
    %get3A_85 = arith.constant 0 : index
    %get3A_86 = arith.constant 2 : index
    %get3A_87 = arith.constant 0 : index
    %get3A_88 = arith.constant 0 : index
    %get3A_89 = vector.load %arg3[%get3A_85, %get3A_86, %get3A_87, %get3A_88] : memref<2x3x128x1xf32, #tpu.memory_space<vmem>>, vector<1x1x128x1xf32>
    %get3A_90 = vector.shape_cast %get3A_89 : vector<1x1x128x1xf32> to vector<128x1xf32>
    %add3A_91 = vector.broadcast %get3A_90 : vector<128x1xf32> to vector<128x128xf32>
    %add3A_92 = arith.addf %add3A_84, %add3A_91 : vector<128x128xf32>
    %tanh3A = math.tanh %add3A_92 : vector<128x128xf32>
    %sub3A = arith.constant 1.000000e+00 : f32
    %sub3A_93 = vector.broadcast %sub3A : f32 to vector<128x128xf32>
    %sub3A_94 = arith.subf %sub3A_93, %logistic3A_36 : vector<128x128xf32>
    %mul3A_95 = arith.mulf %sub3A_94, %get3A_3 : vector<128x128xf32>
    %mul3A_96 = arith.mulf %logistic3A_36, %tanh3A : vector<128x128xf32>
    %add3A_97 = arith.addf %mul3A_95, %mul3A_96 : vector<128x128xf32>
    %get3A_98 = arith.constant 1 : index
    %get3A_99 = arith.constant 0 : index
    %get3A_100 = arith.constant 0 : index
    %get3A_101 = arith.constant 0 : index
    %get3A_102 = vector.load %arg1[%get3A_98, %get3A_99, %get3A_100, %get3A_101] : memref<2x3x128x128xf32, #tpu.memory_space<vmem>>, vector<1x1x128x128xf32>
    %get3A_103 = vector.shape_cast %get3A_102 : vector<1x1x128x128xf32> to vector<128x128xf32>
    %dot_general3A_104 = arith.constant dense<0.000000e+00> : vector<128x128xf32>
    %dot_general3A_105 = tpu.matmul %get3A_103, %get3A_8, %dot_general3A_104 {dimension_numbers = #tpu.dot_dimension_numbers<[1], [0], [0], [1], [0, 0, 1, 1], [], []>, transpose_lhs_hint = false} : vector<128x128xf32>, vector<128x128xf32>, vector<128x128xf32> -> vector<128x128xf32>
    %get3A_106 = arith.constant 1 : index
    %get3A_107 = arith.constant 0 : index
    %get3A_108 = arith.constant 0 : index
    %get3A_109 = arith.constant 0 : index
    %get3A_110 = vector.load %arg2[%get3A_106, %get3A_107, %get3A_108, %get3A_109] : memref<2x3x128x128xf32, #tpu.memory_space<vmem>>, vector<1x1x128x128xf32>
    %get3A_111 = vector.shape_cast %get3A_110 : vector<1x1x128x128xf32> to vector<128x128xf32>
    %dot_general3A_112 = arith.constant dense<0.000000e+00> : vector<128x128xf32>
    %dot_general3A_113 = tpu.matmul %get3A_111, %get3A_8, %dot_general3A_112 {dimension_numbers = #tpu.dot_dimension_numbers<[1], [0], [0], [1], [0, 0, 1, 1], [], []>, transpose_lhs_hint = false} : vector<128x128xf32>, vector<128x128xf32>, vector<128x128xf32> -> vector<128x128xf32>
    %add3A_114 = arith.addf %dot_general3A_105, %dot_general3A_113 : vector<128x128xf32>
    %get3A_115 = arith.constant 1 : index
    %get3A_116 = arith.constant 0 : index
    %get3A_117 = arith.constant 0 : index
    %get3A_118 = arith.constant 0 : index
    %get3A_119 = vector.load %arg3[%get3A_115, %get3A_116, %get3A_117, %get3A_118] : memref<2x3x128x1xf32, #tpu.memory_space<vmem>>, vector<1x1x128x1xf32>
    %get3A_120 = vector.shape_cast %get3A_119 : vector<1x1x128x1xf32> to vector<128x1xf32>
    %add3A_121 = vector.broadcast %get3A_120 : vector<128x1xf32> to vector<128x128xf32>
    %add3A_122 = arith.addf %add3A_114, %add3A_121 : vector<128x128xf32>
    %logistic3A_123 = arith.negf %add3A_122 : vector<128x128xf32>
    %logistic3A_124 = math.exp %logistic3A_123 : vector<128x128xf32>
    %logistic3A_125 = arith.constant 1.000000e+00 : f32
    %logistic3A_126 = vector.broadcast %logistic3A_125 : f32 to vector<128x128xf32>
    %logistic3A_127 = arith.addf %logistic3A_126, %logistic3A_124 : vector<128x128xf32>
    %logistic3A_128 = arith.divf %logistic3A_126, %logistic3A_127 : vector<128x128xf32>
    %get3A_129 = arith.constant 1 : index
    %get3A_130 = arith.constant 1 : index
    %get3A_131 = arith.constant 0 : index
    %get3A_132 = arith.constant 0 : index
    %get3A_133 = vector.load %arg1[%get3A_129, %get3A_130, %get3A_131, %get3A_132] : memref<2x3x128x128xf32, #tpu.memory_space<vmem>>, vector<1x1x128x128xf32>
    %get3A_134 = vector.shape_cast %get3A_133 : vector<1x1x128x128xf32> to vector<128x128xf32>
    %dot_general3A_135 = arith.constant dense<0.000000e+00> : vector<128x128xf32>
    %dot_general3A_136 = tpu.matmul %get3A_134, %get3A_8, %dot_general3A_135 {dimension_numbers = #tpu.dot_dimension_numbers<[1], [0], [0], [1], [0, 0, 1, 1], [], []>, transpose_lhs_hint = false} : vector<128x128xf32>, vector<128x128xf32>, vector<128x128xf32> -> vector<128x128xf32>
    %get3A_137 = arith.constant 1 : index
    %get3A_138 = arith.constant 1 : index
    %get3A_139 = arith.constant 0 : index
    %get3A_140 = arith.constant 0 : index
    %get3A_141 = vector.load %arg2[%get3A_137, %get3A_138, %get3A_139, %get3A_140] : memref<2x3x128x128xf32, #tpu.memory_space<vmem>>, vector<1x1x128x128xf32>
    %get3A_142 = vector.shape_cast %get3A_141 : vector<1x1x128x128xf32> to vector<128x128xf32>
    %dot_general3A_143 = arith.constant dense<0.000000e+00> : vector<128x128xf32>
    %dot_general3A_144 = tpu.matmul %get3A_142, %get3A_8, %dot_general3A_143 {dimension_numbers = #tpu.dot_dimension_numbers<[1], [0], [0], [1], [0, 0, 1, 1], [], []>, transpose_lhs_hint = false} : vector<128x128xf32>, vector<128x128xf32>, vector<128x128xf32> -> vector<128x128xf32>
    %add3A_145 = arith.addf %dot_general3A_136, %dot_general3A_144 : vector<128x128xf32>
    %get3A_146 = arith.constant 1 : index
    %get3A_147 = arith.constant 1 : index
    %get3A_148 = arith.constant 0 : index
    %get3A_149 = arith.constant 0 : index
    %get3A_150 = vector.load %arg3[%get3A_146, %get3A_147, %get3A_148, %get3A_149] : memref<2x3x128x1xf32, #tpu.memory_space<vmem>>, vector<1x1x128x1xf32>
    %get3A_151 = vector.shape_cast %get3A_150 : vector<1x1x128x1xf32> to vector<128x1xf32>
    %add3A_152 = vector.broadcast %get3A_151 : vector<128x1xf32> to vector<128x128xf32>
    %add3A_153 = arith.addf %add3A_145, %add3A_152 : vector<128x128xf32>
    %logistic3A_154 = arith.negf %add3A_153 : vector<128x128xf32>
    %logistic3A_155 = math.exp %logistic3A_154 : vector<128x128xf32>
    %logistic3A_156 = arith.constant 1.000000e+00 : f32
    %logistic3A_157 = vector.broadcast %logistic3A_156 : f32 to vector<128x128xf32>
    %logistic3A_158 = arith.addf %logistic3A_157, %logistic3A_155 : vector<128x128xf32>
    %logistic3A_159 = arith.divf %logistic3A_157, %logistic3A_158 : vector<128x128xf32>
    %get3A_160 = arith.constant 1 : index
    %get3A_161 = arith.constant 2 : index
    %get3A_162 = arith.constant 0 : index
    %get3A_163 = arith.constant 0 : index
    %get3A_164 = vector.load %arg1[%get3A_160, %get3A_161, %get3A_162, %get3A_163] : memref<2x3x128x128xf32, #tpu.memory_space<vmem>>, vector<1x1x128x128xf32>
    %get3A_165 = vector.shape_cast %get3A_164 : vector<1x1x128x128xf32> to vector<128x128xf32>
    %dot_general3A_166 = arith.constant dense<0.000000e+00> : vector<128x128xf32>
    %dot_general3A_167 = tpu.matmul %get3A_165, %get3A_8, %dot_general3A_166 {dimension_numbers = #tpu.dot_dimension_numbers<[1], [0], [0], [1], [0, 0, 1, 1], [], []>, transpose_lhs_hint = false} : vector<128x128xf32>, vector<128x128xf32>, vector<128x128xf32> -> vector<128x128xf32>
    %get3A_168 = arith.constant 1 : index
    %get3A_169 = arith.constant 2 : index
    %get3A_170 = arith.constant 0 : index
    %get3A_171 = arith.constant 0 : index
    %get3A_172 = vector.load %arg2[%get3A_168, %get3A_169, %get3A_170, %get3A_171] : memref<2x3x128x128xf32, #tpu.memory_space<vmem>>, vector<1x1x128x128xf32>
    %get3A_173 = vector.shape_cast %get3A_172 : vector<1x1x128x128xf32> to vector<128x128xf32>
    %mul3A_174 = arith.mulf %logistic3A_159, %get3A_8 : vector<128x128xf32>
    %dot_general3A_175 = arith.constant dense<0.000000e+00> : vector<128x128xf32>
    %dot_general3A_176 = tpu.matmul %get3A_173, %mul3A_174, %dot_general3A_175 {dimension_numbers = #tpu.dot_dimension_numbers<[1], [0], [0], [1], [0, 0, 1, 1], [], []>, transpose_lhs_hint = false} : vector<128x128xf32>, vector<128x128xf32>, vector<128x128xf32> -> vector<128x128xf32>
    %add3A_177 = arith.addf %dot_general3A_167, %dot_general3A_176 : vector<128x128xf32>
    %get3A_178 = arith.constant 1 : index
    %get3A_179 = arith.constant 2 : index
    %get3A_180 = arith.constant 0 : index
    %get3A_181 = arith.constant 0 : index
    %get3A_182 = vector.load %arg3[%get3A_178, %get3A_179, %get3A_180, %get3A_181] : memref<2x3x128x1xf32, #tpu.memory_space<vmem>>, vector<1x1x128x1xf32>
    %get3A_183 = vector.shape_cast %get3A_182 : vector<1x1x128x1xf32> to vector<128x1xf32>
    %add3A_184 = vector.broadcast %get3A_183 : vector<128x1xf32> to vector<128x128xf32>
    %add3A_185 = arith.addf %add3A_177, %add3A_184 : vector<128x128xf32>
    %tanh3A_186 = math.tanh %add3A_185 : vector<128x128xf32>
    %sub3A_187 = arith.constant 1.000000e+00 : f32
    %sub3A_188 = vector.broadcast %sub3A_187 : f32 to vector<128x128xf32>
    %sub3A_189 = arith.subf %sub3A_188, %logistic3A_128 : vector<128x128xf32>
    %mul3A_190 = arith.mulf %sub3A_189, %get3A_8 : vector<128x128xf32>
    %mul3A_191 = arith.mulf %logistic3A_128, %tanh3A_186 : vector<128x128xf32>
    %add3A_192 = arith.addf %mul3A_190, %mul3A_191 : vector<128x128xf32>
    %get3A_193 = arith.constant 0 : index
    %get3A_194 = arith.constant 0 : index
    %get3A_195 = arith.constant 0 : index
    %get3A_196 = arith.constant 0 : index
    %get3A_197 = vector.load %arg1[%get3A_193, %get3A_194, %get3A_195, %get3A_196] : memref<2x3x128x128xf32, #tpu.memory_space<vmem>>, vector<1x1x128x128xf32>
    %get3A_198 = vector.shape_cast %get3A_197 : vector<1x1x128x128xf32> to vector<128x128xf32>
    %dot_general3A_199 = arith.constant dense<0.000000e+00> : vector<128x128xf32>
    %dot_general3A_200 = tpu.matmul %get3A_198, %add3A_97, %dot_general3A_199 {dimension_numbers = #tpu.dot_dimension_numbers<[1], [0], [0], [1], [0, 0, 1, 1], [], []>, transpose_lhs_hint = false} : vector<128x128xf32>, vector<128x128xf32>, vector<128x128xf32> -> vector<128x128xf32>
    %get3A_201 = arith.constant 0 : index
    %get3A_202 = arith.constant 0 : index
    %get3A_203 = arith.constant 0 : index
    %get3A_204 = arith.constant 0 : index
    %get3A_205 = vector.load %arg2[%get3A_201, %get3A_202, %get3A_203, %get3A_204] : memref<2x3x128x128xf32, #tpu.memory_space<vmem>>, vector<1x1x128x128xf32>
    %get3A_206 = vector.shape_cast %get3A_205 : vector<1x1x128x128xf32> to vector<128x128xf32>
    %dot_general3A_207 = arith.constant dense<0.000000e+00> : vector<128x128xf32>
    %dot_general3A_208 = tpu.matmul %get3A_206, %add3A_97, %dot_general3A_207 {dimension_numbers = #tpu.dot_dimension_numbers<[1], [0], [0], [1], [0, 0, 1, 1], [], []>, transpose_lhs_hint = false} : vector<128x128xf32>, vector<128x128xf32>, vector<128x128xf32> -> vector<128x128xf32>
    %add3A_209 = arith.addf %dot_general3A_200, %dot_general3A_208 : vector<128x128xf32>
    %get3A_210 = arith.constant 0 : index
    %get3A_211 = arith.constant 0 : index
    %get3A_212 = arith.constant 0 : index
    %get3A_213 = arith.constant 0 : index
    %get3A_214 = vector.load %arg3[%get3A_210, %get3A_211, %get3A_212, %get3A_213] : memref<2x3x128x1xf32, #tpu.memory_space<vmem>>, vector<1x1x128x1xf32>
    %get3A_215 = vector.shape_cast %get3A_214 : vector<1x1x128x1xf32> to vector<128x1xf32>
    %add3A_216 = vector.broadcast %get3A_215 : vector<128x1xf32> to vector<128x128xf32>
    %add3A_217 = arith.addf %add3A_209, %add3A_216 : vector<128x128xf32>
    %logistic3A_218 = arith.negf %add3A_217 : vector<128x128xf32>
    %logistic3A_219 = math.exp %logistic3A_218 : vector<128x128xf32>
    %logistic3A_220 = arith.constant 1.000000e+00 : f32
    %logistic3A_221 = vector.broadcast %logistic3A_220 : f32 to vector<128x128xf32>
    %logistic3A_222 = arith.addf %logistic3A_221, %logistic3A_219 : vector<128x128xf32>
    %logistic3A_223 = arith.divf %logistic3A_221, %logistic3A_222 : vector<128x128xf32>
    %get3A_224 = arith.constant 0 : index
    %get3A_225 = arith.constant 1 : index
    %get3A_226 = arith.constant 0 : index
    %get3A_227 = arith.constant 0 : index
    %get3A_228 = vector.load %arg1[%get3A_224, %get3A_225, %get3A_226, %get3A_227] : memref<2x3x128x128xf32, #tpu.memory_space<vmem>>, vector<1x1x128x128xf32>
    %get3A_229 = vector.shape_cast %get3A_228 : vector<1x1x128x128xf32> to vector<128x128xf32>
    %dot_general3A_230 = arith.constant dense<0.000000e+00> : vector<128x128xf32>
    %dot_general3A_231 = tpu.matmul %get3A_229, %add3A_97, %dot_general3A_230 {dimension_numbers = #tpu.dot_dimension_numbers<[1], [0], [0], [1], [0, 0, 1, 1], [], []>, transpose_lhs_hint = false} : vector<128x128xf32>, vector<128x128xf32>, vector<128x128xf32> -> vector<128x128xf32>
    %get3A_232 = arith.constant 0 : index
    %get3A_233 = arith.constant 1 : index
    %get3A_234 = arith.constant 0 : index
    %get3A_235 = arith.constant 0 : index
    %get3A_236 = vector.load %arg2[%get3A_232, %get3A_233, %get3A_234, %get3A_235] : memref<2x3x128x128xf32, #tpu.memory_space<vmem>>, vector<1x1x128x128xf32>
    %get3A_237 = vector.shape_cast %get3A_236 : vector<1x1x128x128xf32> to vector<128x128xf32>
    %dot_general3A_238 = arith.constant dense<0.000000e+00> : vector<128x128xf32>
    %dot_general3A_239 = tpu.matmul %get3A_237, %add3A_97, %dot_general3A_238 {dimension_numbers = #tpu.dot_dimension_numbers<[1], [0], [0], [1], [0, 0, 1, 1], [], []>, transpose_lhs_hint = false} : vector<128x128xf32>, vector<128x128xf32>, vector<128x128xf32> -> vector<128x128xf32>
    %add3A_240 = arith.addf %dot_general3A_231, %dot_general3A_239 : vector<128x128xf32>
    %get3A_241 = arith.constant 0 : index
    %get3A_242 = arith.constant 1 : index
    %get3A_243 = arith.constant 0 : index
    %get3A_244 = arith.constant 0 : index
    %get3A_245 = vector.load %arg3[%get3A_241, %get3A_242, %get3A_243, %get3A_244] : memref<2x3x128x1xf32, #tpu.memory_space<vmem>>, vector<1x1x128x1xf32>
    %get3A_246 = vector.shape_cast %get3A_245 : vector<1x1x128x1xf32> to vector<128x1xf32>
    %add3A_247 = vector.broadcast %get3A_246 : vector<128x1xf32> to vector<128x128xf32>
    %add3A_248 = arith.addf %add3A_240, %add3A_247 : vector<128x128xf32>
    %logistic3A_249 = arith.negf %add3A_248 : vector<128x128xf32>
    %logistic3A_250 = math.exp %logistic3A_249 : vector<128x128xf32>
    %logistic3A_251 = arith.constant 1.000000e+00 : f32
    %logistic3A_252 = vector.broadcast %logistic3A_251 : f32 to vector<128x128xf32>
    %logistic3A_253 = arith.addf %logistic3A_252, %logistic3A_250 : vector<128x128xf32>
    %logistic3A_254 = arith.divf %logistic3A_252, %logistic3A_253 : vector<128x128xf32>
    %get3A_255 = arith.constant 0 : index
    %get3A_256 = arith.constant 2 : index
    %get3A_257 = arith.constant 0 : index
    %get3A_258 = arith.constant 0 : index
    %get3A_259 = vector.load %arg1[%get3A_255, %get3A_256, %get3A_257, %get3A_258] : memref<2x3x128x128xf32, #tpu.memory_space<vmem>>, vector<1x1x128x128xf32>
    %get3A_260 = vector.shape_cast %get3A_259 : vector<1x1x128x128xf32> to vector<128x128xf32>
    %dot_general3A_261 = arith.constant dense<0.000000e+00> : vector<128x128xf32>
    %dot_general3A_262 = tpu.matmul %get3A_260, %add3A_97, %dot_general3A_261 {dimension_numbers = #tpu.dot_dimension_numbers<[1], [0], [0], [1], [0, 0, 1, 1], [], []>, transpose_lhs_hint = false} : vector<128x128xf32>, vector<128x128xf32>, vector<128x128xf32> -> vector<128x128xf32>
    %get3A_263 = arith.constant 0 : index
    %get3A_264 = arith.constant 2 : index
    %get3A_265 = arith.constant 0 : index
    %get3A_266 = arith.constant 0 : index
    %get3A_267 = vector.load %arg2[%get3A_263, %get3A_264, %get3A_265, %get3A_266] : memref<2x3x128x128xf32, #tpu.memory_space<vmem>>, vector<1x1x128x128xf32>
    %get3A_268 = vector.shape_cast %get3A_267 : vector<1x1x128x128xf32> to vector<128x128xf32>
    %mul3A_269 = arith.mulf %logistic3A_254, %add3A_97 : vector<128x128xf32>
    %dot_general3A_270 = arith.constant dense<0.000000e+00> : vector<128x128xf32>
    %dot_general3A_271 = tpu.matmul %get3A_268, %mul3A_269, %dot_general3A_270 {dimension_numbers = #tpu.dot_dimension_numbers<[1], [0], [0], [1], [0, 0, 1, 1], [], []>, transpose_lhs_hint = false} : vector<128x128xf32>, vector<128x128xf32>, vector<128x128xf32> -> vector<128x128xf32>
    %add3A_272 = arith.addf %dot_general3A_262, %dot_general3A_271 : vector<128x128xf32>
    %get3A_273 = arith.constant 0 : index
    %get3A_274 = arith.constant 2 : index
    %get3A_275 = arith.constant 0 : index
    %get3A_276 = arith.constant 0 : index
    %get3A_277 = vector.load %arg3[%get3A_273, %get3A_274, %get3A_275, %get3A_276] : memref<2x3x128x1xf32, #tpu.memory_space<vmem>>, vector<1x1x128x1xf32>
    %get3A_278 = vector.shape_cast %get3A_277 : vector<1x1x128x1xf32> to vector<128x1xf32>
    %add3A_279 = vector.broadcast %get3A_278 : vector<128x1xf32> to vector<128x128xf32>
    %add3A_280 = arith.addf %add3A_272, %add3A_279 : vector<128x128xf32>
    %tanh3A_281 = math.tanh %add3A_280 : vector<128x128xf32>
    %sub3A_282 = arith.constant 1.000000e+00 : f32
    %sub3A_283 = vector.broadcast %sub3A_282 : f32 to vector<128x128xf32>
    %sub3A_284 = arith.subf %sub3A_283, %logistic3A_223 : vector<128x128xf32>
    %mul3A_285 = arith.mulf %sub3A_284, %add3A_97 : vector<128x128xf32>
    %mul3A_286 = arith.mulf %logistic3A_223, %tanh3A_281 : vector<128x128xf32>
    %add3A_287 = arith.addf %mul3A_285, %mul3A_286 : vector<128x128xf32>
    %get3A_288 = arith.constant 1 : index
    %get3A_289 = arith.constant 0 : index
    %get3A_290 = arith.constant 0 : index
    %get3A_291 = arith.constant 0 : index
    %get3A_292 = vector.load %arg1[%get3A_288, %get3A_289, %get3A_290, %get3A_291] : memref<2x3x128x128xf32, #tpu.memory_space<vmem>>, vector<1x1x128x128xf32>
    %get3A_293 = vector.shape_cast %get3A_292 : vector<1x1x128x128xf32> to vector<128x128xf32>
    %dot_general3A_294 = arith.constant dense<0.000000e+00> : vector<128x128xf32>
    %dot_general3A_295 = tpu.matmul %get3A_293, %add3A_192, %dot_general3A_294 {dimension_numbers = #tpu.dot_dimension_numbers<[1], [0], [0], [1], [0, 0, 1, 1], [], []>, transpose_lhs_hint = false} : vector<128x128xf32>, vector<128x128xf32>, vector<128x128xf32> -> vector<128x128xf32>
    %get3A_296 = arith.constant 1 : index
    %get3A_297 = arith.constant 0 : index
    %get3A_298 = arith.constant 0 : index
    %get3A_299 = arith.constant 0 : index
    %get3A_300 = vector.load %arg2[%get3A_296, %get3A_297, %get3A_298, %get3A_299] : memref<2x3x128x128xf32, #tpu.memory_space<vmem>>, vector<1x1x128x128xf32>
    %get3A_301 = vector.shape_cast %get3A_300 : vector<1x1x128x128xf32> to vector<128x128xf32>
    %dot_general3A_302 = arith.constant dense<0.000000e+00> : vector<128x128xf32>
    %dot_general3A_303 = tpu.matmul %get3A_301, %add3A_192, %dot_general3A_302 {dimension_numbers = #tpu.dot_dimension_numbers<[1], [0], [0], [1], [0, 0, 1, 1], [], []>, transpose_lhs_hint = false} : vector<128x128xf32>, vector<128x128xf32>, vector<128x128xf32> -> vector<128x128xf32>
    %add3A_304 = arith.addf %dot_general3A_295, %dot_general3A_303 : vector<128x128xf32>
    %get3A_305 = arith.constant 1 : index
    %get3A_306 = arith.constant 0 : index
    %get3A_307 = arith.constant 0 : index
    %get3A_308 = arith.constant 0 : index
    %get3A_309 = vector.load %arg3[%get3A_305, %get3A_306, %get3A_307, %get3A_308] : memref<2x3x128x1xf32, #tpu.memory_space<vmem>>, vector<1x1x128x1xf32>
    %get3A_310 = vector.shape_cast %get3A_309 : vector<1x1x128x1xf32> to vector<128x1xf32>
    %add3A_311 = vector.broadcast %get3A_310 : vector<128x1xf32> to vector<128x128xf32>
    %add3A_312 = arith.addf %add3A_304, %add3A_311 : vector<128x128xf32>
    %logistic3A_313 = arith.negf %add3A_312 : vector<128x128xf32>
    %logistic3A_314 = math.exp %logistic3A_313 : vector<128x128xf32>
    %logistic3A_315 = arith.constant 1.000000e+00 : f32
    %logistic3A_316 = vector.broadcast %logistic3A_315 : f32 to vector<128x128xf32>
    %logistic3A_317 = arith.addf %logistic3A_316, %logistic3A_314 : vector<128x128xf32>
    %logistic3A_318 = arith.divf %logistic3A_316, %logistic3A_317 : vector<128x128xf32>
    %get3A_319 = arith.constant 1 : index
    %get3A_320 = arith.constant 1 : index
    %get3A_321 = arith.constant 0 : index
    %get3A_322 = arith.constant 0 : index
    %get3A_323 = vector.load %arg1[%get3A_319, %get3A_320, %get3A_321, %get3A_322] : memref<2x3x128x128xf32, #tpu.memory_space<vmem>>, vector<1x1x128x128xf32>
    %get3A_324 = vector.shape_cast %get3A_323 : vector<1x1x128x128xf32> to vector<128x128xf32>
    %dot_general3A_325 = arith.constant dense<0.000000e+00> : vector<128x128xf32>
    %dot_general3A_326 = tpu.matmul %get3A_324, %add3A_192, %dot_general3A_325 {dimension_numbers = #tpu.dot_dimension_numbers<[1], [0], [0], [1], [0, 0, 1, 1], [], []>, transpose_lhs_hint = false} : vector<128x128xf32>, vector<128x128xf32>, vector<128x128xf32> -> vector<128x128xf32>
    %get3A_327 = arith.constant 1 : index
    %get3A_328 = arith.constant 1 : index
    %get3A_329 = arith.constant 0 : index
    %get3A_330 = arith.constant 0 : index
    %get3A_331 = vector.load %arg2[%get3A_327, %get3A_328, %get3A_329, %get3A_330] : memref<2x3x128x128xf32, #tpu.memory_space<vmem>>, vector<1x1x128x128xf32>
    %get3A_332 = vector.shape_cast %get3A_331 : vector<1x1x128x128xf32> to vector<128x128xf32>
    %dot_general3A_333 = arith.constant dense<0.000000e+00> : vector<128x128xf32>
    %dot_general3A_334 = tpu.matmul %get3A_332, %add3A_192, %dot_general3A_333 {dimension_numbers = #tpu.dot_dimension_numbers<[1], [0], [0], [1], [0, 0, 1, 1], [], []>, transpose_lhs_hint = false} : vector<128x128xf32>, vector<128x128xf32>, vector<128x128xf32> -> vector<128x128xf32>
    %add3A_335 = arith.addf %dot_general3A_326, %dot_general3A_334 : vector<128x128xf32>
    %get3A_336 = arith.constant 1 : index
    %get3A_337 = arith.constant 1 : index
    %get3A_338 = arith.constant 0 : index
    %get3A_339 = arith.constant 0 : index
    %get3A_340 = vector.load %arg3[%get3A_336, %get3A_337, %get3A_338, %get3A_339] : memref<2x3x128x1xf32, #tpu.memory_space<vmem>>, vector<1x1x128x1xf32>
    %get3A_341 = vector.shape_cast %get3A_340 : vector<1x1x128x1xf32> to vector<128x1xf32>
    %add3A_342 = vector.broadcast %get3A_341 : vector<128x1xf32> to vector<128x128xf32>
    %add3A_343 = arith.addf %add3A_335, %add3A_342 : vector<128x128xf32>
    %logistic3A_344 = arith.negf %add3A_343 : vector<128x128xf32>
    %logistic3A_345 = math.exp %logistic3A_344 : vector<128x128xf32>
    %logistic3A_346 = arith.constant 1.000000e+00 : f32
    %logistic3A_347 = vector.broadcast %logistic3A_346 : f32 to vector<128x128xf32>
    %logistic3A_348 = arith.addf %logistic3A_347, %logistic3A_345 : vector<128x128xf32>
    %logistic3A_349 = arith.divf %logistic3A_347, %logistic3A_348 : vector<128x128xf32>
    %get3A_350 = arith.constant 1 : index
    %get3A_351 = arith.constant 2 : index
    %get3A_352 = arith.constant 0 : index
    %get3A_353 = arith.constant 0 : index
    %get3A_354 = vector.load %arg1[%get3A_350, %get3A_351, %get3A_352, %get3A_353] : memref<2x3x128x128xf32, #tpu.memory_space<vmem>>, vector<1x1x128x128xf32>
    %get3A_355 = vector.shape_cast %get3A_354 : vector<1x1x128x128xf32> to vector<128x128xf32>
    %dot_general3A_356 = arith.constant dense<0.000000e+00> : vector<128x128xf32>
    %dot_general3A_357 = tpu.matmul %get3A_355, %add3A_192, %dot_general3A_356 {dimension_numbers = #tpu.dot_dimension_numbers<[1], [0], [0], [1], [0, 0, 1, 1], [], []>, transpose_lhs_hint = false} : vector<128x128xf32>, vector<128x128xf32>, vector<128x128xf32> -> vector<128x128xf32>
    %get3A_358 = arith.constant 1 : index
    %get3A_359 = arith.constant 2 : index
    %get3A_360 = arith.constant 0 : index
    %get3A_361 = arith.constant 0 : index
    %get3A_362 = vector.load %arg2[%get3A_358, %get3A_359, %get3A_360, %get3A_361] : memref<2x3x128x128xf32, #tpu.memory_space<vmem>>, vector<1x1x128x128xf32>
    %get3A_363 = vector.shape_cast %get3A_362 : vector<1x1x128x128xf32> to vector<128x128xf32>
    %mul3A_364 = arith.mulf %logistic3A_349, %add3A_192 : vector<128x128xf32>
    %dot_general3A_365 = arith.constant dense<0.000000e+00> : vector<128x128xf32>
    %dot_general3A_366 = tpu.matmul %get3A_363, %mul3A_364, %dot_general3A_365 {dimension_numbers = #tpu.dot_dimension_numbers<[1], [0], [0], [1], [0, 0, 1, 1], [], []>, transpose_lhs_hint = false} : vector<128x128xf32>, vector<128x128xf32>, vector<128x128xf32> -> vector<128x128xf32>
    %add3A_367 = arith.addf %dot_general3A_357, %dot_general3A_366 : vector<128x128xf32>
    %get3A_368 = arith.constant 1 : index
    %get3A_369 = arith.constant 2 : index
    %get3A_370 = arith.constant 0 : index
    %get3A_371 = arith.constant 0 : index
    %get3A_372 = vector.load %arg3[%get3A_368, %get3A_369, %get3A_370, %get3A_371] : memref<2x3x128x1xf32, #tpu.memory_space<vmem>>, vector<1x1x128x1xf32>
    %get3A_373 = vector.shape_cast %get3A_372 : vector<1x1x128x1xf32> to vector<128x1xf32>
    %add3A_374 = vector.broadcast %get3A_373 : vector<128x1xf32> to vector<128x128xf32>
    %add3A_375 = arith.addf %add3A_367, %add3A_374 : vector<128x128xf32>
    %tanh3A_376 = math.tanh %add3A_375 : vector<128x128xf32>
    %sub3A_377 = arith.constant 1.000000e+00 : f32
    %sub3A_378 = vector.broadcast %sub3A_377 : f32 to vector<128x128xf32>
    %sub3A_379 = arith.subf %sub3A_378, %logistic3A_318 : vector<128x128xf32>
    %mul3A_380 = arith.mulf %sub3A_379, %add3A_192 : vector<128x128xf32>
    %mul3A_381 = arith.mulf %logistic3A_318, %tanh3A_376 : vector<128x128xf32>
    %add3A_382 = arith.addf %mul3A_380, %mul3A_381 : vector<128x128xf32>
    %get3A_383 = arith.constant 0 : index
    %get3A_384 = arith.constant 0 : index
    %get3A_385 = arith.constant 0 : index
    %get3A_386 = arith.constant 0 : index
    %get3A_387 = vector.load %arg1[%get3A_383, %get3A_384, %get3A_385, %get3A_386] : memref<2x3x128x128xf32, #tpu.memory_space<vmem>>, vector<1x1x128x128xf32>
    %get3A_388 = vector.shape_cast %get3A_387 : vector<1x1x128x128xf32> to vector<128x128xf32>
    %dot_general3A_389 = arith.constant dense<0.000000e+00> : vector<128x128xf32>
    %dot_general3A_390 = tpu.matmul %get3A_388, %add3A_287, %dot_general3A_389 {dimension_numbers = #tpu.dot_dimension_numbers<[1], [0], [0], [1], [0, 0, 1, 1], [], []>, transpose_lhs_hint = false} : vector<128x128xf32>, vector<128x128xf32>, vector<128x128xf32> -> vector<128x128xf32>
    %get3A_391 = arith.constant 0 : index
    %get3A_392 = arith.constant 0 : index
    %get3A_393 = arith.constant 0 : index
    %get3A_394 = arith.constant 0 : index
    %get3A_395 = vector.load %arg2[%get3A_391, %get3A_392, %get3A_393, %get3A_394] : memref<2x3x128x128xf32, #tpu.memory_space<vmem>>, vector<1x1x128x128xf32>
    %get3A_396 = vector.shape_cast %get3A_395 : vector<1x1x128x128xf32> to vector<128x128xf32>
    %dot_general3A_397 = arith.constant dense<0.000000e+00> : vector<128x128xf32>
    %dot_general3A_398 = tpu.matmul %get3A_396, %add3A_287, %dot_general3A_397 {dimension_numbers = #tpu.dot_dimension_numbers<[1], [0], [0], [1], [0, 0, 1, 1], [], []>, transpose_lhs_hint = false} : vector<128x128xf32>, vector<128x128xf32>, vector<128x128xf32> -> vector<128x128xf32>
    %add3A_399 = arith.addf %dot_general3A_390, %dot_general3A_398 : vector<128x128xf32>
    %get3A_400 = arith.constant 0 : index
    %get3A_401 = arith.constant 0 : index
    %get3A_402 = arith.constant 0 : index
    %get3A_403 = arith.constant 0 : index
    %get3A_404 = vector.load %arg3[%get3A_400, %get3A_401, %get3A_402, %get3A_403] : memref<2x3x128x1xf32, #tpu.memory_space<vmem>>, vector<1x1x128x1xf32>
    %get3A_405 = vector.shape_cast %get3A_404 : vector<1x1x128x1xf32> to vector<128x1xf32>
    %add3A_406 = vector.broadcast %get3A_405 : vector<128x1xf32> to vector<128x128xf32>
    %add3A_407 = arith.addf %add3A_399, %add3A_406 : vector<128x128xf32>
    %logistic3A_408 = arith.negf %add3A_407 : vector<128x128xf32>
    %logistic3A_409 = math.exp %logistic3A_408 : vector<128x128xf32>
    %logistic3A_410 = arith.constant 1.000000e+00 : f32
    %logistic3A_411 = vector.broadcast %logistic3A_410 : f32 to vector<128x128xf32>
    %logistic3A_412 = arith.addf %logistic3A_411, %logistic3A_409 : vector<128x128xf32>
    %logistic3A_413 = arith.divf %logistic3A_411, %logistic3A_412 : vector<128x128xf32>
    %get3A_414 = arith.constant 0 : index
    %get3A_415 = arith.constant 1 : index
    %get3A_416 = arith.constant 0 : index
    %get3A_417 = arith.constant 0 : index
    %get3A_418 = vector.load %arg1[%get3A_414, %get3A_415, %get3A_416, %get3A_417] : memref<2x3x128x128xf32, #tpu.memory_space<vmem>>, vector<1x1x128x128xf32>
    %get3A_419 = vector.shape_cast %get3A_418 : vector<1x1x128x128xf32> to vector<128x128xf32>
    %dot_general3A_420 = arith.constant dense<0.000000e+00> : vector<128x128xf32>
    %dot_general3A_421 = tpu.matmul %get3A_419, %add3A_287, %dot_general3A_420 {dimension_numbers = #tpu.dot_dimension_numbers<[1], [0], [0], [1], [0, 0, 1, 1], [], []>, transpose_lhs_hint = false} : vector<128x128xf32>, vector<128x128xf32>, vector<128x128xf32> -> vector<128x128xf32>
    %get3A_422 = arith.constant 0 : index
    %get3A_423 = arith.constant 1 : index
    %get3A_424 = arith.constant 0 : index
    %get3A_425 = arith.constant 0 : index
    %get3A_426 = vector.load %arg2[%get3A_422, %get3A_423, %get3A_424, %get3A_425] : memref<2x3x128x128xf32, #tpu.memory_space<vmem>>, vector<1x1x128x128xf32>
    %get3A_427 = vector.shape_cast %get3A_426 : vector<1x1x128x128xf32> to vector<128x128xf32>
    %dot_general3A_428 = arith.constant dense<0.000000e+00> : vector<128x128xf32>
    %dot_general3A_429 = tpu.matmul %get3A_427, %add3A_287, %dot_general3A_428 {dimension_numbers = #tpu.dot_dimension_numbers<[1], [0], [0], [1], [0, 0, 1, 1], [], []>, transpose_lhs_hint = false} : vector<128x128xf32>, vector<128x128xf32>, vector<128x128xf32> -> vector<128x128xf32>
    %add3A_430 = arith.addf %dot_general3A_421, %dot_general3A_429 : vector<128x128xf32>
    %get3A_431 = arith.constant 0 : index
    %get3A_432 = arith.constant 1 : index
    %get3A_433 = arith.constant 0 : index
    %get3A_434 = arith.constant 0 : index
    %get3A_435 = vector.load %arg3[%get3A_431, %get3A_432, %get3A_433, %get3A_434] : memref<2x3x128x1xf32, #tpu.memory_space<vmem>>, vector<1x1x128x1xf32>
    %get3A_436 = vector.shape_cast %get3A_435 : vector<1x1x128x1xf32> to vector<128x1xf32>
    %add3A_437 = vector.broadcast %get3A_436 : vector<128x1xf32> to vector<128x128xf32>
    %add3A_438 = arith.addf %add3A_430, %add3A_437 : vector<128x128xf32>
    %logistic3A_439 = arith.negf %add3A_438 : vector<128x128xf32>
    %logistic3A_440 = math.exp %logistic3A_439 : vector<128x128xf32>
    %logistic3A_441 = arith.constant 1.000000e+00 : f32
    %logistic3A_442 = vector.broadcast %logistic3A_441 : f32 to vector<128x128xf32>
    %logistic3A_443 = arith.addf %logistic3A_442, %logistic3A_440 : vector<128x128xf32>
    %logistic3A_444 = arith.divf %logistic3A_442, %logistic3A_443 : vector<128x128xf32>
    %get3A_445 = arith.constant 0 : index
    %get3A_446 = arith.constant 2 : index
    %get3A_447 = arith.constant 0 : index
    %get3A_448 = arith.constant 0 : index
    %get3A_449 = vector.load %arg1[%get3A_445, %get3A_446, %get3A_447, %get3A_448] : memref<2x3x128x128xf32, #tpu.memory_space<vmem>>, vector<1x1x128x128xf32>
    %get3A_450 = vector.shape_cast %get3A_449 : vector<1x1x128x128xf32> to vector<128x128xf32>
    %dot_general3A_451 = arith.constant dense<0.000000e+00> : vector<128x128xf32>
    %dot_general3A_452 = tpu.matmul %get3A_450, %add3A_287, %dot_general3A_451 {dimension_numbers = #tpu.dot_dimension_numbers<[1], [0], [0], [1], [0, 0, 1, 1], [], []>, transpose_lhs_hint = false} : vector<128x128xf32>, vector<128x128xf32>, vector<128x128xf32> -> vector<128x128xf32>
    %get3A_453 = arith.constant 0 : index
    %get3A_454 = arith.constant 2 : index
    %get3A_455 = arith.constant 0 : index
    %get3A_456 = arith.constant 0 : index
    %get3A_457 = vector.load %arg2[%get3A_453, %get3A_454, %get3A_455, %get3A_456] : memref<2x3x128x128xf32, #tpu.memory_space<vmem>>, vector<1x1x128x128xf32>
    %get3A_458 = vector.shape_cast %get3A_457 : vector<1x1x128x128xf32> to vector<128x128xf32>
    %mul3A_459 = arith.mulf %logistic3A_444, %add3A_287 : vector<128x128xf32>
    %dot_general3A_460 = arith.constant dense<0.000000e+00> : vector<128x128xf32>
    %dot_general3A_461 = tpu.matmul %get3A_458, %mul3A_459, %dot_general3A_460 {dimension_numbers = #tpu.dot_dimension_numbers<[1], [0], [0], [1], [0, 0, 1, 1], [], []>, transpose_lhs_hint = false} : vector<128x128xf32>, vector<128x128xf32>, vector<128x128xf32> -> vector<128x128xf32>
    %add3A_462 = arith.addf %dot_general3A_452, %dot_general3A_461 : vector<128x128xf32>
    %get3A_463 = arith.constant 0 : index
    %get3A_464 = arith.constant 2 : index
    %get3A_465 = arith.constant 0 : index
    %get3A_466 = arith.constant 0 : index
    %get3A_467 = vector.load %arg3[%get3A_463, %get3A_464, %get3A_465, %get3A_466] : memref<2x3x128x1xf32, #tpu.memory_space<vmem>>, vector<1x1x128x1xf32>
    %get3A_468 = vector.shape_cast %get3A_467 : vector<1x1x128x1xf32> to vector<128x1xf32>
    %add3A_469 = vector.broadcast %get3A_468 : vector<128x1xf32> to vector<128x128xf32>
    %add3A_470 = arith.addf %add3A_462, %add3A_469 : vector<128x128xf32>
    %tanh3A_471 = math.tanh %add3A_470 : vector<128x128xf32>
    %sub3A_472 = arith.constant 1.000000e+00 : f32
    %sub3A_473 = vector.broadcast %sub3A_472 : f32 to vector<128x128xf32>
    %sub3A_474 = arith.subf %sub3A_473, %logistic3A_413 : vector<128x128xf32>
    %mul3A_475 = arith.mulf %sub3A_474, %add3A_287 : vector<128x128xf32>
    %mul3A_476 = arith.mulf %logistic3A_413, %tanh3A_471 : vector<128x128xf32>
    %add3A_477 = arith.addf %mul3A_475, %mul3A_476 : vector<128x128xf32>
    %get3A_478 = arith.constant 1 : index
    %get3A_479 = arith.constant 0 : index
    %get3A_480 = arith.constant 0 : index
    %get3A_481 = arith.constant 0 : index
    %get3A_482 = vector.load %arg1[%get3A_478, %get3A_479, %get3A_480, %get3A_481] : memref<2x3x128x128xf32, #tpu.memory_space<vmem>>, vector<1x1x128x128xf32>
    %get3A_483 = vector.shape_cast %get3A_482 : vector<1x1x128x128xf32> to vector<128x128xf32>
    %dot_general3A_484 = arith.constant dense<0.000000e+00> : vector<128x128xf32>
    %dot_general3A_485 = tpu.matmul %get3A_483, %add3A_382, %dot_general3A_484 {dimension_numbers = #tpu.dot_dimension_numbers<[1], [0], [0], [1], [0, 0, 1, 1], [], []>, transpose_lhs_hint = false} : vector<128x128xf32>, vector<128x128xf32>, vector<128x128xf32> -> vector<128x128xf32>
    %get3A_486 = arith.constant 1 : index
    %get3A_487 = arith.constant 0 : index
    %get3A_488 = arith.constant 0 : index
    %get3A_489 = arith.constant 0 : index
    %get3A_490 = vector.load %arg2[%get3A_486, %get3A_487, %get3A_488, %get3A_489] : memref<2x3x128x128xf32, #tpu.memory_space<vmem>>, vector<1x1x128x128xf32>
    %get3A_491 = vector.shape_cast %get3A_490 : vector<1x1x128x128xf32> to vector<128x128xf32>
    %dot_general3A_492 = arith.constant dense<0.000000e+00> : vector<128x128xf32>
    %dot_general3A_493 = tpu.matmul %get3A_491, %add3A_382, %dot_general3A_492 {dimension_numbers = #tpu.dot_dimension_numbers<[1], [0], [0], [1], [0, 0, 1, 1], [], []>, transpose_lhs_hint = false} : vector<128x128xf32>, vector<128x128xf32>, vector<128x128xf32> -> vector<128x128xf32>
    %add3A_494 = arith.addf %dot_general3A_485, %dot_general3A_493 : vector<128x128xf32>
    %get3A_495 = arith.constant 1 : index
    %get3A_496 = arith.constant 0 : index
    %get3A_497 = arith.constant 0 : index
    %get3A_498 = arith.constant 0 : index
    %get3A_499 = vector.load %arg3[%get3A_495, %get3A_496, %get3A_497, %get3A_498] : memref<2x3x128x1xf32, #tpu.memory_space<vmem>>, vector<1x1x128x1xf32>
    %get3A_500 = vector.shape_cast %get3A_499 : vector<1x1x128x1xf32> to vector<128x1xf32>
    %add3A_501 = vector.broadcast %get3A_500 : vector<128x1xf32> to vector<128x128xf32>
    %add3A_502 = arith.addf %add3A_494, %add3A_501 : vector<128x128xf32>
    %logistic3A_503 = arith.negf %add3A_502 : vector<128x128xf32>
    %logistic3A_504 = math.exp %logistic3A_503 : vector<128x128xf32>
    %logistic3A_505 = arith.constant 1.000000e+00 : f32
    %logistic3A_506 = vector.broadcast %logistic3A_505 : f32 to vector<128x128xf32>
    %logistic3A_507 = arith.addf %logistic3A_506, %logistic3A_504 : vector<128x128xf32>
    %logistic3A_508 = arith.divf %logistic3A_506, %logistic3A_507 : vector<128x128xf32>
    %get3A_509 = arith.constant 1 : index
    %get3A_510 = arith.constant 1 : index
    %get3A_511 = arith.constant 0 : index
    %get3A_512 = arith.constant 0 : index
    %get3A_513 = vector.load %arg1[%get3A_509, %get3A_510, %get3A_511, %get3A_512] : memref<2x3x128x128xf32, #tpu.memory_space<vmem>>, vector<1x1x128x128xf32>
    %get3A_514 = vector.shape_cast %get3A_513 : vector<1x1x128x128xf32> to vector<128x128xf32>
    %dot_general3A_515 = arith.constant dense<0.000000e+00> : vector<128x128xf32>
    %dot_general3A_516 = tpu.matmul %get3A_514, %add3A_382, %dot_general3A_515 {dimension_numbers = #tpu.dot_dimension_numbers<[1], [0], [0], [1], [0, 0, 1, 1], [], []>, transpose_lhs_hint = false} : vector<128x128xf32>, vector<128x128xf32>, vector<128x128xf32> -> vector<128x128xf32>
    %get3A_517 = arith.constant 1 : index
    %get3A_518 = arith.constant 1 : index
    %get3A_519 = arith.constant 0 : index
    %get3A_520 = arith.constant 0 : index
    %get3A_521 = vector.load %arg2[%get3A_517, %get3A_518, %get3A_519, %get3A_520] : memref<2x3x128x128xf32, #tpu.memory_space<vmem>>, vector<1x1x128x128xf32>
    %get3A_522 = vector.shape_cast %get3A_521 : vector<1x1x128x128xf32> to vector<128x128xf32>
    %dot_general3A_523 = arith.constant dense<0.000000e+00> : vector<128x128xf32>
    %dot_general3A_524 = tpu.matmul %get3A_522, %add3A_382, %dot_general3A_523 {dimension_numbers = #tpu.dot_dimension_numbers<[1], [0], [0], [1], [0, 0, 1, 1], [], []>, transpose_lhs_hint = false} : vector<128x128xf32>, vector<128x128xf32>, vector<128x128xf32> -> vector<128x128xf32>
    %add3A_525 = arith.addf %dot_general3A_516, %dot_general3A_524 : vector<128x128xf32>
    %get3A_526 = arith.constant 1 : index
    %get3A_527 = arith.constant 1 : index
    %get3A_528 = arith.constant 0 : index
    %get3A_529 = arith.constant 0 : index
    %get3A_530 = vector.load %arg3[%get3A_526, %get3A_527, %get3A_528, %get3A_529] : memref<2x3x128x1xf32, #tpu.memory_space<vmem>>, vector<1x1x128x1xf32>
    %get3A_531 = vector.shape_cast %get3A_530 : vector<1x1x128x1xf32> to vector<128x1xf32>
    %add3A_532 = vector.broadcast %get3A_531 : vector<128x1xf32> to vector<128x128xf32>
    %add3A_533 = arith.addf %add3A_525, %add3A_532 : vector<128x128xf32>
    %logistic3A_534 = arith.negf %add3A_533 : vector<128x128xf32>
    %logistic3A_535 = math.exp %logistic3A_534 : vector<128x128xf32>
    %logistic3A_536 = arith.constant 1.000000e+00 : f32
    %logistic3A_537 = vector.broadcast %logistic3A_536 : f32 to vector<128x128xf32>
    %logistic3A_538 = arith.addf %logistic3A_537, %logistic3A_535 : vector<128x128xf32>
    %logistic3A_539 = arith.divf %logistic3A_537, %logistic3A_538 : vector<128x128xf32>
    %get3A_540 = arith.constant 1 : index
    %get3A_541 = arith.constant 2 : index
    %get3A_542 = arith.constant 0 : index
    %get3A_543 = arith.constant 0 : index
    %get3A_544 = vector.load %arg1[%get3A_540, %get3A_541, %get3A_542, %get3A_543] : memref<2x3x128x128xf32, #tpu.memory_space<vmem>>, vector<1x1x128x128xf32>
    %get3A_545 = vector.shape_cast %get3A_544 : vector<1x1x128x128xf32> to vector<128x128xf32>
    %dot_general3A_546 = arith.constant dense<0.000000e+00> : vector<128x128xf32>
    %dot_general3A_547 = tpu.matmul %get3A_545, %add3A_382, %dot_general3A_546 {dimension_numbers = #tpu.dot_dimension_numbers<[1], [0], [0], [1], [0, 0, 1, 1], [], []>, transpose_lhs_hint = false} : vector<128x128xf32>, vector<128x128xf32>, vector<128x128xf32> -> vector<128x128xf32>
    %get3A_548 = arith.constant 1 : index
    %get3A_549 = arith.constant 2 : index
    %get3A_550 = arith.constant 0 : index
    %get3A_551 = arith.constant 0 : index
    %get3A_552 = vector.load %arg2[%get3A_548, %get3A_549, %get3A_550, %get3A_551] : memref<2x3x128x128xf32, #tpu.memory_space<vmem>>, vector<1x1x128x128xf32>
    %get3A_553 = vector.shape_cast %get3A_552 : vector<1x1x128x128xf32> to vector<128x128xf32>
    %mul3A_554 = arith.mulf %logistic3A_539, %add3A_382 : vector<128x128xf32>
    %dot_general3A_555 = arith.constant dense<0.000000e+00> : vector<128x128xf32>
    %dot_general3A_556 = tpu.matmul %get3A_553, %mul3A_554, %dot_general3A_555 {dimension_numbers = #tpu.dot_dimension_numbers<[1], [0], [0], [1], [0, 0, 1, 1], [], []>, transpose_lhs_hint = false} : vector<128x128xf32>, vector<128x128xf32>, vector<128x128xf32> -> vector<128x128xf32>
    %add3A_557 = arith.addf %dot_general3A_547, %dot_general3A_556 : vector<128x128xf32>
    %get3A_558 = arith.constant 1 : index
    %get3A_559 = arith.constant 2 : index
    %get3A_560 = arith.constant 0 : index
    %get3A_561 = arith.constant 0 : index
    %get3A_562 = vector.load %arg3[%get3A_558, %get3A_559, %get3A_560, %get3A_561] : memref<2x3x128x1xf32, #tpu.memory_space<vmem>>, vector<1x1x128x1xf32>
    %get3A_563 = vector.shape_cast %get3A_562 : vector<1x1x128x1xf32> to vector<128x1xf32>
    %add3A_564 = vector.broadcast %get3A_563 : vector<128x1xf32> to vector<128x128xf32>
    %add3A_565 = arith.addf %add3A_557, %add3A_564 : vector<128x128xf32>
    %tanh3A_566 = math.tanh %add3A_565 : vector<128x128xf32>
    %sub3A_567 = arith.constant 1.000000e+00 : f32
    %sub3A_568 = vector.broadcast %sub3A_567 : f32 to vector<128x128xf32>
    %sub3A_569 = arith.subf %sub3A_568, %logistic3A_508 : vector<128x128xf32>
    %mul3A_570 = arith.mulf %sub3A_569, %add3A_382 : vector<128x128xf32>
    %mul3A_571 = arith.mulf %logistic3A_508, %tanh3A_566 : vector<128x128xf32>
    %add3A_572 = arith.addf %mul3A_570, %mul3A_571 : vector<128x128xf32>
    %get3A_573 = arith.constant 0 : index
    %get3A_574 = arith.constant 0 : index
    %get3A_575 = arith.constant 0 : index
    %get3A_576 = arith.constant 0 : index
    %get3A_577 = vector.load %arg1[%get3A_573, %get3A_574, %get3A_575, %get3A_576] : memref<2x3x128x128xf32, #tpu.memory_space<vmem>>, vector<1x1x128x128xf32>
    %get3A_578 = vector.shape_cast %get3A_577 : vector<1x1x128x128xf32> to vector<128x128xf32>
    %dot_general3A_579 = arith.constant dense<0.000000e+00> : vector<128x128xf32>
    %dot_general3A_580 = tpu.matmul %get3A_578, %add3A_477, %dot_general3A_579 {dimension_numbers = #tpu.dot_dimension_numbers<[1], [0], [0], [1], [0, 0, 1, 1], [], []>, transpose_lhs_hint = false} : vector<128x128xf32>, vector<128x128xf32>, vector<128x128xf32> -> vector<128x128xf32>
    %get3A_581 = arith.constant 0 : index
    %get3A_582 = arith.constant 0 : index
    %get3A_583 = arith.constant 0 : index
    %get3A_584 = arith.constant 0 : index
    %get3A_585 = vector.load %arg2[%get3A_581, %get3A_582, %get3A_583, %get3A_584] : memref<2x3x128x128xf32, #tpu.memory_space<vmem>>, vector<1x1x128x128xf32>
    %get3A_586 = vector.shape_cast %get3A_585 : vector<1x1x128x128xf32> to vector<128x128xf32>
    %dot_general3A_587 = arith.constant dense<0.000000e+00> : vector<128x128xf32>
    %dot_general3A_588 = tpu.matmul %get3A_586, %add3A_477, %dot_general3A_587 {dimension_numbers = #tpu.dot_dimension_numbers<[1], [0], [0], [1], [0, 0, 1, 1], [], []>, transpose_lhs_hint = false} : vector<128x128xf32>, vector<128x128xf32>, vector<128x128xf32> -> vector<128x128xf32>
    %add3A_589 = arith.addf %dot_general3A_580, %dot_general3A_588 : vector<128x128xf32>
    %get3A_590 = arith.constant 0 : index
    %get3A_591 = arith.constant 0 : index
    %get3A_592 = arith.constant 0 : index
    %get3A_593 = arith.constant 0 : index
    %get3A_594 = vector.load %arg3[%get3A_590, %get3A_591, %get3A_592, %get3A_593] : memref<2x3x128x1xf32, #tpu.memory_space<vmem>>, vector<1x1x128x1xf32>
    %get3A_595 = vector.shape_cast %get3A_594 : vector<1x1x128x1xf32> to vector<128x1xf32>
    %add3A_596 = vector.broadcast %get3A_595 : vector<128x1xf32> to vector<128x128xf32>
    %add3A_597 = arith.addf %add3A_589, %add3A_596 : vector<128x128xf32>
    %logistic3A_598 = arith.negf %add3A_597 : vector<128x128xf32>
    %logistic3A_599 = math.exp %logistic3A_598 : vector<128x128xf32>
    %logistic3A_600 = arith.constant 1.000000e+00 : f32
    %logistic3A_601 = vector.broadcast %logistic3A_600 : f32 to vector<128x128xf32>
    %logistic3A_602 = arith.addf %logistic3A_601, %logistic3A_599 : vector<128x128xf32>
    %logistic3A_603 = arith.divf %logistic3A_601, %logistic3A_602 : vector<128x128xf32>
    %get3A_604 = arith.constant 0 : index
    %get3A_605 = arith.constant 1 : index
    %get3A_606 = arith.constant 0 : index
    %get3A_607 = arith.constant 0 : index
    %get3A_608 = vector.load %arg1[%get3A_604, %get3A_605, %get3A_606, %get3A_607] : memref<2x3x128x128xf32, #tpu.memory_space<vmem>>, vector<1x1x128x128xf32>
    %get3A_609 = vector.shape_cast %get3A_608 : vector<1x1x128x128xf32> to vector<128x128xf32>
    %dot_general3A_610 = arith.constant dense<0.000000e+00> : vector<128x128xf32>
    %dot_general3A_611 = tpu.matmul %get3A_609, %add3A_477, %dot_general3A_610 {dimension_numbers = #tpu.dot_dimension_numbers<[1], [0], [0], [1], [0, 0, 1, 1], [], []>, transpose_lhs_hint = false} : vector<128x128xf32>, vector<128x128xf32>, vector<128x128xf32> -> vector<128x128xf32>
    %get3A_612 = arith.constant 0 : index
    %get3A_613 = arith.constant 1 : index
    %get3A_614 = arith.constant 0 : index
    %get3A_615 = arith.constant 0 : index
    %get3A_616 = vector.load %arg2[%get3A_612, %get3A_613, %get3A_614, %get3A_615] : memref<2x3x128x128xf32, #tpu.memory_space<vmem>>, vector<1x1x128x128xf32>
    %get3A_617 = vector.shape_cast %get3A_616 : vector<1x1x128x128xf32> to vector<128x128xf32>
    %dot_general3A_618 = arith.constant dense<0.000000e+00> : vector<128x128xf32>
    %dot_general3A_619 = tpu.matmul %get3A_617, %add3A_477, %dot_general3A_618 {dimension_numbers = #tpu.dot_dimension_numbers<[1], [0], [0], [1], [0, 0, 1, 1], [], []>, transpose_lhs_hint = false} : vector<128x128xf32>, vector<128x128xf32>, vector<128x128xf32> -> vector<128x128xf32>
    %add3A_620 = arith.addf %dot_general3A_611, %dot_general3A_619 : vector<128x128xf32>
    %get3A_621 = arith.constant 0 : index
    %get3A_622 = arith.constant 1 : index
    %get3A_623 = arith.constant 0 : index
    %get3A_624 = arith.constant 0 : index
    %get3A_625 = vector.load %arg3[%get3A_621, %get3A_622, %get3A_623, %get3A_624] : memref<2x3x128x1xf32, #tpu.memory_space<vmem>>, vector<1x1x128x1xf32>
    %get3A_626 = vector.shape_cast %get3A_625 : vector<1x1x128x1xf32> to vector<128x1xf32>
    %add3A_627 = vector.broadcast %get3A_626 : vector<128x1xf32> to vector<128x128xf32>
    %add3A_628 = arith.addf %add3A_620, %add3A_627 : vector<128x128xf32>
    %logistic3A_629 = arith.negf %add3A_628 : vector<128x128xf32>
    %logistic3A_630 = math.exp %logistic3A_629 : vector<128x128xf32>
    %logistic3A_631 = arith.constant 1.000000e+00 : f32
    %logistic3A_632 = vector.broadcast %logistic3A_631 : f32 to vector<128x128xf32>
    %logistic3A_633 = arith.addf %logistic3A_632, %logistic3A_630 : vector<128x128xf32>
    %logistic3A_634 = arith.divf %logistic3A_632, %logistic3A_633 : vector<128x128xf32>
    %get3A_635 = arith.constant 0 : index
    %get3A_636 = arith.constant 2 : index
    %get3A_637 = arith.constant 0 : index
    %get3A_638 = arith.constant 0 : index
    %get3A_639 = vector.load %arg1[%get3A_635, %get3A_636, %get3A_637, %get3A_638] : memref<2x3x128x128xf32, #tpu.memory_space<vmem>>, vector<1x1x128x128xf32>
    %get3A_640 = vector.shape_cast %get3A_639 : vector<1x1x128x128xf32> to vector<128x128xf32>
    %dot_general3A_641 = arith.constant dense<0.000000e+00> : vector<128x128xf32>
    %dot_general3A_642 = tpu.matmul %get3A_640, %add3A_477, %dot_general3A_641 {dimension_numbers = #tpu.dot_dimension_numbers<[1], [0], [0], [1], [0, 0, 1, 1], [], []>, transpose_lhs_hint = false} : vector<128x128xf32>, vector<128x128xf32>, vector<128x128xf32> -> vector<128x128xf32>
    %get3A_643 = arith.constant 0 : index
    %get3A_644 = arith.constant 2 : index
    %get3A_645 = arith.constant 0 : index
    %get3A_646 = arith.constant 0 : index
    %get3A_647 = vector.load %arg2[%get3A_643, %get3A_644, %get3A_645, %get3A_646] : memref<2x3x128x128xf32, #tpu.memory_space<vmem>>, vector<1x1x128x128xf32>
    %get3A_648 = vector.shape_cast %get3A_647 : vector<1x1x128x128xf32> to vector<128x128xf32>
    %mul3A_649 = arith.mulf %logistic3A_634, %add3A_477 : vector<128x128xf32>
    %dot_general3A_650 = arith.constant dense<0.000000e+00> : vector<128x128xf32>
    %dot_general3A_651 = tpu.matmul %get3A_648, %mul3A_649, %dot_general3A_650 {dimension_numbers = #tpu.dot_dimension_numbers<[1], [0], [0], [1], [0, 0, 1, 1], [], []>, transpose_lhs_hint = false} : vector<128x128xf32>, vector<128x128xf32>, vector<128x128xf32> -> vector<128x128xf32>
    %add3A_652 = arith.addf %dot_general3A_642, %dot_general3A_651 : vector<128x128xf32>
    %get3A_653 = arith.constant 0 : index
    %get3A_654 = arith.constant 2 : index
    %get3A_655 = arith.constant 0 : index
    %get3A_656 = arith.constant 0 : index
    %get3A_657 = vector.load %arg3[%get3A_653, %get3A_654, %get3A_655, %get3A_656] : memref<2x3x128x1xf32, #tpu.memory_space<vmem>>, vector<1x1x128x1xf32>
    %get3A_658 = vector.shape_cast %get3A_657 : vector<1x1x128x1xf32> to vector<128x1xf32>
    %add3A_659 = vector.broadcast %get3A_658 : vector<128x1xf32> to vector<128x128xf32>
    %add3A_660 = arith.addf %add3A_652, %add3A_659 : vector<128x128xf32>
    %tanh3A_661 = math.tanh %add3A_660 : vector<128x128xf32>
    %sub3A_662 = arith.constant 1.000000e+00 : f32
    %sub3A_663 = vector.broadcast %sub3A_662 : f32 to vector<128x128xf32>
    %sub3A_664 = arith.subf %sub3A_663, %logistic3A_603 : vector<128x128xf32>
    %mul3A_665 = arith.mulf %sub3A_664, %add3A_477 : vector<128x128xf32>
    %mul3A_666 = arith.mulf %logistic3A_603, %tanh3A_661 : vector<128x128xf32>
    %add3A_667 = arith.addf %mul3A_665, %mul3A_666 : vector<128x128xf32>
    %get3A_668 = arith.constant 1 : index
    %get3A_669 = arith.constant 0 : index
    %get3A_670 = arith.constant 0 : index
    %get3A_671 = arith.constant 0 : index
    %get3A_672 = vector.load %arg1[%get3A_668, %get3A_669, %get3A_670, %get3A_671] : memref<2x3x128x128xf32, #tpu.memory_space<vmem>>, vector<1x1x128x128xf32>
    %get3A_673 = vector.shape_cast %get3A_672 : vector<1x1x128x128xf32> to vector<128x128xf32>
    %dot_general3A_674 = arith.constant dense<0.000000e+00> : vector<128x128xf32>
    %dot_general3A_675 = tpu.matmul %get3A_673, %add3A_572, %dot_general3A_674 {dimension_numbers = #tpu.dot_dimension_numbers<[1], [0], [0], [1], [0, 0, 1, 1], [], []>, transpose_lhs_hint = false} : vector<128x128xf32>, vector<128x128xf32>, vector<128x128xf32> -> vector<128x128xf32>
    %get3A_676 = arith.constant 1 : index
    %get3A_677 = arith.constant 0 : index
    %get3A_678 = arith.constant 0 : index
    %get3A_679 = arith.constant 0 : index
    %get3A_680 = vector.load %arg2[%get3A_676, %get3A_677, %get3A_678, %get3A_679] : memref<2x3x128x128xf32, #tpu.memory_space<vmem>>, vector<1x1x128x128xf32>
    %get3A_681 = vector.shape_cast %get3A_680 : vector<1x1x128x128xf32> to vector<128x128xf32>
    %dot_general3A_682 = arith.constant dense<0.000000e+00> : vector<128x128xf32>
    %dot_general3A_683 = tpu.matmul %get3A_681, %add3A_572, %dot_general3A_682 {dimension_numbers = #tpu.dot_dimension_numbers<[1], [0], [0], [1], [0, 0, 1, 1], [], []>, transpose_lhs_hint = false} : vector<128x128xf32>, vector<128x128xf32>, vector<128x128xf32> -> vector<128x128xf32>
    %add3A_684 = arith.addf %dot_general3A_675, %dot_general3A_683 : vector<128x128xf32>
    %get3A_685 = arith.constant 1 : index
    %get3A_686 = arith.constant 0 : index
    %get3A_687 = arith.constant 0 : index
    %get3A_688 = arith.constant 0 : index
    %get3A_689 = vector.load %arg3[%get3A_685, %get3A_686, %get3A_687, %get3A_688] : memref<2x3x128x1xf32, #tpu.memory_space<vmem>>, vector<1x1x128x1xf32>
    %get3A_690 = vector.shape_cast %get3A_689 : vector<1x1x128x1xf32> to vector<128x1xf32>
    %add3A_691 = vector.broadcast %get3A_690 : vector<128x1xf32> to vector<128x128xf32>
    %add3A_692 = arith.addf %add3A_684, %add3A_691 : vector<128x128xf32>
    %logistic3A_693 = arith.negf %add3A_692 : vector<128x128xf32>
    %logistic3A_694 = math.exp %logistic3A_693 : vector<128x128xf32>
    %logistic3A_695 = arith.constant 1.000000e+00 : f32
    %logistic3A_696 = vector.broadcast %logistic3A_695 : f32 to vector<128x128xf32>
    %logistic3A_697 = arith.addf %logistic3A_696, %logistic3A_694 : vector<128x128xf32>
    %logistic3A_698 = arith.divf %logistic3A_696, %logistic3A_697 : vector<128x128xf32>
    %get3A_699 = arith.constant 1 : index
    %get3A_700 = arith.constant 1 : index
    %get3A_701 = arith.constant 0 : index
    %get3A_702 = arith.constant 0 : index
    %get3A_703 = vector.load %arg1[%get3A_699, %get3A_700, %get3A_701, %get3A_702] : memref<2x3x128x128xf32, #tpu.memory_space<vmem>>, vector<1x1x128x128xf32>
    %get3A_704 = vector.shape_cast %get3A_703 : vector<1x1x128x128xf32> to vector<128x128xf32>
    %dot_general3A_705 = arith.constant dense<0.000000e+00> : vector<128x128xf32>
    %dot_general3A_706 = tpu.matmul %get3A_704, %add3A_572, %dot_general3A_705 {dimension_numbers = #tpu.dot_dimension_numbers<[1], [0], [0], [1], [0, 0, 1, 1], [], []>, transpose_lhs_hint = false} : vector<128x128xf32>, vector<128x128xf32>, vector<128x128xf32> -> vector<128x128xf32>
    %get3A_707 = arith.constant 1 : index
    %get3A_708 = arith.constant 1 : index
    %get3A_709 = arith.constant 0 : index
    %get3A_710 = arith.constant 0 : index
    %get3A_711 = vector.load %arg2[%get3A_707, %get3A_708, %get3A_709, %get3A_710] : memref<2x3x128x128xf32, #tpu.memory_space<vmem>>, vector<1x1x128x128xf32>
    %get3A_712 = vector.shape_cast %get3A_711 : vector<1x1x128x128xf32> to vector<128x128xf32>
    %dot_general3A_713 = arith.constant dense<0.000000e+00> : vector<128x128xf32>
    %dot_general3A_714 = tpu.matmul %get3A_712, %add3A_572, %dot_general3A_713 {dimension_numbers = #tpu.dot_dimension_numbers<[1], [0], [0], [1], [0, 0, 1, 1], [], []>, transpose_lhs_hint = false} : vector<128x128xf32>, vector<128x128xf32>, vector<128x128xf32> -> vector<128x128xf32>
    %add3A_715 = arith.addf %dot_general3A_706, %dot_general3A_714 : vector<128x128xf32>
    %get3A_716 = arith.constant 1 : index
    %get3A_717 = arith.constant 1 : index
    %get3A_718 = arith.constant 0 : index
    %get3A_719 = arith.constant 0 : index
    %get3A_720 = vector.load %arg3[%get3A_716, %get3A_717, %get3A_718, %get3A_719] : memref<2x3x128x1xf32, #tpu.memory_space<vmem>>, vector<1x1x128x1xf32>
    %get3A_721 = vector.shape_cast %get3A_720 : vector<1x1x128x1xf32> to vector<128x1xf32>
    %add3A_722 = vector.broadcast %get3A_721 : vector<128x1xf32> to vector<128x128xf32>
    %add3A_723 = arith.addf %add3A_715, %add3A_722 : vector<128x128xf32>
    %logistic3A_724 = arith.negf %add3A_723 : vector<128x128xf32>
    %logistic3A_725 = math.exp %logistic3A_724 : vector<128x128xf32>
    %logistic3A_726 = arith.constant 1.000000e+00 : f32
    %logistic3A_727 = vector.broadcast %logistic3A_726 : f32 to vector<128x128xf32>
    %logistic3A_728 = arith.addf %logistic3A_727, %logistic3A_725 : vector<128x128xf32>
    %logistic3A_729 = arith.divf %logistic3A_727, %logistic3A_728 : vector<128x128xf32>
    %get3A_730 = arith.constant 1 : index
    %get3A_731 = arith.constant 2 : index
    %get3A_732 = arith.constant 0 : index
    %get3A_733 = arith.constant 0 : index
    %get3A_734 = vector.load %arg1[%get3A_730, %get3A_731, %get3A_732, %get3A_733] : memref<2x3x128x128xf32, #tpu.memory_space<vmem>>, vector<1x1x128x128xf32>
    %get3A_735 = vector.shape_cast %get3A_734 : vector<1x1x128x128xf32> to vector<128x128xf32>
    %dot_general3A_736 = arith.constant dense<0.000000e+00> : vector<128x128xf32>
    %dot_general3A_737 = tpu.matmul %get3A_735, %add3A_572, %dot_general3A_736 {dimension_numbers = #tpu.dot_dimension_numbers<[1], [0], [0], [1], [0, 0, 1, 1], [], []>, transpose_lhs_hint = false} : vector<128x128xf32>, vector<128x128xf32>, vector<128x128xf32> -> vector<128x128xf32>
    %get3A_738 = arith.constant 1 : index
    %get3A_739 = arith.constant 2 : index
    %get3A_740 = arith.constant 0 : index
    %get3A_741 = arith.constant 0 : index
    %get3A_742 = vector.load %arg2[%get3A_738, %get3A_739, %get3A_740, %get3A_741] : memref<2x3x128x128xf32, #tpu.memory_space<vmem>>, vector<1x1x128x128xf32>
    %get3A_743 = vector.shape_cast %get3A_742 : vector<1x1x128x128xf32> to vector<128x128xf32>
    %mul3A_744 = arith.mulf %logistic3A_729, %add3A_572 : vector<128x128xf32>
    %dot_general3A_745 = arith.constant dense<0.000000e+00> : vector<128x128xf32>
    %dot_general3A_746 = tpu.matmul %get3A_743, %mul3A_744, %dot_general3A_745 {dimension_numbers = #tpu.dot_dimension_numbers<[1], [0], [0], [1], [0, 0, 1, 1], [], []>, transpose_lhs_hint = false} : vector<128x128xf32>, vector<128x128xf32>, vector<128x128xf32> -> vector<128x128xf32>
    %add3A_747 = arith.addf %dot_general3A_737, %dot_general3A_746 : vector<128x128xf32>
    %get3A_748 = arith.constant 1 : index
    %get3A_749 = arith.constant 2 : index
    %get3A_750 = arith.constant 0 : index
    %get3A_751 = arith.constant 0 : index
    %get3A_752 = vector.load %arg3[%get3A_748, %get3A_749, %get3A_750, %get3A_751] : memref<2x3x128x1xf32, #tpu.memory_space<vmem>>, vector<1x1x128x1xf32>
    %get3A_753 = vector.shape_cast %get3A_752 : vector<1x1x128x1xf32> to vector<128x1xf32>
    %add3A_754 = vector.broadcast %get3A_753 : vector<128x1xf32> to vector<128x128xf32>
    %add3A_755 = arith.addf %add3A_747, %add3A_754 : vector<128x128xf32>
    %tanh3A_756 = math.tanh %add3A_755 : vector<128x128xf32>
    %sub3A_757 = arith.constant 1.000000e+00 : f32
    %sub3A_758 = vector.broadcast %sub3A_757 : f32 to vector<128x128xf32>
    %sub3A_759 = arith.subf %sub3A_758, %logistic3A_698 : vector<128x128xf32>
    %mul3A_760 = arith.mulf %sub3A_759, %add3A_572 : vector<128x128xf32>
    %mul3A_761 = arith.mulf %logistic3A_698, %tanh3A_756 : vector<128x128xf32>
    %add3A_762 = arith.addf %mul3A_760, %mul3A_761 : vector<128x128xf32>
    %get3A_763 = arith.constant 0 : index
    %get3A_764 = arith.constant 0 : index
    %get3A_765 = arith.constant 0 : index
    %get3A_766 = arith.constant 0 : index
    %get3A_767 = vector.load %arg1[%get3A_763, %get3A_764, %get3A_765, %get3A_766] : memref<2x3x128x128xf32, #tpu.memory_space<vmem>>, vector<1x1x128x128xf32>
    %get3A_768 = vector.shape_cast %get3A_767 : vector<1x1x128x128xf32> to vector<128x128xf32>
    %dot_general3A_769 = arith.constant dense<0.000000e+00> : vector<128x128xf32>
    %dot_general3A_770 = tpu.matmul %get3A_768, %add3A_667, %dot_general3A_769 {dimension_numbers = #tpu.dot_dimension_numbers<[1], [0], [0], [1], [0, 0, 1, 1], [], []>, transpose_lhs_hint = false} : vector<128x128xf32>, vector<128x128xf32>, vector<128x128xf32> -> vector<128x128xf32>
    %get3A_771 = arith.constant 0 : index
    %get3A_772 = arith.constant 0 : index
    %get3A_773 = arith.constant 0 : index
    %get3A_774 = arith.constant 0 : index
    %get3A_775 = vector.load %arg2[%get3A_771, %get3A_772, %get3A_773, %get3A_774] : memref<2x3x128x128xf32, #tpu.memory_space<vmem>>, vector<1x1x128x128xf32>
    %get3A_776 = vector.shape_cast %get3A_775 : vector<1x1x128x128xf32> to vector<128x128xf32>
    %dot_general3A_777 = arith.constant dense<0.000000e+00> : vector<128x128xf32>
    %dot_general3A_778 = tpu.matmul %get3A_776, %add3A_667, %dot_general3A_777 {dimension_numbers = #tpu.dot_dimension_numbers<[1], [0], [0], [1], [0, 0, 1, 1], [], []>, transpose_lhs_hint = false} : vector<128x128xf32>, vector<128x128xf32>, vector<128x128xf32> -> vector<128x128xf32>
    %add3A_779 = arith.addf %dot_general3A_770, %dot_general3A_778 : vector<128x128xf32>
    %get3A_780 = arith.constant 0 : index
    %get3A_781 = arith.constant 0 : index
    %get3A_782 = arith.constant 0 : index
    %get3A_783 = arith.constant 0 : index
    %get3A_784 = vector.load %arg3[%get3A_780, %get3A_781, %get3A_782, %get3A_783] : memref<2x3x128x1xf32, #tpu.memory_space<vmem>>, vector<1x1x128x1xf32>
    %get3A_785 = vector.shape_cast %get3A_784 : vector<1x1x128x1xf32> to vector<128x1xf32>
    %add3A_786 = vector.broadcast %get3A_785 : vector<128x1xf32> to vector<128x128xf32>
    %add3A_787 = arith.addf %add3A_779, %add3A_786 : vector<128x128xf32>
    %logistic3A_788 = arith.negf %add3A_787 : vector<128x128xf32>
    %logistic3A_789 = math.exp %logistic3A_788 : vector<128x128xf32>
    %logistic3A_790 = arith.constant 1.000000e+00 : f32
    %logistic3A_791 = vector.broadcast %logistic3A_790 : f32 to vector<128x128xf32>
    %logistic3A_792 = arith.addf %logistic3A_791, %logistic3A_789 : vector<128x128xf32>
    %logistic3A_793 = arith.divf %logistic3A_791, %logistic3A_792 : vector<128x128xf32>
    %get3A_794 = arith.constant 0 : index
    %get3A_795 = arith.constant 1 : index
    %get3A_796 = arith.constant 0 : index
    %get3A_797 = arith.constant 0 : index
    %get3A_798 = vector.load %arg1[%get3A_794, %get3A_795, %get3A_796, %get3A_797] : memref<2x3x128x128xf32, #tpu.memory_space<vmem>>, vector<1x1x128x128xf32>
    %get3A_799 = vector.shape_cast %get3A_798 : vector<1x1x128x128xf32> to vector<128x128xf32>
    %dot_general3A_800 = arith.constant dense<0.000000e+00> : vector<128x128xf32>
    %dot_general3A_801 = tpu.matmul %get3A_799, %add3A_667, %dot_general3A_800 {dimension_numbers = #tpu.dot_dimension_numbers<[1], [0], [0], [1], [0, 0, 1, 1], [], []>, transpose_lhs_hint = false} : vector<128x128xf32>, vector<128x128xf32>, vector<128x128xf32> -> vector<128x128xf32>
    %get3A_802 = arith.constant 0 : index
    %get3A_803 = arith.constant 1 : index
    %get3A_804 = arith.constant 0 : index
    %get3A_805 = arith.constant 0 : index
    %get3A_806 = vector.load %arg2[%get3A_802, %get3A_803, %get3A_804, %get3A_805] : memref<2x3x128x128xf32, #tpu.memory_space<vmem>>, vector<1x1x128x128xf32>
    %get3A_807 = vector.shape_cast %get3A_806 : vector<1x1x128x128xf32> to vector<128x128xf32>
    %dot_general3A_808 = arith.constant dense<0.000000e+00> : vector<128x128xf32>
    %dot_general3A_809 = tpu.matmul %get3A_807, %add3A_667, %dot_general3A_808 {dimension_numbers = #tpu.dot_dimension_numbers<[1], [0], [0], [1], [0, 0, 1, 1], [], []>, transpose_lhs_hint = false} : vector<128x128xf32>, vector<128x128xf32>, vector<128x128xf32> -> vector<128x128xf32>
    %add3A_810 = arith.addf %dot_general3A_801, %dot_general3A_809 : vector<128x128xf32>
    %get3A_811 = arith.constant 0 : index
    %get3A_812 = arith.constant 1 : index
    %get3A_813 = arith.constant 0 : index
    %get3A_814 = arith.constant 0 : index
    %get3A_815 = vector.load %arg3[%get3A_811, %get3A_812, %get3A_813, %get3A_814] : memref<2x3x128x1xf32, #tpu.memory_space<vmem>>, vector<1x1x128x1xf32>
    %get3A_816 = vector.shape_cast %get3A_815 : vector<1x1x128x1xf32> to vector<128x1xf32>
    %add3A_817 = vector.broadcast %get3A_816 : vector<128x1xf32> to vector<128x128xf32>
    %add3A_818 = arith.addf %add3A_810, %add3A_817 : vector<128x128xf32>
    %logistic3A_819 = arith.negf %add3A_818 : vector<128x128xf32>
    %logistic3A_820 = math.exp %logistic3A_819 : vector<128x128xf32>
    %logistic3A_821 = arith.constant 1.000000e+00 : f32
    %logistic3A_822 = vector.broadcast %logistic3A_821 : f32 to vector<128x128xf32>
    %logistic3A_823 = arith.addf %logistic3A_822, %logistic3A_820 : vector<128x128xf32>
    %logistic3A_824 = arith.divf %logistic3A_822, %logistic3A_823 : vector<128x128xf32>
    %get3A_825 = arith.constant 0 : index
    %get3A_826 = arith.constant 2 : index
    %get3A_827 = arith.constant 0 : index
    %get3A_828 = arith.constant 0 : index
    %get3A_829 = vector.load %arg1[%get3A_825, %get3A_826, %get3A_827, %get3A_828] : memref<2x3x128x128xf32, #tpu.memory_space<vmem>>, vector<1x1x128x128xf32>
    %get3A_830 = vector.shape_cast %get3A_829 : vector<1x1x128x128xf32> to vector<128x128xf32>
    %dot_general3A_831 = arith.constant dense<0.000000e+00> : vector<128x128xf32>
    %dot_general3A_832 = tpu.matmul %get3A_830, %add3A_667, %dot_general3A_831 {dimension_numbers = #tpu.dot_dimension_numbers<[1], [0], [0], [1], [0, 0, 1, 1], [], []>, transpose_lhs_hint = false} : vector<128x128xf32>, vector<128x128xf32>, vector<128x128xf32> -> vector<128x128xf32>
    %get3A_833 = arith.constant 0 : index
    %get3A_834 = arith.constant 2 : index
    %get3A_835 = arith.constant 0 : index
    %get3A_836 = arith.constant 0 : index
    %get3A_837 = vector.load %arg2[%get3A_833, %get3A_834, %get3A_835, %get3A_836] : memref<2x3x128x128xf32, #tpu.memory_space<vmem>>, vector<1x1x128x128xf32>
    %get3A_838 = vector.shape_cast %get3A_837 : vector<1x1x128x128xf32> to vector<128x128xf32>
    %mul3A_839 = arith.mulf %logistic3A_824, %add3A_667 : vector<128x128xf32>
    %dot_general3A_840 = arith.constant dense<0.000000e+00> : vector<128x128xf32>
    %dot_general3A_841 = tpu.matmul %get3A_838, %mul3A_839, %dot_general3A_840 {dimension_numbers = #tpu.dot_dimension_numbers<[1], [0], [0], [1], [0, 0, 1, 1], [], []>, transpose_lhs_hint = false} : vector<128x128xf32>, vector<128x128xf32>, vector<128x128xf32> -> vector<128x128xf32>
    %add3A_842 = arith.addf %dot_general3A_832, %dot_general3A_841 : vector<128x128xf32>
    %get3A_843 = arith.constant 0 : index
    %get3A_844 = arith.constant 2 : index
    %get3A_845 = arith.constant 0 : index
    %get3A_846 = arith.constant 0 : index
    %get3A_847 = vector.load %arg3[%get3A_843, %get3A_844, %get3A_845, %get3A_846] : memref<2x3x128x1xf32, #tpu.memory_space<vmem>>, vector<1x1x128x1xf32>
    %get3A_848 = vector.shape_cast %get3A_847 : vector<1x1x128x1xf32> to vector<128x1xf32>
    %add3A_849 = vector.broadcast %get3A_848 : vector<128x1xf32> to vector<128x128xf32>
    %add3A_850 = arith.addf %add3A_842, %add3A_849 : vector<128x128xf32>
    %tanh3A_851 = math.tanh %add3A_850 : vector<128x128xf32>
    %sub3A_852 = arith.constant 1.000000e+00 : f32
    %sub3A_853 = vector.broadcast %sub3A_852 : f32 to vector<128x128xf32>
    %sub3A_854 = arith.subf %sub3A_853, %logistic3A_793 : vector<128x128xf32>
    %mul3A_855 = arith.mulf %sub3A_854, %add3A_667 : vector<128x128xf32>
    %mul3A_856 = arith.mulf %logistic3A_793, %tanh3A_851 : vector<128x128xf32>
    %add3A_857 = arith.addf %mul3A_855, %mul3A_856 : vector<128x128xf32>
    %get3A_858 = arith.constant 1 : index
    %get3A_859 = arith.constant 0 : index
    %get3A_860 = arith.constant 0 : index
    %get3A_861 = arith.constant 0 : index
    %get3A_862 = vector.load %arg1[%get3A_858, %get3A_859, %get3A_860, %get3A_861] : memref<2x3x128x128xf32, #tpu.memory_space<vmem>>, vector<1x1x128x128xf32>
    %get3A_863 = vector.shape_cast %get3A_862 : vector<1x1x128x128xf32> to vector<128x128xf32>
    %dot_general3A_864 = arith.constant dense<0.000000e+00> : vector<128x128xf32>
    %dot_general3A_865 = tpu.matmul %get3A_863, %add3A_762, %dot_general3A_864 {dimension_numbers = #tpu.dot_dimension_numbers<[1], [0], [0], [1], [0, 0, 1, 1], [], []>, transpose_lhs_hint = false} : vector<128x128xf32>, vector<128x128xf32>, vector<128x128xf32> -> vector<128x128xf32>
    %get3A_866 = arith.constant 1 : index
    %get3A_867 = arith.constant 0 : index
    %get3A_868 = arith.constant 0 : index
    %get3A_869 = arith.constant 0 : index
    %get3A_870 = vector.load %arg2[%get3A_866, %get3A_867, %get3A_868, %get3A_869] : memref<2x3x128x128xf32, #tpu.memory_space<vmem>>, vector<1x1x128x128xf32>
    %get3A_871 = vector.shape_cast %get3A_870 : vector<1x1x128x128xf32> to vector<128x128xf32>
    %dot_general3A_872 = arith.constant dense<0.000000e+00> : vector<128x128xf32>
    %dot_general3A_873 = tpu.matmul %get3A_871, %add3A_762, %dot_general3A_872 {dimension_numbers = #tpu.dot_dimension_numbers<[1], [0], [0], [1], [0, 0, 1, 1], [], []>, transpose_lhs_hint = false} : vector<128x128xf32>, vector<128x128xf32>, vector<128x128xf32> -> vector<128x128xf32>
    %add3A_874 = arith.addf %dot_general3A_865, %dot_general3A_873 : vector<128x128xf32>
    %get3A_875 = arith.constant 1 : index
    %get3A_876 = arith.constant 0 : index
    %get3A_877 = arith.constant 0 : index
    %get3A_878 = arith.constant 0 : index
    %get3A_879 = vector.load %arg3[%get3A_875, %get3A_876, %get3A_877, %get3A_878] : memref<2x3x128x1xf32, #tpu.memory_space<vmem>>, vector<1x1x128x1xf32>
    %get3A_880 = vector.shape_cast %get3A_879 : vector<1x1x128x1xf32> to vector<128x1xf32>
    %add3A_881 = vector.broadcast %get3A_880 : vector<128x1xf32> to vector<128x128xf32>
    %add3A_882 = arith.addf %add3A_874, %add3A_881 : vector<128x128xf32>
    %logistic3A_883 = arith.negf %add3A_882 : vector<128x128xf32>
    %logistic3A_884 = math.exp %logistic3A_883 : vector<128x128xf32>
    %logistic3A_885 = arith.constant 1.000000e+00 : f32
    %logistic3A_886 = vector.broadcast %logistic3A_885 : f32 to vector<128x128xf32>
    %logistic3A_887 = arith.addf %logistic3A_886, %logistic3A_884 : vector<128x128xf32>
    %logistic3A_888 = arith.divf %logistic3A_886, %logistic3A_887 : vector<128x128xf32>
    %get3A_889 = arith.constant 1 : index
    %get3A_890 = arith.constant 1 : index
    %get3A_891 = arith.constant 0 : index
    %get3A_892 = arith.constant 0 : index
    %get3A_893 = vector.load %arg1[%get3A_889, %get3A_890, %get3A_891, %get3A_892] : memref<2x3x128x128xf32, #tpu.memory_space<vmem>>, vector<1x1x128x128xf32>
    %get3A_894 = vector.shape_cast %get3A_893 : vector<1x1x128x128xf32> to vector<128x128xf32>
    %dot_general3A_895 = arith.constant dense<0.000000e+00> : vector<128x128xf32>
    %dot_general3A_896 = tpu.matmul %get3A_894, %add3A_762, %dot_general3A_895 {dimension_numbers = #tpu.dot_dimension_numbers<[1], [0], [0], [1], [0, 0, 1, 1], [], []>, transpose_lhs_hint = false} : vector<128x128xf32>, vector<128x128xf32>, vector<128x128xf32> -> vector<128x128xf32>
    %get3A_897 = arith.constant 1 : index
    %get3A_898 = arith.constant 1 : index
    %get3A_899 = arith.constant 0 : index
    %get3A_900 = arith.constant 0 : index
    %get3A_901 = vector.load %arg2[%get3A_897, %get3A_898, %get3A_899, %get3A_900] : memref<2x3x128x128xf32, #tpu.memory_space<vmem>>, vector<1x1x128x128xf32>
    %get3A_902 = vector.shape_cast %get3A_901 : vector<1x1x128x128xf32> to vector<128x128xf32>
    %dot_general3A_903 = arith.constant dense<0.000000e+00> : vector<128x128xf32>
    %dot_general3A_904 = tpu.matmul %get3A_902, %add3A_762, %dot_general3A_903 {dimension_numbers = #tpu.dot_dimension_numbers<[1], [0], [0], [1], [0, 0, 1, 1], [], []>, transpose_lhs_hint = false} : vector<128x128xf32>, vector<128x128xf32>, vector<128x128xf32> -> vector<128x128xf32>
    %add3A_905 = arith.addf %dot_general3A_896, %dot_general3A_904 : vector<128x128xf32>
    %get3A_906 = arith.constant 1 : index
    %get3A_907 = arith.constant 1 : index
    %get3A_908 = arith.constant 0 : index
    %get3A_909 = arith.constant 0 : index
    %get3A_910 = vector.load %arg3[%get3A_906, %get3A_907, %get3A_908, %get3A_909] : memref<2x3x128x1xf32, #tpu.memory_space<vmem>>, vector<1x1x128x1xf32>
    %get3A_911 = vector.shape_cast %get3A_910 : vector<1x1x128x1xf32> to vector<128x1xf32>
    %add3A_912 = vector.broadcast %get3A_911 : vector<128x1xf32> to vector<128x128xf32>
    %add3A_913 = arith.addf %add3A_905, %add3A_912 : vector<128x128xf32>
    %logistic3A_914 = arith.negf %add3A_913 : vector<128x128xf32>
    %logistic3A_915 = math.exp %logistic3A_914 : vector<128x128xf32>
    %logistic3A_916 = arith.constant 1.000000e+00 : f32
    %logistic3A_917 = vector.broadcast %logistic3A_916 : f32 to vector<128x128xf32>
    %logistic3A_918 = arith.addf %logistic3A_917, %logistic3A_915 : vector<128x128xf32>
    %logistic3A_919 = arith.divf %logistic3A_917, %logistic3A_918 : vector<128x128xf32>
    %get3A_920 = arith.constant 1 : index
    %get3A_921 = arith.constant 2 : index
    %get3A_922 = arith.constant 0 : index
    %get3A_923 = arith.constant 0 : index
    %get3A_924 = vector.load %arg1[%get3A_920, %get3A_921, %get3A_922, %get3A_923] : memref<2x3x128x128xf32, #tpu.memory_space<vmem>>, vector<1x1x128x128xf32>
    %get3A_925 = vector.shape_cast %get3A_924 : vector<1x1x128x128xf32> to vector<128x128xf32>
    %dot_general3A_926 = arith.constant dense<0.000000e+00> : vector<128x128xf32>
    %dot_general3A_927 = tpu.matmul %get3A_925, %add3A_762, %dot_general3A_926 {dimension_numbers = #tpu.dot_dimension_numbers<[1], [0], [0], [1], [0, 0, 1, 1], [], []>, transpose_lhs_hint = false} : vector<128x128xf32>, vector<128x128xf32>, vector<128x128xf32> -> vector<128x128xf32>
    %get3A_928 = arith.constant 1 : index
    %get3A_929 = arith.constant 2 : index
    %get3A_930 = arith.constant 0 : index
    %get3A_931 = arith.constant 0 : index
    %get3A_932 = vector.load %arg2[%get3A_928, %get3A_929, %get3A_930, %get3A_931] : memref<2x3x128x128xf32, #tpu.memory_space<vmem>>, vector<1x1x128x128xf32>
    %get3A_933 = vector.shape_cast %get3A_932 : vector<1x1x128x128xf32> to vector<128x128xf32>
    %mul3A_934 = arith.mulf %logistic3A_919, %add3A_762 : vector<128x128xf32>
    %dot_general3A_935 = arith.constant dense<0.000000e+00> : vector<128x128xf32>
    %dot_general3A_936 = tpu.matmul %get3A_933, %mul3A_934, %dot_general3A_935 {dimension_numbers = #tpu.dot_dimension_numbers<[1], [0], [0], [1], [0, 0, 1, 1], [], []>, transpose_lhs_hint = false} : vector<128x128xf32>, vector<128x128xf32>, vector<128x128xf32> -> vector<128x128xf32>
    %add3A_937 = arith.addf %dot_general3A_927, %dot_general3A_936 : vector<128x128xf32>
    %get3A_938 = arith.constant 1 : index
    %get3A_939 = arith.constant 2 : index
    %get3A_940 = arith.constant 0 : index
    %get3A_941 = arith.constant 0 : index
    %get3A_942 = vector.load %arg3[%get3A_938, %get3A_939, %get3A_940, %get3A_941] : memref<2x3x128x1xf32, #tpu.memory_space<vmem>>, vector<1x1x128x1xf32>
    %get3A_943 = vector.shape_cast %get3A_942 : vector<1x1x128x1xf32> to vector<128x1xf32>
    %add3A_944 = vector.broadcast %get3A_943 : vector<128x1xf32> to vector<128x128xf32>
    %add3A_945 = arith.addf %add3A_937, %add3A_944 : vector<128x128xf32>
    %tanh3A_946 = math.tanh %add3A_945 : vector<128x128xf32>
    %sub3A_947 = arith.constant 1.000000e+00 : f32
    %sub3A_948 = vector.broadcast %sub3A_947 : f32 to vector<128x128xf32>
    %sub3A_949 = arith.subf %sub3A_948, %logistic3A_888 : vector<128x128xf32>
    %mul3A_950 = arith.mulf %sub3A_949, %add3A_762 : vector<128x128xf32>
    %mul3A_951 = arith.mulf %logistic3A_888, %tanh3A_946 : vector<128x128xf32>
    %add3A_952 = arith.addf %mul3A_950, %mul3A_951 : vector<128x128xf32>
    %get3A_953 = arith.constant 0 : index
    %get3A_954 = arith.constant 0 : index
    %get3A_955 = arith.constant 0 : index
    %get3A_956 = arith.constant 0 : index
    %get3A_957 = vector.load %arg1[%get3A_953, %get3A_954, %get3A_955, %get3A_956] : memref<2x3x128x128xf32, #tpu.memory_space<vmem>>, vector<1x1x128x128xf32>
    %get3A_958 = vector.shape_cast %get3A_957 : vector<1x1x128x128xf32> to vector<128x128xf32>
    %dot_general3A_959 = arith.constant dense<0.000000e+00> : vector<128x128xf32>
    %dot_general3A_960 = tpu.matmul %get3A_958, %add3A_857, %dot_general3A_959 {dimension_numbers = #tpu.dot_dimension_numbers<[1], [0], [0], [1], [0, 0, 1, 1], [], []>, transpose_lhs_hint = false} : vector<128x128xf32>, vector<128x128xf32>, vector<128x128xf32> -> vector<128x128xf32>
    %get3A_961 = arith.constant 0 : index
    %get3A_962 = arith.constant 0 : index
    %get3A_963 = arith.constant 0 : index
    %get3A_964 = arith.constant 0 : index
    %get3A_965 = vector.load %arg2[%get3A_961, %get3A_962, %get3A_963, %get3A_964] : memref<2x3x128x128xf32, #tpu.memory_space<vmem>>, vector<1x1x128x128xf32>
    %get3A_966 = vector.shape_cast %get3A_965 : vector<1x1x128x128xf32> to vector<128x128xf32>
    %dot_general3A_967 = arith.constant dense<0.000000e+00> : vector<128x128xf32>
    %dot_general3A_968 = tpu.matmul %get3A_966, %add3A_857, %dot_general3A_967 {dimension_numbers = #tpu.dot_dimension_numbers<[1], [0], [0], [1], [0, 0, 1, 1], [], []>, transpose_lhs_hint = false} : vector<128x128xf32>, vector<128x128xf32>, vector<128x128xf32> -> vector<128x128xf32>
    %add3A_969 = arith.addf %dot_general3A_960, %dot_general3A_968 : vector<128x128xf32>
    %get3A_970 = arith.constant 0 : index
    %get3A_971 = arith.constant 0 : index
    %get3A_972 = arith.constant 0 : index
    %get3A_973 = arith.constant 0 : index
    %get3A_974 = vector.load %arg3[%get3A_970, %get3A_971, %get3A_972, %get3A_973] : memref<2x3x128x1xf32, #tpu.memory_space<vmem>>, vector<1x1x128x1xf32>
    %get3A_975 = vector.shape_cast %get3A_974 : vector<1x1x128x1xf32> to vector<128x1xf32>
    %add3A_976 = vector.broadcast %get3A_975 : vector<128x1xf32> to vector<128x128xf32>
    %add3A_977 = arith.addf %add3A_969, %add3A_976 : vector<128x128xf32>
    %logistic3A_978 = arith.negf %add3A_977 : vector<128x128xf32>
    %logistic3A_979 = math.exp %logistic3A_978 : vector<128x128xf32>
    %logistic3A_980 = arith.constant 1.000000e+00 : f32
    %logistic3A_981 = vector.broadcast %logistic3A_980 : f32 to vector<128x128xf32>
    %logistic3A_982 = arith.addf %logistic3A_981, %logistic3A_979 : vector<128x128xf32>
    %logistic3A_983 = arith.divf %logistic3A_981, %logistic3A_982 : vector<128x128xf32>
    %get3A_984 = arith.constant 0 : index
    %get3A_985 = arith.constant 1 : index
    %get3A_986 = arith.constant 0 : index
    %get3A_987 = arith.constant 0 : index
    %get3A_988 = vector.load %arg1[%get3A_984, %get3A_985, %get3A_986, %get3A_987] : memref<2x3x128x128xf32, #tpu.memory_space<vmem>>, vector<1x1x128x128xf32>
    %get3A_989 = vector.shape_cast %get3A_988 : vector<1x1x128x128xf32> to vector<128x128xf32>
    %dot_general3A_990 = arith.constant dense<0.000000e+00> : vector<128x128xf32>
    %dot_general3A_991 = tpu.matmul %get3A_989, %add3A_857, %dot_general3A_990 {dimension_numbers = #tpu.dot_dimension_numbers<[1], [0], [0], [1], [0, 0, 1, 1], [], []>, transpose_lhs_hint = false} : vector<128x128xf32>, vector<128x128xf32>, vector<128x128xf32> -> vector<128x128xf32>
    %get3A_992 = arith.constant 0 : index
    %get3A_993 = arith.constant 1 : index
    %get3A_994 = arith.constant 0 : index
    %get3A_995 = arith.constant 0 : index
    %get3A_996 = vector.load %arg2[%get3A_992, %get3A_993, %get3A_994, %get3A_995] : memref<2x3x128x128xf32, #tpu.memory_space<vmem>>, vector<1x1x128x128xf32>
    %get3A_997 = vector.shape_cast %get3A_996 : vector<1x1x128x128xf32> to vector<128x128xf32>
    %dot_general3A_998 = arith.constant dense<0.000000e+00> : vector<128x128xf32>
    %dot_general3A_999 = tpu.matmul %get3A_997, %add3A_857, %dot_general3A_998 {dimension_numbers = #tpu.dot_dimension_numbers<[1], [0], [0], [1], [0, 0, 1, 1], [], []>, transpose_lhs_hint = false} : vector<128x128xf32>, vector<128x128xf32>, vector<128x128xf32> -> vector<128x128xf32>
    %add3A_1000 = arith.addf %dot_general3A_991, %dot_general3A_999 : vector<128x128xf32>
    %get3A_1001 = arith.constant 0 : index
    %get3A_1002 = arith.constant 1 : index
    %get3A_1003 = arith.constant 0 : index
    %get3A_1004 = arith.constant 0 : index
    %get3A_1005 = vector.load %arg3[%get3A_1001, %get3A_1002, %get3A_1003, %get3A_1004] : memref<2x3x128x1xf32, #tpu.memory_space<vmem>>, vector<1x1x128x1xf32>
    %get3A_1006 = vector.shape_cast %get3A_1005 : vector<1x1x128x1xf32> to vector<128x1xf32>
    %add3A_1007 = vector.broadcast %get3A_1006 : vector<128x1xf32> to vector<128x128xf32>
    %add3A_1008 = arith.addf %add3A_1000, %add3A_1007 : vector<128x128xf32>
    %logistic3A_1009 = arith.negf %add3A_1008 : vector<128x128xf32>
    %logistic3A_1010 = math.exp %logistic3A_1009 : vector<128x128xf32>
    %logistic3A_1011 = arith.constant 1.000000e+00 : f32
    %logistic3A_1012 = vector.broadcast %logistic3A_1011 : f32 to vector<128x128xf32>
    %logistic3A_1013 = arith.addf %logistic3A_1012, %logistic3A_1010 : vector<128x128xf32>
    %logistic3A_1014 = arith.divf %logistic3A_1012, %logistic3A_1013 : vector<128x128xf32>
    %get3A_1015 = arith.constant 0 : index
    %get3A_1016 = arith.constant 2 : index
    %get3A_1017 = arith.constant 0 : index
    %get3A_1018 = arith.constant 0 : index
    %get3A_1019 = vector.load %arg1[%get3A_1015, %get3A_1016, %get3A_1017, %get3A_1018] : memref<2x3x128x128xf32, #tpu.memory_space<vmem>>, vector<1x1x128x128xf32>
    %get3A_1020 = vector.shape_cast %get3A_1019 : vector<1x1x128x128xf32> to vector<128x128xf32>
    %dot_general3A_1021 = arith.constant dense<0.000000e+00> : vector<128x128xf32>
    %dot_general3A_1022 = tpu.matmul %get3A_1020, %add3A_857, %dot_general3A_1021 {dimension_numbers = #tpu.dot_dimension_numbers<[1], [0], [0], [1], [0, 0, 1, 1], [], []>, transpose_lhs_hint = false} : vector<128x128xf32>, vector<128x128xf32>, vector<128x128xf32> -> vector<128x128xf32>
    %get3A_1023 = arith.constant 0 : index
    %get3A_1024 = arith.constant 2 : index
    %get3A_1025 = arith.constant 0 : index
    %get3A_1026 = arith.constant 0 : index
    %get3A_1027 = vector.load %arg2[%get3A_1023, %get3A_1024, %get3A_1025, %get3A_1026] : memref<2x3x128x128xf32, #tpu.memory_space<vmem>>, vector<1x1x128x128xf32>
    %get3A_1028 = vector.shape_cast %get3A_1027 : vector<1x1x128x128xf32> to vector<128x128xf32>
    %mul3A_1029 = arith.mulf %logistic3A_1014, %add3A_857 : vector<128x128xf32>
    %dot_general3A_1030 = arith.constant dense<0.000000e+00> : vector<128x128xf32>
    %dot_general3A_1031 = tpu.matmul %get3A_1028, %mul3A_1029, %dot_general3A_1030 {dimension_numbers = #tpu.dot_dimension_numbers<[1], [0], [0], [1], [0, 0, 1, 1], [], []>, transpose_lhs_hint = false} : vector<128x128xf32>, vector<128x128xf32>, vector<128x128xf32> -> vector<128x128xf32>
    %add3A_1032 = arith.addf %dot_general3A_1022, %dot_general3A_1031 : vector<128x128xf32>
    %get3A_1033 = arith.constant 0 : index
    %get3A_1034 = arith.constant 2 : index
    %get3A_1035 = arith.constant 0 : index
    %get3A_1036 = arith.constant 0 : index
    %get3A_1037 = vector.load %arg3[%get3A_1033, %get3A_1034, %get3A_1035, %get3A_1036] : memref<2x3x128x1xf32, #tpu.memory_space<vmem>>, vector<1x1x128x1xf32>
    %get3A_1038 = vector.shape_cast %get3A_1037 : vector<1x1x128x1xf32> to vector<128x1xf32>
    %add3A_1039 = vector.broadcast %get3A_1038 : vector<128x1xf32> to vector<128x128xf32>
    %add3A_1040 = arith.addf %add3A_1032, %add3A_1039 : vector<128x128xf32>
    %tanh3A_1041 = math.tanh %add3A_1040 : vector<128x128xf32>
    %sub3A_1042 = arith.constant 1.000000e+00 : f32
    %sub3A_1043 = vector.broadcast %sub3A_1042 : f32 to vector<128x128xf32>
    %sub3A_1044 = arith.subf %sub3A_1043, %logistic3A_983 : vector<128x128xf32>
    %mul3A_1045 = arith.mulf %sub3A_1044, %add3A_857 : vector<128x128xf32>
    %mul3A_1046 = arith.mulf %logistic3A_983, %tanh3A_1041 : vector<128x128xf32>
    %add3A_1047 = arith.addf %mul3A_1045, %mul3A_1046 : vector<128x128xf32>
    %get3A_1048 = arith.constant 1 : index
    %get3A_1049 = arith.constant 0 : index
    %get3A_1050 = arith.constant 0 : index
    %get3A_1051 = arith.constant 0 : index
    %get3A_1052 = vector.load %arg1[%get3A_1048, %get3A_1049, %get3A_1050, %get3A_1051] : memref<2x3x128x128xf32, #tpu.memory_space<vmem>>, vector<1x1x128x128xf32>
    %get3A_1053 = vector.shape_cast %get3A_1052 : vector<1x1x128x128xf32> to vector<128x128xf32>
    %dot_general3A_1054 = arith.constant dense<0.000000e+00> : vector<128x128xf32>
    %dot_general3A_1055 = tpu.matmul %get3A_1053, %add3A_952, %dot_general3A_1054 {dimension_numbers = #tpu.dot_dimension_numbers<[1], [0], [0], [1], [0, 0, 1, 1], [], []>, transpose_lhs_hint = false} : vector<128x128xf32>, vector<128x128xf32>, vector<128x128xf32> -> vector<128x128xf32>
    %get3A_1056 = arith.constant 1 : index
    %get3A_1057 = arith.constant 0 : index
    %get3A_1058 = arith.constant 0 : index
    %get3A_1059 = arith.constant 0 : index
    %get3A_1060 = vector.load %arg2[%get3A_1056, %get3A_1057, %get3A_1058, %get3A_1059] : memref<2x3x128x128xf32, #tpu.memory_space<vmem>>, vector<1x1x128x128xf32>
    %get3A_1061 = vector.shape_cast %get3A_1060 : vector<1x1x128x128xf32> to vector<128x128xf32>
    %dot_general3A_1062 = arith.constant dense<0.000000e+00> : vector<128x128xf32>
    %dot_general3A_1063 = tpu.matmul %get3A_1061, %add3A_952, %dot_general3A_1062 {dimension_numbers = #tpu.dot_dimension_numbers<[1], [0], [0], [1], [0, 0, 1, 1], [], []>, transpose_lhs_hint = false} : vector<128x128xf32>, vector<128x128xf32>, vector<128x128xf32> -> vector<128x128xf32>
    %add3A_1064 = arith.addf %dot_general3A_1055, %dot_general3A_1063 : vector<128x128xf32>
    %get3A_1065 = arith.constant 1 : index
    %get3A_1066 = arith.constant 0 : index
    %get3A_1067 = arith.constant 0 : index
    %get3A_1068 = arith.constant 0 : index
    %get3A_1069 = vector.load %arg3[%get3A_1065, %get3A_1066, %get3A_1067, %get3A_1068] : memref<2x3x128x1xf32, #tpu.memory_space<vmem>>, vector<1x1x128x1xf32>
    %get3A_1070 = vector.shape_cast %get3A_1069 : vector<1x1x128x1xf32> to vector<128x1xf32>
    %add3A_1071 = vector.broadcast %get3A_1070 : vector<128x1xf32> to vector<128x128xf32>
    %add3A_1072 = arith.addf %add3A_1064, %add3A_1071 : vector<128x128xf32>
    %logistic3A_1073 = arith.negf %add3A_1072 : vector<128x128xf32>
    %logistic3A_1074 = math.exp %logistic3A_1073 : vector<128x128xf32>
    %logistic3A_1075 = arith.constant 1.000000e+00 : f32
    %logistic3A_1076 = vector.broadcast %logistic3A_1075 : f32 to vector<128x128xf32>
    %logistic3A_1077 = arith.addf %logistic3A_1076, %logistic3A_1074 : vector<128x128xf32>
    %logistic3A_1078 = arith.divf %logistic3A_1076, %logistic3A_1077 : vector<128x128xf32>
    %get3A_1079 = arith.constant 1 : index
    %get3A_1080 = arith.constant 1 : index
    %get3A_1081 = arith.constant 0 : index
    %get3A_1082 = arith.constant 0 : index
    %get3A_1083 = vector.load %arg1[%get3A_1079, %get3A_1080, %get3A_1081, %get3A_1082] : memref<2x3x128x128xf32, #tpu.memory_space<vmem>>, vector<1x1x128x128xf32>
    %get3A_1084 = vector.shape_cast %get3A_1083 : vector<1x1x128x128xf32> to vector<128x128xf32>
    %dot_general3A_1085 = arith.constant dense<0.000000e+00> : vector<128x128xf32>
    %dot_general3A_1086 = tpu.matmul %get3A_1084, %add3A_952, %dot_general3A_1085 {dimension_numbers = #tpu.dot_dimension_numbers<[1], [0], [0], [1], [0, 0, 1, 1], [], []>, transpose_lhs_hint = false} : vector<128x128xf32>, vector<128x128xf32>, vector<128x128xf32> -> vector<128x128xf32>
    %get3A_1087 = arith.constant 1 : index
    %get3A_1088 = arith.constant 1 : index
    %get3A_1089 = arith.constant 0 : index
    %get3A_1090 = arith.constant 0 : index
    %get3A_1091 = vector.load %arg2[%get3A_1087, %get3A_1088, %get3A_1089, %get3A_1090] : memref<2x3x128x128xf32, #tpu.memory_space<vmem>>, vector<1x1x128x128xf32>
    %get3A_1092 = vector.shape_cast %get3A_1091 : vector<1x1x128x128xf32> to vector<128x128xf32>
    %dot_general3A_1093 = arith.constant dense<0.000000e+00> : vector<128x128xf32>
    %dot_general3A_1094 = tpu.matmul %get3A_1092, %add3A_952, %dot_general3A_1093 {dimension_numbers = #tpu.dot_dimension_numbers<[1], [0], [0], [1], [0, 0, 1, 1], [], []>, transpose_lhs_hint = false} : vector<128x128xf32>, vector<128x128xf32>, vector<128x128xf32> -> vector<128x128xf32>
    %add3A_1095 = arith.addf %dot_general3A_1086, %dot_general3A_1094 : vector<128x128xf32>
    %get3A_1096 = arith.constant 1 : index
    %get3A_1097 = arith.constant 1 : index
    %get3A_1098 = arith.constant 0 : index
    %get3A_1099 = arith.constant 0 : index
    %get3A_1100 = vector.load %arg3[%get3A_1096, %get3A_1097, %get3A_1098, %get3A_1099] : memref<2x3x128x1xf32, #tpu.memory_space<vmem>>, vector<1x1x128x1xf32>
    %get3A_1101 = vector.shape_cast %get3A_1100 : vector<1x1x128x1xf32> to vector<128x1xf32>
    %add3A_1102 = vector.broadcast %get3A_1101 : vector<128x1xf32> to vector<128x128xf32>
    %add3A_1103 = arith.addf %add3A_1095, %add3A_1102 : vector<128x128xf32>
    %logistic3A_1104 = arith.negf %add3A_1103 : vector<128x128xf32>
    %logistic3A_1105 = math.exp %logistic3A_1104 : vector<128x128xf32>
    %logistic3A_1106 = arith.constant 1.000000e+00 : f32
    %logistic3A_1107 = vector.broadcast %logistic3A_1106 : f32 to vector<128x128xf32>
    %logistic3A_1108 = arith.addf %logistic3A_1107, %logistic3A_1105 : vector<128x128xf32>
    %logistic3A_1109 = arith.divf %logistic3A_1107, %logistic3A_1108 : vector<128x128xf32>
    %get3A_1110 = arith.constant 1 : index
    %get3A_1111 = arith.constant 2 : index
    %get3A_1112 = arith.constant 0 : index
    %get3A_1113 = arith.constant 0 : index
    %get3A_1114 = vector.load %arg1[%get3A_1110, %get3A_1111, %get3A_1112, %get3A_1113] : memref<2x3x128x128xf32, #tpu.memory_space<vmem>>, vector<1x1x128x128xf32>
    %get3A_1115 = vector.shape_cast %get3A_1114 : vector<1x1x128x128xf32> to vector<128x128xf32>
    %dot_general3A_1116 = arith.constant dense<0.000000e+00> : vector<128x128xf32>
    %dot_general3A_1117 = tpu.matmul %get3A_1115, %add3A_952, %dot_general3A_1116 {dimension_numbers = #tpu.dot_dimension_numbers<[1], [0], [0], [1], [0, 0, 1, 1], [], []>, transpose_lhs_hint = false} : vector<128x128xf32>, vector<128x128xf32>, vector<128x128xf32> -> vector<128x128xf32>
    %get3A_1118 = arith.constant 1 : index
    %get3A_1119 = arith.constant 2 : index
    %get3A_1120 = arith.constant 0 : index
    %get3A_1121 = arith.constant 0 : index
    %get3A_1122 = vector.load %arg2[%get3A_1118, %get3A_1119, %get3A_1120, %get3A_1121] : memref<2x3x128x128xf32, #tpu.memory_space<vmem>>, vector<1x1x128x128xf32>
    %get3A_1123 = vector.shape_cast %get3A_1122 : vector<1x1x128x128xf32> to vector<128x128xf32>
    %mul3A_1124 = arith.mulf %logistic3A_1109, %add3A_952 : vector<128x128xf32>
    %dot_general3A_1125 = arith.constant dense<0.000000e+00> : vector<128x128xf32>
    %dot_general3A_1126 = tpu.matmul %get3A_1123, %mul3A_1124, %dot_general3A_1125 {dimension_numbers = #tpu.dot_dimension_numbers<[1], [0], [0], [1], [0, 0, 1, 1], [], []>, transpose_lhs_hint = false} : vector<128x128xf32>, vector<128x128xf32>, vector<128x128xf32> -> vector<128x128xf32>
    %add3A_1127 = arith.addf %dot_general3A_1117, %dot_general3A_1126 : vector<128x128xf32>
    %get3A_1128 = arith.constant 1 : index
    %get3A_1129 = arith.constant 2 : index
    %get3A_1130 = arith.constant 0 : index
    %get3A_1131 = arith.constant 0 : index
    %get3A_1132 = vector.load %arg3[%get3A_1128, %get3A_1129, %get3A_1130, %get3A_1131] : memref<2x3x128x1xf32, #tpu.memory_space<vmem>>, vector<1x1x128x1xf32>
    %get3A_1133 = vector.shape_cast %get3A_1132 : vector<1x1x128x1xf32> to vector<128x1xf32>
    %add3A_1134 = vector.broadcast %get3A_1133 : vector<128x1xf32> to vector<128x128xf32>
    %add3A_1135 = arith.addf %add3A_1127, %add3A_1134 : vector<128x128xf32>
    %tanh3A_1136 = math.tanh %add3A_1135 : vector<128x128xf32>
    %sub3A_1137 = arith.constant 1.000000e+00 : f32
    %sub3A_1138 = vector.broadcast %sub3A_1137 : f32 to vector<128x128xf32>
    %sub3A_1139 = arith.subf %sub3A_1138, %logistic3A_1078 : vector<128x128xf32>
    %mul3A_1140 = arith.mulf %sub3A_1139, %add3A_952 : vector<128x128xf32>
    %mul3A_1141 = arith.mulf %logistic3A_1078, %tanh3A_1136 : vector<128x128xf32>
    %add3A_1142 = arith.addf %mul3A_1140, %mul3A_1141 : vector<128x128xf32>
    %get3A_1143 = arith.constant 0 : index
    %get3A_1144 = arith.constant 0 : index
    %get3A_1145 = arith.constant 0 : index
    %get3A_1146 = arith.constant 0 : index
    %get3A_1147 = vector.load %arg1[%get3A_1143, %get3A_1144, %get3A_1145, %get3A_1146] : memref<2x3x128x128xf32, #tpu.memory_space<vmem>>, vector<1x1x128x128xf32>
    %get3A_1148 = vector.shape_cast %get3A_1147 : vector<1x1x128x128xf32> to vector<128x128xf32>
    %dot_general3A_1149 = arith.constant dense<0.000000e+00> : vector<128x128xf32>
    %dot_general3A_1150 = tpu.matmul %get3A_1148, %add3A_1047, %dot_general3A_1149 {dimension_numbers = #tpu.dot_dimension_numbers<[1], [0], [0], [1], [0, 0, 1, 1], [], []>, transpose_lhs_hint = false} : vector<128x128xf32>, vector<128x128xf32>, vector<128x128xf32> -> vector<128x128xf32>
    %get3A_1151 = arith.constant 0 : index
    %get3A_1152 = arith.constant 0 : index
    %get3A_1153 = arith.constant 0 : index
    %get3A_1154 = arith.constant 0 : index
    %get3A_1155 = vector.load %arg2[%get3A_1151, %get3A_1152, %get3A_1153, %get3A_1154] : memref<2x3x128x128xf32, #tpu.memory_space<vmem>>, vector<1x1x128x128xf32>
    %get3A_1156 = vector.shape_cast %get3A_1155 : vector<1x1x128x128xf32> to vector<128x128xf32>
    %dot_general3A_1157 = arith.constant dense<0.000000e+00> : vector<128x128xf32>
    %dot_general3A_1158 = tpu.matmul %get3A_1156, %add3A_1047, %dot_general3A_1157 {dimension_numbers = #tpu.dot_dimension_numbers<[1], [0], [0], [1], [0, 0, 1, 1], [], []>, transpose_lhs_hint = false} : vector<128x128xf32>, vector<128x128xf32>, vector<128x128xf32> -> vector<128x128xf32>
    %add3A_1159 = arith.addf %dot_general3A_1150, %dot_general3A_1158 : vector<128x128xf32>
    %get3A_1160 = arith.constant 0 : index
    %get3A_1161 = arith.constant 0 : index
    %get3A_1162 = arith.constant 0 : index
    %get3A_1163 = arith.constant 0 : index
    %get3A_1164 = vector.load %arg3[%get3A_1160, %get3A_1161, %get3A_1162, %get3A_1163] : memref<2x3x128x1xf32, #tpu.memory_space<vmem>>, vector<1x1x128x1xf32>
    %get3A_1165 = vector.shape_cast %get3A_1164 : vector<1x1x128x1xf32> to vector<128x1xf32>
    %add3A_1166 = vector.broadcast %get3A_1165 : vector<128x1xf32> to vector<128x128xf32>
    %add3A_1167 = arith.addf %add3A_1159, %add3A_1166 : vector<128x128xf32>
    %logistic3A_1168 = arith.negf %add3A_1167 : vector<128x128xf32>
    %logistic3A_1169 = math.exp %logistic3A_1168 : vector<128x128xf32>
    %logistic3A_1170 = arith.constant 1.000000e+00 : f32
    %logistic3A_1171 = vector.broadcast %logistic3A_1170 : f32 to vector<128x128xf32>
    %logistic3A_1172 = arith.addf %logistic3A_1171, %logistic3A_1169 : vector<128x128xf32>
    %logistic3A_1173 = arith.divf %logistic3A_1171, %logistic3A_1172 : vector<128x128xf32>
    %get3A_1174 = arith.constant 0 : index
    %get3A_1175 = arith.constant 1 : index
    %get3A_1176 = arith.constant 0 : index
    %get3A_1177 = arith.constant 0 : index
    %get3A_1178 = vector.load %arg1[%get3A_1174, %get3A_1175, %get3A_1176, %get3A_1177] : memref<2x3x128x128xf32, #tpu.memory_space<vmem>>, vector<1x1x128x128xf32>
    %get3A_1179 = vector.shape_cast %get3A_1178 : vector<1x1x128x128xf32> to vector<128x128xf32>
    %dot_general3A_1180 = arith.constant dense<0.000000e+00> : vector<128x128xf32>
    %dot_general3A_1181 = tpu.matmul %get3A_1179, %add3A_1047, %dot_general3A_1180 {dimension_numbers = #tpu.dot_dimension_numbers<[1], [0], [0], [1], [0, 0, 1, 1], [], []>, transpose_lhs_hint = false} : vector<128x128xf32>, vector<128x128xf32>, vector<128x128xf32> -> vector<128x128xf32>
    %get3A_1182 = arith.constant 0 : index
    %get3A_1183 = arith.constant 1 : index
    %get3A_1184 = arith.constant 0 : index
    %get3A_1185 = arith.constant 0 : index
    %get3A_1186 = vector.load %arg2[%get3A_1182, %get3A_1183, %get3A_1184, %get3A_1185] : memref<2x3x128x128xf32, #tpu.memory_space<vmem>>, vector<1x1x128x128xf32>
    %get3A_1187 = vector.shape_cast %get3A_1186 : vector<1x1x128x128xf32> to vector<128x128xf32>
    %dot_general3A_1188 = arith.constant dense<0.000000e+00> : vector<128x128xf32>
    %dot_general3A_1189 = tpu.matmul %get3A_1187, %add3A_1047, %dot_general3A_1188 {dimension_numbers = #tpu.dot_dimension_numbers<[1], [0], [0], [1], [0, 0, 1, 1], [], []>, transpose_lhs_hint = false} : vector<128x128xf32>, vector<128x128xf32>, vector<128x128xf32> -> vector<128x128xf32>
    %add3A_1190 = arith.addf %dot_general3A_1181, %dot_general3A_1189 : vector<128x128xf32>
    %get3A_1191 = arith.constant 0 : index
    %get3A_1192 = arith.constant 1 : index
    %get3A_1193 = arith.constant 0 : index
    %get3A_1194 = arith.constant 0 : index
    %get3A_1195 = vector.load %arg3[%get3A_1191, %get3A_1192, %get3A_1193, %get3A_1194] : memref<2x3x128x1xf32, #tpu.memory_space<vmem>>, vector<1x1x128x1xf32>
    %get3A_1196 = vector.shape_cast %get3A_1195 : vector<1x1x128x1xf32> to vector<128x1xf32>
    %add3A_1197 = vector.broadcast %get3A_1196 : vector<128x1xf32> to vector<128x128xf32>
    %add3A_1198 = arith.addf %add3A_1190, %add3A_1197 : vector<128x128xf32>
    %logistic3A_1199 = arith.negf %add3A_1198 : vector<128x128xf32>
    %logistic3A_1200 = math.exp %logistic3A_1199 : vector<128x128xf32>
    %logistic3A_1201 = arith.constant 1.000000e+00 : f32
    %logistic3A_1202 = vector.broadcast %logistic3A_1201 : f32 to vector<128x128xf32>
    %logistic3A_1203 = arith.addf %logistic3A_1202, %logistic3A_1200 : vector<128x128xf32>
    %logistic3A_1204 = arith.divf %logistic3A_1202, %logistic3A_1203 : vector<128x128xf32>
    %get3A_1205 = arith.constant 0 : index
    %get3A_1206 = arith.constant 2 : index
    %get3A_1207 = arith.constant 0 : index
    %get3A_1208 = arith.constant 0 : index
    %get3A_1209 = vector.load %arg1[%get3A_1205, %get3A_1206, %get3A_1207, %get3A_1208] : memref<2x3x128x128xf32, #tpu.memory_space<vmem>>, vector<1x1x128x128xf32>
    %get3A_1210 = vector.shape_cast %get3A_1209 : vector<1x1x128x128xf32> to vector<128x128xf32>
    %dot_general3A_1211 = arith.constant dense<0.000000e+00> : vector<128x128xf32>
    %dot_general3A_1212 = tpu.matmul %get3A_1210, %add3A_1047, %dot_general3A_1211 {dimension_numbers = #tpu.dot_dimension_numbers<[1], [0], [0], [1], [0, 0, 1, 1], [], []>, transpose_lhs_hint = false} : vector<128x128xf32>, vector<128x128xf32>, vector<128x128xf32> -> vector<128x128xf32>
    %get3A_1213 = arith.constant 0 : index
    %get3A_1214 = arith.constant 2 : index
    %get3A_1215 = arith.constant 0 : index
    %get3A_1216 = arith.constant 0 : index
    %get3A_1217 = vector.load %arg2[%get3A_1213, %get3A_1214, %get3A_1215, %get3A_1216] : memref<2x3x128x128xf32, #tpu.memory_space<vmem>>, vector<1x1x128x128xf32>
    %get3A_1218 = vector.shape_cast %get3A_1217 : vector<1x1x128x128xf32> to vector<128x128xf32>
    %mul3A_1219 = arith.mulf %logistic3A_1204, %add3A_1047 : vector<128x128xf32>
    %dot_general3A_1220 = arith.constant dense<0.000000e+00> : vector<128x128xf32>
    %dot_general3A_1221 = tpu.matmul %get3A_1218, %mul3A_1219, %dot_general3A_1220 {dimension_numbers = #tpu.dot_dimension_numbers<[1], [0], [0], [1], [0, 0, 1, 1], [], []>, transpose_lhs_hint = false} : vector<128x128xf32>, vector<128x128xf32>, vector<128x128xf32> -> vector<128x128xf32>
    %add3A_1222 = arith.addf %dot_general3A_1212, %dot_general3A_1221 : vector<128x128xf32>
    %get3A_1223 = arith.constant 0 : index
    %get3A_1224 = arith.constant 2 : index
    %get3A_1225 = arith.constant 0 : index
    %get3A_1226 = arith.constant 0 : index
    %get3A_1227 = vector.load %arg3[%get3A_1223, %get3A_1224, %get3A_1225, %get3A_1226] : memref<2x3x128x1xf32, #tpu.memory_space<vmem>>, vector<1x1x128x1xf32>
    %get3A_1228 = vector.shape_cast %get3A_1227 : vector<1x1x128x1xf32> to vector<128x1xf32>
    %add3A_1229 = vector.broadcast %get3A_1228 : vector<128x1xf32> to vector<128x128xf32>
    %add3A_1230 = arith.addf %add3A_1222, %add3A_1229 : vector<128x128xf32>
    %tanh3A_1231 = math.tanh %add3A_1230 : vector<128x128xf32>
    %sub3A_1232 = arith.constant 1.000000e+00 : f32
    %sub3A_1233 = vector.broadcast %sub3A_1232 : f32 to vector<128x128xf32>
    %sub3A_1234 = arith.subf %sub3A_1233, %logistic3A_1173 : vector<128x128xf32>
    %mul3A_1235 = arith.mulf %sub3A_1234, %add3A_1047 : vector<128x128xf32>
    %mul3A_1236 = arith.mulf %logistic3A_1173, %tanh3A_1231 : vector<128x128xf32>
    %add3A_1237 = arith.addf %mul3A_1235, %mul3A_1236 : vector<128x128xf32>
    %get3A_1238 = arith.constant 1 : index
    %get3A_1239 = arith.constant 0 : index
    %get3A_1240 = arith.constant 0 : index
    %get3A_1241 = arith.constant 0 : index
    %get3A_1242 = vector.load %arg1[%get3A_1238, %get3A_1239, %get3A_1240, %get3A_1241] : memref<2x3x128x128xf32, #tpu.memory_space<vmem>>, vector<1x1x128x128xf32>
    %get3A_1243 = vector.shape_cast %get3A_1242 : vector<1x1x128x128xf32> to vector<128x128xf32>
    %dot_general3A_1244 = arith.constant dense<0.000000e+00> : vector<128x128xf32>
    %dot_general3A_1245 = tpu.matmul %get3A_1243, %add3A_1142, %dot_general3A_1244 {dimension_numbers = #tpu.dot_dimension_numbers<[1], [0], [0], [1], [0, 0, 1, 1], [], []>, transpose_lhs_hint = false} : vector<128x128xf32>, vector<128x128xf32>, vector<128x128xf32> -> vector<128x128xf32>
    %get3A_1246 = arith.constant 1 : index
    %get3A_1247 = arith.constant 0 : index
    %get3A_1248 = arith.constant 0 : index
    %get3A_1249 = arith.constant 0 : index
    %get3A_1250 = vector.load %arg2[%get3A_1246, %get3A_1247, %get3A_1248, %get3A_1249] : memref<2x3x128x128xf32, #tpu.memory_space<vmem>>, vector<1x1x128x128xf32>
    %get3A_1251 = vector.shape_cast %get3A_1250 : vector<1x1x128x128xf32> to vector<128x128xf32>
    %dot_general3A_1252 = arith.constant dense<0.000000e+00> : vector<128x128xf32>
    %dot_general3A_1253 = tpu.matmul %get3A_1251, %add3A_1142, %dot_general3A_1252 {dimension_numbers = #tpu.dot_dimension_numbers<[1], [0], [0], [1], [0, 0, 1, 1], [], []>, transpose_lhs_hint = false} : vector<128x128xf32>, vector<128x128xf32>, vector<128x128xf32> -> vector<128x128xf32>
    %add3A_1254 = arith.addf %dot_general3A_1245, %dot_general3A_1253 : vector<128x128xf32>
    %get3A_1255 = arith.constant 1 : index
    %get3A_1256 = arith.constant 0 : index
    %get3A_1257 = arith.constant 0 : index
    %get3A_1258 = arith.constant 0 : index
    %get3A_1259 = vector.load %arg3[%get3A_1255, %get3A_1256, %get3A_1257, %get3A_1258] : memref<2x3x128x1xf32, #tpu.memory_space<vmem>>, vector<1x1x128x1xf32>
    %get3A_1260 = vector.shape_cast %get3A_1259 : vector<1x1x128x1xf32> to vector<128x1xf32>
    %add3A_1261 = vector.broadcast %get3A_1260 : vector<128x1xf32> to vector<128x128xf32>
    %add3A_1262 = arith.addf %add3A_1254, %add3A_1261 : vector<128x128xf32>
    %logistic3A_1263 = arith.negf %add3A_1262 : vector<128x128xf32>
    %logistic3A_1264 = math.exp %logistic3A_1263 : vector<128x128xf32>
    %logistic3A_1265 = arith.constant 1.000000e+00 : f32
    %logistic3A_1266 = vector.broadcast %logistic3A_1265 : f32 to vector<128x128xf32>
    %logistic3A_1267 = arith.addf %logistic3A_1266, %logistic3A_1264 : vector<128x128xf32>
    %logistic3A_1268 = arith.divf %logistic3A_1266, %logistic3A_1267 : vector<128x128xf32>
    %get3A_1269 = arith.constant 1 : index
    %get3A_1270 = arith.constant 1 : index
    %get3A_1271 = arith.constant 0 : index
    %get3A_1272 = arith.constant 0 : index
    %get3A_1273 = vector.load %arg1[%get3A_1269, %get3A_1270, %get3A_1271, %get3A_1272] : memref<2x3x128x128xf32, #tpu.memory_space<vmem>>, vector<1x1x128x128xf32>
    %get3A_1274 = vector.shape_cast %get3A_1273 : vector<1x1x128x128xf32> to vector<128x128xf32>
    %dot_general3A_1275 = arith.constant dense<0.000000e+00> : vector<128x128xf32>
    %dot_general3A_1276 = tpu.matmul %get3A_1274, %add3A_1142, %dot_general3A_1275 {dimension_numbers = #tpu.dot_dimension_numbers<[1], [0], [0], [1], [0, 0, 1, 1], [], []>, transpose_lhs_hint = false} : vector<128x128xf32>, vector<128x128xf32>, vector<128x128xf32> -> vector<128x128xf32>
    %get3A_1277 = arith.constant 1 : index
    %get3A_1278 = arith.constant 1 : index
    %get3A_1279 = arith.constant 0 : index
    %get3A_1280 = arith.constant 0 : index
    %get3A_1281 = vector.load %arg2[%get3A_1277, %get3A_1278, %get3A_1279, %get3A_1280] : memref<2x3x128x128xf32, #tpu.memory_space<vmem>>, vector<1x1x128x128xf32>
    %get3A_1282 = vector.shape_cast %get3A_1281 : vector<1x1x128x128xf32> to vector<128x128xf32>
    %dot_general3A_1283 = arith.constant dense<0.000000e+00> : vector<128x128xf32>
    %dot_general3A_1284 = tpu.matmul %get3A_1282, %add3A_1142, %dot_general3A_1283 {dimension_numbers = #tpu.dot_dimension_numbers<[1], [0], [0], [1], [0, 0, 1, 1], [], []>, transpose_lhs_hint = false} : vector<128x128xf32>, vector<128x128xf32>, vector<128x128xf32> -> vector<128x128xf32>
    %add3A_1285 = arith.addf %dot_general3A_1276, %dot_general3A_1284 : vector<128x128xf32>
    %get3A_1286 = arith.constant 1 : index
    %get3A_1287 = arith.constant 1 : index
    %get3A_1288 = arith.constant 0 : index
    %get3A_1289 = arith.constant 0 : index
    %get3A_1290 = vector.load %arg3[%get3A_1286, %get3A_1287, %get3A_1288, %get3A_1289] : memref<2x3x128x1xf32, #tpu.memory_space<vmem>>, vector<1x1x128x1xf32>
    %get3A_1291 = vector.shape_cast %get3A_1290 : vector<1x1x128x1xf32> to vector<128x1xf32>
    %add3A_1292 = vector.broadcast %get3A_1291 : vector<128x1xf32> to vector<128x128xf32>
    %add3A_1293 = arith.addf %add3A_1285, %add3A_1292 : vector<128x128xf32>
    %logistic3A_1294 = arith.negf %add3A_1293 : vector<128x128xf32>
    %logistic3A_1295 = math.exp %logistic3A_1294 : vector<128x128xf32>
    %logistic3A_1296 = arith.constant 1.000000e+00 : f32
    %logistic3A_1297 = vector.broadcast %logistic3A_1296 : f32 to vector<128x128xf32>
    %logistic3A_1298 = arith.addf %logistic3A_1297, %logistic3A_1295 : vector<128x128xf32>
    %logistic3A_1299 = arith.divf %logistic3A_1297, %logistic3A_1298 : vector<128x128xf32>
    %get3A_1300 = arith.constant 1 : index
    %get3A_1301 = arith.constant 2 : index
    %get3A_1302 = arith.constant 0 : index
    %get3A_1303 = arith.constant 0 : index
    %get3A_1304 = vector.load %arg1[%get3A_1300, %get3A_1301, %get3A_1302, %get3A_1303] : memref<2x3x128x128xf32, #tpu.memory_space<vmem>>, vector<1x1x128x128xf32>
    %get3A_1305 = vector.shape_cast %get3A_1304 : vector<1x1x128x128xf32> to vector<128x128xf32>
    %dot_general3A_1306 = arith.constant dense<0.000000e+00> : vector<128x128xf32>
    %dot_general3A_1307 = tpu.matmul %get3A_1305, %add3A_1142, %dot_general3A_1306 {dimension_numbers = #tpu.dot_dimension_numbers<[1], [0], [0], [1], [0, 0, 1, 1], [], []>, transpose_lhs_hint = false} : vector<128x128xf32>, vector<128x128xf32>, vector<128x128xf32> -> vector<128x128xf32>
    %get3A_1308 = arith.constant 1 : index
    %get3A_1309 = arith.constant 2 : index
    %get3A_1310 = arith.constant 0 : index
    %get3A_1311 = arith.constant 0 : index
    %get3A_1312 = vector.load %arg2[%get3A_1308, %get3A_1309, %get3A_1310, %get3A_1311] : memref<2x3x128x128xf32, #tpu.memory_space<vmem>>, vector<1x1x128x128xf32>
    %get3A_1313 = vector.shape_cast %get3A_1312 : vector<1x1x128x128xf32> to vector<128x128xf32>
    %mul3A_1314 = arith.mulf %logistic3A_1299, %add3A_1142 : vector<128x128xf32>
    %dot_general3A_1315 = arith.constant dense<0.000000e+00> : vector<128x128xf32>
    %dot_general3A_1316 = tpu.matmul %get3A_1313, %mul3A_1314, %dot_general3A_1315 {dimension_numbers = #tpu.dot_dimension_numbers<[1], [0], [0], [1], [0, 0, 1, 1], [], []>, transpose_lhs_hint = false} : vector<128x128xf32>, vector<128x128xf32>, vector<128x128xf32> -> vector<128x128xf32>
    %add3A_1317 = arith.addf %dot_general3A_1307, %dot_general3A_1316 : vector<128x128xf32>
    %get3A_1318 = arith.constant 1 : index
    %get3A_1319 = arith.constant 2 : index
    %get3A_1320 = arith.constant 0 : index
    %get3A_1321 = arith.constant 0 : index
    %get3A_1322 = vector.load %arg3[%get3A_1318, %get3A_1319, %get3A_1320, %get3A_1321] : memref<2x3x128x1xf32, #tpu.memory_space<vmem>>, vector<1x1x128x1xf32>
    %get3A_1323 = vector.shape_cast %get3A_1322 : vector<1x1x128x1xf32> to vector<128x1xf32>
    %add3A_1324 = vector.broadcast %get3A_1323 : vector<128x1xf32> to vector<128x128xf32>
    %add3A_1325 = arith.addf %add3A_1317, %add3A_1324 : vector<128x128xf32>
    %tanh3A_1326 = math.tanh %add3A_1325 : vector<128x128xf32>
    %sub3A_1327 = arith.constant 1.000000e+00 : f32
    %sub3A_1328 = vector.broadcast %sub3A_1327 : f32 to vector<128x128xf32>
    %sub3A_1329 = arith.subf %sub3A_1328, %logistic3A_1268 : vector<128x128xf32>
    %mul3A_1330 = arith.mulf %sub3A_1329, %add3A_1142 : vector<128x128xf32>
    %mul3A_1331 = arith.mulf %logistic3A_1268, %tanh3A_1326 : vector<128x128xf32>
    %add3A_1332 = arith.addf %mul3A_1330, %mul3A_1331 : vector<128x128xf32>
    %get3A_1333 = arith.constant 0 : index
    %get3A_1334 = arith.constant 0 : index
    %get3A_1335 = arith.constant 0 : index
    %get3A_1336 = arith.constant 0 : index
    %get3A_1337 = vector.load %arg1[%get3A_1333, %get3A_1334, %get3A_1335, %get3A_1336] : memref<2x3x128x128xf32, #tpu.memory_space<vmem>>, vector<1x1x128x128xf32>
    %get3A_1338 = vector.shape_cast %get3A_1337 : vector<1x1x128x128xf32> to vector<128x128xf32>
    %dot_general3A_1339 = arith.constant dense<0.000000e+00> : vector<128x128xf32>
    %dot_general3A_1340 = tpu.matmul %get3A_1338, %add3A_1237, %dot_general3A_1339 {dimension_numbers = #tpu.dot_dimension_numbers<[1], [0], [0], [1], [0, 0, 1, 1], [], []>, transpose_lhs_hint = false} : vector<128x128xf32>, vector<128x128xf32>, vector<128x128xf32> -> vector<128x128xf32>
    %get3A_1341 = arith.constant 0 : index
    %get3A_1342 = arith.constant 0 : index
    %get3A_1343 = arith.constant 0 : index
    %get3A_1344 = arith.constant 0 : index
    %get3A_1345 = vector.load %arg2[%get3A_1341, %get3A_1342, %get3A_1343, %get3A_1344] : memref<2x3x128x128xf32, #tpu.memory_space<vmem>>, vector<1x1x128x128xf32>
    %get3A_1346 = vector.shape_cast %get3A_1345 : vector<1x1x128x128xf32> to vector<128x128xf32>
    %dot_general3A_1347 = arith.constant dense<0.000000e+00> : vector<128x128xf32>
    %dot_general3A_1348 = tpu.matmul %get3A_1346, %add3A_1237, %dot_general3A_1347 {dimension_numbers = #tpu.dot_dimension_numbers<[1], [0], [0], [1], [0, 0, 1, 1], [], []>, transpose_lhs_hint = false} : vector<128x128xf32>, vector<128x128xf32>, vector<128x128xf32> -> vector<128x128xf32>
    %add3A_1349 = arith.addf %dot_general3A_1340, %dot_general3A_1348 : vector<128x128xf32>
    %get3A_1350 = arith.constant 0 : index
    %get3A_1351 = arith.constant 0 : index
    %get3A_1352 = arith.constant 0 : index
    %get3A_1353 = arith.constant 0 : index
    %get3A_1354 = vector.load %arg3[%get3A_1350, %get3A_1351, %get3A_1352, %get3A_1353] : memref<2x3x128x1xf32, #tpu.memory_space<vmem>>, vector<1x1x128x1xf32>
    %get3A_1355 = vector.shape_cast %get3A_1354 : vector<1x1x128x1xf32> to vector<128x1xf32>
    %add3A_1356 = vector.broadcast %get3A_1355 : vector<128x1xf32> to vector<128x128xf32>
    %add3A_1357 = arith.addf %add3A_1349, %add3A_1356 : vector<128x128xf32>
    %logistic3A_1358 = arith.negf %add3A_1357 : vector<128x128xf32>
    %logistic3A_1359 = math.exp %logistic3A_1358 : vector<128x128xf32>
    %logistic3A_1360 = arith.constant 1.000000e+00 : f32
    %logistic3A_1361 = vector.broadcast %logistic3A_1360 : f32 to vector<128x128xf32>
    %logistic3A_1362 = arith.addf %logistic3A_1361, %logistic3A_1359 : vector<128x128xf32>
    %logistic3A_1363 = arith.divf %logistic3A_1361, %logistic3A_1362 : vector<128x128xf32>
    %get3A_1364 = arith.constant 0 : index
    %get3A_1365 = arith.constant 1 : index
    %get3A_1366 = arith.constant 0 : index
    %get3A_1367 = arith.constant 0 : index
    %get3A_1368 = vector.load %arg1[%get3A_1364, %get3A_1365, %get3A_1366, %get3A_1367] : memref<2x3x128x128xf32, #tpu.memory_space<vmem>>, vector<1x1x128x128xf32>
    %get3A_1369 = vector.shape_cast %get3A_1368 : vector<1x1x128x128xf32> to vector<128x128xf32>
    %dot_general3A_1370 = arith.constant dense<0.000000e+00> : vector<128x128xf32>
    %dot_general3A_1371 = tpu.matmul %get3A_1369, %add3A_1237, %dot_general3A_1370 {dimension_numbers = #tpu.dot_dimension_numbers<[1], [0], [0], [1], [0, 0, 1, 1], [], []>, transpose_lhs_hint = false} : vector<128x128xf32>, vector<128x128xf32>, vector<128x128xf32> -> vector<128x128xf32>
    %get3A_1372 = arith.constant 0 : index
    %get3A_1373 = arith.constant 1 : index
    %get3A_1374 = arith.constant 0 : index
    %get3A_1375 = arith.constant 0 : index
    %get3A_1376 = vector.load %arg2[%get3A_1372, %get3A_1373, %get3A_1374, %get3A_1375] : memref<2x3x128x128xf32, #tpu.memory_space<vmem>>, vector<1x1x128x128xf32>
    %get3A_1377 = vector.shape_cast %get3A_1376 : vector<1x1x128x128xf32> to vector<128x128xf32>
    %dot_general3A_1378 = arith.constant dense<0.000000e+00> : vector<128x128xf32>
    %dot_general3A_1379 = tpu.matmul %get3A_1377, %add3A_1237, %dot_general3A_1378 {dimension_numbers = #tpu.dot_dimension_numbers<[1], [0], [0], [1], [0, 0, 1, 1], [], []>, transpose_lhs_hint = false} : vector<128x128xf32>, vector<128x128xf32>, vector<128x128xf32> -> vector<128x128xf32>
    %add3A_1380 = arith.addf %dot_general3A_1371, %dot_general3A_1379 : vector<128x128xf32>
    %get3A_1381 = arith.constant 0 : index
    %get3A_1382 = arith.constant 1 : index
    %get3A_1383 = arith.constant 0 : index
    %get3A_1384 = arith.constant 0 : index
    %get3A_1385 = vector.load %arg3[%get3A_1381, %get3A_1382, %get3A_1383, %get3A_1384] : memref<2x3x128x1xf32, #tpu.memory_space<vmem>>, vector<1x1x128x1xf32>
    %get3A_1386 = vector.shape_cast %get3A_1385 : vector<1x1x128x1xf32> to vector<128x1xf32>
    %add3A_1387 = vector.broadcast %get3A_1386 : vector<128x1xf32> to vector<128x128xf32>
    %add3A_1388 = arith.addf %add3A_1380, %add3A_1387 : vector<128x128xf32>
    %logistic3A_1389 = arith.negf %add3A_1388 : vector<128x128xf32>
    %logistic3A_1390 = math.exp %logistic3A_1389 : vector<128x128xf32>
    %logistic3A_1391 = arith.constant 1.000000e+00 : f32
    %logistic3A_1392 = vector.broadcast %logistic3A_1391 : f32 to vector<128x128xf32>
    %logistic3A_1393 = arith.addf %logistic3A_1392, %logistic3A_1390 : vector<128x128xf32>
    %logistic3A_1394 = arith.divf %logistic3A_1392, %logistic3A_1393 : vector<128x128xf32>
    %get3A_1395 = arith.constant 0 : index
    %get3A_1396 = arith.constant 2 : index
    %get3A_1397 = arith.constant 0 : index
    %get3A_1398 = arith.constant 0 : index
    %get3A_1399 = vector.load %arg1[%get3A_1395, %get3A_1396, %get3A_1397, %get3A_1398] : memref<2x3x128x128xf32, #tpu.memory_space<vmem>>, vector<1x1x128x128xf32>
    %get3A_1400 = vector.shape_cast %get3A_1399 : vector<1x1x128x128xf32> to vector<128x128xf32>
    %dot_general3A_1401 = arith.constant dense<0.000000e+00> : vector<128x128xf32>
    %dot_general3A_1402 = tpu.matmul %get3A_1400, %add3A_1237, %dot_general3A_1401 {dimension_numbers = #tpu.dot_dimension_numbers<[1], [0], [0], [1], [0, 0, 1, 1], [], []>, transpose_lhs_hint = false} : vector<128x128xf32>, vector<128x128xf32>, vector<128x128xf32> -> vector<128x128xf32>
    %get3A_1403 = arith.constant 0 : index
    %get3A_1404 = arith.constant 2 : index
    %get3A_1405 = arith.constant 0 : index
    %get3A_1406 = arith.constant 0 : index
    %get3A_1407 = vector.load %arg2[%get3A_1403, %get3A_1404, %get3A_1405, %get3A_1406] : memref<2x3x128x128xf32, #tpu.memory_space<vmem>>, vector<1x1x128x128xf32>
    %get3A_1408 = vector.shape_cast %get3A_1407 : vector<1x1x128x128xf32> to vector<128x128xf32>
    %mul3A_1409 = arith.mulf %logistic3A_1394, %add3A_1237 : vector<128x128xf32>
    %dot_general3A_1410 = arith.constant dense<0.000000e+00> : vector<128x128xf32>
    %dot_general3A_1411 = tpu.matmul %get3A_1408, %mul3A_1409, %dot_general3A_1410 {dimension_numbers = #tpu.dot_dimension_numbers<[1], [0], [0], [1], [0, 0, 1, 1], [], []>, transpose_lhs_hint = false} : vector<128x128xf32>, vector<128x128xf32>, vector<128x128xf32> -> vector<128x128xf32>
    %add3A_1412 = arith.addf %dot_general3A_1402, %dot_general3A_1411 : vector<128x128xf32>
    %get3A_1413 = arith.constant 0 : index
    %get3A_1414 = arith.constant 2 : index
    %get3A_1415 = arith.constant 0 : index
    %get3A_1416 = arith.constant 0 : index
    %get3A_1417 = vector.load %arg3[%get3A_1413, %get3A_1414, %get3A_1415, %get3A_1416] : memref<2x3x128x1xf32, #tpu.memory_space<vmem>>, vector<1x1x128x1xf32>
    %get3A_1418 = vector.shape_cast %get3A_1417 : vector<1x1x128x1xf32> to vector<128x1xf32>
    %add3A_1419 = vector.broadcast %get3A_1418 : vector<128x1xf32> to vector<128x128xf32>
    %add3A_1420 = arith.addf %add3A_1412, %add3A_1419 : vector<128x128xf32>
    %tanh3A_1421 = math.tanh %add3A_1420 : vector<128x128xf32>
    %sub3A_1422 = arith.constant 1.000000e+00 : f32
    %sub3A_1423 = vector.broadcast %sub3A_1422 : f32 to vector<128x128xf32>
    %sub3A_1424 = arith.subf %sub3A_1423, %logistic3A_1363 : vector<128x128xf32>
    %mul3A_1425 = arith.mulf %sub3A_1424, %add3A_1237 : vector<128x128xf32>
    %mul3A_1426 = arith.mulf %logistic3A_1363, %tanh3A_1421 : vector<128x128xf32>
    %add3A_1427 = arith.addf %mul3A_1425, %mul3A_1426 : vector<128x128xf32>
    %get3A_1428 = arith.constant 1 : index
    %get3A_1429 = arith.constant 0 : index
    %get3A_1430 = arith.constant 0 : index
    %get3A_1431 = arith.constant 0 : index
    %get3A_1432 = vector.load %arg1[%get3A_1428, %get3A_1429, %get3A_1430, %get3A_1431] : memref<2x3x128x128xf32, #tpu.memory_space<vmem>>, vector<1x1x128x128xf32>
    %get3A_1433 = vector.shape_cast %get3A_1432 : vector<1x1x128x128xf32> to vector<128x128xf32>
    %dot_general3A_1434 = arith.constant dense<0.000000e+00> : vector<128x128xf32>
    %dot_general3A_1435 = tpu.matmul %get3A_1433, %add3A_1332, %dot_general3A_1434 {dimension_numbers = #tpu.dot_dimension_numbers<[1], [0], [0], [1], [0, 0, 1, 1], [], []>, transpose_lhs_hint = false} : vector<128x128xf32>, vector<128x128xf32>, vector<128x128xf32> -> vector<128x128xf32>
    %get3A_1436 = arith.constant 1 : index
    %get3A_1437 = arith.constant 0 : index
    %get3A_1438 = arith.constant 0 : index
    %get3A_1439 = arith.constant 0 : index
    %get3A_1440 = vector.load %arg2[%get3A_1436, %get3A_1437, %get3A_1438, %get3A_1439] : memref<2x3x128x128xf32, #tpu.memory_space<vmem>>, vector<1x1x128x128xf32>
    %get3A_1441 = vector.shape_cast %get3A_1440 : vector<1x1x128x128xf32> to vector<128x128xf32>
    %dot_general3A_1442 = arith.constant dense<0.000000e+00> : vector<128x128xf32>
    %dot_general3A_1443 = tpu.matmul %get3A_1441, %add3A_1332, %dot_general3A_1442 {dimension_numbers = #tpu.dot_dimension_numbers<[1], [0], [0], [1], [0, 0, 1, 1], [], []>, transpose_lhs_hint = false} : vector<128x128xf32>, vector<128x128xf32>, vector<128x128xf32> -> vector<128x128xf32>
    %add3A_1444 = arith.addf %dot_general3A_1435, %dot_general3A_1443 : vector<128x128xf32>
    %get3A_1445 = arith.constant 1 : index
    %get3A_1446 = arith.constant 0 : index
    %get3A_1447 = arith.constant 0 : index
    %get3A_1448 = arith.constant 0 : index
    %get3A_1449 = vector.load %arg3[%get3A_1445, %get3A_1446, %get3A_1447, %get3A_1448] : memref<2x3x128x1xf32, #tpu.memory_space<vmem>>, vector<1x1x128x1xf32>
    %get3A_1450 = vector.shape_cast %get3A_1449 : vector<1x1x128x1xf32> to vector<128x1xf32>
    %add3A_1451 = vector.broadcast %get3A_1450 : vector<128x1xf32> to vector<128x128xf32>
    %add3A_1452 = arith.addf %add3A_1444, %add3A_1451 : vector<128x128xf32>
    %logistic3A_1453 = arith.negf %add3A_1452 : vector<128x128xf32>
    %logistic3A_1454 = math.exp %logistic3A_1453 : vector<128x128xf32>
    %logistic3A_1455 = arith.constant 1.000000e+00 : f32
    %logistic3A_1456 = vector.broadcast %logistic3A_1455 : f32 to vector<128x128xf32>
    %logistic3A_1457 = arith.addf %logistic3A_1456, %logistic3A_1454 : vector<128x128xf32>
    %logistic3A_1458 = arith.divf %logistic3A_1456, %logistic3A_1457 : vector<128x128xf32>
    %get3A_1459 = arith.constant 1 : index
    %get3A_1460 = arith.constant 1 : index
    %get3A_1461 = arith.constant 0 : index
    %get3A_1462 = arith.constant 0 : index
    %get3A_1463 = vector.load %arg1[%get3A_1459, %get3A_1460, %get3A_1461, %get3A_1462] : memref<2x3x128x128xf32, #tpu.memory_space<vmem>>, vector<1x1x128x128xf32>
    %get3A_1464 = vector.shape_cast %get3A_1463 : vector<1x1x128x128xf32> to vector<128x128xf32>
    %dot_general3A_1465 = arith.constant dense<0.000000e+00> : vector<128x128xf32>
    %dot_general3A_1466 = tpu.matmul %get3A_1464, %add3A_1332, %dot_general3A_1465 {dimension_numbers = #tpu.dot_dimension_numbers<[1], [0], [0], [1], [0, 0, 1, 1], [], []>, transpose_lhs_hint = false} : vector<128x128xf32>, vector<128x128xf32>, vector<128x128xf32> -> vector<128x128xf32>
    %get3A_1467 = arith.constant 1 : index
    %get3A_1468 = arith.constant 1 : index
    %get3A_1469 = arith.constant 0 : index
    %get3A_1470 = arith.constant 0 : index
    %get3A_1471 = vector.load %arg2[%get3A_1467, %get3A_1468, %get3A_1469, %get3A_1470] : memref<2x3x128x128xf32, #tpu.memory_space<vmem>>, vector<1x1x128x128xf32>
    %get3A_1472 = vector.shape_cast %get3A_1471 : vector<1x1x128x128xf32> to vector<128x128xf32>
    %dot_general3A_1473 = arith.constant dense<0.000000e+00> : vector<128x128xf32>
    %dot_general3A_1474 = tpu.matmul %get3A_1472, %add3A_1332, %dot_general3A_1473 {dimension_numbers = #tpu.dot_dimension_numbers<[1], [0], [0], [1], [0, 0, 1, 1], [], []>, transpose_lhs_hint = false} : vector<128x128xf32>, vector<128x128xf32>, vector<128x128xf32> -> vector<128x128xf32>
    %add3A_1475 = arith.addf %dot_general3A_1466, %dot_general3A_1474 : vector<128x128xf32>
    %get3A_1476 = arith.constant 1 : index
    %get3A_1477 = arith.constant 1 : index
    %get3A_1478 = arith.constant 0 : index
    %get3A_1479 = arith.constant 0 : index
    %get3A_1480 = vector.load %arg3[%get3A_1476, %get3A_1477, %get3A_1478, %get3A_1479] : memref<2x3x128x1xf32, #tpu.memory_space<vmem>>, vector<1x1x128x1xf32>
    %get3A_1481 = vector.shape_cast %get3A_1480 : vector<1x1x128x1xf32> to vector<128x1xf32>
    %add3A_1482 = vector.broadcast %get3A_1481 : vector<128x1xf32> to vector<128x128xf32>
    %add3A_1483 = arith.addf %add3A_1475, %add3A_1482 : vector<128x128xf32>
    %logistic3A_1484 = arith.negf %add3A_1483 : vector<128x128xf32>
    %logistic3A_1485 = math.exp %logistic3A_1484 : vector<128x128xf32>
    %logistic3A_1486 = arith.constant 1.000000e+00 : f32
    %logistic3A_1487 = vector.broadcast %logistic3A_1486 : f32 to vector<128x128xf32>
    %logistic3A_1488 = arith.addf %logistic3A_1487, %logistic3A_1485 : vector<128x128xf32>
    %logistic3A_1489 = arith.divf %logistic3A_1487, %logistic3A_1488 : vector<128x128xf32>
    %get3A_1490 = arith.constant 1 : index
    %get3A_1491 = arith.constant 2 : index
    %get3A_1492 = arith.constant 0 : index
    %get3A_1493 = arith.constant 0 : index
    %get3A_1494 = vector.load %arg1[%get3A_1490, %get3A_1491, %get3A_1492, %get3A_1493] : memref<2x3x128x128xf32, #tpu.memory_space<vmem>>, vector<1x1x128x128xf32>
    %get3A_1495 = vector.shape_cast %get3A_1494 : vector<1x1x128x128xf32> to vector<128x128xf32>
    %dot_general3A_1496 = arith.constant dense<0.000000e+00> : vector<128x128xf32>
    %dot_general3A_1497 = tpu.matmul %get3A_1495, %add3A_1332, %dot_general3A_1496 {dimension_numbers = #tpu.dot_dimension_numbers<[1], [0], [0], [1], [0, 0, 1, 1], [], []>, transpose_lhs_hint = false} : vector<128x128xf32>, vector<128x128xf32>, vector<128x128xf32> -> vector<128x128xf32>
    %get3A_1498 = arith.constant 1 : index
    %get3A_1499 = arith.constant 2 : index
    %get3A_1500 = arith.constant 0 : index
    %get3A_1501 = arith.constant 0 : index
    %get3A_1502 = vector.load %arg2[%get3A_1498, %get3A_1499, %get3A_1500, %get3A_1501] : memref<2x3x128x128xf32, #tpu.memory_space<vmem>>, vector<1x1x128x128xf32>
    %get3A_1503 = vector.shape_cast %get3A_1502 : vector<1x1x128x128xf32> to vector<128x128xf32>
    %mul3A_1504 = arith.mulf %logistic3A_1489, %add3A_1332 : vector<128x128xf32>
    %dot_general3A_1505 = arith.constant dense<0.000000e+00> : vector<128x128xf32>
    %dot_general3A_1506 = tpu.matmul %get3A_1503, %mul3A_1504, %dot_general3A_1505 {dimension_numbers = #tpu.dot_dimension_numbers<[1], [0], [0], [1], [0, 0, 1, 1], [], []>, transpose_lhs_hint = false} : vector<128x128xf32>, vector<128x128xf32>, vector<128x128xf32> -> vector<128x128xf32>
    %add3A_1507 = arith.addf %dot_general3A_1497, %dot_general3A_1506 : vector<128x128xf32>
    %get3A_1508 = arith.constant 1 : index
    %get3A_1509 = arith.constant 2 : index
    %get3A_1510 = arith.constant 0 : index
    %get3A_1511 = arith.constant 0 : index
    %get3A_1512 = vector.load %arg3[%get3A_1508, %get3A_1509, %get3A_1510, %get3A_1511] : memref<2x3x128x1xf32, #tpu.memory_space<vmem>>, vector<1x1x128x1xf32>
    %get3A_1513 = vector.shape_cast %get3A_1512 : vector<1x1x128x1xf32> to vector<128x1xf32>
    %add3A_1514 = vector.broadcast %get3A_1513 : vector<128x1xf32> to vector<128x128xf32>
    %add3A_1515 = arith.addf %add3A_1507, %add3A_1514 : vector<128x128xf32>
    %tanh3A_1516 = math.tanh %add3A_1515 : vector<128x128xf32>
    %sub3A_1517 = arith.constant 1.000000e+00 : f32
    %sub3A_1518 = vector.broadcast %sub3A_1517 : f32 to vector<128x128xf32>
    %sub3A_1519 = arith.subf %sub3A_1518, %logistic3A_1458 : vector<128x128xf32>
    %mul3A_1520 = arith.mulf %sub3A_1519, %add3A_1332 : vector<128x128xf32>
    %mul3A_1521 = arith.mulf %logistic3A_1458, %tanh3A_1516 : vector<128x128xf32>
    %add3A_1522 = arith.addf %mul3A_1520, %mul3A_1521 : vector<128x128xf32>
    %swap3A = arith.constant 0 : index
    %swap3A_1523 = arith.constant 0 : index
    %swap3A_1524 = arith.constant 0 : index
    %swap3A_1525 = vector.load %arg4[%swap3A, %swap3A_1523, %swap3A_1524] : memref<2x128x128xf32, #tpu.memory_space<vmem>>, vector<1x128x128xf32>
    %swap3A_1526 = vector.shape_cast %swap3A_1525 : vector<1x128x128xf32> to vector<128x128xf32>
    %swap3A_1527 = vector.shape_cast %add3A_1427 : vector<128x128xf32> to vector<1x128x128xf32>
    tpu.vector_store %arg4[%swap3A, %swap3A_1523, %swap3A_1524], %swap3A_1527 {strides = array<i32>} : memref<2x128x128xf32, #tpu.memory_space<vmem>>, vector<1x128x128xf32>,
    %swap3A_1528 = arith.constant 1 : index
    %swap3A_1529 = arith.constant 0 : index
    %swap3A_1530 = arith.constant 0 : index
    %swap3A_1531 = vector.load %arg4[%swap3A_1528, %swap3A_1529, %swap3A_1530] : memref<2x128x128xf32, #tpu.memory_space<vmem>>, vector<1x128x128xf32>
    %swap3A_1532 = vector.shape_cast %swap3A_1531 : vector<1x128x128xf32> to vector<128x128xf32>
    %swap3A_1533 = vector.shape_cast %add3A_1522 : vector<128x128xf32> to vector<1x128x128xf32>
    tpu.vector_store %arg4[%swap3A_1528, %swap3A_1529, %swap3A_1530], %swap3A_1533 {strides = array<i32>} : memref<2x128x128xf32, #tpu.memory_space<vmem>>, vector<1x128x128xf32>,
    return
  }
}

module attributes {stable_mosaic.version = 14 : i64} {
  func.func @_mid_body(%arg0: i32, %arg1: memref<2x1280x128xf32, #tpu.memory_space<vmem>>, %arg2: memref<2x1280x16xf32, #tpu.memory_space<vmem>>, %arg3: memref<1x128x128xf32, #tpu.memory_space<vmem>>, %arg4: memref<1280x128xf32, #tpu.memory_space<vmem>>) attributes {dimension_semantics = [#tpu.dimension_semantics<arbitrary>], iteration_bounds = array<i64: 8>, scalar_prefetch = 0 : i64, scratch_operands = 0 : i64, tpu.core_type = #tpu.core_type<tc>, window_params = [{transform_indices = @transform_0, window_bounds = array<i64: 2, 1280, 128>}, {transform_indices = @transform_1, window_bounds = array<i64: 2, 1280, 16>}, {transform_indices = @transform_2, window_bounds = array<i64: 1, 128, 128>}, {transform_indices = @transform_3, window_bounds = array<i64: 1280, 128>}]} {
    %get3A = arith.constant 0 : index
    %get3A_0 = arith.constant 0 : index
    %get3A_1 = arith.constant 0 : index
    %get3A_2 = vector.load %arg1[%get3A, %get3A_0, %get3A_1] : memref<2x1280x128xf32, #tpu.memory_space<vmem>>, vector<1x1280x128xf32>
    %get3A_3 = vector.shape_cast %get3A_2 : vector<1x1280x128xf32> to vector<1280x128xf32>
    %get3A_4 = arith.constant 1 : index
    %get3A_5 = arith.constant 0 : index
    %get3A_6 = arith.constant 0 : index
    %get3A_7 = vector.load %arg1[%get3A_4, %get3A_5, %get3A_6] : memref<2x1280x128xf32, #tpu.memory_space<vmem>>, vector<1x1280x128xf32>
    %get3A_8 = vector.shape_cast %get3A_7 : vector<1x1280x128xf32> to vector<1280x128xf32>
    %add3A = arith.addf %get3A_3, %get3A_8 : vector<1280x128xf32>
    %get3A_9 = arith.constant 0 : index
    %get3A_10 = arith.constant 0 : index
    %get3A_11 = arith.constant 0 : index
    %get3A_12 = vector.load %arg2[%get3A_9, %get3A_10, %get3A_11] : memref<2x1280x16xf32, #tpu.memory_space<vmem>>, vector<1x1280x1xf32>
    %get3A_13 = vector.shape_cast %get3A_12 : vector<1x1280x1xf32> to vector<1280x1xf32>
    %get3A_14 = arith.constant 1 : index
    %get3A_15 = arith.constant 0 : index
    %get3A_16 = arith.constant 0 : index
    %get3A_17 = vector.load %arg2[%get3A_14, %get3A_15, %get3A_16] : memref<2x1280x16xf32, #tpu.memory_space<vmem>>, vector<1x1280x1xf32>
    %get3A_18 = vector.shape_cast %get3A_17 : vector<1x1280x1xf32> to vector<1280x1xf32>
    %add3A_19 = arith.addf %get3A_13, %get3A_18 : vector<1280x1xf32>
    %max3A = arith.constant 1.000000e+00 : f32
    %max3A_20 = vector.broadcast %max3A : f32 to vector<1280x1xf32>
    %max3A_21 = arith.maximumf %add3A_19, %max3A_20 : vector<1280x1xf32>
    %div3A = vector.broadcast %max3A_21 : vector<1280x1xf32> to vector<1280x128xf32>
    %div3A_22 = arith.divf %add3A, %div3A : vector<1280x128xf32>
    %get3A_23 = arith.constant 0 : index
    %get3A_24 = arith.constant 0 : index
    %get3A_25 = arith.constant 0 : index
    %get3A_26 = vector.load %arg3[%get3A_23, %get3A_24, %get3A_25] : memref<1x128x128xf32, #tpu.memory_space<vmem>>, vector<1x128x128xf32>
    %get3A_27 = vector.shape_cast %get3A_26 : vector<1x128x128xf32> to vector<128x128xf32>
    %dot_general3A = arith.constant dense<0.000000e+00> : vector<1280x128xf32>
    %dot_general3A_28 = tpu.matmul %div3A_22, %get3A_27, %dot_general3A {dimension_numbers = #tpu.dot_dimension_numbers<[1], [0], [0], [1], [0, 0, 1, 1], [], []>, transpose_lhs_hint = false} : vector<1280x128xf32>, vector<128x128xf32>, vector<1280x128xf32> -> vector<1280x128xf32>
    %max3A_29 = arith.constant 0.000000e+00 : f32
    %max3A_30 = vector.broadcast %max3A_29 : f32 to vector<1280x128xf32>
    %max3A_31 = arith.maximumf %dot_general3A_28, %max3A_30 : vector<1280x128xf32>
    %swap3A = arith.constant 0 : index
    %swap3A_32 = arith.constant 0 : index
    %swap3A_33 = vector.load %arg4[%swap3A, %swap3A_32] : memref<1280x128xf32, #tpu.memory_space<vmem>>, vector<1280x128xf32>
    tpu.vector_store %arg4[%swap3A, %swap3A_32], %max3A_31 {strides = array<i32>} : memref<1280x128xf32, #tpu.memory_space<vmem>>, vector<1280x128xf32>,
    return
  }
  func.func @transform_0(%arg0: i32) -> (i32, i32, i32) {
    %c0_i32 = arith.constant 0 : i32
    %c0_i32_0 = arith.constant 0 : i32
    %c0_i32_1 = arith.constant 0 : i32
    return %c0_i32, %arg0, %c0_i32_0 : i32, i32, i32
  }
  func.func @transform_1(%arg0: i32) -> (i32, i32, i32) {
    %c0_i32 = arith.constant 0 : i32
    %c0_i32_0 = arith.constant 0 : i32
    %c0_i32_1 = arith.constant 0 : i32
    return %c0_i32, %arg0, %c0_i32_0 : i32, i32, i32
  }
  func.func @transform_2(%arg0: i32) -> (i32, i32, i32) {
    %c0_i32 = arith.constant 0 : i32
    %c0_i32_0 = arith.constant 0 : i32
    %c0_i32_1 = arith.constant 0 : i32
    %c0_i32_2 = arith.constant 0 : i32
    return %c0_i32, %c0_i32_0, %c0_i32_1 : i32, i32, i32
  }
  func.func @transform_3(%arg0: i32) -> (i32, i32) {
    %c0_i32 = arith.constant 0 : i32
    %c0_i32_0 = arith.constant 0 : i32
    return %arg0, %c0_i32 : i32, i32
  }
}

module attributes {stable_mosaic.version = 14 : i64} {
  func.func @_final_body(%arg0: i32, %arg1: memref<2x1024x128xf32, #tpu.memory_space<vmem>>, %arg2: memref<2x1024x16xf32, #tpu.memory_space<vmem>>, %arg3: memref<1x128x128xf32, #tpu.memory_space<vmem>>, %arg4: memref<1x128xf32, #tpu.memory_space<vmem>>, %arg5: memref<1x128xf32, #tpu.memory_space<vmem>>, %arg6: memref<128x1xf32, #tpu.memory_space<vmem>>, %arg7: memref<1x1xf32, #tpu.memory_space<vmem>>, %arg8: memref<1024xf32, #tpu.memory_space<vmem>>) attributes {dimension_semantics = [#tpu.dimension_semantics<arbitrary>], iteration_bounds = array<i64: 10>, scalar_prefetch = 0 : i64, scratch_operands = 0 : i64, tpu.core_type = #tpu.core_type<tc>, window_params = [{transform_indices = @transform_0, window_bounds = array<i64: 2, 1024, 128>}, {transform_indices = @transform_1, window_bounds = array<i64: 2, 1024, 16>}, {transform_indices = @transform_2, window_bounds = array<i64: 1, 128, 128>}, {pipeline_mode = #tpu.pipeline_mode<synchronous>, transform_indices = @transform_3, window_bounds = array<i64: 1, 128>}, {pipeline_mode = #tpu.pipeline_mode<synchronous>, transform_indices = @transform_4, window_bounds = array<i64: 1, 128>}, {pipeline_mode = #tpu.pipeline_mode<synchronous>, transform_indices = @transform_5, window_bounds = array<i64: 128, 1>}, {pipeline_mode = #tpu.pipeline_mode<synchronous>, transform_indices = @transform_6, window_bounds = array<i64: 1, 1>}, {transform_indices = @transform_7, window_bounds = array<i64: 1024>}]} {
    %get3A = arith.constant 0 : index
    %get3A_0 = arith.constant 0 : index
    %get3A_1 = arith.constant 0 : index
    %get3A_2 = vector.load %arg1[%get3A, %get3A_0, %get3A_1] : memref<2x1024x128xf32, #tpu.memory_space<vmem>>, vector<1x1024x128xf32>
    %get3A_3 = vector.shape_cast %get3A_2 : vector<1x1024x128xf32> to vector<1024x128xf32>
    %get3A_4 = arith.constant 1 : index
    %get3A_5 = arith.constant 0 : index
    %get3A_6 = arith.constant 0 : index
    %get3A_7 = vector.load %arg1[%get3A_4, %get3A_5, %get3A_6] : memref<2x1024x128xf32, #tpu.memory_space<vmem>>, vector<1x1024x128xf32>
    %get3A_8 = vector.shape_cast %get3A_7 : vector<1x1024x128xf32> to vector<1024x128xf32>
    %add3A = arith.addf %get3A_3, %get3A_8 : vector<1024x128xf32>
    %get3A_9 = arith.constant 0 : index
    %get3A_10 = arith.constant 0 : index
    %get3A_11 = arith.constant 0 : index
    %get3A_12 = vector.load %arg2[%get3A_9, %get3A_10, %get3A_11] : memref<2x1024x16xf32, #tpu.memory_space<vmem>>, vector<1x1024x1xf32>
    %get3A_13 = vector.shape_cast %get3A_12 : vector<1x1024x1xf32> to vector<1024x1xf32>
    %get3A_14 = arith.constant 1 : index
    %get3A_15 = arith.constant 0 : index
    %get3A_16 = arith.constant 0 : index
    %get3A_17 = vector.load %arg2[%get3A_14, %get3A_15, %get3A_16] : memref<2x1024x16xf32, #tpu.memory_space<vmem>>, vector<1x1024x1xf32>
    %get3A_18 = vector.shape_cast %get3A_17 : vector<1x1024x1xf32> to vector<1024x1xf32>
    %add3A_19 = arith.addf %get3A_13, %get3A_18 : vector<1024x1xf32>
    %max3A = arith.constant 1.000000e+00 : f32
    %max3A_20 = vector.broadcast %max3A : f32 to vector<1024x1xf32>
    %max3A_21 = arith.maximumf %add3A_19, %max3A_20 : vector<1024x1xf32>
    %div3A = vector.broadcast %max3A_21 : vector<1024x1xf32> to vector<1024x128xf32>
    %div3A_22 = arith.divf %add3A, %div3A : vector<1024x128xf32>
    %get3A_23 = arith.constant 0 : index
    %get3A_24 = arith.constant 0 : index
    %get3A_25 = arith.constant 0 : index
    %get3A_26 = vector.load %arg3[%get3A_23, %get3A_24, %get3A_25] : memref<1x128x128xf32, #tpu.memory_space<vmem>>, vector<1x128x128xf32>
    %get3A_27 = vector.shape_cast %get3A_26 : vector<1x128x128xf32> to vector<128x128xf32>
    %dot_general3A = arith.constant dense<0.000000e+00> : vector<1024x128xf32>
    %dot_general3A_28 = tpu.matmul %div3A_22, %get3A_27, %dot_general3A {dimension_numbers = #tpu.dot_dimension_numbers<[1], [0], [0], [1], [0, 0, 1, 1], [], []>, transpose_lhs_hint = false} : vector<1024x128xf32>, vector<128x128xf32>, vector<1024x128xf32> -> vector<1024x128xf32>
    %max3A_29 = arith.constant 0.000000e+00 : f32
    %max3A_30 = vector.broadcast %max3A_29 : f32 to vector<1024x128xf32>
    %max3A_31 = arith.maximumf %dot_general3A_28, %max3A_30 : vector<1024x128xf32>
    %reduce_sum3A = arith.constant dense<0.000000e+00> : vector<1024xf32>
    %reduce_sum3A_32 = vector.multi_reduction <add>, %max3A_31, %reduce_sum3A [1] : vector<1024x128xf32> to vector<1024xf32>
    %broadcast_in_dim3A = vector.shape_cast %reduce_sum3A_32 : vector<1024xf32> to vector<1024x1xf32>
    %div3A_33 = arith.constant 1.280000e+02 : f32
    %div3A_34 = vector.broadcast %div3A_33 : f32 to vector<1024x1xf32>
    %div3A_35 = arith.divf %broadcast_in_dim3A, %div3A_34 : vector<1024x1xf32>
    %sub3A = vector.broadcast %div3A_35 : vector<1024x1xf32> to vector<1024x128xf32>
    %sub3A_36 = arith.subf %max3A_31, %sub3A : vector<1024x128xf32>
    %sub3A_37 = vector.broadcast %div3A_35 : vector<1024x1xf32> to vector<1024x128xf32>
    %sub3A_38 = arith.subf %max3A_31, %sub3A_37 : vector<1024x128xf32>
    %mul3A = arith.mulf %sub3A_36, %sub3A_38 : vector<1024x128xf32>
    %reduce_sum3A_39 = arith.constant dense<0.000000e+00> : vector<1024xf32>
    %reduce_sum3A_40 = vector.multi_reduction <add>, %mul3A, %reduce_sum3A_39 [1] : vector<1024x128xf32> to vector<1024xf32>
    %broadcast_in_dim3A_41 = vector.shape_cast %reduce_sum3A_40 : vector<1024xf32> to vector<1024x1xf32>
    %div3A_42 = arith.constant 1.280000e+02 : f32
    %div3A_43 = vector.broadcast %div3A_42 : f32 to vector<1024x1xf32>
    %div3A_44 = arith.divf %broadcast_in_dim3A_41, %div3A_43 : vector<1024x1xf32>
    %sub3A_45 = vector.broadcast %div3A_35 : vector<1024x1xf32> to vector<1024x128xf32>
    %sub3A_46 = arith.subf %max3A_31, %sub3A_45 : vector<1024x128xf32>
    %add3A_47 = arith.constant 9.99999974E-6 : f32
    %add3A_48 = vector.broadcast %add3A_47 : f32 to vector<1024x1xf32>
    %add3A_49 = arith.addf %div3A_44, %add3A_48 : vector<1024x1xf32>
    %rsqrt3A = math.rsqrt %add3A_49 : vector<1024x1xf32>
    %mul3A_50 = vector.broadcast %rsqrt3A : vector<1024x1xf32> to vector<1024x128xf32>
    %mul3A_51 = arith.mulf %sub3A_46, %mul3A_50 : vector<1024x128xf32>
    %get3A_52 = arith.constant 0 : index
    %get3A_53 = arith.constant 0 : index
    %get3A_54 = vector.load %arg4[%get3A_52, %get3A_53] : memref<1x128xf32, #tpu.memory_space<vmem>>, vector<1x128xf32>
    %mul3A_55 = vector.broadcast %get3A_54 : vector<1x128xf32> to vector<1024x128xf32>
    %mul3A_56 = arith.mulf %mul3A_51, %mul3A_55 : vector<1024x128xf32>
    %get3A_57 = arith.constant 0 : index
    %get3A_58 = arith.constant 0 : index
    %get3A_59 = vector.load %arg5[%get3A_57, %get3A_58] : memref<1x128xf32, #tpu.memory_space<vmem>>, vector<1x128xf32>
    %add3A_60 = vector.broadcast %get3A_59 : vector<1x128xf32> to vector<1024x128xf32>
    %add3A_61 = arith.addf %mul3A_56, %add3A_60 : vector<1024x128xf32>
    %get3A_62 = arith.constant 0 : index
    %get3A_63 = arith.constant 0 : index
    %get3A_64 = vector.load %arg6[%get3A_62, %get3A_63] : memref<128x1xf32, #tpu.memory_space<vmem>>, vector<128x1xf32>
    %dot_general3A_65 = arith.constant dense<0.000000e+00> : vector<1024x1xf32>
    %dot_general3A_66 = tpu.matmul %add3A_61, %get3A_64, %dot_general3A_65 {dimension_numbers = #tpu.dot_dimension_numbers<[1], [0], [0], [1], [0, 0, 1, 1], [], []>, transpose_lhs_hint = false} : vector<1024x128xf32>, vector<128x1xf32>, vector<1024x1xf32> -> vector<1024x1xf32>
    %get3A_67 = arith.constant 0 : index
    %get3A_68 = arith.constant 0 : index
    %get3A_69 = vector.load %arg7[%get3A_67, %get3A_68] : memref<1x1xf32, #tpu.memory_space<vmem>>, vector<1x1xf32>
    %add3A_70 = vector.broadcast %get3A_69 : vector<1x1xf32> to vector<1024x1xf32>
    %add3A_71 = arith.addf %dot_general3A_66, %add3A_70 : vector<1024x1xf32>
    %squeeze3A = vector.shape_cast %add3A_71 : vector<1024x1xf32> to vector<1024xf32>
    %swap3A = arith.constant 0 : index
    %swap3A_72 = vector.load %arg8[%swap3A] : memref<1024xf32, #tpu.memory_space<vmem>>, vector<1024xf32>
    tpu.vector_store %arg8[%swap3A], %squeeze3A {strides = array<i32>} : memref<1024xf32, #tpu.memory_space<vmem>>, vector<1024xf32>,
    return
  }
  func.func @transform_0(%arg0: i32) -> (i32, i32, i32) {
    %c0_i32 = arith.constant 0 : i32
    %c0_i32_0 = arith.constant 0 : i32
    %c0_i32_1 = arith.constant 0 : i32
    return %c0_i32, %arg0, %c0_i32_0 : i32, i32, i32
  }
  func.func @transform_1(%arg0: i32) -> (i32, i32, i32) {
    %c0_i32 = arith.constant 0 : i32
    %c0_i32_0 = arith.constant 0 : i32
    %c0_i32_1 = arith.constant 0 : i32
    return %c0_i32, %arg0, %c0_i32_0 : i32, i32, i32
  }
  func.func @transform_2(%arg0: i32) -> (i32, i32, i32) {
    %c1_i32 = arith.constant 1 : i32
    %c0_i32 = arith.constant 0 : i32
    %c0_i32_0 = arith.constant 0 : i32
    %c0_i32_1 = arith.constant 0 : i32
    return %c1_i32, %c0_i32, %c0_i32_0 : i32, i32, i32
  }
  func.func @transform_3(%arg0: i32) -> (i32, i32) {
    %c0_i32 = arith.constant 0 : i32
    %c0_i32_0 = arith.constant 0 : i32
    %c0_i32_1 = arith.constant 0 : i32
    return %c0_i32, %c0_i32_0 : i32, i32
  }
  func.func @transform_4(%arg0: i32) -> (i32, i32) {
    %c0_i32 = arith.constant 0 : i32
    %c0_i32_0 = arith.constant 0 : i32
    %c0_i32_1 = arith.constant 0 : i32
    return %c0_i32, %c0_i32_0 : i32, i32
  }
  func.func @transform_5(%arg0: i32) -> (i32, i32) {
    %c0_i32 = arith.constant 0 : i32
    %c0_i32_0 = arith.constant 0 : i32
    %c0_i32_1 = arith.constant 0 : i32
    return %c0_i32, %c0_i32_0 : i32, i32
  }
  func.func @transform_6(%arg0: i32) -> (i32, i32) {
    %c0_i32 = arith.constant 0 : i32
    %c0_i32_0 = arith.constant 0 : i32
    %c0_i32_1 = arith.constant 0 : i32
    return %c0_i32, %c0_i32_0 : i32, i32
  }
  func.func @transform_7(%arg0: i32) -> i32 {
    %c0_i32 = arith.constant 0 : i32
    return %arg0 : i32
  }
}

</mosaic_0001>

<sc_bundles>
// kernel: kernel.10.cloned.1.call-start
scs
__scs_entry_jumppad:
0x0: {  	(pc) =	sbr.rel $0x88, $3  }
0x1: {  	(tag) =	ssettag $0x0;
	lr =	simm.s32 $0x1  }
0x2: {  	[smem:$0x3F97] =	sst lr;
	_ =	strace $0xD0000000  }
0x3: {  	_ = 	snop  }
0x4: {  	_ = 	snop  }
0x5: {  	_ = 	snop  }
0x6: {  	_ = 	snop  }
0x7: {  	_ = 	snop  }
__scs_overlays_trampoline_lowered:
0x8: {  	[smem:$0x3FA6] =	sst s0  }
0x9: {  	[smem:$0x3FA7] =	sst s1  }
0xa: {  	[smem:$0x3FA8] =	sst s2  }
0xb: {  	[smem:$0x3FA9] =	sst s3  }
0xc: {  	[smem:$0x3FAA] =	sst s4  }
0xd: {  	[smem:$0x3FAB] =	sst s5  }
0xe: {  	[smem:$0x3FAC] =	sst s6  }
0xf: {  	[smem:$0x3FAD] =	sst s7  }
0x10: {  	[smem:$0x3FAE] =	sst s8  }
0x11: {  	[smem:$0x3FAF] =	sst s9;
	s0 =	simm.s32 @!p0 $0x0  }
0x12: {  	s1 =	sld [smem:$0x3F95];
	s0 =	simm.s32 @p0 $0x1  }
0x13: {  	[smem:$0x3FB0] =	sst s0;
	s0 =	simm.s32 @!p1 $0x0  }
0x14: {  	s2 =	sld [smem:$0x3F94];
	s0 =	simm.s32 @p1 $0x1  }
0x15: {  	[smem:$0x3FB1] =	sst s0;
	s0 =	simm.s32 @!p2 $0x0  }
0x16: {  	s3 =	sld [smem:$0x3FDB];
	s0 =	simm.s32 @p2 $0x1  }
0x17: {  	s4 =	simm.s32 $0x1BF5;
	[smem:$0x3FB3] =	sst s0  }
0x18: {  	s0 =	sld [smem:$0x3F96];
	_ =	swait.ge [sflag:s4], $0x0  }
0x19: {  	s7 =	sld [smem:$0x3F97]  }
0x1a: {  	s8 =	sadd.s32 $0xFFFFE003, lr  }
0x1b: {  	s9 =	sadd.s32 $0xFFFFFEF7, lr;
	s5 =	simm.s32 $0xFFFFFFFF;
	p2 =	slt.u32 s8, $0xFFFFF086  }
0x1c: {  	p1 =	slt.u32 s9, $0xF7A;
	s5 =	simm.s32 @!p2 $0x0  }
0x1d: {  	s5 =	simm.s32 @p1 $0x1;
	p0 =	seq.s32 s7, s2  }
0x1e: {  	s7 =	smul.u32 @!p0 $0xF7A, s2;
	p2 =	seq.s32 @!p0 s5, $0x0  }
0x1f: {  	s9 =	smul.u32 $0xF7A, s1;
	s8 =	simm.s32 @!p0 $0x1BF5;
	p2 =	por !p2, p0  }
0x20: {  	[sflag:s8] =	ssyncset.s32 @!p0 $0xFFFFF086;
	s6 =	sadd.s32 @!p0 s3, s7;
	s7 =	simm.s32 @!p0 $0x108  }
0x21: {  	s3 =	sadd.s32 s3, s9;
	s6 =	sadd.s32 @!p0 $0x88, s6;
	s7 =	simm.s32 @p2 $0x1082  }
0x22: {  	[simem:s7], [sflag:s8] =	dma.local @!p0 [hbm:s6], $0xF7A  }
0x23: {  	s9 =	sor.u32 $0xD0000000, s2;
	s6 =	simm.s32 $0x108;
	_ =	swait.ge @!p0 [sflag:s8], $0x0  }
0x24: {  	s3 =	sadd.s32 $0x88, s3;
	s6 =	simm.s32 @!p1 $0x1082;
	[sflag:s4] =	ssyncset.s32 $0xFFFFF086  }
0x25: {  	[simem:s6], [sflag:s4] =	dma.local [hbm:s3], $0xF7A  }
0x26: {  	[smem:$0x3F97] =	sst s1;
	(tag) =	ssettag s2;
	_ =	strace s9  }
0x27: {  	s1 =	sld [smem:$0x3FA7]  }
0x28: {  	s2 =	sld [smem:$0x3FA8]  }
0x29: {  	s4 =	sld [smem:$0x3FAA]  }
0x2a: {  	p0 =	seq.s32 s5, $0x0;
	s5 =	sld [smem:$0x3FAB]  }
0x2b: {  	s6 =	sld [smem:$0x3FAC]  }
0x2c: {  	s7 =	sld [smem:$0x3FAD]  }
0x2d: {  	s3 =	simm.s32 $0x108;
	s8 =	sld [smem:$0x3FAE]  }
0x2e: {  	s3 =	simm.s32 @!p0 $0x1082;
	s9 =	sld [smem:$0x3FAF]  }
0x2f: {  	lr =	sadd.s32 s0, s3;
	s0 =	sld [smem:$0x3FA6]  }
0x30: {  	s3 =	sld [smem:$0x3FA9]  }
0x31: {  	[smem:$0x3FB2] =	sst s10  }
0x32: {  	s10 =	sld [smem:$0x3FB0];
	_ =	sdelay $0x3  }
0x33: {  	p0 =	seq.s32 s10, $0x1;
	s10 =	sld [smem:$0x3FB2];
	_ =	sdelay $0x3  }
0x34: {  	[smem:$0x3FB2] =	sst s10  }
0x35: {  	s10 =	sld [smem:$0x3FB1];
	_ =	sdelay $0x3  }
0x36: {  	p1 =	seq.s32 s10, $0x1;
	s10 =	sld [smem:$0x3FB2];
	_ =	sdelay $0x3  }
0x37: {  	[smem:$0x3FB2] =	sst s10  }
0x38: {  	s10 =	sld [smem:$0x3FB3]  }
0x39: {  	_ = 	snop;
	(pc) =	sbr.ind lr, $3  }
0x3a: {  	_ = 	snop  }
0x3b: {  	_ = 	snop  }
0x3c: {  	p2 =	seq.s32 s10, $0x1;
	s10 =	sld [smem:$0x3FB2]  }
0x3d: {  	_ =	shalt  }
0x3e: {  	_ =	shalt  }
0x3f: {  	_ =	shalt  }
0x40: {  	_ =	shalt  }
0x41: {  	_ =	shalt  }
0x42: {  	_ =	shalt  }
0x43: {  	_ =	shalt  }
0x44: {  	_ =	shalt  }
0x45: {  	_ =	shalt  }
0x46: {  	_ =	shalt  }
0x47: {  	_ =	shalt  }
0x48: {  	_ =	shalt  }
0x49: {  	_ =	shalt  }
0x4a: {  	_ =	shalt  }
0x4b: {  	_ =	shalt  }
0x4c: {  	_ =	shalt  }
0x4d: {  	_ =	shalt  }
0x4e: {  	_ =	shalt  }
0x4f: {  	_ =	shalt  }
0x50: {  	_ =	shalt  }
0x51: {  	_ =	shalt  }
0x52: {  	_ =	shalt  }
0x53: {  	_ =	shalt  }
0x54: {  	_ =	shalt  }
0x55: {  	_ =	shalt  }
0x56: {  	_ =	shalt  }
0x57: {  	_ =	shalt  }
0x58: {  	_ =	shalt  }
0x59: {  	_ =	shalt  }
0x5a: {  	_ =	shalt  }
0x5b: {  	_ =	shalt  }
0x5c: {  	_ =	shalt  }
0x5d: {  	_ =	shalt  }
0x5e: {  	_ =	shalt  }
0x5f: {  	_ =	shalt  }
0x60: {  	_ =	shalt  }
0x61: {  	_ =	shalt  }
0x62: {  	_ =	shalt  }
0x63: {  	_ =	shalt  }
0x64: {  	_ =	shalt  }
0x65: {  	_ =	shalt  }
0x66: {  	_ =	shalt  }
0x67: {  	_ =	shalt  }
0x68: {  	_ =	shalt  }
0x69: {  	_ =	shalt  }
0x6a: {  	_ =	shalt  }
0x6b: {  	_ =	shalt  }
0x6c: {  	_ =	shalt  }
0x6d: {  	_ =	shalt  }
0x6e: {  	_ =	shalt  }
0x6f: {  	_ =	shalt  }
0x70: {  	_ =	shalt  }
0x71: {  	_ =	shalt  }
0x72: {  	_ =	shalt  }
0x73: {  	_ =	shalt  }
0x74: {  	_ =	shalt  }
0x75: {  	_ =	shalt  }
0x76: {  	_ =	shalt  }
0x77: {  	_ =	shalt  }
0x78: {  	_ =	shalt  }
0x79: {  	_ =	shalt  }
0x7a: {  	_ =	shalt  }
0x7b: {  	_ =	shalt  }
0x7c: {  	_ =	shalt  }
0x7d: {  	_ =	shalt  }
0x7e: {  	_ =	shalt  }
0x7f: {  	_ =	shalt  }
0x80: {  	_ =	shalt  }
0x81: {  	_ =	shalt  }
0x82: {  	_ =	shalt  }
0x83: {  	_ =	shalt  }
0x84: {  	_ =	shalt  }
0x85: {  	_ =	shalt  }
0x86: {  	_ =	shalt  }
0x87: {  	_ =	shalt  }
.Lfunc_end0:
.L_simem_size_0:
called_computation.1_lowered:
.L_overlay_start_0:
0x88: {  	s2 =	sld [smem:$0x3FD9]  }
0x89: {  	s3 =	sld [smem:$0x3FFE];
	_ =	sdelay $0x1  }
0x8a: {  	s1 =	srdreg.scid  }
0x8b: {  	s0 =	sand.u32 $0x1, s1  }
0x8c: {  	s16 =	sshll.u32 s0, $0xA;
	s2 =	sadd.s32 s3, s2  }
0x8d: {  	s2 =	sadd.s32 s2, s16  }
0x8e: {  	[smem:$0x3FBE] =	sst s2  }
0x8f: {  	_ = 	snop  }
0x90: {  	(tm) =	ssettm $0x1  }
0x91: {  	s17 =	sld [smem:$0x3FFB];
	_ =	sdelay $0x3  }
0x92: {  	_ =	strace s17  }
0x93: {  	s2 =	sld [smem:$0x3FFC];
	_ =	sdelay $0x3  }
0x94: {  	_ =	strace s2  }
0x95: {  	s2 =	sld [smem:$0x3FFD];
	_ =	sdelay $0x3  }
0x96: {  	_ =	strace s2  }
0x97: {  	_ =	strace $0x8FFFFFFF  }
0x98: {  	s18 =	sld [smem:$0x3FDB];
	_ =	sdelay $0x1  }
0x99: {  	s19 =	simm.s32 $_scs_section_size  }
0x9a: {  	s4 =	simm.s32 $_size__tile_overlayer_lowered;
	s5 =	simm.s32 $_tile_overlayer_lowered  }
0x9b: {  	s22 =	simm.s32 $0x1BFF;
	s21 =	sshll.u32 s5, $0x1;
	s2 =	sadd.s32 s19, s18  }
0x9c: {  	s6 =	simm.s32 $0x0;
	s20 =	sshll.u32 s4, $0x1;
	s4 =	sadd.s32 s21, s2  }
0x9d: {  	[timem:s6], [sflag:s22] =	dma.local [hbm:s4], s20  }
0x9e: {  	_ =	swait.ge [sflag:s22], s20  }
0x9f: {  	s3 =	ssub.s32 $0x0, s20;
	[sflag:s22] =	ssyncset.done $0x0  }
0xa0: {  	[sflag:s22] =	ssyncadd.s32 s3;
	_ =	sdelay $0x1  }
0xa1: {  	s23 =	simm.s32 $0x1B8B  }
0xa2: {  	_ =	swait.ge [sflag:s23], $0x1  }
0xa3: {  	[sflag:s23] =	ssyncset.done $0x0  }
0xa4: {  	s25 =	simm.s32 $0x1B8E;
	s24 =	sld [smem:$0x3FFE];
	[sflag:s23] =	ssyncadd.s32 $0xFFFFFFFF  }
0xa5: {  	s26 =	simm.s32 $execute0_lowered;
	[smem:$0x3FD2] =	sst s25  }
0xa6: {  	s4 =	sshll.u32 s26, $0x1;
	_ =	strace $0x80000049;
	[dreg:$0x1] =	wrdreg $0xFFFFFFFF  }
0xa7: {  	s28 =	simm.s32 $_size_execute0_lowered;
	s2 =	sadd.s32 s2, s4;
	[dreg:$0x0] =	wrdreg $0x0  }
0xa8: {  	s4 =	sshll.u32 s28, $0x1;
	[dreg:$0x2] =	wrdreg s2  }
0xa9: {  	[dreg:$0x3] =	wrdreg s4  }
0xaa: {  	[dreg:$0x4] =	wrdreg $0xC0  }
0xab: {  	_ =	task [dreg:s6], $0x5FFFF  }
0xac: {  	[dreg:$0x1] =	wrdreg $0xFFFFFFFF  }
0xad: {  	[dreg:$0x0] =	wrdreg $0x60  }
0xae: {  	[dreg:$0x2] =	wrdreg s24  }
0xaf: {  	[dreg:$0x3] =	wrdreg $0x0  }
0xb0: {  	[dreg:$0x4] =	wrdreg $0x9  }
0xb1: {  	_ =	task.clear_ibuf [dreg:s6], $0x5FFFF;
	_ =	strace $0x90000049  }
0xb2: {  	s29 =	simm.s32 $0x9;
	_ =	strace $0x8000004B  }
0xb3: {  	_ =	swait.ge [sflag:s29], $0x1  }
0xb4: {  	[sflag:s29] =	ssyncadd.s32 $0xFFFFFFFF  }
0xb5: {  	_ =	strace $0x9000004B  }
0xb6: {  	_ =	sfence  }
0xb7: {  	s30 =	sld [smem:$0x0];
	_ =	sdelay $0x2  }
0xb8: {  	s31 =	sshll.u32 s1, $0xD;
	s1 =	sshrl.u32 s1, $0x2  }
0xb9: {  	s3 =	sand.u32 $0x4000, s31;
	s1 =	sadd.s32 s1, s30  }
0xba: {  	s0 =	sor.u32 s3, s0;
	s1 =	sshll.u32 s1, $0x11  }
0xbb: {  	s0 =	sor.u32 s1, s0  }
0xbc: {  	s0 =	sadd.s32 $0x8F2B, s0  }
0xbd: {  	[sflag:s0] =	ssyncadd.remote.s32 $0x1  }
0xbe: {  	_ =	sfence.sel $0xFFFF  }
0xbf: {  	[dreg:$0x0] =	wrdreg $0xFFFFFFFF;
	(pc) =	sbr.abs _section_cstart, $3  }
0xc0: {  	[dreg:$0x1] =	wrdreg $0xFFFFFFFF  }
0xc1: {  	_ =	task.clear_ibuf [dreg:s6], $0x2FFFF;
	_ =	strace $0x9FFFFFFF  }
0xc2: {  	(tm) =	ssettm $0x7FFFFFFF  }
0xc3: {  	_ =	shalt  }
tec
execute0_lowered:
.L_overlay_start_1:
0x0: {  	(tag) =	ssettag $0x1  }
0x1: {  	s0 =	rddreg [dreg:$0x0]  }
0x2: {  	s2 =	rddreg [dreg:$0x1];
	s1 =	srdreg.scid  }
0x3: {  	s10 =	stileid.u32;
	s4 =	simm.s32 $0x0;
	s28 =	simm.s32 $0x14000  }
0x4: {  	s29 =	simm.s32 $0x5;
	s30 =	simm.s32 $0x147D0;
	s31 =	simm.s32 $0x14FA0  }
0x5: {  	s11 =	simm.s32 $0x0;
	s1 =	sand.u32 $0x1, s1;
	s3 =	smul.u32 $0x14000, s10  }
0x6: {  	[smem:$0x7FF] =	sst s4;
	s4 =	sadd.s32 $0x16200, s0;
	s9 =	smul.u32 $0x50000, s10  }
0x7: {  	s6 =	sadd.s32 $0xC400, s0;
	s7 =	sadd.s32 $0x2600, s0;
	s5 =	smul.u32 $0x140000, s1  }
0x8: {  	_ =	strace $0x8000004A;
	s8 =	ssub.s32 $0x2, s1;
	s9 =	sshrl.u32 s9, $0x2  }
0x9: {  	s1 =	sshll.u32 s1, $0x4;
	s14 =	sshrl.u32 s8, $0x1;
	s15 =	sadd.s32 s9, s2  }
0xa: {  	s1 =	sor.u32 s10, s1;
	s10 =	simm.s32 $0x15EF0;
	s9 =	sadd.s32 $0x2800, s15  }
0xb: {  	s5 =	sadd.s32 s3, s5;
	s16 =	sadd.s32 $0x5000, s15;
	[dreg:$0x3] =	wrdreg s9  }
0xc: {  	s8 =	ssub.s32 s8, s14;
	s17 =	sadd.s32 $0x7800, s15;
	[dreg:$0x4] =	wrdreg s16  }
0xd: {  	s1 =	smul.u32 $0x2710, s1;
	s18 =	sadd.s32 $0xA000, s15;
	[dreg:$0x5] =	wrdreg s17  }
0xe: {  	s5 =	sshrl.u32 s5, $0x3;
	s19 =	sadd.s32 $0xC800, s15;
	[dreg:$0x6] =	wrdreg s18  }
0xf: {  	s20 =	sadd.s32 $0xF000, s15;
	s0 =	sadd.s32 s5, s0;
	[dreg:$0x7] =	wrdreg s19  }
0x10: {  	s5 =	sadd.s32 s3, s2;
	[dreg:$0x8] =	wrdreg s20;
	s3 =	sadd.s32 $0x11800, s15  }
0x11: {  	s1 =	sshrl.u32 s1, $0x3;
	s9 =	simm.s32 $0x4;
	[dreg:$0x9] =	wrdreg s3  }
0x12: {  	s21 =	sadd.s32 s6, s1;
	s22 =	sadd.s32 s7, s1;
	s23 =	sadd.s32 $0xFA, s1  }
0x13: {  	s24 =	sadd.s32 $0x1F4, s1;
	s26 =	sadd.s32 $0x2EE, s1;
	[dreg:$0xa] =	wrdreg s21  }
0x14: {  	s1 =	sadd.s32 $0x3E8, s1;
	s3 =	simm.s32 $0x18740;
	[dreg:$0xb] =	wrdreg s22  }
0x15: {  	s25 =	sadd.s32 s6, s23;
	s16 =	sadd.s32 s7, s23;
	s17 =	sadd.s32 s6, s24  }
0x16: {  	s18 =	sadd.s32 s7, s24;
	s19 =	sadd.s32 s6, s26;
	s20 =	sadd.s32 s7, s26  }
0x17: {  	s21 =	sadd.s32 s6, s1;
	s22 =	sadd.s32 s7, s1;
	s23 =	sadd.s32 $0xCA000, s0  }
0x18: {  	s24 =	smax.u32 s8, $0x1;
	s26 =	simm.s32 $0x1;
	s0 =	simm.s32 $0x15770  }
0x19: {  	s1 =	simm.s32 $0x50;
	s6 =	simm.s32 $0x2;
	s7 =	simm.s32 $0x14F50  }
0x1a: {  	v0 =	vimm.f32 $0.0e+00;
	s8 =	simm.s32 $0x3;
	[dreg:$0xc] =	wrdreg s25;
	s25 =	simm.s32 $0x15F40  }
.LBB2_1:
0x1b: {  	s13 =	simm.s32 $0x0  }
0x1c: {  	s12 =	sand.u32 $0xFE00, s13  }
0x1d: {  	s13 =	sand.u32 $0x70, s13;
	s14 =	sshrl.u32 s12, $0x2  }
0x1e: {  	s12 =	simm.s32 $0x40;
	s14 =	sor.u32 s13, s14;
	s13 =	simm.s32 $0x0  }
.LBB2_2:
0x1f: {  	p0 =	sne.s32 s12, $0x9FC0  }
0x20: {  	[tilespmem:s14+$0x15F40] =	vst v0;
	s13 =	sadd.s32 $0x10, s13;
	s14 =	smov.u32 s12;
	s12 =	sadd.s32 $0x40, s12  }
.Ltmp0:
0x21: {  	(pc) =	sbr.rel @p0 .LBB2_2-.Ltmp0, $4  }
0x22: {  	_ = 	snop  }
0x23: {  	s14 =	sand.u32 $0xFE00, s14  }
0x24: {  	s15 =	sand.u32 $0x70, s13;
	s14 =	sshrl.u32 s14, $0x2  }
0x25: {  	s14 =	sor.u32 s15, s14  }
0x26: {  	[tilespmem:s14+$0x15F40] =	vst v0  }
0x27: {  	[spmem:s5] =	stream.linear.scatter [tilespmem:s25], [sflag:$0x1], $0x2800, $0x38;
	[tilespmem:$0x1AF40] =	vst v63  }
0x28: {  	s12 =	rddreg [dreg:$0x3]  }
0x29: {  	[spmem:s12] =	stream.linear.scatter [tilespmem:s25], [sflag:$0x1], $0x2800, $0x38;
	[tilespmem:$0x1AF40] =	vst v63  }
0x2a: {  	s15 =	rddreg [dreg:$0x4]  }
0x2b: {  	[spmem:s15] =	stream.linear.scatter [tilespmem:s25], [sflag:$0x1], $0x2800, $0x38;
	[tilespmem:$0x1AF40] =	vst v63  }
0x2c: {  	s13 =	rddreg [dreg:$0x5]  }
0x2d: {  	[spmem:s13] =	stream.linear.scatter [tilespmem:s25], [sflag:$0x1], $0x2800, $0x38;
	[tilespmem:$0x1AF40] =	vst v63  }
0x2e: {  	s14 =	rddreg [dreg:$0x6]  }
0x2f: {  	[spmem:s14] =	stream.linear.scatter [tilespmem:s25], [sflag:$0x1], $0x2800, $0x38;
	[tilespmem:$0x1AF40] =	vst v63  }
0x30: {  	s15 =	rddreg [dreg:$0x7]  }
0x31: {  	[spmem:s15] =	stream.linear.scatter [tilespmem:s25], [sflag:$0x1], $0x2800, $0x38;
	[tilespmem:$0x1AF40] =	vst v63  }
0x32: {  	s13 =	rddreg [dreg:$0x8]  }
0x33: {  	[spmem:s13] =	stream.linear.scatter [tilespmem:s25], [sflag:$0x1], $0x2800, $0x38;
	[tilespmem:$0x1AF40] =	vst v63  }
0x34: {  	s14 =	rddreg [dreg:$0x9]  }
0x35: {  	[spmem:s14] =	stream.linear.scatter [tilespmem:s25], [sflag:$0x1], $0x2800, $0x38;
	[tilespmem:$0x1AF40] =	vst v63  }
0x36: {  	_ =	swait.ge [sflag:s26], $0x2800  }
0x37: {  	[sflag:s26] =	ssyncset.done $0x0  }
0x38: {  	[sflag:s26] =	ssyncadd.s32 $0xFFFFD800  }
0x39: {  	_ =	swait.ge [sflag:s26], $0x2800  }
0x3a: {  	[sflag:s26] =	ssyncset.done $0x0  }
0x3b: {  	[sflag:s26] =	ssyncadd.s32 $0xFFFFD800  }
0x3c: {  	_ =	swait.ge [sflag:s26], $0x2800  }
0x3d: {  	[sflag:s26] =	ssyncset.done $0x0  }
0x3e: {  	[sflag:s26] =	ssyncadd.s32 $0xFFFFD800  }
0x3f: {  	_ =	swait.ge [sflag:s26], $0x2800  }
0x40: {  	[sflag:s26] =	ssyncset.done $0x0  }
0x41: {  	[sflag:s26] =	ssyncadd.s32 $0xFFFFD800  }
0x42: {  	_ =	swait.ge [sflag:s26], $0x2800  }
0x43: {  	[sflag:s26] =	ssyncset.done $0x0  }
0x44: {  	[sflag:s26] =	ssyncadd.s32 $0xFFFFD800  }
0x45: {  	_ =	swait.ge [sflag:s26], $0x2800  }
0x46: {  	[sflag:s26] =	ssyncset.done $0x0  }
0x47: {  	[sflag:s26] =	ssyncadd.s32 $0xFFFFD800  }
0x48: {  	_ =	swait.ge [sflag:s26], $0x2800  }
0x49: {  	[sflag:s26] =	ssyncset.done $0x0  }
0x4a: {  	[sflag:s26] =	ssyncadd.s32 $0xFFFFD800  }
0x4b: {  	_ =	swait.ge [sflag:s26], $0x2800  }
0x4c: {  	[sflag:s26] =	ssyncset.done $0x0  }
0x4d: {  	[sflag:s26] =	ssyncadd.s32 $0xFFFFD800  }
0x4e: {  	[bflag:$0x0] =	sbarrier.arrive $0xFFFF  }
0x4f: {  	s12 =	simm.s32 $0x0;
	s13 =	rddreg [dreg:$0xa]  }
0x50: {  	[tilespmem:s28], [sflag:$0x5] =	stream.linear.gather [hbm4b:s13+s12], $0x7D0, $0x38;
	[tilespmem:$0x1AF40] =	vst v63  }
0x51: {  	_ =	swait.ge [sflag:s29], $0x7D0  }
0x52: {  	[sflag:s29] =	ssyncset.done $0x0  }
0x53: {  	s15 =	rddreg [dreg:$0xb];
	[sflag:s29] =	ssyncadd.s32 $0xFFFFF830  }
0x54: {  	[tilespmem:s30], [sflag:$0x5] =	stream.linear.gather [hbm4b:s15+s12], $0x7D0, $0x38;
	[tilespmem:$0x1AF40] =	vst v63  }
0x55: {  	_ =	swait.ge [sflag:s29], $0x7D0  }
0x56: {  	[sflag:s29] =	ssyncset.done $0x0  }
0x57: {  	s14 =	rddreg [dreg:$0xc];
	[sflag:s29] =	ssyncadd.s32 $0xFFFFF830  }
0x58: {  	[tilespmem:s31], [sflag:$0x3] =	stream.linear.gather [hbm4b:s14+s12], $0x7D0, $0x38;
	[tilespmem:$0x1AF40] =	vst v63  }
0x59: {  	_ = 	snop  }
0x5a: {  	[tilespmem:s0], [sflag:$0x4] =	stream.linear.gather [hbm4b:s16+s12], $0x7D0, $0x38;
	[tilespmem:$0x1AF40] =	vst v63  }
0x5b: {  	_ = 	snop  }
0x5c: {  	[tilespmem:s25], [sflag:$0x1] =	stream.indirect.gather [hbm4b:s4+s1], $0x80, s28, s1, $0xb8;
	[tilespmem:$0x1AF40] =	vst v63  }
0x5d: {  	_ =	swait.ge [sflag:s26], $0x2800  }
0x5e: {  	[sflag:s26] =	ssyncset.done $0x0  }
0x5f: {  	s15 =	simm.s32 $0x14050;
	[sflag:s26] =	ssyncadd.s32 $0xFFFFD800  }
0x60: {  	[tilespmem:s3], [sflag:$0x2] =	stream.indirect.gather [hbm4b:s4+s1], $0x80, s15, s1, $0xb8;
	[tilespmem:$0x1AF40] =	vst v63  }
0x61: {  	s13 =	simm.s32 $0x147D0  }
0x62: {  	[spmem:s2] =	stream.indirect.scatter.add.f32 [tilespmem:s25], [sflag:$0x5], $0x80, s13, s1, $0xb8;
	[tilespmem:$0x1AF40] =	vst v63  }
0x63: {  	_ =	swait.ge [sflag:s29], $0x2800  }
0x64: {  	[sflag:s29] =	ssyncset.done $0x0  }
0x65: {  	[sflag:s29] =	ssyncadd.s32 $0xFFFFD800  }
0x66: {  	_ =	swait.ge [sflag:s6], $0x2800  }
0x67: {  	[sflag:s6] =	ssyncset.done $0x0  }
0x68: {  	s14 =	simm.s32 $0x140A0;
	[sflag:s6] =	ssyncadd.s32 $0xFFFFD800  }
0x69: {  	[tilespmem:s25], [sflag:$0x1] =	stream.indirect.gather [hbm4b:s4+s1], $0x80, s14, s1, $0xb8;
	[tilespmem:$0x1AF40] =	vst v63  }
0x6a: {  	s15 =	simm.s32 $0x14820  }
0x6b: {  	[spmem:s2] =	stream.indirect.scatter.add.f32 [tilespmem:s3], [sflag:$0x5], $0x80, s15, s1, $0xb8;
	[tilespmem:$0x1AF40] =	vst v63  }
0x6c: {  	_ =	swait.ge [sflag:s29], $0x2800  }
0x6d: {  	s12 =	simm.s32 $0x280;
	[sflag:s29] =	ssyncset.done $0x0  }
.LBB2_4:
0x6e: {  	p0 =	sne.s32 s12, $0x1B80  }
0x6f: {  	[sflag:s29] =	ssyncadd.s32 $0xFFFFD800;
	s13 =	smov.u32 s12;
	s12 =	sadd.s32 $0x280, s12  }
0x70: {  	_ = 	snop  }
0x71: {  	_ =	swait.ge [sflag:s26], $0x2800  }
0x72: {  	s13 =	sshra.s32 s13, $0x2;
	[sflag:s26] =	ssyncset.done $0x0  }
0x73: {  	s14 =	sadd.s32 $0x14050, s13;
	[sflag:s26] =	ssyncadd.s32 $0xFFFFD800  }
0x74: {  	[tilespmem:s3], [sflag:$0x2] =	stream.indirect.gather [hbm4b:s4+s1], $0x80, s14, s1, $0xb8;
	[tilespmem:$0x1AF40] =	vst v63  }
0x75: {  	s14 =	sadd.s32 $0x147D0, s13  }
0x76: {  	[spmem:s2] =	stream.indirect.scatter.add.f32 [tilespmem:s25], [sflag:$0x5], $0x80, s14, s1, $0xb8;
	[tilespmem:$0x1AF40] =	vst v63  }
0x77: {  	_ =	swait.ge [sflag:s29], $0x2800  }
0x78: {  	[sflag:s29] =	ssyncset.done $0x0  }
0x79: {  	[sflag:s29] =	ssyncadd.s32 $0xFFFFD800  }
0x7a: {  	_ =	swait.ge [sflag:s6], $0x2800  }
0x7b: {  	[sflag:s6] =	ssyncset.done $0x0  }
0x7c: {  	s14 =	sadd.s32 $0x140A0, s13;
	[sflag:s6] =	ssyncadd.s32 $0xFFFFD800  }
0x7d: {  	[tilespmem:s25], [sflag:$0x1] =	stream.indirect.gather [hbm4b:s4+s1], $0x80, s14, s1, $0xb8;
	[tilespmem:$0x1AF40] =	vst v63  }
.Ltmp1:
0x7e: {  	_ = 	snop;
	(pc) =	sbr.rel @p0 .LBB2_4-.Ltmp1, $4  }
0x7f: {  	s13 =	sadd.s32 $0x14820, s13  }
0x80: {  	[spmem:s2] =	stream.indirect.scatter.add.f32 [tilespmem:s3], [sflag:$0x5], $0x80, s13, s1, $0xb8;
	[tilespmem:$0x1AF40] =	vst v63  }
0x81: {  	_ =	swait.ge [sflag:s29], $0x2800  }
0x82: {  	[sflag:s29] =	ssyncset.done $0x0  }
0x83: {  	[sflag:s29] =	ssyncadd.s32 $0xFFFFD800  }
0x84: {  	_ =	swait.ge [sflag:s26], $0x2800  }
0x85: {  	[sflag:s26] =	ssyncset.done $0x0  }
0x86: {  	[sflag:s26] =	ssyncadd.s32 $0xFFFFD800  }
0x87: {  	[spmem:s2] =	stream.indirect.scatter.add.f32 [tilespmem:s25], [sflag:$0x5], $0x80, s7, s1, $0xb8;
	[tilespmem:$0x1AF40] =	vst v63  }
0x88: {  	_ =	swait.ge [sflag:s29], $0x2800  }
0x89: {  	[sflag:s29] =	ssyncset.done $0x0  }
0x8a: {  	[sflag:s29] =	ssyncadd.s32 $0xFFFFD800  }
0x8b: {  	_ =	swait.ge [sflag:s8], $0x7D0  }
0x8c: {  	[sflag:s8] =	ssyncset.done $0x0  }
0x8d: {  	[sflag:s8] =	ssyncadd.s32 $0xFFFFF830  }
0x8e: {  	_ =	swait.ge [sflag:s9], $0x7D0  }
0x8f: {  	[sflag:s9] =	ssyncset.done $0x0  }
0x90: {  	s12 =	simm.s32 $0x0;
	[sflag:s9] =	ssyncadd.s32 $0xFFFFF830  }
0x91: {  	[tilespmem:s28], [sflag:$0x3] =	stream.linear.gather [hbm4b:s17+s12], $0x7D0, $0x38;
	[tilespmem:$0x1AF40] =	vst v63  }
0x92: {  	_ = 	snop  }
0x93: {  	[tilespmem:s30], [sflag:$0x4] =	stream.linear.gather [hbm4b:s18+s12], $0x7D0, $0x38;
	[tilespmem:$0x1AF40] =	vst v63  }
0x94: {  	_ = 	snop  }
0x95: {  	[tilespmem:s25], [sflag:$0x1] =	stream.indirect.gather [hbm4b:s4+s1], $0x80, s31, s1, $0xb8;
	[tilespmem:$0x1AF40] =	vst v63  }
0x96: {  	_ =	swait.ge [sflag:s26], $0x2800  }
0x97: {  	[sflag:s26] =	ssyncset.done $0x0  }
0x98: {  	s15 =	simm.s32 $0x14FF0;
	[sflag:s26] =	ssyncadd.s32 $0xFFFFD800  }
0x99: {  	[tilespmem:s3], [sflag:$0x2] =	stream.indirect.gather [hbm4b:s4+s1], $0x80, s15, s1, $0xb8;
	[tilespmem:$0x1AF40] =	vst v63  }
0x9a: {  	s13 =	simm.s32 $0x15770  }
0x9b: {  	[spmem:s2] =	stream.indirect.scatter.add.f32 [tilespmem:s25], [sflag:$0x5], $0x80, s13, s1, $0xb8;
	[tilespmem:$0x1AF40] =	vst v63  }
0x9c: {  	_ =	swait.ge [sflag:s29], $0x2800  }
0x9d: {  	[sflag:s29] =	ssyncset.done $0x0  }
0x9e: {  	[sflag:s29] =	ssyncadd.s32 $0xFFFFD800  }
0x9f: {  	_ =	swait.ge [sflag:s6], $0x2800  }
0xa0: {  	[sflag:s6] =	ssyncset.done $0x0  }
0xa1: {  	s14 =	simm.s32 $0x15040;
	[sflag:s6] =	ssyncadd.s32 $0xFFFFD800  }
0xa2: {  	[tilespmem:s25], [sflag:$0x1] =	stream.indirect.gather [hbm4b:s4+s1], $0x80, s14, s1, $0xb8;
	[tilespmem:$0x1AF40] =	vst v63  }
0xa3: {  	s15 =	simm.s32 $0x157C0  }
0xa4: {  	[spmem:s2] =	stream.indirect.scatter.add.f32 [tilespmem:s3], [sflag:$0x5], $0x80, s15, s1, $0xb8;
	[tilespmem:$0x1AF40] =	vst v63  }
0xa5: {  	_ =	swait.ge [sflag:s29], $0x2800  }
0xa6: {  	s12 =	simm.s32 $0x280;
	[sflag:s29] =	ssyncset.done $0x0  }
.LBB2_6:
0xa7: {  	p0 =	sne.s32 s12, $0x1B80  }
0xa8: {  	[sflag:s29] =	ssyncadd.s32 $0xFFFFD800;
	s13 =	smov.u32 s12;
	s12 =	sadd.s32 $0x280, s12  }
0xa9: {  	_ = 	snop  }
0xaa: {  	_ =	swait.ge [sflag:s26], $0x2800  }
0xab: {  	s13 =	sshra.s32 s13, $0x2;
	[sflag:s26] =	ssyncset.done $0x0  }
0xac: {  	s14 =	sadd.s32 $0x14FF0, s13;
	[sflag:s26] =	ssyncadd.s32 $0xFFFFD800  }
0xad: {  	[tilespmem:s3], [sflag:$0x2] =	stream.indirect.gather [hbm4b:s4+s1], $0x80, s14, s1, $0xb8;
	[tilespmem:$0x1AF40] =	vst v63  }
0xae: {  	s14 =	sadd.s32 $0x15770, s13  }
0xaf: {  	[spmem:s2] =	stream.indirect.scatter.add.f32 [tilespmem:s25], [sflag:$0x5], $0x80, s14, s1, $0xb8;
	[tilespmem:$0x1AF40] =	vst v63  }
0xb0: {  	_ =	swait.ge [sflag:s29], $0x2800  }
0xb1: {  	[sflag:s29] =	ssyncset.done $0x0  }
0xb2: {  	[sflag:s29] =	ssyncadd.s32 $0xFFFFD800  }
0xb3: {  	_ =	swait.ge [sflag:s6], $0x2800  }
0xb4: {  	[sflag:s6] =	ssyncset.done $0x0  }
0xb5: {  	s14 =	sadd.s32 $0x15040, s13;
	[sflag:s6] =	ssyncadd.s32 $0xFFFFD800  }
0xb6: {  	[tilespmem:s25], [sflag:$0x1] =	stream.indirect.gather [hbm4b:s4+s1], $0x80, s14, s1, $0xb8;
	[tilespmem:$0x1AF40] =	vst v63  }
.Ltmp2:
0xb7: {  	_ = 	snop;
	(pc) =	sbr.rel @p0 .LBB2_6-.Ltmp2, $4  }
0xb8: {  	s13 =	sadd.s32 $0x157C0, s13  }
0xb9: {  	[spmem:s2] =	stream.indirect.scatter.add.f32 [tilespmem:s3], [sflag:$0x5], $0x80, s13, s1, $0xb8;
	[tilespmem:$0x1AF40] =	vst v63  }
0xba: {  	_ =	swait.ge [sflag:s29], $0x2800  }
0xbb: {  	[sflag:s29] =	ssyncset.done $0x0  }
0xbc: {  	[sflag:s29] =	ssyncadd.s32 $0xFFFFD800  }
0xbd: {  	_ =	swait.ge [sflag:s26], $0x2800  }
0xbe: {  	[sflag:s26] =	ssyncset.done $0x0  }
0xbf: {  	[sflag:s26] =	ssyncadd.s32 $0xFFFFD800  }
0xc0: {  	[spmem:s2] =	stream.indirect.scatter.add.f32 [tilespmem:s25], [sflag:$0x5], $0x80, s10, s1, $0xb8;
	[tilespmem:$0x1AF40] =	vst v63  }
0xc1: {  	_ =	swait.ge [sflag:s29], $0x2800  }
0xc2: {  	[sflag:s29] =	ssyncset.done $0x0  }
0xc3: {  	[sflag:s29] =	ssyncadd.s32 $0xFFFFD800  }
0xc4: {  	_ =	swait.ge [sflag:s8], $0x7D0  }
0xc5: {  	[sflag:s8] =	ssyncset.done $0x0  }
0xc6: {  	[sflag:s8] =	ssyncadd.s32 $0xFFFFF830  }
0xc7: {  	_ =	swait.ge [sflag:s9], $0x7D0  }
0xc8: {  	[sflag:s9] =	ssyncset.done $0x0  }
0xc9: {  	s12 =	simm.s32 $0x0;
	[sflag:s9] =	ssyncadd.s32 $0xFFFFF830  }
0xca: {  	[tilespmem:s31], [sflag:$0x3] =	stream.linear.gather [hbm4b:s19+s12], $0x7D0, $0x38;
	[tilespmem:$0x1AF40] =	vst v63  }
0xcb: {  	_ = 	snop  }
0xcc: {  	[tilespmem:s0], [sflag:$0x4] =	stream.linear.gather [hbm4b:s20+s12], $0x7D0, $0x38;
	[tilespmem:$0x1AF40] =	vst v63  }
0xcd: {  	_ = 	snop  }
0xce: {  	[tilespmem:s25], [sflag:$0x1] =	stream.indirect.gather [hbm4b:s4+s1], $0x80, s28, s1, $0xb8;
	[tilespmem:$0x1AF40] =	vst v63  }
0xcf: {  	_ =	swait.ge [sflag:s26], $0x2800  }
0xd0: {  	[sflag:s26] =	ssyncset.done $0x0  }
0xd1: {  	s15 =	simm.s32 $0x14050;
	[sflag:s26] =	ssyncadd.s32 $0xFFFFD800  }
0xd2: {  	[tilespmem:s3], [sflag:$0x2] =	stream.indirect.gather [hbm4b:s4+s1], $0x80, s15, s1, $0xb8;
	[tilespmem:$0x1AF40] =	vst v63  }
0xd3: {  	s13 =	simm.s32 $0x147D0  }
0xd4: {  	[spmem:s2] =	stream.indirect.scatter.add.f32 [tilespmem:s25], [sflag:$0x5], $0x80, s13, s1, $0xb8;
	[tilespmem:$0x1AF40] =	vst v63  }
0xd5: {  	_ =	swait.ge [sflag:s29], $0x2800  }
0xd6: {  	[sflag:s29] =	ssyncset.done $0x0  }
0xd7: {  	[sflag:s29] =	ssyncadd.s32 $0xFFFFD800  }
0xd8: {  	_ =	swait.ge [sflag:s6], $0x2800  }
0xd9: {  	[sflag:s6] =	ssyncset.done $0x0  }
0xda: {  	s14 =	simm.s32 $0x140A0;
	[sflag:s6] =	ssyncadd.s32 $0xFFFFD800  }
0xdb: {  	[tilespmem:s25], [sflag:$0x1] =	stream.indirect.gather [hbm4b:s4+s1], $0x80, s14, s1, $0xb8;
	[tilespmem:$0x1AF40] =	vst v63  }
0xdc: {  	s15 =	simm.s32 $0x14820  }
0xdd: {  	[spmem:s2] =	stream.indirect.scatter.add.f32 [tilespmem:s3], [sflag:$0x5], $0x80, s15, s1, $0xb8;
	[tilespmem:$0x1AF40] =	vst v63  }
0xde: {  	_ =	swait.ge [sflag:s29], $0x2800  }
0xdf: {  	s12 =	simm.s32 $0x280;
	[sflag:s29] =	ssyncset.done $0x0  }
.LBB2_8:
0xe0: {  	p0 =	sne.s32 s12, $0x1B80  }
0xe1: {  	[sflag:s29] =	ssyncadd.s32 $0xFFFFD800;
	s13 =	smov.u32 s12;
	s12 =	sadd.s32 $0x280, s12  }
0xe2: {  	_ = 	snop  }
0xe3: {  	_ =	swait.ge [sflag:s26], $0x2800  }
0xe4: {  	s13 =	sshra.s32 s13, $0x2;
	[sflag:s26] =	ssyncset.done $0x0  }
0xe5: {  	s14 =	sadd.s32 $0x14050, s13;
	[sflag:s26] =	ssyncadd.s32 $0xFFFFD800  }
0xe6: {  	[tilespmem:s3], [sflag:$0x2] =	stream.indirect.gather [hbm4b:s4+s1], $0x80, s14, s1, $0xb8;
	[tilespmem:$0x1AF40] =	vst v63  }
0xe7: {  	s14 =	sadd.s32 $0x147D0, s13  }
0xe8: {  	[spmem:s2] =	stream.indirect.scatter.add.f32 [tilespmem:s25], [sflag:$0x5], $0x80, s14, s1, $0xb8;
	[tilespmem:$0x1AF40] =	vst v63  }
0xe9: {  	_ =	swait.ge [sflag:s29], $0x2800  }
0xea: {  	[sflag:s29] =	ssyncset.done $0x0  }
0xeb: {  	[sflag:s29] =	ssyncadd.s32 $0xFFFFD800  }
0xec: {  	_ =	swait.ge [sflag:s6], $0x2800  }
0xed: {  	[sflag:s6] =	ssyncset.done $0x0  }
0xee: {  	s14 =	sadd.s32 $0x140A0, s13;
	[sflag:s6] =	ssyncadd.s32 $0xFFFFD800  }
0xef: {  	[tilespmem:s25], [sflag:$0x1] =	stream.indirect.gather [hbm4b:s4+s1], $0x80, s14, s1, $0xb8;
	[tilespmem:$0x1AF40] =	vst v63  }
.Ltmp3:
0xf0: {  	_ = 	snop;
	(pc) =	sbr.rel @p0 .LBB2_8-.Ltmp3, $4  }
0xf1: {  	s13 =	sadd.s32 $0x14820, s13  }
0xf2: {  	[spmem:s2] =	stream.indirect.scatter.add.f32 [tilespmem:s3], [sflag:$0x5], $0x80, s13, s1, $0xb8;
	[tilespmem:$0x1AF40] =	vst v63  }
0xf3: {  	_ =	swait.ge [sflag:s29], $0x2800  }
0xf4: {  	[sflag:s29] =	ssyncset.done $0x0  }
0xf5: {  	[sflag:s29] =	ssyncadd.s32 $0xFFFFD800  }
0xf6: {  	_ =	swait.ge [sflag:s26], $0x2800  }
0xf7: {  	[sflag:s26] =	ssyncset.done $0x0  }
0xf8: {  	[sflag:s26] =	ssyncadd.s32 $0xFFFFD800  }
0xf9: {  	[spmem:s2] =	stream.indirect.scatter.add.f32 [tilespmem:s25], [sflag:$0x5], $0x80, s7, s1, $0xb8;
	[tilespmem:$0x1AF40] =	vst v63  }
0xfa: {  	_ =	swait.ge [sflag:s29], $0x2800  }
0xfb: {  	[sflag:s29] =	ssyncset.done $0x0  }
0xfc: {  	[sflag:s29] =	ssyncadd.s32 $0xFFFFD800  }
0xfd: {  	_ =	swait.ge [sflag:s8], $0x7D0  }
0xfe: {  	[sflag:s8] =	ssyncset.done $0x0  }
0xff: {  	[sflag:s8] =	ssyncadd.s32 $0xFFFFF830  }
0x100: {  	_ =	swait.ge [sflag:s9], $0x7D0  }
0x101: {  	[sflag:s9] =	ssyncset.done $0x0  }
0x102: {  	s12 =	simm.s32 $0x0;
	[sflag:s9] =	ssyncadd.s32 $0xFFFFF830  }
0x103: {  	[tilespmem:s28], [sflag:$0x3] =	stream.linear.gather [hbm4b:s21+s12], $0x7D0, $0x38;
	[tilespmem:$0x1AF40] =	vst v63  }
0x104: {  	_ = 	snop  }
0x105: {  	[tilespmem:s30], [sflag:$0x4] =	stream.linear.gather [hbm4b:s22+s12], $0x7D0, $0x38;
	[tilespmem:$0x1AF40] =	vst v63  }
0x106: {  	_ = 	snop  }
0x107: {  	[tilespmem:s25], [sflag:$0x1] =	stream.indirect.gather [hbm4b:s4+s1], $0x80, s31, s1, $0xb8;
	[tilespmem:$0x1AF40] =	vst v63  }
0x108: {  	_ =	swait.ge [sflag:s26], $0x2800  }
0x109: {  	[sflag:s26] =	ssyncset.done $0x0  }
0x10a: {  	s15 =	simm.s32 $0x14FF0;
	[sflag:s26] =	ssyncadd.s32 $0xFFFFD800  }
0x10b: {  	[tilespmem:s3], [sflag:$0x2] =	stream.indirect.gather [hbm4b:s4+s1], $0x80, s15, s1, $0xb8;
	[tilespmem:$0x1AF40] =	vst v63  }
0x10c: {  	s13 =	simm.s32 $0x15770  }
0x10d: {  	[spmem:s2] =	stream.indirect.scatter.add.f32 [tilespmem:s25], [sflag:$0x5], $0x80, s13, s1, $0xb8;
	[tilespmem:$0x1AF40] =	vst v63  }
0x10e: {  	_ =	swait.ge [sflag:s29], $0x2800  }
0x10f: {  	[sflag:s29] =	ssyncset.done $0x0  }
0x110: {  	[sflag:s29] =	ssyncadd.s32 $0xFFFFD800  }
0x111: {  	_ =	swait.ge [sflag:s6], $0x2800  }
0x112: {  	[sflag:s6] =	ssyncset.done $0x0  }
0x113: {  	s14 =	simm.s32 $0x15040;
	[sflag:s6] =	ssyncadd.s32 $0xFFFFD800  }
0x114: {  	[tilespmem:s25], [sflag:$0x1] =	stream.indirect.gather [hbm4b:s4+s1], $0x80, s14, s1, $0xb8;
	[tilespmem:$0x1AF40] =	vst v63  }
0x115: {  	s15 =	simm.s32 $0x157C0  }
0x116: {  	[spmem:s2] =	stream.indirect.scatter.add.f32 [tilespmem:s3], [sflag:$0x5], $0x80, s15, s1, $0xb8;
	[tilespmem:$0x1AF40] =	vst v63  }
0x117: {  	_ =	swait.ge [sflag:s29], $0x2800  }
0x118: {  	s12 =	simm.s32 $0x280;
	[sflag:s29] =	ssyncset.done $0x0  }
.LBB2_10:
0x119: {  	p0 =	sne.s32 s12, $0x1B80  }
0x11a: {  	[sflag:s29] =	ssyncadd.s32 $0xFFFFD800;
	s13 =	smov.u32 s12;
	s12 =	sadd.s32 $0x280, s12  }
0x11b: {  	_ = 	snop  }
0x11c: {  	_ =	swait.ge [sflag:s26], $0x2800  }
0x11d: {  	s13 =	sshra.s32 s13, $0x2;
	[sflag:s26] =	ssyncset.done $0x0  }
0x11e: {  	s14 =	sadd.s32 $0x14FF0, s13;
	[sflag:s26] =	ssyncadd.s32 $0xFFFFD800  }
0x11f: {  	[tilespmem:s3], [sflag:$0x2] =	stream.indirect.gather [hbm4b:s4+s1], $0x80, s14, s1, $0xb8;
	[tilespmem:$0x1AF40] =	vst v63  }
0x120: {  	s14 =	sadd.s32 $0x15770, s13  }
0x121: {  	[spmem:s2] =	stream.indirect.scatter.add.f32 [tilespmem:s25], [sflag:$0x5], $0x80, s14, s1, $0xb8;
	[tilespmem:$0x1AF40] =	vst v63  }
0x122: {  	_ =	swait.ge [sflag:s29], $0x2800  }
0x123: {  	[sflag:s29] =	ssyncset.done $0x0  }
0x124: {  	[sflag:s29] =	ssyncadd.s32 $0xFFFFD800  }
0x125: {  	_ =	swait.ge [sflag:s6], $0x2800  }
0x126: {  	[sflag:s6] =	ssyncset.done $0x0  }
0x127: {  	s14 =	sadd.s32 $0x15040, s13;
	[sflag:s6] =	ssyncadd.s32 $0xFFFFD800  }
0x128: {  	[tilespmem:s25], [sflag:$0x1] =	stream.indirect.gather [hbm4b:s4+s1], $0x80, s14, s1, $0xb8;
	[tilespmem:$0x1AF40] =	vst v63  }
.Ltmp4:
0x129: {  	_ = 	snop;
	(pc) =	sbr.rel @p0 .LBB2_10-.Ltmp4, $4  }
0x12a: {  	s13 =	sadd.s32 $0x157C0, s13  }
0x12b: {  	[spmem:s2] =	stream.indirect.scatter.add.f32 [tilespmem:s3], [sflag:$0x5], $0x80, s13, s1, $0xb8;
	[tilespmem:$0x1AF40] =	vst v63  }
0x12c: {  	_ =	swait.ge [sflag:s29], $0x2800  }
0x12d: {  	[sflag:s29] =	ssyncset.done $0x0  }
0x12e: {  	[sflag:s29] =	ssyncadd.s32 $0xFFFFD800  }
0x12f: {  	_ =	swait.ge [sflag:s26], $0x2800  }
0x130: {  	[sflag:s26] =	ssyncset.done $0x0  }
0x131: {  	[sflag:s26] =	ssyncadd.s32 $0xFFFFD800  }
0x132: {  	[spmem:s2] =	stream.indirect.scatter.add.f32 [tilespmem:s25], [sflag:$0x5], $0x80, s10, s1, $0xb8;
	[tilespmem:$0x1AF40] =	vst v63  }
0x133: {  	_ =	swait.ge [sflag:s29], $0x2800  }
0x134: {  	[sflag:s29] =	ssyncset.done $0x0  }
0x135: {  	[sflag:s29] =	ssyncadd.s32 $0xFFFFD800  }
0x136: {  	_ =	swait.ge [sflag:s8], $0x7D0  }
0x137: {  	[sflag:s8] =	ssyncset.done $0x0  }
0x138: {  	[sflag:s8] =	ssyncadd.s32 $0xFFFFF830  }
0x139: {  	_ =	swait.ge [sflag:s9], $0x7D0  }
0x13a: {  	[sflag:s9] =	ssyncset.done $0x0  }
0x13b: {  	[sflag:s9] =	ssyncadd.s32 $0xFFFFF830  }
0x13c: {  	[tilespmem:s25], [sflag:$0x1] =	stream.indirect.gather [hbm4b:s4+s1], $0x80, s28, s1, $0xb8;
	[tilespmem:$0x1AF40] =	vst v63  }
0x13d: {  	_ =	swait.ge [sflag:s26], $0x2800  }
0x13e: {  	[sflag:s26] =	ssyncset.done $0x0  }
0x13f: {  	s12 =	simm.s32 $0x14050;
	[sflag:s26] =	ssyncadd.s32 $0xFFFFD800  }
0x140: {  	[tilespmem:s3], [sflag:$0x2] =	stream.indirect.gather [hbm4b:s4+s1], $0x80, s12, s1, $0xb8;
	[tilespmem:$0x1AF40] =	vst v63  }
0x141: {  	s13 =	simm.s32 $0x147D0  }
0x142: {  	[spmem:s2] =	stream.indirect.scatter.add.f32 [tilespmem:s25], [sflag:$0x5], $0x80, s13, s1, $0xb8;
	[tilespmem:$0x1AF40] =	vst v63  }
0x143: {  	_ =	swait.ge [sflag:s29], $0x2800  }
0x144: {  	[sflag:s29] =	ssyncset.done $0x0  }
0x145: {  	[sflag:s29] =	ssyncadd.s32 $0xFFFFD800  }
0x146: {  	_ =	swait.ge [sflag:s6], $0x2800  }
0x147: {  	[sflag:s6] =	ssyncset.done $0x0  }
0x148: {  	s14 =	simm.s32 $0x140A0;
	[sflag:s6] =	ssyncadd.s32 $0xFFFFD800  }
0x149: {  	[tilespmem:s25], [sflag:$0x1] =	stream.indirect.gather [hbm4b:s4+s1], $0x80, s14, s1, $0xb8;
	[tilespmem:$0x1AF40] =	vst v63  }
0x14a: {  	s15 =	simm.s32 $0x14820  }
0x14b: {  	[spmem:s2] =	stream.indirect.scatter.add.f32 [tilespmem:s3], [sflag:$0x5], $0x80, s15, s1, $0xb8;
	[tilespmem:$0x1AF40] =	vst v63  }
0x14c: {  	_ =	swait.ge [sflag:s29], $0x2800  }
0x14d: {  	s12 =	simm.s32 $0x280;
	[sflag:s29] =	ssyncset.done $0x0  }
.LBB2_12:
0x14e: {  	p0 =	sne.s32 s12, $0x1B80  }
0x14f: {  	[sflag:s29] =	ssyncadd.s32 $0xFFFFD800;
	s13 =	smov.u32 s12;
	s12 =	sadd.s32 $0x280, s12  }
0x150: {  	_ = 	snop  }
0x151: {  	_ =	swait.ge [sflag:s26], $0x2800  }
0x152: {  	s13 =	sshra.s32 s13, $0x2;
	[sflag:s26] =	ssyncset.done $0x0  }
0x153: {  	s14 =	sadd.s32 $0x14050, s13;
	[sflag:s26] =	ssyncadd.s32 $0xFFFFD800  }
0x154: {  	[tilespmem:s3], [sflag:$0x2] =	stream.indirect.gather [hbm4b:s4+s1], $0x80, s14, s1, $0xb8;
	[tilespmem:$0x1AF40] =	vst v63  }
0x155: {  	s14 =	sadd.s32 $0x147D0, s13  }
0x156: {  	[spmem:s2] =	stream.indirect.scatter.add.f32 [tilespmem:s25], [sflag:$0x5], $0x80, s14, s1, $0xb8;
	[tilespmem:$0x1AF40] =	vst v63  }
0x157: {  	_ =	swait.ge [sflag:s29], $0x2800  }
0x158: {  	[sflag:s29] =	ssyncset.done $0x0  }
0x159: {  	[sflag:s29] =	ssyncadd.s32 $0xFFFFD800  }
0x15a: {  	_ =	swait.ge [sflag:s6], $0x2800  }
0x15b: {  	[sflag:s6] =	ssyncset.done $0x0  }
0x15c: {  	s14 =	sadd.s32 $0x140A0, s13;
	[sflag:s6] =	ssyncadd.s32 $0xFFFFD800  }
0x15d: {  	[tilespmem:s25], [sflag:$0x1] =	stream.indirect.gather [hbm4b:s4+s1], $0x80, s14, s1, $0xb8;
	[tilespmem:$0x1AF40] =	vst v63  }
.Ltmp5:
0x15e: {  	_ = 	snop;
	(pc) =	sbr.rel @p0 .LBB2_12-.Ltmp5, $4  }
0x15f: {  	s13 =	sadd.s32 $0x14820, s13  }
0x160: {  	[spmem:s2] =	stream.indirect.scatter.add.f32 [tilespmem:s3], [sflag:$0x5], $0x80, s13, s1, $0xb8;
	[tilespmem:$0x1AF40] =	vst v63  }
0x161: {  	_ =	swait.ge [sflag:s29], $0x2800  }
0x162: {  	[sflag:s29] =	ssyncset.done $0x0  }
0x163: {  	[sflag:s29] =	ssyncadd.s32 $0xFFFFD800  }
0x164: {  	_ =	swait.ge [sflag:s26], $0x2800  }
0x165: {  	[sflag:s26] =	ssyncset.done $0x0  }
0x166: {  	[sflag:s26] =	ssyncadd.s32 $0xFFFFD800  }
0x167: {  	[spmem:s2] =	stream.indirect.scatter.add.f32 [tilespmem:s25], [sflag:$0x5], $0x80, s7, s1, $0xb8;
	[tilespmem:$0x1AF40] =	vst v63  }
0x168: {  	s12 =	stileid.u32;
	_ =	swait.ge [sflag:s29], $0x2800  }
0x169: {  	s13 =	sshrl.u32 s5, $0x3;
	s11 =	sadd.s32 $0x1, s11;
	[sflag:s29] =	ssyncset.done $0x0  }
0x16a: {  	s12 =	sshll.u32 s12, $0x6;
	p0 =	sne.s32 s11, s24;
	[sflag:s29] =	ssyncadd.s32 $0xFFFFD800  }
.Ltmp6:
0x16b: {  	s12 =	sor.u32 $0x1C05, s12;
	[bflag:$0x0] =	sbarrier.arrive $0xFFFF;
	(pc) =	sbr.rel @p0 .LBB2_1-.Ltmp6, $4  }
0x16c: {  	[hbm:s23], [sflag:s12] =	dma.local [spmem:s13], $0x2800  }
0x16d: {  	_ =	swait.ge [sflag:s29], $0x2800  }
0x16e: {  	[sflag:s29] =	ssyncset.done $0x0  }
0x16f: {  	[sflag:s29] =	ssyncadd.s32 $0xFFFFD800  }
0x170: {  	_ =	sfence.sel $0x180000  }
0x171: {  	[bflag:$0x0] =	sbarrier.arrive $0xFFFF  }
0x172: {  	_ =	strace $0x9000004A  }
0x173: {  	s0 =	stileid.u32;
	[bflag:$0x2] =	sbarrier.arrive $0xFFFF  }
0x174: {  	p0 =	sne.s32 s0, $0x0;
	s0 =	rddreg [dreg:$0x2]  }
0x175: {  	s0 =	sadd.s32 @!p0 $0x100000, s0  }
0x176: {  	[sflag:s0] =	ssyncadd.tile.s32 @!p0 $0x1;
	_ =	shalt  }
.Lfunc_end2:
_tile_overlayer_lowered:
.L_overlay_start_2:
0x177: {  	(tag) =	ssettag $0x2  }
0x178: {  	s0 =	rddreg [dreg:$0x0];
	s2 =	stileid.u32  }
0x179: {  	s1 =	rddreg [dreg:$0x1];
	p0 =	sne.s32 s2, $0x0  }
0x17a: {  	s3 =	rddreg [dreg:$0x2];
	[bflag:$0x3] =	sbarrier.arrive $0xFFFF;
	s2 =	simm.s32 @!p0 $0x1C05  }
0x17b: {  	[timem:s3], [sflag:s2] =	dma.local @!p0 [hbm:s0], s1  }
0x17c: {  	s0 =	simm.s32 @!p0 $0x5  }
0x17d: {  	_ =	swait.ge @!p0 [sflag:s0], s1  }
0x17e: {  	s1 =	ssub.s32 @!p0 $0x0, s1;
	[sflag:s0] =	ssyncset.done @!p0 $0x0  }
0x17f: {  	[sflag:s0] =	ssyncadd.s32 @!p0 s1  }
0x180: {  	[bflag:$0x3] =	sbarrier.arrive $0xFFFF  }
0x181: {  	_ =	shalt  }

// kernel: kernel.7.cloned.1.call-start
scs
__scs_entry_jumppad:
0x0: {  	(pc) =	sbr.rel $0x88, $3  }
0x1: {  	(tag) =	ssettag $0x0;
	lr =	simm.s32 $0x1  }
0x2: {  	[smem:$0x3F97] =	sst lr;
	_ =	strace $0xD0000000  }
0x3: {  	_ = 	snop  }
0x4: {  	_ = 	snop  }
0x5: {  	_ = 	snop  }
0x6: {  	_ = 	snop  }
0x7: {  	_ = 	snop  }
__scs_overlays_trampoline_lowered:
0x8: {  	[smem:$0x3FA6] =	sst s0  }
0x9: {  	[smem:$0x3FA7] =	sst s1  }
0xa: {  	[smem:$0x3FA8] =	sst s2  }
0xb: {  	[smem:$0x3FA9] =	sst s3  }
0xc: {  	[smem:$0x3FAA] =	sst s4  }
0xd: {  	[smem:$0x3FAB] =	sst s5  }
0xe: {  	[smem:$0x3FAC] =	sst s6  }
0xf: {  	[smem:$0x3FAD] =	sst s7  }
0x10: {  	[smem:$0x3FAE] =	sst s8  }
0x11: {  	[smem:$0x3FAF] =	sst s9;
	s0 =	simm.s32 @!p0 $0x0  }
0x12: {  	s1 =	sld [smem:$0x3F95];
	s0 =	simm.s32 @p0 $0x1  }
0x13: {  	[smem:$0x3FB0] =	sst s0;
	s0 =	simm.s32 @!p1 $0x0  }
0x14: {  	s2 =	sld [smem:$0x3F94];
	s0 =	simm.s32 @p1 $0x1  }
0x15: {  	[smem:$0x3FB1] =	sst s0;
	s0 =	simm.s32 @!p2 $0x0  }
0x16: {  	s3 =	sld [smem:$0x3FDB];
	s0 =	simm.s32 @p2 $0x1  }
0x17: {  	s4 =	simm.s32 $0x1BF5;
	[smem:$0x3FB3] =	sst s0  }
0x18: {  	s0 =	sld [smem:$0x3F96];
	_ =	swait.ge [sflag:s4], $0x0  }
0x19: {  	s7 =	sld [smem:$0x3F97]  }
0x1a: {  	s8 =	sadd.s32 $0xFFFFE003, lr  }
0x1b: {  	s9 =	sadd.s32 $0xFFFFFEF7, lr;
	s5 =	simm.s32 $0xFFFFFFFF;
	p2 =	slt.u32 s8, $0xFFFFF086  }
0x1c: {  	p1 =	slt.u32 s9, $0xF7A;
	s5 =	simm.s32 @!p2 $0x0  }
0x1d: {  	s5 =	simm.s32 @p1 $0x1;
	p0 =	seq.s32 s7, s2  }
0x1e: {  	s7 =	smul.u32 @!p0 $0xF7A, s2;
	p2 =	seq.s32 @!p0 s5, $0x0  }
0x1f: {  	s9 =	smul.u32 $0xF7A, s1;
	s8 =	simm.s32 @!p0 $0x1BF5;
	p2 =	por !p2, p0  }
0x20: {  	[sflag:s8] =	ssyncset.s32 @!p0 $0xFFFFF086;
	s6 =	sadd.s32 @!p0 s3, s7;
	s7 =	simm.s32 @!p0 $0x108  }
0x21: {  	s3 =	sadd.s32 s3, s9;
	s6 =	sadd.s32 @!p0 $0x88, s6;
	s7 =	simm.s32 @p2 $0x1082  }
0x22: {  	[simem:s7], [sflag:s8] =	dma.local @!p0 [hbm:s6], $0xF7A  }
0x23: {  	s9 =	sor.u32 $0xD0000000, s2;
	s6 =	simm.s32 $0x108;
	_ =	swait.ge @!p0 [sflag:s8], $0x0  }
0x24: {  	s3 =	sadd.s32 $0x88, s3;
	s6 =	simm.s32 @!p1 $0x1082;
	[sflag:s4] =	ssyncset.s32 $0xFFFFF086  }
0x25: {  	[simem:s6], [sflag:s4] =	dma.local [hbm:s3], $0xF7A  }
0x26: {  	[smem:$0x3F97] =	sst s1;
	(tag) =	ssettag s2;
	_ =	strace s9  }
0x27: {  	s1 =	sld [smem:$0x3FA7]  }
0x28: {  	s2 =	sld [smem:$0x3FA8]  }
0x29: {  	s4 =	sld [smem:$0x3FAA]  }
0x2a: {  	p0 =	seq.s32 s5, $0x0;
	s5 =	sld [smem:$0x3FAB]  }
0x2b: {  	s6 =	sld [smem:$0x3FAC]  }
0x2c: {  	s7 =	sld [smem:$0x3FAD]  }
0x2d: {  	s3 =	simm.s32 $0x108;
	s8 =	sld [smem:$0x3FAE]  }
0x2e: {  	s3 =	simm.s32 @!p0 $0x1082;
	s9 =	sld [smem:$0x3FAF]  }
0x2f: {  	lr =	sadd.s32 s0, s3;
	s0 =	sld [smem:$0x3FA6]  }
0x30: {  	s3 =	sld [smem:$0x3FA9]  }
0x31: {  	[smem:$0x3FB2] =	sst s10  }
0x32: {  	s10 =	sld [smem:$0x3FB0];
	_ =	sdelay $0x3  }
0x33: {  	p0 =	seq.s32 s10, $0x1;
	s10 =	sld [smem:$0x3FB2];
	_ =	sdelay $0x3  }
0x34: {  	[smem:$0x3FB2] =	sst s10  }
0x35: {  	s10 =	sld [smem:$0x3FB1];
	_ =	sdelay $0x3  }
0x36: {  	p1 =	seq.s32 s10, $0x1;
	s10 =	sld [smem:$0x3FB2];
	_ =	sdelay $0x3  }
0x37: {  	[smem:$0x3FB2] =	sst s10  }
0x38: {  	s10 =	sld [smem:$0x3FB3]  }
0x39: {  	_ = 	snop;
	(pc) =	sbr.ind lr, $3  }
0x3a: {  	_ = 	snop  }
0x3b: {  	_ = 	snop  }
0x3c: {  	p2 =	seq.s32 s10, $0x1;
	s10 =	sld [smem:$0x3FB2]  }
0x3d: {  	_ =	shalt  }
0x3e: {  	_ =	shalt  }
0x3f: {  	_ =	shalt  }
0x40: {  	_ =	shalt  }
0x41: {  	_ =	shalt  }
0x42: {  	_ =	shalt  }
0x43: {  	_ =	shalt  }
0x44: {  	_ =	shalt  }
0x45: {  	_ =	shalt  }
0x46: {  	_ =	shalt  }
0x47: {  	_ =	shalt  }
0x48: {  	_ =	shalt  }
0x49: {  	_ =	shalt  }
0x4a: {  	_ =	shalt  }
0x4b: {  	_ =	shalt  }
0x4c: {  	_ =	shalt  }
0x4d: {  	_ =	shalt  }
0x4e: {  	_ =	shalt  }
0x4f: {  	_ =	shalt  }
0x50: {  	_ =	shalt  }
0x51: {  	_ =	shalt  }
0x52: {  	_ =	shalt  }
0x53: {  	_ =	shalt  }
0x54: {  	_ =	shalt  }
0x55: {  	_ =	shalt  }
0x56: {  	_ =	shalt  }
0x57: {  	_ =	shalt  }
0x58: {  	_ =	shalt  }
0x59: {  	_ =	shalt  }
0x5a: {  	_ =	shalt  }
0x5b: {  	_ =	shalt  }
0x5c: {  	_ =	shalt  }
0x5d: {  	_ =	shalt  }
0x5e: {  	_ =	shalt  }
0x5f: {  	_ =	shalt  }
0x60: {  	_ =	shalt  }
0x61: {  	_ =	shalt  }
0x62: {  	_ =	shalt  }
0x63: {  	_ =	shalt  }
0x64: {  	_ =	shalt  }
0x65: {  	_ =	shalt  }
0x66: {  	_ =	shalt  }
0x67: {  	_ =	shalt  }
0x68: {  	_ =	shalt  }
0x69: {  	_ =	shalt  }
0x6a: {  	_ =	shalt  }
0x6b: {  	_ =	shalt  }
0x6c: {  	_ =	shalt  }
0x6d: {  	_ =	shalt  }
0x6e: {  	_ =	shalt  }
0x6f: {  	_ =	shalt  }
0x70: {  	_ =	shalt  }
0x71: {  	_ =	shalt  }
0x72: {  	_ =	shalt  }
0x73: {  	_ =	shalt  }
0x74: {  	_ =	shalt  }
0x75: {  	_ =	shalt  }
0x76: {  	_ =	shalt  }
0x77: {  	_ =	shalt  }
0x78: {  	_ =	shalt  }
0x79: {  	_ =	shalt  }
0x7a: {  	_ =	shalt  }
0x7b: {  	_ =	shalt  }
0x7c: {  	_ =	shalt  }
0x7d: {  	_ =	shalt  }
0x7e: {  	_ =	shalt  }
0x7f: {  	_ =	shalt  }
0x80: {  	_ =	shalt  }
0x81: {  	_ =	shalt  }
0x82: {  	_ =	shalt  }
0x83: {  	_ =	shalt  }
0x84: {  	_ =	shalt  }
0x85: {  	_ =	shalt  }
0x86: {  	_ =	shalt  }
0x87: {  	_ =	shalt  }
.Lfunc_end0:
.L_simem_size_0:
called_computation_lowered:
.L_overlay_start_0:
0x88: {  	s2 =	sld [smem:$0x3FD9]  }
0x89: {  	s3 =	sld [smem:$0x3FFE];
	_ =	sdelay $0x1  }
0x8a: {  	s1 =	srdreg.scid  }
0x8b: {  	s0 =	sand.u32 $0x1, s1  }
0x8c: {  	s17 =	sshll.u32 s0, $0xA;
	s2 =	sadd.s32 s3, s2  }
0x8d: {  	s2 =	sadd.s32 s2, s17  }
0x8e: {  	[smem:$0x3FBE] =	sst s2  }
0x8f: {  	_ = 	snop  }
0x90: {  	s2 =	sld [smem:$0x3FC9];
	(tm) =	ssettm $0x1  }
0x91: {  	s18 =	sld [smem:$0x3FFB];
	_ =	sdelay $0x3  }
0x92: {  	_ =	strace s18  }
0x93: {  	s3 =	sld [smem:$0x3FFC];
	_ =	sdelay $0x3  }
0x94: {  	_ =	strace s3  }
0x95: {  	s3 =	sld [smem:$0x3FFD];
	_ =	sdelay $0x3  }
0x96: {  	_ =	strace s3  }
0x97: {  	_ =	strace $0x8FFFFFFF  }
0x98: {  	s19 =	sld [smem:$0x3FDB];
	_ =	sdelay $0x1  }
0x99: {  	s4 =	simm.s32 $_scs_section_size  }
0x9a: {  	s5 =	simm.s32 $_size__tile_overlayer_lowered;
	s6 =	simm.s32 $_tile_overlayer_lowered  }
0x9b: {  	s22 =	simm.s32 $0x1BFF;
	s21 =	sshll.u32 s6, $0x1;
	s3 =	sadd.s32 s4, s19  }
0x9c: {  	s7 =	simm.s32 $0x0;
	s20 =	sshll.u32 s5, $0x1;
	s5 =	sadd.s32 s21, s3  }
0x9d: {  	[timem:s7], [sflag:s22] =	dma.local [hbm:s5], s20  }
0x9e: {  	_ =	swait.ge [sflag:s22], s20  }
0x9f: {  	s4 =	ssub.s32 $0x0, s20;
	[sflag:s22] =	ssyncset.done $0x0  }
0xa0: {  	[sflag:s22] =	ssyncadd.s32 s4;
	_ =	sdelay $0x1  }
0xa1: {  	s23 =	simm.s32 $0x1B8B  }
0xa2: {  	_ =	swait.ge [sflag:s23], $0x1  }
0xa3: {  	[sflag:s23] =	ssyncset.done $0x0  }
0xa4: {  	s25 =	simm.s32 $0x1B8E;
	s24 =	sld [smem:$0x3FFE];
	[sflag:s23] =	ssyncadd.s32 $0xFFFFFFFF  }
0xa5: {  	s26 =	simm.s32 $execute0_lowered;
	[smem:$0x3FD2] =	sst s25  }
0xa6: {  	s5 =	sshll.u32 s26, $0x1;
	_ =	strace $0x80000046;
	[dreg:$0x1] =	wrdreg $0xFFFFFFFF  }
0xa7: {  	s28 =	simm.s32 $_size_execute0_lowered;
	s3 =	sadd.s32 s3, s5;
	[dreg:$0x0] =	wrdreg $0x0  }
0xa8: {  	s5 =	sshll.u32 s28, $0x1;
	[dreg:$0x2] =	wrdreg s3  }
0xa9: {  	[dreg:$0x3] =	wrdreg s5  }
0xaa: {  	[dreg:$0x4] =	wrdreg $0xC0  }
0xab: {  	_ =	task [dreg:s7], $0x5FFFF  }
0xac: {  	[dreg:$0x1] =	wrdreg $0xFFFFFFFF  }
0xad: {  	[dreg:$0x0] =	wrdreg $0x60  }
0xae: {  	[dreg:$0x2] =	wrdreg s2  }
0xaf: {  	[dreg:$0x3] =	wrdreg s24  }
0xb0: {  	[dreg:$0x4] =	wrdreg $0x0  }
0xb1: {  	[dreg:$0x5] =	wrdreg $0x140000  }
0xb2: {  	[dreg:$0x6] =	wrdreg $0x9  }
0xb3: {  	_ =	task.clear_ibuf [dreg:s7], $0x7FFFF;
	_ =	strace $0x90000046  }
0xb4: {  	s29 =	simm.s32 $0x9;
	_ =	strace $0x80000048  }
0xb5: {  	_ =	swait.ge [sflag:s29], $0x1  }
0xb6: {  	[sflag:s29] =	ssyncadd.s32 $0xFFFFFFFF  }
0xb7: {  	_ =	strace $0x90000048  }
0xb8: {  	_ =	sfence  }
0xb9: {  	s30 =	sld [smem:$0x0];
	_ =	sdelay $0x2  }
0xba: {  	s31 =	sshll.u32 s1, $0xD;
	s1 =	sshrl.u32 s1, $0x2  }
0xbb: {  	s3 =	sand.u32 $0x4000, s31;
	s1 =	sadd.s32 s1, s30  }
0xbc: {  	s0 =	sor.u32 s3, s0;
	s1 =	sshll.u32 s1, $0x11  }
0xbd: {  	s0 =	sor.u32 s1, s0  }
0xbe: {  	s0 =	sadd.s32 $0x8F2B, s0  }
0xbf: {  	[sflag:s0] =	ssyncadd.remote.s32 $0x1  }
0xc0: {  	_ =	sfence.sel $0xFFFF  }
0xc1: {  	[dreg:$0x0] =	wrdreg $0xFFFFFFFF;
	(pc) =	sbr.abs _section_cstart, $3  }
0xc2: {  	[dreg:$0x1] =	wrdreg $0xFFFFFFFF  }
0xc3: {  	_ =	task.clear_ibuf [dreg:s7], $0x2FFFF;
	_ =	strace $0x9FFFFFFF  }
0xc4: {  	(tm) =	ssettm $0x7FFFFFFF  }
0xc5: {  	_ =	shalt  }
tec
execute0_lowered:
.L_overlay_start_1:
0x0: {  	(tag) =	ssettag $0x1  }
0x1: {  	s1 =	rddreg [dreg:$0x0]  }
0x2: {  	s0 =	rddreg [dreg:$0x1]  }
0x3: {  	s2 =	srdreg.scid;
	s16 =	stileid.u32  }
0x4: {  	s3 =	rddreg [dreg:$0x2];
	s6 =	smul.u32 $0x14000, s16  }
0x5: {  	s4 =	rddreg [dreg:$0x3];
	s8 =	smul.u32 $0x2800, s16  }
0x6: {  	s5 =	simm.s32 $0x0;
	s2 =	sand.u32 $0x1, s2;
	s14 =	smul.u32 $0x280, s16  }
0x7: {  	[smem:$0x7FF] =	sst s5;
	s10 =	sadd.s32 $0x16200, s0;
	s7 =	smul.u32 $0x140000, s2  }
0x8: {  	s11 =	sadd.s32 $0x2600, s0;
	s9 =	smul.u32 $0x28000, s2;
	s17 =	ssub.s32 $0x2, s2  }
0x9: {  	_ =	strace $0x80000047;
	s2 =	sshll.u32 s2, $0x4;
	s13 =	sshrl.u32 s17, $0x1  }
0xa: {  	s18 =	sor.u32 s16, s2;
	s19 =	sor.u32 $0x50, s14;
	s21 =	sadd.s32 $0xA0, s14  }
0xb: {  	s16 =	sadd.s32 $0xF0, s14;
	s7 =	sadd.s32 s6, s7;
	s9 =	sadd.s32 s8, s9  }
0xc: {  	s6 =	sadd.s32 s6, s3;
	s20 =	sshll.u32 s19, $0x7;
	s2 =	sshll.u32 s19, $0x4  }
0xd: {  	s19 =	sshll.u32 s16, $0x4;
	s7 =	sshrl.u32 s7, $0x3;
	s15 =	sshrl.u32 s9, $0x3  }
0xe: {  	s9 =	ssub.s32 s17, s13;
	s2 =	sadd.s32 s2, s4;
	s12 =	sadd.s32 s7, s0  }
0xf: {  	s15 =	sadd.s32 s15, s0;
	s0 =	smul.u32 $0x2710, s18;
	s7 =	sadd.s32 s8, s4  }
0x10: {  	s8 =	sadd.s32 s20, s3;
	[dreg:$0x6] =	wrdreg s2;
	s2 =	sshll.u32 s21, $0x4  }
0x11: {  	s18 =	sshll.u32 s16, $0x7;
	s20 =	sadd.s32 $0x140, s14;
	s9 =	smax.u32 s9, $0x1  }
0x12: {  	[dreg:$0x5] =	wrdreg s8;
	s17 =	sadd.s32 s2, s4;
	s0 =	sshrl.u32 s0, $0x3  }
0x13: {  	s16 =	simm.s32 $0x16FD0;
	[dreg:$0x12] =	wrdreg s17;
	s22 =	sadd.s32 s10, s0  }
0x14: {  	s23 =	sadd.s32 $0xFA, s0;
	s24 =	sadd.s32 s11, s0;
	[dreg:$0x7] =	wrdreg s22  }
0x15: {  	s2 =	sshll.u32 s20, $0x4;
	[dreg:$0x8] =	wrdreg s24;
	s25 =	sadd.s32 s10, s23  }
0x16: {  	s26 =	sadd.s32 $0x1F4, s0;
	s8 =	sadd.s32 s11, s23;
	[dreg:$0x9] =	wrdreg s25  }
0x17: {  	s17 =	simm.s32 $0x177A0;
	s28 =	sadd.s32 s10, s26;
	[dreg:$0xa] =	wrdreg s8  }
0x18: {  	s29 =	sadd.s32 $0x2EE, s0;
	s13 =	sadd.s32 s11, s26;
	[dreg:$0xb] =	wrdreg s28  }
0x19: {  	s0 =	sadd.s32 $0x3E8, s0;
	s30 =	sadd.s32 s10, s29;
	[dreg:$0xc] =	wrdreg s13  }
0x1a: {  	s10 =	sadd.s32 s10, s0;
	s0 =	sadd.s32 s11, s0;
	[dreg:$0xd] =	wrdreg s30  }
0x1b: {  	s22 =	sadd.s32 s2, s4;
	s23 =	sadd.s32 $0x190, s14;
	[dreg:$0xf] =	wrdreg s10  }
0x1c: {  	s8 =	sadd.s32 s11, s29;
	[dreg:$0x10] =	wrdreg s0;
	s13 =	sshll.u32 s21, $0x7  }
0x1d: {  	s21 =	sshll.u32 s20, $0x7;
	[dreg:$0x16] =	wrdreg s22;
	s24 =	sshll.u32 s23, $0x7  }
0x1e: {  	s25 =	sadd.s32 $0x1E0, s14;
	s29 =	sadd.s32 $0x230, s14;
	s10 =	simm.s32 $0x18740  }
0x1f: {  	s11 =	simm.s32 $0x1DC40;
	s14 =	simm.s32 $0x16800;
	s20 =	simm.s32 $0x1AF40  }
0x20: {  	s22 =	simm.s32 $0x17750;
	[dreg:$0xe] =	wrdreg s8;
	s0 =	sadd.s32 s13, s3  }
0x21: {  	s2 =	sadd.s32 s24, s3;
	s26 =	sshll.u32 s25, $0x7;
	s28 =	sshll.u32 s25, $0x4  }
0x22: {  	s30 =	sshll.u32 s29, $0x7;
	s8 =	sadd.s32 $0x20000, s15;
	s13 =	simm.s32 $0x2  }
0x23: {  	s15 =	simm.s32 $0x5;
	s24 =	simm.s32 $0x4;
	[dreg:$0x11] =	wrdreg s0  }
0x24: {  	s25 =	simm.s32 $0x186F0;
	s0 =	sadd.s32 s18, s3;
	[dreg:$0x17] =	wrdreg s2  }
0x25: {  	s2 =	sshll.u32 s29, $0x4;
	[dreg:$0x13] =	wrdreg s0;
	s0 =	sadd.s32 s19, s4  }
0x26: {  	s31 =	sadd.s32 s30, s3;
	[dreg:$0x14] =	wrdreg s0;
	s0 =	sadd.s32 s21, s3  }
0x27: {  	s18 =	simm.s32 $0x17F70;
	[dreg:$0x15] =	wrdreg s0;
	s0 =	sshll.u32 s23, $0x4  }
0x28: {  	s2 =	sadd.s32 s2, s4;
	s19 =	simm.s32 $0x50;
	s0 =	sadd.s32 s0, s4  }
0x29: {  	s21 =	simm.s32 $0x1D740;
	[dreg:$0x18] =	wrdreg s0;
	s0 =	sadd.s32 s26, s3  }
0x2a: {  	s23 =	simm.s32 $0x3;
	[dreg:$0x19] =	wrdreg s0;
	s0 =	sadd.s32 s28, s4  }
0x2b: {  	v0 =	vimm.f32 $0.0e+00;
	v1 =	vimm.f32 $1.000000000e+00;
	[dreg:$0x1a] =	wrdreg s0;
	s0 =	sadd.s32 $0x2A000, s12;
	s12 =	simm.s32 $0x1  }
.LBB2_1:
0x2c: {  	s26 =	simm.s32 $0x0;
	s28 =	simm.s32 $0x0  }
.LBB2_2:
0x2d: {  	p0 =	sne.s32 s28, $0x9FC0  }
.Ltmp0:
0x2e: {  	_ = 	snop;
	(pc) =	sbr.rel @p0 .LBB2_2-.Ltmp0, $4  }
0x2f: {  	s29 =	sand.u32 $0xFE00, s28  }
0x30: {  	s30 =	sand.u32 $0x70, s26;
	s29 =	sshrl.u32 s29, $0x2  }
0x31: {  	s29 =	sor.u32 s30, s29  }
0x32: {  	s26 =	sadd.s32 $0x10, s26;
	s28 =	sadd.s32 $0x40, s28;
	[tilespmem:s29+$0x18740] =	vst v0  }
0x33: {  	s26 =	simm.s32 $0x40;
	s28 =	simm.s32 $0x0  }
.LBB2_4:
0x34: {  	p0 =	sne.s32 s26, $0x13C0;
	[tilespmem:s28+$0x1DC40] =	vst v0;
	s29 =	smov.u32 s26;
	s26 =	sadd.s32 $0x40, s26  }
.Ltmp1:
0x35: {  	[tilespmem:s28+$0x1D740] =	vst v1;
	(pc) =	sbr.rel @p0 .LBB2_4-.Ltmp1, $2  }
0x36: {  	_ =	sdelay $0x2  }
0x37: {  	s28 =	sshra.s32 s29, $0x2  }
0x38: {  	[tilespmem:s28+$0x1DC40] =	vst v0  }
0x39: {  	[tilespmem:s28+$0x1D740] =	vst v1  }
0x3a: {  	[spmem:s6] =	stream.linear.scatter [tilespmem:s10], [sflag:$0x1], $0x2800, $0x38;
	[tilespmem:$0x1E140] =	vst v63  }
0x3b: {  	_ = 	snop  }
0x3c: {  	[spmem:s7] =	stream.linear.scatter [tilespmem:s11], [sflag:$0x2], $0x500, $0x38;
	[tilespmem:$0x1E140] =	vst v63  }
0x3d: {  	s26 =	rddreg [dreg:$0x5]  }
0x3e: {  	[spmem:s26] =	stream.linear.scatter [tilespmem:s10], [sflag:$0x1], $0x2800, $0x38;
	[tilespmem:$0x1E140] =	vst v63  }
0x3f: {  	s28 =	rddreg [dreg:$0x6]  }
0x40: {  	[spmem:s28] =	stream.linear.scatter [tilespmem:s11], [sflag:$0x2], $0x500, $0x38;
	[tilespmem:$0x1E140] =	vst v63  }
0x41: {  	s29 =	rddreg [dreg:$0x11]  }
0x42: {  	[spmem:s29] =	stream.linear.scatter [tilespmem:s10], [sflag:$0x1], $0x2800, $0x38;
	[tilespmem:$0x1E140] =	vst v63  }
0x43: {  	s30 =	rddreg [dreg:$0x12]  }
0x44: {  	[spmem:s30] =	stream.linear.scatter [tilespmem:s11], [sflag:$0x2], $0x500, $0x38;
	[tilespmem:$0x1E140] =	vst v63  }
0x45: {  	s28 =	rddreg [dreg:$0x13]  }
0x46: {  	[spmem:s28] =	stream.linear.scatter [tilespmem:s10], [sflag:$0x1], $0x2800, $0x38;
	[tilespmem:$0x1E140] =	vst v63  }
0x47: {  	s29 =	rddreg [dreg:$0x14]  }
0x48: {  	[spmem:s29] =	stream.linear.scatter [tilespmem:s11], [sflag:$0x2], $0x500, $0x38;
	[tilespmem:$0x1E140] =	vst v63  }
0x49: {  	s30 =	rddreg [dreg:$0x15]  }
0x4a: {  	[spmem:s30] =	stream.linear.scatter [tilespmem:s10], [sflag:$0x1], $0x2800, $0x38;
	[tilespmem:$0x1E140] =	vst v63  }
0x4b: {  	s28 =	rddreg [dreg:$0x16]  }
0x4c: {  	[spmem:s28] =	stream.linear.scatter [tilespmem:s11], [sflag:$0x2], $0x500, $0x38;
	[tilespmem:$0x1E140] =	vst v63  }
0x4d: {  	s29 =	rddreg [dreg:$0x17]  }
0x4e: {  	[spmem:s29] =	stream.linear.scatter [tilespmem:s10], [sflag:$0x1], $0x2800, $0x38;
	[tilespmem:$0x1E140] =	vst v63  }
0x4f: {  	s30 =	rddreg [dreg:$0x18]  }
0x50: {  	[spmem:s30] =	stream.linear.scatter [tilespmem:s11], [sflag:$0x2], $0x500, $0x38;
	[tilespmem:$0x1E140] =	vst v63  }
0x51: {  	s28 =	rddreg [dreg:$0x19]  }
0x52: {  	[spmem:s28] =	stream.linear.scatter [tilespmem:s10], [sflag:$0x1], $0x2800, $0x38;
	[tilespmem:$0x1E140] =	vst v63  }
0x53: {  	s29 =	rddreg [dreg:$0x1a]  }
0x54: {  	[spmem:s29] =	stream.linear.scatter [tilespmem:s11], [sflag:$0x2], $0x500, $0x38;
	[tilespmem:$0x1E140] =	vst v63  }
0x55: {  	_ = 	snop  }
0x56: {  	[spmem:s31] =	stream.linear.scatter [tilespmem:s10], [sflag:$0x1], $0x2800, $0x38;
	[tilespmem:$0x1E140] =	vst v63  }
0x57: {  	_ = 	snop  }
0x58: {  	[spmem:s2] =	stream.linear.scatter [tilespmem:s11], [sflag:$0x2], $0x500, $0x38;
	[tilespmem:$0x1E140] =	vst v63  }
0x59: {  	_ =	swait.ge [sflag:s12], $0x2800  }
0x5a: {  	[sflag:s12] =	ssyncset.done $0x0  }
0x5b: {  	[sflag:s12] =	ssyncadd.s32 $0xFFFFD800  }
0x5c: {  	_ =	swait.ge [sflag:s13], $0x500  }
0x5d: {  	[sflag:s13] =	ssyncset.done $0x0  }
0x5e: {  	[sflag:s13] =	ssyncadd.s32 $0xFFFFFB00  }
0x5f: {  	_ =	swait.ge [sflag:s12], $0x2800  }
0x60: {  	[sflag:s12] =	ssyncset.done $0x0  }
0x61: {  	[sflag:s12] =	ssyncadd.s32 $0xFFFFD800  }
0x62: {  	_ =	swait.ge [sflag:s13], $0x500  }
0x63: {  	[sflag:s13] =	ssyncset.done $0x0  }
0x64: {  	[sflag:s13] =	ssyncadd.s32 $0xFFFFFB00  }
0x65: {  	_ =	swait.ge [sflag:s12], $0x2800  }
0x66: {  	[sflag:s12] =	ssyncset.done $0x0  }
0x67: {  	[sflag:s12] =	ssyncadd.s32 $0xFFFFD800  }
0x68: {  	_ =	swait.ge [sflag:s13], $0x500  }
0x69: {  	[sflag:s13] =	ssyncset.done $0x0  }
0x6a: {  	[sflag:s13] =	ssyncadd.s32 $0xFFFFFB00  }
0x6b: {  	_ =	swait.ge [sflag:s12], $0x2800  }
0x6c: {  	[sflag:s12] =	ssyncset.done $0x0  }
0x6d: {  	[sflag:s12] =	ssyncadd.s32 $0xFFFFD800  }
0x6e: {  	_ =	swait.ge [sflag:s13], $0x500  }
0x6f: {  	[sflag:s13] =	ssyncset.done $0x0  }
0x70: {  	[sflag:s13] =	ssyncadd.s32 $0xFFFFFB00  }
0x71: {  	_ =	swait.ge [sflag:s12], $0x2800  }
0x72: {  	[sflag:s12] =	ssyncset.done $0x0  }
0x73: {  	[sflag:s12] =	ssyncadd.s32 $0xFFFFD800  }
0x74: {  	_ =	swait.ge [sflag:s13], $0x500  }
0x75: {  	[sflag:s13] =	ssyncset.done $0x0  }
0x76: {  	[sflag:s13] =	ssyncadd.s32 $0xFFFFFB00  }
0x77: {  	_ =	swait.ge [sflag:s12], $0x2800  }
0x78: {  	[sflag:s12] =	ssyncset.done $0x0  }
0x79: {  	[sflag:s12] =	ssyncadd.s32 $0xFFFFD800  }
0x7a: {  	_ =	swait.ge [sflag:s13], $0x500  }
0x7b: {  	[sflag:s13] =	ssyncset.done $0x0  }
0x7c: {  	[sflag:s13] =	ssyncadd.s32 $0xFFFFFB00  }
0x7d: {  	_ =	swait.ge [sflag:s12], $0x2800  }
0x7e: {  	[sflag:s12] =	ssyncset.done $0x0  }
0x7f: {  	[sflag:s12] =	ssyncadd.s32 $0xFFFFD800  }
0x80: {  	_ =	swait.ge [sflag:s13], $0x500  }
0x81: {  	[sflag:s13] =	ssyncset.done $0x0  }
0x82: {  	[sflag:s13] =	ssyncadd.s32 $0xFFFFFB00  }
0x83: {  	_ =	swait.ge [sflag:s12], $0x2800  }
0x84: {  	[sflag:s12] =	ssyncset.done $0x0  }
0x85: {  	[sflag:s12] =	ssyncadd.s32 $0xFFFFD800  }
0x86: {  	_ =	swait.ge [sflag:s13], $0x500  }
0x87: {  	[sflag:s13] =	ssyncset.done $0x0  }
0x88: {  	[sflag:s13] =	ssyncadd.s32 $0xFFFFFB00  }
0x89: {  	[bflag:$0x0] =	sbarrier.arrive $0xFFFF  }
0x8a: {  	s26 =	simm.s32 $0x0;
	s30 =	rddreg [dreg:$0x7]  }
0x8b: {  	[tilespmem:s14], [sflag:$0x5] =	stream.linear.gather [hbm4b:s30+s26], $0x7D0, $0x38;
	[tilespmem:$0x1E140] =	vst v63  }
0x8c: {  	_ =	swait.ge [sflag:s15], $0x7D0  }
0x8d: {  	[sflag:s15] =	ssyncset.done $0x0  }
0x8e: {  	s29 =	rddreg [dreg:$0x8];
	[sflag:s15] =	ssyncadd.s32 $0xFFFFF830  }
0x8f: {  	[tilespmem:s16], [sflag:$0x5] =	stream.linear.gather [hbm4b:s29+s26], $0x7D0, $0x38;
	[tilespmem:$0x1E140] =	vst v63  }
0x90: {  	_ =	swait.ge [sflag:s15], $0x7D0  }
0x91: {  	[sflag:s15] =	ssyncset.done $0x0  }
0x92: {  	s30 =	rddreg [dreg:$0x9];
	[sflag:s15] =	ssyncadd.s32 $0xFFFFF830  }
0x93: {  	[tilespmem:s17], [sflag:$0x3] =	stream.linear.gather [hbm4b:s30+s26], $0x7D0, $0x38;
	[tilespmem:$0x1E140] =	vst v63  }
0x94: {  	s29 =	rddreg [dreg:$0xa]  }
0x95: {  	[tilespmem:s18], [sflag:$0x4] =	stream.linear.gather [hbm4b:s29+s26], $0x7D0, $0x38;
	[tilespmem:$0x1E140] =	vst v63  }
0x96: {  	_ = 	snop  }
0x97: {  	[tilespmem:s10], [sflag:$0x1] =	stream.indirect.gather [hbm4b:s1+s19], $0x80, s14, s19, $0xb8;
	[tilespmem:$0x1E140] =	vst v63  }
0x98: {  	_ =	swait.ge [sflag:s12], $0x2800  }
0x99: {  	[sflag:s12] =	ssyncset.done $0x0  }
0x9a: {  	s30 =	simm.s32 $0x16850;
	[sflag:s12] =	ssyncadd.s32 $0xFFFFD800  }
0x9b: {  	[tilespmem:s20], [sflag:$0x2] =	stream.indirect.gather [hbm4b:s1+s19], $0x80, s30, s19, $0xb8;
	[tilespmem:$0x1E140] =	vst v63  }
0x9c: {  	s28 =	simm.s32 $0x16FD0  }
0x9d: {  	[spmem:s3] =	stream.indirect.scatter.add.f32 [tilespmem:s10], [sflag:$0x5], $0x80, s28, s19, $0xb8;
	[tilespmem:$0x1E140] =	vst v63  }
0x9e: {  	_ =	swait.ge [sflag:s15], $0x2800  }
0x9f: {  	[sflag:s15] =	ssyncset.done $0x0  }
0xa0: {  	[sflag:s15] =	ssyncadd.s32 $0xFFFFD800  }
0xa1: {  	[spmem:s4] =	stream.indirect.scatter.add.f32 [tilespmem:s21], [sflag:$0x5], $0x10, s28, s19, $0xb8;
	[tilespmem:$0x1E140] =	vst v63  }
0xa2: {  	_ =	swait.ge [sflag:s15], $0x500  }
0xa3: {  	[sflag:s15] =	ssyncset.done $0x0  }
0xa4: {  	[sflag:s15] =	ssyncadd.s32 $0xFFFFFB00  }
0xa5: {  	_ =	swait.ge [sflag:s13], $0x2800  }
0xa6: {  	[sflag:s13] =	ssyncset.done $0x0  }
0xa7: {  	s29 =	simm.s32 $0x168A0;
	[sflag:s13] =	ssyncadd.s32 $0xFFFFD800  }
0xa8: {  	[tilespmem:s10], [sflag:$0x1] =	stream.indirect.gather [hbm4b:s1+s19], $0x80, s29, s19, $0xb8;
	[tilespmem:$0x1E140] =	vst v63  }
0xa9: {  	s30 =	simm.s32 $0x17020  }
0xaa: {  	[spmem:s3] =	stream.indirect.scatter.add.f32 [tilespmem:s20], [sflag:$0x5], $0x80, s30, s19, $0xb8;
	[tilespmem:$0x1E140] =	vst v63  }
0xab: {  	_ =	swait.ge [sflag:s15], $0x2800  }
0xac: {  	[sflag:s15] =	ssyncset.done $0x0  }
0xad: {  	[sflag:s15] =	ssyncadd.s32 $0xFFFFD800  }
0xae: {  	[spmem:s4] =	stream.indirect.scatter.add.f32 [tilespmem:s21], [sflag:$0x5], $0x10, s30, s19, $0xb8;
	[tilespmem:$0x1E140] =	vst v63  }
0xaf: {  	_ =	swait.ge [sflag:s15], $0x500  }
0xb0: {  	s26 =	simm.s32 $0x280;
	[sflag:s15] =	ssyncset.done $0x0  }
.LBB2_6:
0xb1: {  	p0 =	sne.s32 s26, $0x1B80  }
0xb2: {  	[sflag:s15] =	ssyncadd.s32 $0xFFFFFB00;
	s28 =	smov.u32 s26;
	s26 =	sadd.s32 $0x280, s26  }
0xb3: {  	_ =	swait.ge [sflag:s12], $0x2800  }
0xb4: {  	s28 =	sshra.s32 s28, $0x2;
	[sflag:s12] =	ssyncset.done $0x0  }
0xb5: {  	s29 =	sadd.s32 $0x16850, s28;
	[sflag:s12] =	ssyncadd.s32 $0xFFFFD800  }
0xb6: {  	[tilespmem:s20], [sflag:$0x2] =	stream.indirect.gather [hbm4b:s1+s19], $0x80, s29, s19, $0xb8;
	[tilespmem:$0x1E140] =	vst v63  }
0xb7: {  	s29 =	sadd.s32 $0x16FD0, s28  }
0xb8: {  	[spmem:s3] =	stream.indirect.scatter.add.f32 [tilespmem:s10], [sflag:$0x5], $0x80, s29, s19, $0xb8;
	[tilespmem:$0x1E140] =	vst v63  }
0xb9: {  	_ =	swait.ge [sflag:s15], $0x2800  }
0xba: {  	[sflag:s15] =	ssyncset.done $0x0  }
0xbb: {  	[sflag:s15] =	ssyncadd.s32 $0xFFFFD800  }
0xbc: {  	[spmem:s4] =	stream.indirect.scatter.add.f32 [tilespmem:s21], [sflag:$0x5], $0x10, s29, s19, $0xb8;
	[tilespmem:$0x1E140] =	vst v63  }
0xbd: {  	_ =	swait.ge [sflag:s15], $0x500  }
0xbe: {  	[sflag:s15] =	ssyncset.done $0x0  }
0xbf: {  	[sflag:s15] =	ssyncadd.s32 $0xFFFFFB00  }
0xc0: {  	_ =	swait.ge [sflag:s13], $0x2800  }
0xc1: {  	[sflag:s13] =	ssyncset.done $0x0  }
0xc2: {  	s29 =	sadd.s32 $0x168A0, s28;
	[sflag:s13] =	ssyncadd.s32 $0xFFFFD800  }
0xc3: {  	[tilespmem:s10], [sflag:$0x1] =	stream.indirect.gather [hbm4b:s1+s19], $0x80, s29, s19, $0xb8;
	[tilespmem:$0x1E140] =	vst v63  }
0xc4: {  	s28 =	sadd.s32 $0x17020, s28  }
0xc5: {  	[spmem:s3] =	stream.indirect.scatter.add.f32 [tilespmem:s20], [sflag:$0x5], $0x80, s28, s19, $0xb8;
	[tilespmem:$0x1E140] =	vst v63  }
0xc6: {  	_ =	swait.ge [sflag:s15], $0x2800  }
.Ltmp2:
0xc7: {  	[sflag:s15] =	ssyncset.done $0x0;
	(pc) =	sbr.rel @p0 .LBB2_6-.Ltmp2, $4  }
0xc8: {  	[sflag:s15] =	ssyncadd.s32 $0xFFFFD800  }
0xc9: {  	[spmem:s4] =	stream.indirect.scatter.add.f32 [tilespmem:s21], [sflag:$0x5], $0x10, s28, s19, $0xb8;
	[tilespmem:$0x1E140] =	vst v63  }
0xca: {  	_ =	swait.ge [sflag:s15], $0x500  }
0xcb: {  	[sflag:s15] =	ssyncset.done $0x0  }
0xcc: {  	[sflag:s15] =	ssyncadd.s32 $0xFFFFFB00  }
0xcd: {  	_ =	swait.ge [sflag:s12], $0x2800  }
0xce: {  	[sflag:s12] =	ssyncset.done $0x0  }
0xcf: {  	[sflag:s12] =	ssyncadd.s32 $0xFFFFD800  }
0xd0: {  	[spmem:s3] =	stream.indirect.scatter.add.f32 [tilespmem:s10], [sflag:$0x5], $0x80, s22, s19, $0xb8;
	[tilespmem:$0x1E140] =	vst v63  }
0xd1: {  	_ =	swait.ge [sflag:s15], $0x2800  }
0xd2: {  	[sflag:s15] =	ssyncset.done $0x0  }
0xd3: {  	[sflag:s15] =	ssyncadd.s32 $0xFFFFD800  }
0xd4: {  	[spmem:s4] =	stream.indirect.scatter.add.f32 [tilespmem:s21], [sflag:$0x5], $0x10, s22, s19, $0xb8;
	[tilespmem:$0x1E140] =	vst v63  }
0xd5: {  	_ =	swait.ge [sflag:s15], $0x500  }
0xd6: {  	[sflag:s15] =	ssyncset.done $0x0  }
0xd7: {  	[sflag:s15] =	ssyncadd.s32 $0xFFFFFB00  }
0xd8: {  	_ =	swait.ge [sflag:s23], $0x7D0  }
0xd9: {  	[sflag:s23] =	ssyncset.done $0x0  }
0xda: {  	[sflag:s23] =	ssyncadd.s32 $0xFFFFF830  }
0xdb: {  	_ =	swait.ge [sflag:s24], $0x7D0  }
0xdc: {  	[sflag:s24] =	ssyncset.done $0x0  }
0xdd: {  	s26 =	simm.s32 $0x0;
	s28 =	rddreg [dreg:$0xb];
	[sflag:s24] =	ssyncadd.s32 $0xFFFFF830  }
0xde: {  	[tilespmem:s14], [sflag:$0x3] =	stream.linear.gather [hbm4b:s28+s26], $0x7D0, $0x38;
	[tilespmem:$0x1E140] =	vst v63  }
0xdf: {  	s29 =	rddreg [dreg:$0xc]  }
0xe0: {  	[tilespmem:s16], [sflag:$0x4] =	stream.linear.gather [hbm4b:s29+s26], $0x7D0, $0x38;
	[tilespmem:$0x1E140] =	vst v63  }
0xe1: {  	_ = 	snop  }
0xe2: {  	[tilespmem:s10], [sflag:$0x1] =	stream.indirect.gather [hbm4b:s1+s19], $0x80, s17, s19, $0xb8;
	[tilespmem:$0x1E140] =	vst v63  }
0xe3: {  	_ =	swait.ge [sflag:s12], $0x2800  }
0xe4: {  	[sflag:s12] =	ssyncset.done $0x0  }
0xe5: {  	s30 =	simm.s32 $0x177F0;
	[sflag:s12] =	ssyncadd.s32 $0xFFFFD800  }
0xe6: {  	[tilespmem:s20], [sflag:$0x2] =	stream.indirect.gather [hbm4b:s1+s19], $0x80, s30, s19, $0xb8;
	[tilespmem:$0x1E140] =	vst v63  }
0xe7: {  	s28 =	simm.s32 $0x17F70  }
0xe8: {  	[spmem:s3] =	stream.indirect.scatter.add.f32 [tilespmem:s10], [sflag:$0x5], $0x80, s28, s19, $0xb8;
	[tilespmem:$0x1E140] =	vst v63  }
0xe9: {  	_ =	swait.ge [sflag:s15], $0x2800  }
0xea: {  	[sflag:s15] =	ssyncset.done $0x0  }
0xeb: {  	[sflag:s15] =	ssyncadd.s32 $0xFFFFD800  }
0xec: {  	[spmem:s4] =	stream.indirect.scatter.add.f32 [tilespmem:s21], [sflag:$0x5], $0x10, s28, s19, $0xb8;
	[tilespmem:$0x1E140] =	vst v63  }
0xed: {  	_ =	swait.ge [sflag:s15], $0x500  }
0xee: {  	[sflag:s15] =	ssyncset.done $0x0  }
0xef: {  	[sflag:s15] =	ssyncadd.s32 $0xFFFFFB00  }
0xf0: {  	_ =	swait.ge [sflag:s13], $0x2800  }
0xf1: {  	[sflag:s13] =	ssyncset.done $0x0  }
0xf2: {  	s29 =	simm.s32 $0x17840;
	[sflag:s13] =	ssyncadd.s32 $0xFFFFD800  }
0xf3: {  	[tilespmem:s10], [sflag:$0x1] =	stream.indirect.gather [hbm4b:s1+s19], $0x80, s29, s19, $0xb8;
	[tilespmem:$0x1E140] =	vst v63  }
0xf4: {  	s30 =	simm.s32 $0x17FC0  }
0xf5: {  	[spmem:s3] =	stream.indirect.scatter.add.f32 [tilespmem:s20], [sflag:$0x5], $0x80, s30, s19, $0xb8;
	[tilespmem:$0x1E140] =	vst v63  }
0xf6: {  	_ =	swait.ge [sflag:s15], $0x2800  }
0xf7: {  	[sflag:s15] =	ssyncset.done $0x0  }
0xf8: {  	[sflag:s15] =	ssyncadd.s32 $0xFFFFD800  }
0xf9: {  	[spmem:s4] =	stream.indirect.scatter.add.f32 [tilespmem:s21], [sflag:$0x5], $0x10, s30, s19, $0xb8;
	[tilespmem:$0x1E140] =	vst v63  }
0xfa: {  	_ =	swait.ge [sflag:s15], $0x500  }
0xfb: {  	s26 =	simm.s32 $0x280;
	[sflag:s15] =	ssyncset.done $0x0  }
.LBB2_8:
0xfc: {  	p0 =	sne.s32 s26, $0x1B80  }
0xfd: {  	[sflag:s15] =	ssyncadd.s32 $0xFFFFFB00;
	s28 =	smov.u32 s26;
	s26 =	sadd.s32 $0x280, s26  }
0xfe: {  	_ =	swait.ge [sflag:s12], $0x2800  }
0xff: {  	s28 =	sshra.s32 s28, $0x2;
	[sflag:s12] =	ssyncset.done $0x0  }
0x100: {  	s29 =	sadd.s32 $0x177F0, s28;
	[sflag:s12] =	ssyncadd.s32 $0xFFFFD800  }
0x101: {  	[tilespmem:s20], [sflag:$0x2] =	stream.indirect.gather [hbm4b:s1+s19], $0x80, s29, s19, $0xb8;
	[tilespmem:$0x1E140] =	vst v63  }
0x102: {  	s29 =	sadd.s32 $0x17F70, s28  }
0x103: {  	[spmem:s3] =	stream.indirect.scatter.add.f32 [tilespmem:s10], [sflag:$0x5], $0x80, s29, s19, $0xb8;
	[tilespmem:$0x1E140] =	vst v63  }
0x104: {  	_ =	swait.ge [sflag:s15], $0x2800  }
0x105: {  	[sflag:s15] =	ssyncset.done $0x0  }
0x106: {  	[sflag:s15] =	ssyncadd.s32 $0xFFFFD800  }
0x107: {  	[spmem:s4] =	stream.indirect.scatter.add.f32 [tilespmem:s21], [sflag:$0x5], $0x10, s29, s19, $0xb8;
	[tilespmem:$0x1E140] =	vst v63  }
0x108: {  	_ =	swait.ge [sflag:s15], $0x500  }
0x109: {  	[sflag:s15] =	ssyncset.done $0x0  }
0x10a: {  	[sflag:s15] =	ssyncadd.s32 $0xFFFFFB00  }
0x10b: {  	_ =	swait.ge [sflag:s13], $0x2800  }
0x10c: {  	[sflag:s13] =	ssyncset.done $0x0  }
0x10d: {  	s29 =	sadd.s32 $0x17840, s28;
	[sflag:s13] =	ssyncadd.s32 $0xFFFFD800  }
0x10e: {  	[tilespmem:s10], [sflag:$0x1] =	stream.indirect.gather [hbm4b:s1+s19], $0x80, s29, s19, $0xb8;
	[tilespmem:$0x1E140] =	vst v63  }
0x10f: {  	s28 =	sadd.s32 $0x17FC0, s28  }
0x110: {  	[spmem:s3] =	stream.indirect.scatter.add.f32 [tilespmem:s20], [sflag:$0x5], $0x80, s28, s19, $0xb8;
	[tilespmem:$0x1E140] =	vst v63  }
0x111: {  	_ =	swait.ge [sflag:s15], $0x2800  }
.Ltmp3:
0x112: {  	[sflag:s15] =	ssyncset.done $0x0;
	(pc) =	sbr.rel @p0 .LBB2_8-.Ltmp3, $4  }
0x113: {  	[sflag:s15] =	ssyncadd.s32 $0xFFFFD800  }
0x114: {  	[spmem:s4] =	stream.indirect.scatter.add.f32 [tilespmem:s21], [sflag:$0x5], $0x10, s28, s19, $0xb8;
	[tilespmem:$0x1E140] =	vst v63  }
0x115: {  	_ =	swait.ge [sflag:s15], $0x500  }
0x116: {  	[sflag:s15] =	ssyncset.done $0x0  }
0x117: {  	[sflag:s15] =	ssyncadd.s32 $0xFFFFFB00  }
0x118: {  	_ =	swait.ge [sflag:s12], $0x2800  }
0x119: {  	[sflag:s12] =	ssyncset.done $0x0  }
0x11a: {  	[sflag:s12] =	ssyncadd.s32 $0xFFFFD800  }
0x11b: {  	[spmem:s3] =	stream.indirect.scatter.add.f32 [tilespmem:s10], [sflag:$0x5], $0x80, s25, s19, $0xb8;
	[tilespmem:$0x1E140] =	vst v63  }
0x11c: {  	_ =	swait.ge [sflag:s15], $0x2800  }
0x11d: {  	[sflag:s15] =	ssyncset.done $0x0  }
0x11e: {  	[sflag:s15] =	ssyncadd.s32 $0xFFFFD800  }
0x11f: {  	[spmem:s4] =	stream.indirect.scatter.add.f32 [tilespmem:s21], [sflag:$0x5], $0x10, s25, s19, $0xb8;
	[tilespmem:$0x1E140] =	vst v63  }
0x120: {  	_ =	swait.ge [sflag:s15], $0x500  }
0x121: {  	[sflag:s15] =	ssyncset.done $0x0  }
0x122: {  	[sflag:s15] =	ssyncadd.s32 $0xFFFFFB00  }
0x123: {  	_ =	swait.ge [sflag:s23], $0x7D0  }
0x124: {  	[sflag:s23] =	ssyncset.done $0x0  }
0x125: {  	[sflag:s23] =	ssyncadd.s32 $0xFFFFF830  }
0x126: {  	_ =	swait.ge [sflag:s24], $0x7D0  }
0x127: {  	[sflag:s24] =	ssyncset.done $0x0  }
0x128: {  	s26 =	simm.s32 $0x0;
	s28 =	rddreg [dreg:$0xd];
	[sflag:s24] =	ssyncadd.s32 $0xFFFFF830  }
0x129: {  	[tilespmem:s17], [sflag:$0x3] =	stream.linear.gather [hbm4b:s28+s26], $0x7D0, $0x38;
	[tilespmem:$0x1E140] =	vst v63  }
0x12a: {  	s29 =	rddreg [dreg:$0xe]  }
0x12b: {  	[tilespmem:s18], [sflag:$0x4] =	stream.linear.gather [hbm4b:s29+s26], $0x7D0, $0x38;
	[tilespmem:$0x1E140] =	vst v63  }
0x12c: {  	_ = 	snop  }
0x12d: {  	[tilespmem:s10], [sflag:$0x1] =	stream.indirect.gather [hbm4b:s1+s19], $0x80, s14, s19, $0xb8;
	[tilespmem:$0x1E140] =	vst v63  }
0x12e: {  	_ =	swait.ge [sflag:s12], $0x2800  }
0x12f: {  	[sflag:s12] =	ssyncset.done $0x0  }
0x130: {  	s30 =	simm.s32 $0x16850;
	[sflag:s12] =	ssyncadd.s32 $0xFFFFD800  }
0x131: {  	[tilespmem:s20], [sflag:$0x2] =	stream.indirect.gather [hbm4b:s1+s19], $0x80, s30, s19, $0xb8;
	[tilespmem:$0x1E140] =	vst v63  }
0x132: {  	s28 =	simm.s32 $0x16FD0  }
0x133: {  	[spmem:s3] =	stream.indirect.scatter.add.f32 [tilespmem:s10], [sflag:$0x5], $0x80, s28, s19, $0xb8;
	[tilespmem:$0x1E140] =	vst v63  }
0x134: {  	_ =	swait.ge [sflag:s15], $0x2800  }
0x135: {  	[sflag:s15] =	ssyncset.done $0x0  }
0x136: {  	[sflag:s15] =	ssyncadd.s32 $0xFFFFD800  }
0x137: {  	[spmem:s4] =	stream.indirect.scatter.add.f32 [tilespmem:s21], [sflag:$0x5], $0x10, s28, s19, $0xb8;
	[tilespmem:$0x1E140] =	vst v63  }
0x138: {  	_ =	swait.ge [sflag:s15], $0x500  }
0x139: {  	[sflag:s15] =	ssyncset.done $0x0  }
0x13a: {  	[sflag:s15] =	ssyncadd.s32 $0xFFFFFB00  }
0x13b: {  	_ =	swait.ge [sflag:s13], $0x2800  }
0x13c: {  	[sflag:s13] =	ssyncset.done $0x0  }
0x13d: {  	s29 =	simm.s32 $0x168A0;
	[sflag:s13] =	ssyncadd.s32 $0xFFFFD800  }
0x13e: {  	[tilespmem:s10], [sflag:$0x1] =	stream.indirect.gather [hbm4b:s1+s19], $0x80, s29, s19, $0xb8;
	[tilespmem:$0x1E140] =	vst v63  }
0x13f: {  	s30 =	simm.s32 $0x17020  }
0x140: {  	[spmem:s3] =	stream.indirect.scatter.add.f32 [tilespmem:s20], [sflag:$0x5], $0x80, s30, s19, $0xb8;
	[tilespmem:$0x1E140] =	vst v63  }
0x141: {  	_ =	swait.ge [sflag:s15], $0x2800  }
0x142: {  	[sflag:s15] =	ssyncset.done $0x0  }
0x143: {  	[sflag:s15] =	ssyncadd.s32 $0xFFFFD800  }
0x144: {  	[spmem:s4] =	stream.indirect.scatter.add.f32 [tilespmem:s21], [sflag:$0x5], $0x10, s30, s19, $0xb8;
	[tilespmem:$0x1E140] =	vst v63  }
0x145: {  	_ =	swait.ge [sflag:s15], $0x500  }
0x146: {  	s26 =	simm.s32 $0x280;
	[sflag:s15] =	ssyncset.done $0x0  }
.LBB2_10:
0x147: {  	p0 =	sne.s32 s26, $0x1B80  }
0x148: {  	[sflag:s15] =	ssyncadd.s32 $0xFFFFFB00;
	s28 =	smov.u32 s26;
	s26 =	sadd.s32 $0x280, s26  }
0x149: {  	_ =	swait.ge [sflag:s12], $0x2800  }
0x14a: {  	s28 =	sshra.s32 s28, $0x2;
	[sflag:s12] =	ssyncset.done $0x0  }
0x14b: {  	s29 =	sadd.s32 $0x16850, s28;
	[sflag:s12] =	ssyncadd.s32 $0xFFFFD800  }
0x14c: {  	[tilespmem:s20], [sflag:$0x2] =	stream.indirect.gather [hbm4b:s1+s19], $0x80, s29, s19, $0xb8;
	[tilespmem:$0x1E140] =	vst v63  }
0x14d: {  	s29 =	sadd.s32 $0x16FD0, s28  }
0x14e: {  	[spmem:s3] =	stream.indirect.scatter.add.f32 [tilespmem:s10], [sflag:$0x5], $0x80, s29, s19, $0xb8;
	[tilespmem:$0x1E140] =	vst v63  }
0x14f: {  	_ =	swait.ge [sflag:s15], $0x2800  }
0x150: {  	[sflag:s15] =	ssyncset.done $0x0  }
0x151: {  	[sflag:s15] =	ssyncadd.s32 $0xFFFFD800  }
0x152: {  	[spmem:s4] =	stream.indirect.scatter.add.f32 [tilespmem:s21], [sflag:$0x5], $0x10, s29, s19, $0xb8;
	[tilespmem:$0x1E140] =	vst v63  }
0x153: {  	_ =	swait.ge [sflag:s15], $0x500  }
0x154: {  	[sflag:s15] =	ssyncset.done $0x0  }
0x155: {  	[sflag:s15] =	ssyncadd.s32 $0xFFFFFB00  }
0x156: {  	_ =	swait.ge [sflag:s13], $0x2800  }
0x157: {  	[sflag:s13] =	ssyncset.done $0x0  }
0x158: {  	s29 =	sadd.s32 $0x168A0, s28;
	[sflag:s13] =	ssyncadd.s32 $0xFFFFD800  }
0x159: {  	[tilespmem:s10], [sflag:$0x1] =	stream.indirect.gather [hbm4b:s1+s19], $0x80, s29, s19, $0xb8;
	[tilespmem:$0x1E140] =	vst v63  }
0x15a: {  	s28 =	sadd.s32 $0x17020, s28  }
0x15b: {  	[spmem:s3] =	stream.indirect.scatter.add.f32 [tilespmem:s20], [sflag:$0x5], $0x80, s28, s19, $0xb8;
	[tilespmem:$0x1E140] =	vst v63  }
0x15c: {  	_ =	swait.ge [sflag:s15], $0x2800  }
.Ltmp4:
0x15d: {  	[sflag:s15] =	ssyncset.done $0x0;
	(pc) =	sbr.rel @p0 .LBB2_10-.Ltmp4, $4  }
0x15e: {  	[sflag:s15] =	ssyncadd.s32 $0xFFFFD800  }
0x15f: {  	[spmem:s4] =	stream.indirect.scatter.add.f32 [tilespmem:s21], [sflag:$0x5], $0x10, s28, s19, $0xb8;
	[tilespmem:$0x1E140] =	vst v63  }
0x160: {  	_ =	swait.ge [sflag:s15], $0x500  }
0x161: {  	[sflag:s15] =	ssyncset.done $0x0  }
0x162: {  	[sflag:s15] =	ssyncadd.s32 $0xFFFFFB00  }
0x163: {  	_ =	swait.ge [sflag:s12], $0x2800  }
0x164: {  	[sflag:s12] =	ssyncset.done $0x0  }
0x165: {  	[sflag:s12] =	ssyncadd.s32 $0xFFFFD800  }
0x166: {  	[spmem:s3] =	stream.indirect.scatter.add.f32 [tilespmem:s10], [sflag:$0x5], $0x80, s22, s19, $0xb8;
	[tilespmem:$0x1E140] =	vst v63  }
0x167: {  	_ =	swait.ge [sflag:s15], $0x2800  }
0x168: {  	[sflag:s15] =	ssyncset.done $0x0  }
0x169: {  	[sflag:s15] =	ssyncadd.s32 $0xFFFFD800  }
0x16a: {  	[spmem:s4] =	stream.indirect.scatter.add.f32 [tilespmem:s21], [sflag:$0x5], $0x10, s22, s19, $0xb8;
	[tilespmem:$0x1E140] =	vst v63  }
0x16b: {  	_ =	swait.ge [sflag:s15], $0x500  }
0x16c: {  	[sflag:s15] =	ssyncset.done $0x0  }
0x16d: {  	[sflag:s15] =	ssyncadd.s32 $0xFFFFFB00  }
0x16e: {  	_ =	swait.ge [sflag:s23], $0x7D0  }
0x16f: {  	[sflag:s23] =	ssyncset.done $0x0  }
0x170: {  	[sflag:s23] =	ssyncadd.s32 $0xFFFFF830  }
0x171: {  	_ =	swait.ge [sflag:s24], $0x7D0  }
0x172: {  	[sflag:s24] =	ssyncset.done $0x0  }
0x173: {  	s26 =	simm.s32 $0x0;
	s28 =	rddreg [dreg:$0xf];
	[sflag:s24] =	ssyncadd.s32 $0xFFFFF830  }
0x174: {  	[tilespmem:s14], [sflag:$0x3] =	stream.linear.gather [hbm4b:s28+s26], $0x7D0, $0x38;
	[tilespmem:$0x1E140] =	vst v63  }
0x175: {  	s29 =	rddreg [dreg:$0x10]  }
0x176: {  	[tilespmem:s16], [sflag:$0x4] =	stream.linear.gather [hbm4b:s29+s26], $0x7D0, $0x38;
	[tilespmem:$0x1E140] =	vst v63  }
0x177: {  	_ = 	snop  }
0x178: {  	[tilespmem:s10], [sflag:$0x1] =	stream.indirect.gather [hbm4b:s1+s19], $0x80, s17, s19, $0xb8;
	[tilespmem:$0x1E140] =	vst v63  }
0x179: {  	_ =	swait.ge [sflag:s12], $0x2800  }
0x17a: {  	[sflag:s12] =	ssyncset.done $0x0  }
0x17b: {  	s30 =	simm.s32 $0x177F0;
	[sflag:s12] =	ssyncadd.s32 $0xFFFFD800  }
0x17c: {  	[tilespmem:s20], [sflag:$0x2] =	stream.indirect.gather [hbm4b:s1+s19], $0x80, s30, s19, $0xb8;
	[tilespmem:$0x1E140] =	vst v63  }
0x17d: {  	s28 =	simm.s32 $0x17F70  }
0x17e: {  	[spmem:s3] =	stream.indirect.scatter.add.f32 [tilespmem:s10], [sflag:$0x5], $0x80, s28, s19, $0xb8;
	[tilespmem:$0x1E140] =	vst v63  }
0x17f: {  	_ =	swait.ge [sflag:s15], $0x2800  }
0x180: {  	[sflag:s15] =	ssyncset.done $0x0  }
0x181: {  	[sflag:s15] =	ssyncadd.s32 $0xFFFFD800  }
0x182: {  	[spmem:s4] =	stream.indirect.scatter.add.f32 [tilespmem:s21], [sflag:$0x5], $0x10, s28, s19, $0xb8;
	[tilespmem:$0x1E140] =	vst v63  }
0x183: {  	_ =	swait.ge [sflag:s15], $0x500  }
0x184: {  	[sflag:s15] =	ssyncset.done $0x0  }
0x185: {  	[sflag:s15] =	ssyncadd.s32 $0xFFFFFB00  }
0x186: {  	_ =	swait.ge [sflag:s13], $0x2800  }
0x187: {  	[sflag:s13] =	ssyncset.done $0x0  }
0x188: {  	s29 =	simm.s32 $0x17840;
	[sflag:s13] =	ssyncadd.s32 $0xFFFFD800  }
0x189: {  	[tilespmem:s10], [sflag:$0x1] =	stream.indirect.gather [hbm4b:s1+s19], $0x80, s29, s19, $0xb8;
	[tilespmem:$0x1E140] =	vst v63  }
0x18a: {  	s30 =	simm.s32 $0x17FC0  }
0x18b: {  	[spmem:s3] =	stream.indirect.scatter.add.f32 [tilespmem:s20], [sflag:$0x5], $0x80, s30, s19, $0xb8;
	[tilespmem:$0x1E140] =	vst v63  }
0x18c: {  	_ =	swait.ge [sflag:s15], $0x2800  }
0x18d: {  	[sflag:s15] =	ssyncset.done $0x0  }
0x18e: {  	[sflag:s15] =	ssyncadd.s32 $0xFFFFD800  }
0x18f: {  	[spmem:s4] =	stream.indirect.scatter.add.f32 [tilespmem:s21], [sflag:$0x5], $0x10, s30, s19, $0xb8;
	[tilespmem:$0x1E140] =	vst v63  }
0x190: {  	_ =	swait.ge [sflag:s15], $0x500  }
0x191: {  	s26 =	simm.s32 $0x280;
	[sflag:s15] =	ssyncset.done $0x0  }
.LBB2_12:
0x192: {  	p0 =	sne.s32 s26, $0x1B80  }
0x193: {  	[sflag:s15] =	ssyncadd.s32 $0xFFFFFB00;
	s28 =	smov.u32 s26;
	s26 =	sadd.s32 $0x280, s26  }
0x194: {  	_ =	swait.ge [sflag:s12], $0x2800  }
0x195: {  	s28 =	sshra.s32 s28, $0x2;
	[sflag:s12] =	ssyncset.done $0x0  }
0x196: {  	s29 =	sadd.s32 $0x177F0, s28;
	[sflag:s12] =	ssyncadd.s32 $0xFFFFD800  }
0x197: {  	[tilespmem:s20], [sflag:$0x2] =	stream.indirect.gather [hbm4b:s1+s19], $0x80, s29, s19, $0xb8;
	[tilespmem:$0x1E140] =	vst v63  }
0x198: {  	s29 =	sadd.s32 $0x17F70, s28  }
0x199: {  	[spmem:s3] =	stream.indirect.scatter.add.f32 [tilespmem:s10], [sflag:$0x5], $0x80, s29, s19, $0xb8;
	[tilespmem:$0x1E140] =	vst v63  }
0x19a: {  	_ =	swait.ge [sflag:s15], $0x2800  }
0x19b: {  	[sflag:s15] =	ssyncset.done $0x0  }
0x19c: {  	[sflag:s15] =	ssyncadd.s32 $0xFFFFD800  }
0x19d: {  	[spmem:s4] =	stream.indirect.scatter.add.f32 [tilespmem:s21], [sflag:$0x5], $0x10, s29, s19, $0xb8;
	[tilespmem:$0x1E140] =	vst v63  }
0x19e: {  	_ =	swait.ge [sflag:s15], $0x500  }
0x19f: {  	[sflag:s15] =	ssyncset.done $0x0  }
0x1a0: {  	[sflag:s15] =	ssyncadd.s32 $0xFFFFFB00  }
0x1a1: {  	_ =	swait.ge [sflag:s13], $0x2800  }
0x1a2: {  	[sflag:s13] =	ssyncset.done $0x0  }
0x1a3: {  	s29 =	sadd.s32 $0x17840, s28;
	[sflag:s13] =	ssyncadd.s32 $0xFFFFD800  }
0x1a4: {  	[tilespmem:s10], [sflag:$0x1] =	stream.indirect.gather [hbm4b:s1+s19], $0x80, s29, s19, $0xb8;
	[tilespmem:$0x1E140] =	vst v63  }
0x1a5: {  	s28 =	sadd.s32 $0x17FC0, s28  }
0x1a6: {  	[spmem:s3] =	stream.indirect.scatter.add.f32 [tilespmem:s20], [sflag:$0x5], $0x80, s28, s19, $0xb8;
	[tilespmem:$0x1E140] =	vst v63  }
0x1a7: {  	_ =	swait.ge [sflag:s15], $0x2800  }
.Ltmp5:
0x1a8: {  	[sflag:s15] =	ssyncset.done $0x0;
	(pc) =	sbr.rel @p0 .LBB2_12-.Ltmp5, $4  }
0x1a9: {  	[sflag:s15] =	ssyncadd.s32 $0xFFFFD800  }
0x1aa: {  	[spmem:s4] =	stream.indirect.scatter.add.f32 [tilespmem:s21], [sflag:$0x5], $0x10, s28, s19, $0xb8;
	[tilespmem:$0x1E140] =	vst v63  }
0x1ab: {  	_ =	swait.ge [sflag:s15], $0x500  }
0x1ac: {  	[sflag:s15] =	ssyncset.done $0x0  }
0x1ad: {  	[sflag:s15] =	ssyncadd.s32 $0xFFFFFB00  }
0x1ae: {  	_ =	swait.ge [sflag:s12], $0x2800  }
0x1af: {  	[sflag:s12] =	ssyncset.done $0x0  }
0x1b0: {  	[sflag:s12] =	ssyncadd.s32 $0xFFFFD800  }
0x1b1: {  	[spmem:s3] =	stream.indirect.scatter.add.f32 [tilespmem:s10], [sflag:$0x5], $0x80, s25, s19, $0xb8;
	[tilespmem:$0x1E140] =	vst v63  }
0x1b2: {  	_ =	swait.ge [sflag:s15], $0x2800  }
0x1b3: {  	[sflag:s15] =	ssyncset.done $0x0  }
0x1b4: {  	[sflag:s15] =	ssyncadd.s32 $0xFFFFD800  }
0x1b5: {  	[spmem:s4] =	stream.indirect.scatter.add.f32 [tilespmem:s21], [sflag:$0x5], $0x10, s25, s19, $0xb8;
	[tilespmem:$0x1E140] =	vst v63  }
0x1b6: {  	_ =	swait.ge [sflag:s15], $0x500  }
0x1b7: {  	[sflag:s15] =	ssyncset.done $0x0  }
0x1b8: {  	[sflag:s15] =	ssyncadd.s32 $0xFFFFFB00  }
0x1b9: {  	_ =	swait.ge [sflag:s23], $0x7D0  }
0x1ba: {  	[sflag:s23] =	ssyncset.done $0x0  }
0x1bb: {  	[sflag:s23] =	ssyncadd.s32 $0xFFFFF830  }
0x1bc: {  	_ =	swait.ge [sflag:s24], $0x7D0  }
0x1bd: {  	[sflag:s24] =	ssyncset.done $0x0  }
0x1be: {  	[sflag:s24] =	ssyncadd.s32 $0xFFFFF830  }
0x1bf: {  	[tilespmem:s10], [sflag:$0x1] =	stream.indirect.gather [hbm4b:s1+s19], $0x80, s14, s19, $0xb8;
	[tilespmem:$0x1E140] =	vst v63  }
0x1c0: {  	_ =	swait.ge [sflag:s12], $0x2800  }
0x1c1: {  	[sflag:s12] =	ssyncset.done $0x0  }
0x1c2: {  	s26 =	simm.s32 $0x16850;
	[sflag:s12] =	ssyncadd.s32 $0xFFFFD800  }
0x1c3: {  	[tilespmem:s20], [sflag:$0x2] =	stream.indirect.gather [hbm4b:s1+s19], $0x80, s26, s19, $0xb8;
	[tilespmem:$0x1E140] =	vst v63  }
0x1c4: {  	s28 =	simm.s32 $0x16FD0  }
0x1c5: {  	[spmem:s3] =	stream.indirect.scatter.add.f32 [tilespmem:s10], [sflag:$0x5], $0x80, s28, s19, $0xb8;
	[tilespmem:$0x1E140] =	vst v63  }
0x1c6: {  	_ =	swait.ge [sflag:s15], $0x2800  }
0x1c7: {  	[sflag:s15] =	ssyncset.done $0x0  }
0x1c8: {  	[sflag:s15] =	ssyncadd.s32 $0xFFFFD800  }
0x1c9: {  	[spmem:s4] =	stream.indirect.scatter.add.f32 [tilespmem:s21], [sflag:$0x5], $0x10, s28, s19, $0xb8;
	[tilespmem:$0x1E140] =	vst v63  }
0x1ca: {  	_ =	swait.ge [sflag:s15], $0x500  }
0x1cb: {  	[sflag:s15] =	ssyncset.done $0x0  }
0x1cc: {  	[sflag:s15] =	ssyncadd.s32 $0xFFFFFB00  }
0x1cd: {  	_ =	swait.ge [sflag:s13], $0x2800  }
0x1ce: {  	[sflag:s13] =	ssyncset.done $0x0  }
0x1cf: {  	s29 =	simm.s32 $0x168A0;
	[sflag:s13] =	ssyncadd.s32 $0xFFFFD800  }
0x1d0: {  	[tilespmem:s10], [sflag:$0x1] =	stream.indirect.gather [hbm4b:s1+s19], $0x80, s29, s19, $0xb8;
	[tilespmem:$0x1E140] =	vst v63  }
0x1d1: {  	s30 =	simm.s32 $0x17020  }
0x1d2: {  	[spmem:s3] =	stream.indirect.scatter.add.f32 [tilespmem:s20], [sflag:$0x5], $0x80, s30, s19, $0xb8;
	[tilespmem:$0x1E140] =	vst v63  }
0x1d3: {  	_ =	swait.ge [sflag:s15], $0x2800  }
0x1d4: {  	[sflag:s15] =	ssyncset.done $0x0  }
0x1d5: {  	[sflag:s15] =	ssyncadd.s32 $0xFFFFD800  }
0x1d6: {  	[spmem:s4] =	stream.indirect.scatter.add.f32 [tilespmem:s21], [sflag:$0x5], $0x10, s30, s19, $0xb8;
	[tilespmem:$0x1E140] =	vst v63  }
0x1d7: {  	_ =	swait.ge [sflag:s15], $0x500  }
0x1d8: {  	s26 =	simm.s32 $0x280;
	[sflag:s15] =	ssyncset.done $0x0  }
.LBB2_14:
0x1d9: {  	p0 =	sne.s32 s26, $0x1B80  }
0x1da: {  	[sflag:s15] =	ssyncadd.s32 $0xFFFFFB00;
	s28 =	smov.u32 s26;
	s26 =	sadd.s32 $0x280, s26  }
0x1db: {  	_ =	swait.ge [sflag:s12], $0x2800  }
0x1dc: {  	s28 =	sshra.s32 s28, $0x2;
	[sflag:s12] =	ssyncset.done $0x0  }
0x1dd: {  	s29 =	sadd.s32 $0x16850, s28;
	[sflag:s12] =	ssyncadd.s32 $0xFFFFD800  }
0x1de: {  	[tilespmem:s20], [sflag:$0x2] =	stream.indirect.gather [hbm4b:s1+s19], $0x80, s29, s19, $0xb8;
	[tilespmem:$0x1E140] =	vst v63  }
0x1df: {  	s29 =	sadd.s32 $0x16FD0, s28  }
0x1e0: {  	[spmem:s3] =	stream.indirect.scatter.add.f32 [tilespmem:s10], [sflag:$0x5], $0x80, s29, s19, $0xb8;
	[tilespmem:$0x1E140] =	vst v63  }
0x1e1: {  	_ =	swait.ge [sflag:s15], $0x2800  }
0x1e2: {  	[sflag:s15] =	ssyncset.done $0x0  }
0x1e3: {  	[sflag:s15] =	ssyncadd.s32 $0xFFFFD800  }
0x1e4: {  	[spmem:s4] =	stream.indirect.scatter.add.f32 [tilespmem:s21], [sflag:$0x5], $0x10, s29, s19, $0xb8;
	[tilespmem:$0x1E140] =	vst v63  }
0x1e5: {  	_ =	swait.ge [sflag:s15], $0x500  }
0x1e6: {  	[sflag:s15] =	ssyncset.done $0x0  }
0x1e7: {  	[sflag:s15] =	ssyncadd.s32 $0xFFFFFB00  }
0x1e8: {  	_ =	swait.ge [sflag:s13], $0x2800  }
0x1e9: {  	[sflag:s13] =	ssyncset.done $0x0  }
0x1ea: {  	s29 =	sadd.s32 $0x168A0, s28;
	[sflag:s13] =	ssyncadd.s32 $0xFFFFD800  }
0x1eb: {  	[tilespmem:s10], [sflag:$0x1] =	stream.indirect.gather [hbm4b:s1+s19], $0x80, s29, s19, $0xb8;
	[tilespmem:$0x1E140] =	vst v63  }
0x1ec: {  	s28 =	sadd.s32 $0x17020, s28  }
0x1ed: {  	[spmem:s3] =	stream.indirect.scatter.add.f32 [tilespmem:s20], [sflag:$0x5], $0x80, s28, s19, $0xb8;
	[tilespmem:$0x1E140] =	vst v63  }
0x1ee: {  	_ =	swait.ge [sflag:s15], $0x2800  }
.Ltmp6:
0x1ef: {  	[sflag:s15] =	ssyncset.done $0x0;
	(pc) =	sbr.rel @p0 .LBB2_14-.Ltmp6, $4  }
0x1f0: {  	[sflag:s15] =	ssyncadd.s32 $0xFFFFD800  }
0x1f1: {  	[spmem:s4] =	stream.indirect.scatter.add.f32 [tilespmem:s21], [sflag:$0x5], $0x10, s28, s19, $0xb8;
	[tilespmem:$0x1E140] =	vst v63  }
0x1f2: {  	_ =	swait.ge [sflag:s15], $0x500  }
0x1f3: {  	[sflag:s15] =	ssyncset.done $0x0  }
0x1f4: {  	[sflag:s15] =	ssyncadd.s32 $0xFFFFFB00  }
0x1f5: {  	_ =	swait.ge [sflag:s12], $0x2800  }
0x1f6: {  	[sflag:s12] =	ssyncset.done $0x0  }
0x1f7: {  	[sflag:s12] =	ssyncadd.s32 $0xFFFFD800  }
0x1f8: {  	[spmem:s3] =	stream.indirect.scatter.add.f32 [tilespmem:s10], [sflag:$0x5], $0x80, s22, s19, $0xb8;
	[tilespmem:$0x1E140] =	vst v63  }
0x1f9: {  	_ =	swait.ge [sflag:s15], $0x2800  }
0x1fa: {  	[sflag:s15] =	ssyncset.done $0x0  }
0x1fb: {  	[sflag:s15] =	ssyncadd.s32 $0xFFFFD800  }
0x1fc: {  	[spmem:s4] =	stream.indirect.scatter.add.f32 [tilespmem:s21], [sflag:$0x5], $0x10, s22, s19, $0xb8;
	[tilespmem:$0x1E140] =	vst v63  }
0x1fd: {  	_ =	swait.ge [sflag:s15], $0x500  }
0x1fe: {  	s26 =	stileid.u32;
	[sflag:s15] =	ssyncset.done $0x0  }
0x1ff: {  	s26 =	sshll.u32 s26, $0x6;
	[sflag:s15] =	ssyncadd.s32 $0xFFFFFB00  }
0x200: {  	s28 =	sshrl.u32 s6, $0x3;
	s26 =	sor.u32 $0x1C05, s26;
	[bflag:$0x0] =	sbarrier.arrive $0xFFFF  }
0x201: {  	[hbm:s0], [sflag:s26] =	dma.local [spmem:s28], $0x2800  }
0x202: {  	s5 =	sadd.s32 $0x1, s5;
	_ =	swait.ge [sflag:s15], $0x2800  }
0x203: {  	p0 =	sne.s32 s5, s9;
	[sflag:s15] =	ssyncset.done $0x0  }
.Ltmp7:
0x204: {  	s30 =	sshrl.u32 s7, $0x3;
	[sflag:s15] =	ssyncadd.s32 $0xFFFFD800;
	(pc) =	sbr.rel @p0 .LBB2_1-.Ltmp7, $4  }
0x205: {  	[hbm:s8], [sflag:s26] =	dma.local [spmem:s30], $0x500  }
0x206: {  	_ =	swait.ge [sflag:s15], $0x500  }
0x207: {  	[sflag:s15] =	ssyncset.done $0x0  }
0x208: {  	[sflag:s15] =	ssyncadd.s32 $0xFFFFFB00  }
0x209: {  	_ =	sfence.sel $0x180000  }
0x20a: {  	[bflag:$0x0] =	sbarrier.arrive $0xFFFF  }
0x20b: {  	_ =	strace $0x90000047  }
0x20c: {  	s0 =	stileid.u32;
	[bflag:$0x2] =	sbarrier.arrive $0xFFFF  }
0x20d: {  	p0 =	sne.s32 s0, $0x0;
	s0 =	rddreg [dreg:$0x4]  }
0x20e: {  	s0 =	sadd.s32 @!p0 $0x100000, s0  }
0x20f: {  	[sflag:s0] =	ssyncadd.tile.s32 @!p0 $0x1;
	_ =	shalt  }
.Lfunc_end2:
_tile_overlayer_lowered:
.L_overlay_start_2:
0x210: {  	(tag) =	ssettag $0x2  }
0x211: {  	s0 =	rddreg [dreg:$0x0];
	s2 =	stileid.u32  }
0x212: {  	s1 =	rddreg [dreg:$0x1];
	p0 =	sne.s32 s2, $0x0  }
0x213: {  	s3 =	rddreg [dreg:$0x2];
	[bflag:$0x3] =	sbarrier.arrive $0xFFFF;
	s2 =	simm.s32 @!p0 $0x1C05  }
0x214: {  	[timem:s3], [sflag:s2] =	dma.local @!p0 [hbm:s0], s1  }
0x215: {  	s0 =	simm.s32 @!p0 $0x5  }
0x216: {  	_ =	swait.ge @!p0 [sflag:s0], s1  }
0x217: {  	s1 =	ssub.s32 @!p0 $0x0, s1;
	[sflag:s0] =	ssyncset.done @!p0 $0x0  }
0x218: {  	[sflag:s0] =	ssyncadd.s32 @!p0 s1  }
0x219: {  	[bflag:$0x3] =	sbarrier.arrive $0xFFFF  }
0x21a: {  	_ =	shalt  }

</sc_bundles>
